<compile_context>
chip_gen: v7x
topology: tpu7x:2x2x1
jax: 0.10.2.dev20260603
libtpu: 0.0.44.dev20260713+nightly
codegen_flags: <defaults>
</compile_context>

<pallas_src>
import functools

import jax
import jax.numpy as jnp
from jax import lax
from jax.experimental import pallas as pl
from jax.experimental.pallas import tpu as pltpu
from jax.experimental.pallas import tpu_sc as plsc

N = 10000
E = 160000
D = 48
DE = 16
EPS = 1e-6

DPAD = 64
NW = 32
CH = 128
E_PAD = 163840
NHALF = 4
EH = E_PAD // NHALF
CPW = EH // (NW * CH)
TRASH = N
N_PAD = 10112
RPT = N_PAD // 16
BE = 2048
BN = 2000


def _sc_mesh():
    return plsc.VectorSubcoreMesh(core_axis_name="c", subcore_axis_name="s")


def _gather_rows(nodes, senders_h):

    nbuf = 5
    assert CPW % nbuf == 0

    @functools.partial(
        pl.kernel,
        mesh=_sc_mesh(),
        out_type=jax.ShapeDtypeStruct((EH, D), jnp.float32),
        scratch_types=[
            pltpu.VMEM((CPW * CH,), jnp.int32),
            pltpu.VMEM((nbuf, CH, D), jnp.float32),
            [pltpu.SemaphoreType.DMA] * nbuf,
            [pltpu.SemaphoreType.DMA] * nbuf,
        ],
        compiler_params=pltpu.CompilerParams(use_tc_tiling_on_sc=False),
    )
    def k(nodes_hbm, snd_hbm, out_hbm, idx_v, rows_v, gsems, wsems):
        wid = lax.axis_index("s") * 2 + lax.axis_index("c")
        base = wid * (CPW * CH)
        pltpu.sync_copy(snd_hbm.at[pl.ds(base, CPW * CH)], idx_v)

        def body(j, carry):
            gh = []
            for b in range(nbuf):
                i = j * nbuf + b
                gh.append(pltpu.async_copy(
                    nodes_hbm.at[idx_v.at[pl.ds(i * CH, CH)]],
                    rows_v.at[b], gsems[b]))
            wh = []
            for b in range(nbuf):
                i = j * nbuf + b
                gh[b].wait()
                wh.append(pltpu.async_copy(
                    rows_v.at[b], out_hbm.at[pl.ds(base + i * CH, CH)],
                    wsems[b]))
            for b in range(nbuf):
                wh[b].wait()
            return carry

        lax.fori_loop(0, CPW // nbuf, body, 0)

    return k(nodes, senders_h)


def _edge_matmul(x_src, edges_h, w_cat):

    def body(x_ref, e_ref, w_ref, o_ref):
        x = x_ref[:, :D]
        e = e_ref[...]
        y = jnp.dot(x, w_ref[...], preferred_element_type=jnp.float32)
        acc = jnp.zeros((BE, DPAD), jnp.float32)
        for f in range(DE):
            acc = acc + e[:, f:f + 1] * y[:, f * DPAD:(f + 1) * DPAD]
        col = lax.broadcasted_iota(jnp.int32, (BE, DPAD), 1)
        o_ref[...] = acc + jnp.where(col == D, 1.0, 0.0)

    return pl.pallas_call(
        body,
        grid=(EH // BE,),
        in_specs=[
            pl.BlockSpec((BE, D), lambda i: (i, 0)),
            pl.BlockSpec((BE, DE), lambda i: (i, 0)),
            pl.BlockSpec((D, DE * DPAD), lambda i: (0, 0)),
        ],
        out_specs=pl.BlockSpec((BE, DPAD), lambda i: (i, 0)),
        out_shape=jax.ShapeDtypeStruct((EH, DPAD), jnp.float32),
    )(x_src, edges_h, w_cat)


def _scatter_add(msgs, receivers_h, zinit):

    @functools.partial(
        pl.kernel,
        mesh=_sc_mesh(),
        out_type=jax.ShapeDtypeStruct((2, N_PAD, DPAD), jnp.float32),
        scratch_types=[
            pltpu.VMEM((CH,), jnp.int32),
            pltpu.VMEM((CH, DPAD), jnp.float32),
            pltpu.VMEM_SHARED((N_PAD, DPAD), jnp.float32),
        ],
        compiler_params=pltpu.CompilerParams(use_tc_tiling_on_sc=False),
    )
    def k(msgs_hbm, rcv_hbm, z_hbm, out_hbm, idx_v, m_v, agg_sh):
        c = lax.axis_index("c")
        s = lax.axis_index("s")
        wid = s * 2 + c
        pltpu.sync_copy(z_hbm.at[pl.ds(s * RPT, RPT)], agg_sh.at[pl.ds(s * RPT, RPT)])
        plsc.subcore_barrier()
        base = wid * (CPW * CH)

        def body(i, carry):
            off = base + i * CH
            pltpu.sync_copy(rcv_hbm.at[pl.ds(off, CH)], idx_v)
            pltpu.sync_copy(msgs_hbm.at[pl.ds(off, CH)], m_v)
            pltpu.sync_copy(m_v, agg_sh.at[idx_v], add=True)
            return carry

        lax.fori_loop(0, CPW, body, 0)
        plsc.subcore_barrier()
        pltpu.sync_copy(agg_sh.at[pl.ds(s * RPT, RPT)],
                        out_hbm.at[c, pl.ds(s * RPT, RPT)])

    return k(msgs, receivers_h, zinit)


def _finalize(parts, nodes, w_root, b_root, gn_scale, gn_bias):

    def body(*refs):
        p_refs = refs[:NHALF]
        n_ref, wr_ref, br_ref, gs_ref, gb_ref, o_ref = refs[NHALF:]
        agg = sum(p[0] + p[1] for p in p_refs)
        deg = agg[:, D:D + 1]
        a = agg[:, :D] / jnp.maximum(deg, 1.0)
        h = a + jnp.dot(n_ref[...], wr_ref[...],
                        preferred_element_type=jnp.float32) + br_ref[...]
        mean = h
        cen = h - mean
        var = cen * cen
        y = cen * lax.rsqrt(var + EPS)
        o_ref[...] = y * gs_ref[...] + gb_ref[...]

    return pl.pallas_call(
        body,
        grid=(N // BN,),
        in_specs=[
            pl.BlockSpec((2, BN, DPAD), lambda i: (0, i, 0))
            for _ in range(NHALF)
        ] + [
            pl.BlockSpec((BN, D), lambda i: (i, 0)),
            pl.BlockSpec((D, D), lambda i: (0, 0)),
            pl.BlockSpec((1, D), lambda i: (0, 0)),
            pl.BlockSpec((1, D), lambda i: (0, 0)),
            pl.BlockSpec((1, D), lambda i: (0, 0)),
        ],
        out_specs=pl.BlockSpec((BN, D), lambda i: (i, 0)),
        out_shape=jax.ShapeDtypeStruct((N, D), jnp.float32),
    )(*parts, nodes, w_root, b_root, gn_scale, gn_bias)


def kernel(nodes, edges, W_mlp, W_root, b_root, gn_scale, gn_bias, senders, receivers):
    pad = E_PAD - E
    senders_p = jnp.concatenate([senders, jnp.zeros((pad,), jnp.int32)])
    receivers_p = jnp.concatenate([receivers, jnp.full((pad,), TRASH, jnp.int32)])
    edges_p = jnp.pad(edges, ((0, pad), (0, 0)))
    w_cat = jnp.pad(W_mlp, ((0, 0), (0, 0), (0, DPAD - D))).transpose(1, 0, 2)
    w_cat = w_cat.reshape(D, DE * DPAD)
    zinit = jnp.zeros((N_PAD, DPAD), jnp.float32)

    parts = []
    for h in range(NHALF):
        sl = slice(h * EH, (h + 1) * EH)
        x_h = _gather_rows(nodes, senders_p[sl])
        m_h = _edge_matmul(x_h, edges_p[sl], w_cat)
        parts.append(_scatter_add(m_h, receivers_p[sl], zinit))
    out = _finalize(parts, nodes,
                    W_root, b_root.reshape(1, D),
                    gn_scale.reshape(1, D), gn_bias.reshape(1, D))
    return out

# --- scband reference (transcript-rebuilt; emitter-appended) ---
"""Pipeline reference for scband-ecc-layer-88811333747457 (READ-ONLY COPY).

The authoritative reference and input builder live on the scoring server;
editing this copy changes nothing except your own understanding.
"""

import jax, jax.numpy as jnp
import numpy as np

N = 10000
E = 160000
D = 48
D_EDGE = 16
EPS = 1e-6

def _group_norm(x, scale, bias, eps=EPS, group_size=1):
    # flax.linen.GroupNorm(num_groups=None, group_size=1) on a [N, D] input:
    # stats are computed per (row, group) where each group has exactly 1 channel.
    n, d = x.shape
    g = x.reshape(n, d // group_size, group_size)
    mean = jnp.mean(g, axis=-1, keepdims=True)
    var = jnp.mean(jnp.square(g - mean), axis=-1, keepdims=True)
    y = ((g - mean) * jax.lax.rsqrt(var + eps)).reshape(n, d)
    return y * scale + bias

def setup_inputs(seed: int = 0):
    key = jax.random.key(seed)
    ks = jax.random.split(key, 6)
    nodes = jax.random.normal(ks[0], (N, D), dtype=jnp.float32)
    edges = jax.random.normal(ks[1], (E, D_EDGE), dtype=jnp.float32)
    senders = jax.random.randint(ks[2], (E,), 0, N, dtype=jnp.int32)
    receivers = jax.random.randint(ks[3], (E,), 0, N, dtype=jnp.int32)
    # ECC_MLP: DenseGeneral(features=(D, D), use_bias=False) applied to edge feats
    W_mlp = (jax.random.normal(ks[4], (D_EDGE, D, D), dtype=jnp.float32) / np.sqrt(D_EDGE)).astype(jnp.float32)
    # ECC_root: Dense(D, use_bias=True)
    W_root = (jax.random.normal(ks[5], (D, D), dtype=jnp.float32) / np.sqrt(D)).astype(jnp.float32)
    b_root = jnp.zeros((D,), jnp.float32)
    # InstanceNorm (GroupNorm) scale/bias
    gn_scale = jnp.ones((D,), jnp.float32)
    gn_bias = jnp.zeros((D,), jnp.float32)
    return dict(nodes=nodes, edges=edges, W_mlp=W_mlp, W_root=W_root,
                b_root=b_root, gn_scale=gn_scale, gn_bias=gn_bias,
                senders=senders, receivers=receivers)

def reference(nodes, edges, W_mlp, W_root, b_root, gn_scale, gn_bias, senders, receivers):
    # Edge-conditioned convolution (ECC):
    # per-edge weight matrix from edge features via DenseGeneral -> [E, D, D]
    W_e = jnp.einsum('ef,fio->eio', edges, W_mlp)
    # gather source node features
    x_src = jnp.take(nodes, senders, axis=0)            # [E, D]
    # per-edge matvec message
    msgs = jnp.einsum('eio,ei->eo', W_e, x_src)         # [E, D]
    # mean-aggregate at receivers
    agg = jax.ops.segment_sum(msgs, receivers, num_segments=N)
    deg = jax.ops.segment_sum(jnp.ones((E,), jnp.float32), receivers, num_segments=N)
    agg = agg / jnp.maximum(deg, 1.0)[:, None]
    # root transform + aggregated messages
    h = agg + nodes @ W_root + b_root
    # InstanceNorm on new node features (edges are passed through unchanged)
    x_out = _group_norm(h, gn_scale, gn_bias)
    return x_out

if __name__ == "__main__":
    import jax
    _d = setup_inputs()
    print(jax.jit(kernel)(*tuple(_d.values())))

</pallas_src>

<mosaic_0001>
#map = affine_map<(d0, d1) -> (0, 0)>
#map1 = affine_map<(d0, d1) -> (0)>
module attributes {stable_mosaic.version = 14 : i64} {
  func.func @k(%arg0: i32, %arg1: i32, %arg2: memref<10000x48xf32, #tpu.memory_space<hbm>>, %arg3: memref<40960xi32, #tpu.memory_space<hbm>>, %arg4: memref<40960x48xf32, #tpu.memory_space<hbm>>, %arg5: memref<1280xi32, #tpu.memory_space<vmem>>, %arg6: memref<5x128x48xf32, #tpu.memory_space<vmem>>, %arg7: memref<!tpu.dma_semaphore, #tpu.memory_space<semaphore_mem>>, %arg8: memref<!tpu.dma_semaphore, #tpu.memory_space<semaphore_mem>>, %arg9: memref<!tpu.dma_semaphore, #tpu.memory_space<semaphore_mem>>, %arg10: memref<!tpu.dma_semaphore, #tpu.memory_space<semaphore_mem>>, %arg11: memref<!tpu.dma_semaphore, #tpu.memory_space<semaphore_mem>>, %arg12: memref<!tpu.dma_semaphore, #tpu.memory_space<semaphore_mem>>, %arg13: memref<!tpu.dma_semaphore, #tpu.memory_space<semaphore_mem>>, %arg14: memref<!tpu.dma_semaphore, #tpu.memory_space<semaphore_mem>>, %arg15: memref<!tpu.dma_semaphore, #tpu.memory_space<semaphore_mem>>, %arg16: memref<!tpu.dma_semaphore, #tpu.memory_space<semaphore_mem>>) attributes {dimension_semantics = [#tpu.dimension_semantics<core_parallel>, #tpu.dimension_semantics<subcore_parallel>], iteration_bounds = array<i64: 2, 16>, scalar_prefetch = 0 : i64, scratch_operands = 12 : i64, tpu.core_type = #tpu.core_type<sc_vector_subcore>, window_params = [{transform_indices = #map}, {transform_indices = #map1}, {transform_indices = #map}]} {
    %mul3A = arith.constant 2 : i32
    %mul3A_0 = arith.muli %arg1, %mul3A : i32
    %add3A = arith.addi %mul3A_0, %arg0 : i32
    %mul3A_1 = arith.constant 1280 : i32
    %mul3A_2 = arith.muli %add3A, %mul3A_1 : i32
    "tpu.region"() ({
      %run_scoped3A = tpu.sem_alloc : memref<!tpu.dma_semaphore, #tpu.memory_space<semaphore_mem>>
      %dma_start3A = tpu.memref_slice %arg3[%mul3A_2] : memref<40960xi32, #tpu.memory_space<hbm>> -> memref<1280xi32, #tpu.memory_space<hbm>>
      %dma_start3A_8 = tpu.memref_slice %arg3[%mul3A_2] : memref<40960xi32, #tpu.memory_space<hbm>> -> memref<1280xi32, #tpu.memory_space<hbm>>
      tpu.enqueue_dma source(%dma_start3A_8 : memref<1280xi32, #tpu.memory_space<hbm>>) target(%arg5 : memref<1280xi32, #tpu.memory_space<vmem>>) target_semaphore(%run_scoped3A : memref<!tpu.dma_semaphore, #tpu.memory_space<semaphore_mem>>)
      %dma_wait3A = tpu.memref_slice %arg3[%mul3A_2] : memref<40960xi32, #tpu.memory_space<hbm>> -> memref<1280xi32, #tpu.memory_space<hbm>>
      %dma_wait3A_9 = tpu.memref_slice %arg3[%mul3A_2] : memref<40960xi32, #tpu.memory_space<hbm>> -> memref<1280xi32, #tpu.memory_space<hbm>>
      tpu.wait_dma2 semaphore(%run_scoped3A : memref<!tpu.dma_semaphore, #tpu.memory_space<semaphore_mem>>) src(%dma_wait3A_9 : memref<1280xi32, #tpu.memory_space<hbm>>) dst(%arg5 : memref<1280xi32, #tpu.memory_space<vmem>>)
      tpu.yield
    }) : () -> ()
    %scan3A = arith.constant 0 : i32
    %scan3A_3 = arith.constant 0 : i32
    %scan3A_4 = arith.constant 2 : i32
    %scan3A_5 = arith.addi %scan3A_3, %scan3A_4 : i32
    %scan3A_6 = arith.constant 1 : i32
    scf.for %scan3A_8 = %scan3A_3 to %scan3A_5 step %scan3A_6  : i32 {
      %mul3A_9 = arith.constant 5 : i32
      %mul3A_10 = arith.muli %scan3A_8, %mul3A_9 : i32
      %add3A_11 = arith.constant 0 : i32
      %add3A_12 = arith.addi %mul3A_10, %add3A_11 : i32
      %mul3A_13 = arith.constant 128 : i32
      %mul3A_14 = arith.muli %add3A_12, %mul3A_13 : i32
      %dma_start3A = arith.constant 0 : i32
      %dma_start3A_15 = arith.constant 0 : i32
      %dma_start3A_16 = arith.constant 0 : i32
      %dma_start3A_17 = tpu.memref_slice %arg6[%dma_start3A, %dma_start3A_15, %dma_start3A_16] : memref<5x128x48xf32, #tpu.memory_space<vmem>> -> memref<1x128x48xf32, #tpu.memory_space<vmem>>
      %dma_start3A_18 = tpu.memref_squeeze %dma_start3A_17 : memref<1x128x48xf32, #tpu.memory_space<vmem>> -> memref<128x48xf32, #tpu.memory_space<vmem>>
      %dma_start3A_19 = tpu.memref_slice %arg5[%mul3A_14] : memref<1280xi32, #tpu.memory_space<vmem>> -> memref<128xi32, #tpu.memory_space<vmem>>
      %dma_start3A_20 = arith.constant 0 : i32
      %dma_start3A_21 = arith.constant 0 : i32
      %dma_start3A_22 = tpu.memref_slice %arg2[%dma_start3A_20, %dma_start3A_21] : memref<10000x48xf32, #tpu.memory_space<hbm>> -> memref<10000x48xf32, #tpu.memory_space<hbm>>
      tpu.enqueue_indirect_dma source(%dma_start3A_22 : memref<10000x48xf32, #tpu.memory_space<hbm>>) target(%dma_start3A_18 : memref<128x48xf32, #tpu.memory_space<vmem>>) offsets(%dma_start3A_19 : memref<128xi32, #tpu.memory_space<vmem>>) semaphore(%arg7 : memref<!tpu.dma_semaphore, #tpu.memory_space<semaphore_mem>>)
      %mul3A_23 = arith.constant 5 : i32
      %mul3A_24 = arith.muli %scan3A_8, %mul3A_23 : i32
      %add3A_25 = arith.constant 1 : i32
      %add3A_26 = arith.addi %mul3A_24, %add3A_25 : i32
      %mul3A_27 = arith.constant 128 : i32
      %mul3A_28 = arith.muli %add3A_26, %mul3A_27 : i32
      %dma_start3A_29 = arith.constant 1 : i32
      %dma_start3A_30 = arith.constant 0 : i32
      %dma_start3A_31 = arith.constant 0 : i32
      %dma_start3A_32 = tpu.memref_slice %arg6[%dma_start3A_29, %dma_start3A_30, %dma_start3A_31] : memref<5x128x48xf32, #tpu.memory_space<vmem>> -> memref<1x128x48xf32, #tpu.memory_space<vmem>>
      %dma_start3A_33 = tpu.memref_squeeze %dma_start3A_32 : memref<1x128x48xf32, #tpu.memory_space<vmem>> -> memref<128x48xf32, #tpu.memory_space<vmem>>
      %dma_start3A_34 = tpu.memref_slice %arg5[%mul3A_28] : memref<1280xi32, #tpu.memory_space<vmem>> -> memref<128xi32, #tpu.memory_space<vmem>>
      %dma_start3A_35 = arith.constant 0 : i32
      %dma_start3A_36 = arith.constant 0 : i32
      %dma_start3A_37 = tpu.memref_slice %arg2[%dma_start3A_35, %dma_start3A_36] : memref<10000x48xf32, #tpu.memory_space<hbm>> -> memref<10000x48xf32, #tpu.memory_space<hbm>>
      tpu.enqueue_indirect_dma source(%dma_start3A_37 : memref<10000x48xf32, #tpu.memory_space<hbm>>) target(%dma_start3A_33 : memref<128x48xf32, #tpu.memory_space<vmem>>) offsets(%dma_start3A_34 : memref<128xi32, #tpu.memory_space<vmem>>) semaphore(%arg8 : memref<!tpu.dma_semaphore, #tpu.memory_space<semaphore_mem>>)
      %mul3A_38 = arith.constant 5 : i32
      %mul3A_39 = arith.muli %scan3A_8, %mul3A_38 : i32
      %add3A_40 = arith.constant 2 : i32
      %add3A_41 = arith.addi %mul3A_39, %add3A_40 : i32
      %mul3A_42 = arith.constant 128 : i32
      %mul3A_43 = arith.muli %add3A_41, %mul3A_42 : i32
      %dma_start3A_44 = arith.constant 2 : i32
      %dma_start3A_45 = arith.constant 0 : i32
      %dma_start3A_46 = arith.constant 0 : i32
      %dma_start3A_47 = tpu.memref_slice %arg6[%dma_start3A_44, %dma_start3A_45, %dma_start3A_46] : memref<5x128x48xf32, #tpu.memory_space<vmem>> -> memref<1x128x48xf32, #tpu.memory_space<vmem>>
      %dma_start3A_48 = tpu.memref_squeeze %dma_start3A_47 : memref<1x128x48xf32, #tpu.memory_space<vmem>> -> memref<128x48xf32, #tpu.memory_space<vmem>>
      %dma_start3A_49 = tpu.memref_slice %arg5[%mul3A_43] : memref<1280xi32, #tpu.memory_space<vmem>> -> memref<128xi32, #tpu.memory_space<vmem>>
      %dma_start3A_50 = arith.constant 0 : i32
      %dma_start3A_51 = arith.constant 0 : i32
      %dma_start3A_52 = tpu.memref_slice %arg2[%dma_start3A_50, %dma_start3A_51] : memref<10000x48xf32, #tpu.memory_space<hbm>> -> memref<10000x48xf32, #tpu.memory_space<hbm>>
      tpu.enqueue_indirect_dma source(%dma_start3A_52 : memref<10000x48xf32, #tpu.memory_space<hbm>>) target(%dma_start3A_48 : memref<128x48xf32, #tpu.memory_space<vmem>>) offsets(%dma_start3A_49 : memref<128xi32, #tpu.memory_space<vmem>>) semaphore(%arg9 : memref<!tpu.dma_semaphore, #tpu.memory_space<semaphore_mem>>)
      %mul3A_53 = arith.constant 5 : i32
      %mul3A_54 = arith.muli %scan3A_8, %mul3A_53 : i32
      %add3A_55 = arith.constant 3 : i32
      %add3A_56 = arith.addi %mul3A_54, %add3A_55 : i32
      %mul3A_57 = arith.constant 128 : i32
      %mul3A_58 = arith.muli %add3A_56, %mul3A_57 : i32
      %dma_start3A_59 = arith.constant 3 : i32
      %dma_start3A_60 = arith.constant 0 : i32
      %dma_start3A_61 = arith.constant 0 : i32
      %dma_start3A_62 = tpu.memref_slice %arg6[%dma_start3A_59, %dma_start3A_60, %dma_start3A_61] : memref<5x128x48xf32, #tpu.memory_space<vmem>> -> memref<1x128x48xf32, #tpu.memory_space<vmem>>
      %dma_start3A_63 = tpu.memref_squeeze %dma_start3A_62 : memref<1x128x48xf32, #tpu.memory_space<vmem>> -> memref<128x48xf32, #tpu.memory_space<vmem>>
      %dma_start3A_64 = tpu.memref_slice %arg5[%mul3A_58] : memref<1280xi32, #tpu.memory_space<vmem>> -> memref<128xi32, #tpu.memory_space<vmem>>
      %dma_start3A_65 = arith.constant 0 : i32
      %dma_start3A_66 = arith.constant 0 : i32
      %dma_start3A_67 = tpu.memref_slice %arg2[%dma_start3A_65, %dma_start3A_66] : memref<10000x48xf32, #tpu.memory_space<hbm>> -> memref<10000x48xf32, #tpu.memory_space<hbm>>
      tpu.enqueue_indirect_dma source(%dma_start3A_67 : memref<10000x48xf32, #tpu.memory_space<hbm>>) target(%dma_start3A_63 : memref<128x48xf32, #tpu.memory_space<vmem>>) offsets(%dma_start3A_64 : memref<128xi32, #tpu.memory_space<vmem>>) semaphore(%arg10 : memref<!tpu.dma_semaphore, #tpu.memory_space<semaphore_mem>>)
      %mul3A_68 = arith.constant 5 : i32
      %mul3A_69 = arith.muli %scan3A_8, %mul3A_68 : i32
      %add3A_70 = arith.constant 4 : i32
      %add3A_71 = arith.addi %mul3A_69, %add3A_70 : i32
      %mul3A_72 = arith.constant 128 : i32
      %mul3A_73 = arith.muli %add3A_71, %mul3A_72 : i32
      %dma_start3A_74 = arith.constant 4 : i32
      %dma_start3A_75 = arith.constant 0 : i32
      %dma_start3A_76 = arith.constant 0 : i32
      %dma_start3A_77 = tpu.memref_slice %arg6[%dma_start3A_74, %dma_start3A_75, %dma_start3A_76] : memref<5x128x48xf32, #tpu.memory_space<vmem>> -> memref<1x128x48xf32, #tpu.memory_space<vmem>>
      %dma_start3A_78 = tpu.memref_squeeze %dma_start3A_77 : memref<1x128x48xf32, #tpu.memory_space<vmem>> -> memref<128x48xf32, #tpu.memory_space<vmem>>
      %dma_start3A_79 = tpu.memref_slice %arg5[%mul3A_73] : memref<1280xi32, #tpu.memory_space<vmem>> -> memref<128xi32, #tpu.memory_space<vmem>>
      %dma_start3A_80 = arith.constant 0 : i32
      %dma_start3A_81 = arith.constant 0 : i32
      %dma_start3A_82 = tpu.memref_slice %arg2[%dma_start3A_80, %dma_start3A_81] : memref<10000x48xf32, #tpu.memory_space<hbm>> -> memref<10000x48xf32, #tpu.memory_space<hbm>>
      tpu.enqueue_indirect_dma source(%dma_start3A_82 : memref<10000x48xf32, #tpu.memory_space<hbm>>) target(%dma_start3A_78 : memref<128x48xf32, #tpu.memory_space<vmem>>) offsets(%dma_start3A_79 : memref<128xi32, #tpu.memory_space<vmem>>) semaphore(%arg11 : memref<!tpu.dma_semaphore, #tpu.memory_space<semaphore_mem>>)
      %mul3A_83 = arith.constant 5 : i32
      %mul3A_84 = arith.muli %scan3A_8, %mul3A_83 : i32
      %add3A_85 = arith.constant 0 : i32
      %add3A_86 = arith.addi %mul3A_84, %add3A_85 : i32
      %dma_wait3A = arith.constant 0 : i32
      %dma_wait3A_87 = arith.constant 0 : i32
      %dma_wait3A_88 = arith.constant 0 : i32
      %dma_wait3A_89 = tpu.memref_slice %arg6[%dma_wait3A, %dma_wait3A_87, %dma_wait3A_88] : memref<5x128x48xf32, #tpu.memory_space<vmem>> -> memref<1x128x48xf32, #tpu.memory_space<vmem>>
      %dma_wait3A_90 = tpu.memref_squeeze %dma_wait3A_89 : memref<1x128x48xf32, #tpu.memory_space<vmem>> -> memref<128x48xf32, #tpu.memory_space<vmem>>
      %dma_wait3A_91 = tpu.memref_slice %arg5[%mul3A_14] : memref<1280xi32, #tpu.memory_space<vmem>> -> memref<128xi32, #tpu.memory_space<vmem>>
      %dma_wait3A_92 = arith.constant 0 : i32
      %dma_wait3A_93 = arith.constant 0 : i32
      %dma_wait3A_94 = tpu.memref_slice %arg2[%dma_wait3A_92, %dma_wait3A_93] : memref<10000x48xf32, #tpu.memory_space<hbm>> -> memref<10000x48xf32, #tpu.memory_space<hbm>>
      tpu.wait_indirect_dma semaphore(%arg7 : memref<!tpu.dma_semaphore, #tpu.memory_space<semaphore_mem>>) src(%dma_wait3A_94 : memref<10000x48xf32, #tpu.memory_space<hbm>>) dst(%dma_wait3A_90 : memref<128x48xf32, #tpu.memory_space<vmem>>)
      %mul3A_95 = arith.constant 128 : i32
      %mul3A_96 = arith.muli %add3A_86, %mul3A_95 : i32
      %add3A_97 = arith.addi %mul3A_2, %mul3A_96 : i32
      %dma_start3A_98 = arith.constant 0 : i32
      %dma_start3A_99 = arith.constant 0 : i32
      %dma_start3A_100 = arith.constant 0 : i32
      %dma_start3A_101 = tpu.memref_slice %arg6[%dma_start3A_98, %dma_start3A_99, %dma_start3A_100] : memref<5x128x48xf32, #tpu.memory_space<vmem>> -> memref<1x128x48xf32, #tpu.memory_space<vmem>>
      %dma_start3A_102 = tpu.memref_squeeze %dma_start3A_101 : memref<1x128x48xf32, #tpu.memory_space<vmem>> -> memref<128x48xf32, #tpu.memory_space<vmem>>
      %dma_start3A_103 = arith.constant 0 : i32
      %dma_start3A_104 = tpu.memref_slice %arg4[%add3A_97, %dma_start3A_103] : memref<40960x48xf32, #tpu.memory_space<hbm>> -> memref<128x48xf32, #tpu.memory_space<hbm>>
      %dma_start3A_105 = arith.constant 0 : i32
      %dma_start3A_106 = tpu.memref_slice %arg4[%add3A_97, %dma_start3A_105] : memref<40960x48xf32, #tpu.memory_space<hbm>> -> memref<128x48xf32, #tpu.memory_space<hbm>>
      %dma_start3A_107 = arith.constant 0 : i32
      %dma_start3A_108 = arith.constant 0 : i32
      %dma_start3A_109 = tpu.memref_slice %arg6[%dma_start3A_98, %dma_start3A_107, %dma_start3A_108] : memref<5x128x48xf32, #tpu.memory_space<vmem>> -> memref<1x128x48xf32, #tpu.memory_space<vmem>>
      %dma_start3A_110 = tpu.memref_squeeze %dma_start3A_109 : memref<1x128x48xf32, #tpu.memory_space<vmem>> -> memref<128x48xf32, #tpu.memory_space<vmem>>
      tpu.enqueue_dma source(%dma_start3A_110 : memref<128x48xf32, #tpu.memory_space<vmem>>) target(%dma_start3A_106 : memref<128x48xf32, #tpu.memory_space<hbm>>) target_semaphore(%arg12 : memref<!tpu.dma_semaphore, #tpu.memory_space<semaphore_mem>>)
      %mul3A_111 = arith.constant 5 : i32
      %mul3A_112 = arith.muli %scan3A_8, %mul3A_111 : i32
      %add3A_113 = arith.constant 1 : i32
      %add3A_114 = arith.addi %mul3A_112, %add3A_113 : i32
      %dma_wait3A_115 = arith.constant 1 : i32
      %dma_wait3A_116 = arith.constant 0 : i32
      %dma_wait3A_117 = arith.constant 0 : i32
      %dma_wait3A_118 = tpu.memref_slice %arg6[%dma_wait3A_115, %dma_wait3A_116, %dma_wait3A_117] : memref<5x128x48xf32, #tpu.memory_space<vmem>> -> memref<1x128x48xf32, #tpu.memory_space<vmem>>
      %dma_wait3A_119 = tpu.memref_squeeze %dma_wait3A_118 : memref<1x128x48xf32, #tpu.memory_space<vmem>> -> memref<128x48xf32, #tpu.memory_space<vmem>>
      %dma_wait3A_120 = tpu.memref_slice %arg5[%mul3A_28] : memref<1280xi32, #tpu.memory_space<vmem>> -> memref<128xi32, #tpu.memory_space<vmem>>
      %dma_wait3A_121 = arith.constant 0 : i32
      %dma_wait3A_122 = arith.constant 0 : i32
      %dma_wait3A_123 = tpu.memref_slice %arg2[%dma_wait3A_121, %dma_wait3A_122] : memref<10000x48xf32, #tpu.memory_space<hbm>> -> memref<10000x48xf32, #tpu.memory_space<hbm>>
      tpu.wait_indirect_dma semaphore(%arg8 : memref<!tpu.dma_semaphore, #tpu.memory_space<semaphore_mem>>) src(%dma_wait3A_123 : memref<10000x48xf32, #tpu.memory_space<hbm>>) dst(%dma_wait3A_119 : memref<128x48xf32, #tpu.memory_space<vmem>>)
      %mul3A_124 = arith.constant 128 : i32
      %mul3A_125 = arith.muli %add3A_114, %mul3A_124 : i32
      %add3A_126 = arith.addi %mul3A_2, %mul3A_125 : i32
      %dma_start3A_127 = arith.constant 1 : i32
      %dma_start3A_128 = arith.constant 0 : i32
      %dma_start3A_129 = arith.constant 0 : i32
      %dma_start3A_130 = tpu.memref_slice %arg6[%dma_start3A_127, %dma_start3A_128, %dma_start3A_129] : memref<5x128x48xf32, #tpu.memory_space<vmem>> -> memref<1x128x48xf32, #tpu.memory_space<vmem>>
      %dma_start3A_131 = tpu.memref_squeeze %dma_start3A_130 : memref<1x128x48xf32, #tpu.memory_space<vmem>> -> memref<128x48xf32, #tpu.memory_space<vmem>>
      %dma_start3A_132 = arith.constant 0 : i32
      %dma_start3A_133 = tpu.memref_slice %arg4[%add3A_126, %dma_start3A_132] : memref<40960x48xf32, #tpu.memory_space<hbm>> -> memref<128x48xf32, #tpu.memory_space<hbm>>
      %dma_start3A_134 = arith.constant 0 : i32
      %dma_start3A_135 = tpu.memref_slice %arg4[%add3A_126, %dma_start3A_134] : memref<40960x48xf32, #tpu.memory_space<hbm>> -> memref<128x48xf32, #tpu.memory_space<hbm>>
      %dma_start3A_136 = arith.constant 0 : i32
      %dma_start3A_137 = arith.constant 0 : i32
      %dma_start3A_138 = tpu.memref_slice %arg6[%dma_start3A_127, %dma_start3A_136, %dma_start3A_137] : memref<5x128x48xf32, #tpu.memory_space<vmem>> -> memref<1x128x48xf32, #tpu.memory_space<vmem>>
      %dma_start3A_139 = tpu.memref_squeeze %dma_start3A_138 : memref<1x128x48xf32, #tpu.memory_space<vmem>> -> memref<128x48xf32, #tpu.memory_space<vmem>>
      tpu.enqueue_dma source(%dma_start3A_139 : memref<128x48xf32, #tpu.memory_space<vmem>>) target(%dma_start3A_135 : memref<128x48xf32, #tpu.memory_space<hbm>>) target_semaphore(%arg13 : memref<!tpu.dma_semaphore, #tpu.memory_space<semaphore_mem>>)
      %mul3A_140 = arith.constant 5 : i32
      %mul3A_141 = arith.muli %scan3A_8, %mul3A_140 : i32
      %add3A_142 = arith.constant 2 : i32
      %add3A_143 = arith.addi %mul3A_141, %add3A_142 : i32
      %dma_wait3A_144 = arith.constant 2 : i32
      %dma_wait3A_145 = arith.constant 0 : i32
      %dma_wait3A_146 = arith.constant 0 : i32
      %dma_wait3A_147 = tpu.memref_slice %arg6[%dma_wait3A_144, %dma_wait3A_145, %dma_wait3A_146] : memref<5x128x48xf32, #tpu.memory_space<vmem>> -> memref<1x128x48xf32, #tpu.memory_space<vmem>>
      %dma_wait3A_148 = tpu.memref_squeeze %dma_wait3A_147 : memref<1x128x48xf32, #tpu.memory_space<vmem>> -> memref<128x48xf32, #tpu.memory_space<vmem>>
      %dma_wait3A_149 = tpu.memref_slice %arg5[%mul3A_43] : memref<1280xi32, #tpu.memory_space<vmem>> -> memref<128xi32, #tpu.memory_space<vmem>>
      %dma_wait3A_150 = arith.constant 0 : i32
      %dma_wait3A_151 = arith.constant 0 : i32
      %dma_wait3A_152 = tpu.memref_slice %arg2[%dma_wait3A_150, %dma_wait3A_151] : memref<10000x48xf32, #tpu.memory_space<hbm>> -> memref<10000x48xf32, #tpu.memory_space<hbm>>
      tpu.wait_indirect_dma semaphore(%arg9 : memref<!tpu.dma_semaphore, #tpu.memory_space<semaphore_mem>>) src(%dma_wait3A_152 : memref<10000x48xf32, #tpu.memory_space<hbm>>) dst(%dma_wait3A_148 : memref<128x48xf32, #tpu.memory_space<vmem>>)
      %mul3A_153 = arith.constant 128 : i32
      %mul3A_154 = arith.muli %add3A_143, %mul3A_153 : i32
      %add3A_155 = arith.addi %mul3A_2, %mul3A_154 : i32
      %dma_start3A_156 = arith.constant 2 : i32
      %dma_start3A_157 = arith.constant 0 : i32
      %dma_start3A_158 = arith.constant 0 : i32
      %dma_start3A_159 = tpu.memref_slice %arg6[%dma_start3A_156, %dma_start3A_157, %dma_start3A_158] : memref<5x128x48xf32, #tpu.memory_space<vmem>> -> memref<1x128x48xf32, #tpu.memory_space<vmem>>
      %dma_start3A_160 = tpu.memref_squeeze %dma_start3A_159 : memref<1x128x48xf32, #tpu.memory_space<vmem>> -> memref<128x48xf32, #tpu.memory_space<vmem>>
      %dma_start3A_161 = arith.constant 0 : i32
      %dma_start3A_162 = tpu.memref_slice %arg4[%add3A_155, %dma_start3A_161] : memref<40960x48xf32, #tpu.memory_space<hbm>> -> memref<128x48xf32, #tpu.memory_space<hbm>>
      %dma_start3A_163 = arith.constant 0 : i32
      %dma_start3A_164 = tpu.memref_slice %arg4[%add3A_155, %dma_start3A_163] : memref<40960x48xf32, #tpu.memory_space<hbm>> -> memref<128x48xf32, #tpu.memory_space<hbm>>
      %dma_start3A_165 = arith.constant 0 : i32
      %dma_start3A_166 = arith.constant 0 : i32
      %dma_start3A_167 = tpu.memref_slice %arg6[%dma_start3A_156, %dma_start3A_165, %dma_start3A_166] : memref<5x128x48xf32, #tpu.memory_space<vmem>> -> memref<1x128x48xf32, #tpu.memory_space<vmem>>
      %dma_start3A_168 = tpu.memref_squeeze %dma_start3A_167 : memref<1x128x48xf32, #tpu.memory_space<vmem>> -> memref<128x48xf32, #tpu.memory_space<vmem>>
      tpu.enqueue_dma source(%dma_start3A_168 : memref<128x48xf32, #tpu.memory_space<vmem>>) target(%dma_start3A_164 : memref<128x48xf32, #tpu.memory_space<hbm>>) target_semaphore(%arg14 : memref<!tpu.dma_semaphore, #tpu.memory_space<semaphore_mem>>)
      %mul3A_169 = arith.constant 5 : i32
      %mul3A_170 = arith.muli %scan3A_8, %mul3A_169 : i32
      %add3A_171 = arith.constant 3 : i32
      %add3A_172 = arith.addi %mul3A_170, %add3A_171 : i32
      %dma_wait3A_173 = arith.constant 3 : i32
      %dma_wait3A_174 = arith.constant 0 : i32
      %dma_wait3A_175 = arith.constant 0 : i32
      %dma_wait3A_176 = tpu.memref_slice %arg6[%dma_wait3A_173, %dma_wait3A_174, %dma_wait3A_175] : memref<5x128x48xf32, #tpu.memory_space<vmem>> -> memref<1x128x48xf32, #tpu.memory_space<vmem>>
      %dma_wait3A_177 = tpu.memref_squeeze %dma_wait3A_176 : memref<1x128x48xf32, #tpu.memory_space<vmem>> -> memref<128x48xf32, #tpu.memory_space<vmem>>
      %dma_wait3A_178 = tpu.memref_slice %arg5[%mul3A_58] : memref<1280xi32, #tpu.memory_space<vmem>> -> memref<128xi32, #tpu.memory_space<vmem>>
      %dma_wait3A_179 = arith.constant 0 : i32
      %dma_wait3A_180 = arith.constant 0 : i32
      %dma_wait3A_181 = tpu.memref_slice %arg2[%dma_wait3A_179, %dma_wait3A_180] : memref<10000x48xf32, #tpu.memory_space<hbm>> -> memref<10000x48xf32, #tpu.memory_space<hbm>>
      tpu.wait_indirect_dma semaphore(%arg10 : memref<!tpu.dma_semaphore, #tpu.memory_space<semaphore_mem>>) src(%dma_wait3A_181 : memref<10000x48xf32, #tpu.memory_space<hbm>>) dst(%dma_wait3A_177 : memref<128x48xf32, #tpu.memory_space<vmem>>)
      %mul3A_182 = arith.constant 128 : i32
      %mul3A_183 = arith.muli %add3A_172, %mul3A_182 : i32
      %add3A_184 = arith.addi %mul3A_2, %mul3A_183 : i32
      %dma_start3A_185 = arith.constant 3 : i32
      %dma_start3A_186 = arith.constant 0 : i32
      %dma_start3A_187 = arith.constant 0 : i32
      %dma_start3A_188 = tpu.memref_slice %arg6[%dma_start3A_185, %dma_start3A_186, %dma_start3A_187] : memref<5x128x48xf32, #tpu.memory_space<vmem>> -> memref<1x128x48xf32, #tpu.memory_space<vmem>>
      %dma_start3A_189 = tpu.memref_squeeze %dma_start3A_188 : memref<1x128x48xf32, #tpu.memory_space<vmem>> -> memref<128x48xf32, #tpu.memory_space<vmem>>
      %dma_start3A_190 = arith.constant 0 : i32
      %dma_start3A_191 = tpu.memref_slice %arg4[%add3A_184, %dma_start3A_190] : memref<40960x48xf32, #tpu.memory_space<hbm>> -> memref<128x48xf32, #tpu.memory_space<hbm>>
      %dma_start3A_192 = arith.constant 0 : i32
      %dma_start3A_193 = tpu.memref_slice %arg4[%add3A_184, %dma_start3A_192] : memref<40960x48xf32, #tpu.memory_space<hbm>> -> memref<128x48xf32, #tpu.memory_space<hbm>>
      %dma_start3A_194 = arith.constant 0 : i32
      %dma_start3A_195 = arith.constant 0 : i32
      %dma_start3A_196 = tpu.memref_slice %arg6[%dma_start3A_185, %dma_start3A_194, %dma_start3A_195] : memref<5x128x48xf32, #tpu.memory_space<vmem>> -> memref<1x128x48xf32, #tpu.memory_space<vmem>>
      %dma_start3A_197 = tpu.memref_squeeze %dma_start3A_196 : memref<1x128x48xf32, #tpu.memory_space<vmem>> -> memref<128x48xf32, #tpu.memory_space<vmem>>
      tpu.enqueue_dma source(%dma_start3A_197 : memref<128x48xf32, #tpu.memory_space<vmem>>) target(%dma_start3A_193 : memref<128x48xf32, #tpu.memory_space<hbm>>) target_semaphore(%arg15 : memref<!tpu.dma_semaphore, #tpu.memory_space<semaphore_mem>>)
      %mul3A_198 = arith.constant 5 : i32
      %mul3A_199 = arith.muli %scan3A_8, %mul3A_198 : i32
      %add3A_200 = arith.constant 4 : i32
      %add3A_201 = arith.addi %mul3A_199, %add3A_200 : i32
      %dma_wait3A_202 = arith.constant 4 : i32
      %dma_wait3A_203 = arith.constant 0 : i32
      %dma_wait3A_204 = arith.constant 0 : i32
      %dma_wait3A_205 = tpu.memref_slice %arg6[%dma_wait3A_202, %dma_wait3A_203, %dma_wait3A_204] : memref<5x128x48xf32, #tpu.memory_space<vmem>> -> memref<1x128x48xf32, #tpu.memory_space<vmem>>
      %dma_wait3A_206 = tpu.memref_squeeze %dma_wait3A_205 : memref<1x128x48xf32, #tpu.memory_space<vmem>> -> memref<128x48xf32, #tpu.memory_space<vmem>>
      %dma_wait3A_207 = tpu.memref_slice %arg5[%mul3A_73] : memref<1280xi32, #tpu.memory_space<vmem>> -> memref<128xi32, #tpu.memory_space<vmem>>
      %dma_wait3A_208 = arith.constant 0 : i32
      %dma_wait3A_209 = arith.constant 0 : i32
      %dma_wait3A_210 = tpu.memref_slice %arg2[%dma_wait3A_208, %dma_wait3A_209] : memref<10000x48xf32, #tpu.memory_space<hbm>> -> memref<10000x48xf32, #tpu.memory_space<hbm>>
      tpu.wait_indirect_dma semaphore(%arg11 : memref<!tpu.dma_semaphore, #tpu.memory_space<semaphore_mem>>) src(%dma_wait3A_210 : memref<10000x48xf32, #tpu.memory_space<hbm>>) dst(%dma_wait3A_206 : memref<128x48xf32, #tpu.memory_space<vmem>>)
      %mul3A_211 = arith.constant 128 : i32
      %mul3A_212 = arith.muli %add3A_201, %mul3A_211 : i32
      %add3A_213 = arith.addi %mul3A_2, %mul3A_212 : i32
      %dma_start3A_214 = arith.constant 4 : i32
      %dma_start3A_215 = arith.constant 0 : i32
      %dma_start3A_216 = arith.constant 0 : i32
      %dma_start3A_217 = tpu.memref_slice %arg6[%dma_start3A_214, %dma_start3A_215, %dma_start3A_216] : memref<5x128x48xf32, #tpu.memory_space<vmem>> -> memref<1x128x48xf32, #tpu.memory_space<vmem>>
      %dma_start3A_218 = tpu.memref_squeeze %dma_start3A_217 : memref<1x128x48xf32, #tpu.memory_space<vmem>> -> memref<128x48xf32, #tpu.memory_space<vmem>>
      %dma_start3A_219 = arith.constant 0 : i32
      %dma_start3A_220 = tpu.memref_slice %arg4[%add3A_213, %dma_start3A_219] : memref<40960x48xf32, #tpu.memory_space<hbm>> -> memref<128x48xf32, #tpu.memory_space<hbm>>
      %dma_start3A_221 = arith.constant 0 : i32
      %dma_start3A_222 = tpu.memref_slice %arg4[%add3A_213, %dma_start3A_221] : memref<40960x48xf32, #tpu.memory_space<hbm>> -> memref<128x48xf32, #tpu.memory_space<hbm>>
      %dma_start3A_223 = arith.constant 0 : i32
      %dma_start3A_224 = arith.constant 0 : i32
      %dma_start3A_225 = tpu.memref_slice %arg6[%dma_start3A_214, %dma_start3A_223, %dma_start3A_224] : memref<5x128x48xf32, #tpu.memory_space<vmem>> -> memref<1x128x48xf32, #tpu.memory_space<vmem>>
      %dma_start3A_226 = tpu.memref_squeeze %dma_start3A_225 : memref<1x128x48xf32, #tpu.memory_space<vmem>> -> memref<128x48xf32, #tpu.memory_space<vmem>>
      tpu.enqueue_dma source(%dma_start3A_226 : memref<128x48xf32, #tpu.memory_space<vmem>>) target(%dma_start3A_222 : memref<128x48xf32, #tpu.memory_space<hbm>>) target_semaphore(%arg16 : memref<!tpu.dma_semaphore, #tpu.memory_space<semaphore_mem>>)
      %dma_wait3A_227 = arith.constant 0 : i32
      %dma_wait3A_228 = arith.constant 0 : i32
      %dma_wait3A_229 = arith.constant 0 : i32
      %dma_wait3A_230 = tpu.memref_slice %arg6[%dma_wait3A_227, %dma_wait3A_228, %dma_wait3A_229] : memref<5x128x48xf32, #tpu.memory_space<vmem>> -> memref<1x128x48xf32, #tpu.memory_space<vmem>>
      %dma_wait3A_231 = tpu.memref_squeeze %dma_wait3A_230 : memref<1x128x48xf32, #tpu.memory_space<vmem>> -> memref<128x48xf32, #tpu.memory_space<vmem>>
      %dma_wait3A_232 = arith.constant 0 : i32
      %dma_wait3A_233 = tpu.memref_slice %arg4[%add3A_97, %dma_wait3A_232] : memref<40960x48xf32, #tpu.memory_space<hbm>> -> memref<128x48xf32, #tpu.memory_space<hbm>>
      %dma_wait3A_234 = arith.constant 0 : i32
      %dma_wait3A_235 = tpu.memref_slice %arg4[%add3A_97, %dma_wait3A_234] : memref<40960x48xf32, #tpu.memory_space<hbm>> -> memref<128x48xf32, #tpu.memory_space<hbm>>
      %dma_wait3A_236 = arith.constant 0 : i32
      %dma_wait3A_237 = arith.constant 0 : i32
      %dma_wait3A_238 = tpu.memref_slice %arg6[%dma_wait3A_227, %dma_wait3A_236, %dma_wait3A_237] : memref<5x128x48xf32, #tpu.memory_space<vmem>> -> memref<1x128x48xf32, #tpu.memory_space<vmem>>
      %dma_wait3A_239 = tpu.memref_squeeze %dma_wait3A_238 : memref<1x128x48xf32, #tpu.memory_space<vmem>> -> memref<128x48xf32, #tpu.memory_space<vmem>>
      tpu.wait_dma2 semaphore(%arg12 : memref<!tpu.dma_semaphore, #tpu.memory_space<semaphore_mem>>) src(%dma_wait3A_239 : memref<128x48xf32, #tpu.memory_space<vmem>>) dst(%dma_wait3A_235 : memref<128x48xf32, #tpu.memory_space<hbm>>)
      %dma_wait3A_240 = arith.constant 1 : i32
      %dma_wait3A_241 = arith.constant 0 : i32
      %dma_wait3A_242 = arith.constant 0 : i32
      %dma_wait3A_243 = tpu.memref_slice %arg6[%dma_wait3A_240, %dma_wait3A_241, %dma_wait3A_242] : memref<5x128x48xf32, #tpu.memory_space<vmem>> -> memref<1x128x48xf32, #tpu.memory_space<vmem>>
      %dma_wait3A_244 = tpu.memref_squeeze %dma_wait3A_243 : memref<1x128x48xf32, #tpu.memory_space<vmem>> -> memref<128x48xf32, #tpu.memory_space<vmem>>
      %dma_wait3A_245 = arith.constant 0 : i32
      %dma_wait3A_246 = tpu.memref_slice %arg4[%add3A_126, %dma_wait3A_245] : memref<40960x48xf32, #tpu.memory_space<hbm>> -> memref<128x48xf32, #tpu.memory_space<hbm>>
      %dma_wait3A_247 = arith.constant 0 : i32
      %dma_wait3A_248 = tpu.memref_slice %arg4[%add3A_126, %dma_wait3A_247] : memref<40960x48xf32, #tpu.memory_space<hbm>> -> memref<128x48xf32, #tpu.memory_space<hbm>>
      %dma_wait3A_249 = arith.constant 0 : i32
      %dma_wait3A_250 = arith.constant 0 : i32
      %dma_wait3A_251 = tpu.memref_slice %arg6[%dma_wait3A_240, %dma_wait3A_249, %dma_wait3A_250] : memref<5x128x48xf32, #tpu.memory_space<vmem>> -> memref<1x128x48xf32, #tpu.memory_space<vmem>>
      %dma_wait3A_252 = tpu.memref_squeeze %dma_wait3A_251 : memref<1x128x48xf32, #tpu.memory_space<vmem>> -> memref<128x48xf32, #tpu.memory_space<vmem>>
      tpu.wait_dma2 semaphore(%arg13 : memref<!tpu.dma_semaphore, #tpu.memory_space<semaphore_mem>>) src(%dma_wait3A_252 : memref<128x48xf32, #tpu.memory_space<vmem>>) dst(%dma_wait3A_248 : memref<128x48xf32, #tpu.memory_space<hbm>>)
      %dma_wait3A_253 = arith.constant 2 : i32
      %dma_wait3A_254 = arith.constant 0 : i32
      %dma_wait3A_255 = arith.constant 0 : i32
      %dma_wait3A_256 = tpu.memref_slice %arg6[%dma_wait3A_253, %dma_wait3A_254, %dma_wait3A_255] : memref<5x128x48xf32, #tpu.memory_space<vmem>> -> memref<1x128x48xf32, #tpu.memory_space<vmem>>
      %dma_wait3A_257 = tpu.memref_squeeze %dma_wait3A_256 : memref<1x128x48xf32, #tpu.memory_space<vmem>> -> memref<128x48xf32, #tpu.memory_space<vmem>>
      %dma_wait3A_258 = arith.constant 0 : i32
      %dma_wait3A_259 = tpu.memref_slice %arg4[%add3A_155, %dma_wait3A_258] : memref<40960x48xf32, #tpu.memory_space<hbm>> -> memref<128x48xf32, #tpu.memory_space<hbm>>
      %dma_wait3A_260 = arith.constant 0 : i32
      %dma_wait3A_261 = tpu.memref_slice %arg4[%add3A_155, %dma_wait3A_260] : memref<40960x48xf32, #tpu.memory_space<hbm>> -> memref<128x48xf32, #tpu.memory_space<hbm>>
      %dma_wait3A_262 = arith.constant 0 : i32
      %dma_wait3A_263 = arith.constant 0 : i32
      %dma_wait3A_264 = tpu.memref_slice %arg6[%dma_wait3A_253, %dma_wait3A_262, %dma_wait3A_263] : memref<5x128x48xf32, #tpu.memory_space<vmem>> -> memref<1x128x48xf32, #tpu.memory_space<vmem>>
      %dma_wait3A_265 = tpu.memref_squeeze %dma_wait3A_264 : memref<1x128x48xf32, #tpu.memory_space<vmem>> -> memref<128x48xf32, #tpu.memory_space<vmem>>
      tpu.wait_dma2 semaphore(%arg14 : memref<!tpu.dma_semaphore, #tpu.memory_space<semaphore_mem>>) src(%dma_wait3A_265 : memref<128x48xf32, #tpu.memory_space<vmem>>) dst(%dma_wait3A_261 : memref<128x48xf32, #tpu.memory_space<hbm>>)
      %dma_wait3A_266 = arith.constant 3 : i32
      %dma_wait3A_267 = arith.constant 0 : i32
      %dma_wait3A_268 = arith.constant 0 : i32
      %dma_wait3A_269 = tpu.memref_slice %arg6[%dma_wait3A_266, %dma_wait3A_267, %dma_wait3A_268] : memref<5x128x48xf32, #tpu.memory_space<vmem>> -> memref<1x128x48xf32, #tpu.memory_space<vmem>>
      %dma_wait3A_270 = tpu.memref_squeeze %dma_wait3A_269 : memref<1x128x48xf32, #tpu.memory_space<vmem>> -> memref<128x48xf32, #tpu.memory_space<vmem>>
      %dma_wait3A_271 = arith.constant 0 : i32
      %dma_wait3A_272 = tpu.memref_slice %arg4[%add3A_184, %dma_wait3A_271] : memref<40960x48xf32, #tpu.memory_space<hbm>> -> memref<128x48xf32, #tpu.memory_space<hbm>>
      %dma_wait3A_273 = arith.constant 0 : i32
      %dma_wait3A_274 = tpu.memref_slice %arg4[%add3A_184, %dma_wait3A_273] : memref<40960x48xf32, #tpu.memory_space<hbm>> -> memref<128x48xf32, #tpu.memory_space<hbm>>
      %dma_wait3A_275 = arith.constant 0 : i32
      %dma_wait3A_276 = arith.constant 0 : i32
      %dma_wait3A_277 = tpu.memref_slice %arg6[%dma_wait3A_266, %dma_wait3A_275, %dma_wait3A_276] : memref<5x128x48xf32, #tpu.memory_space<vmem>> -> memref<1x128x48xf32, #tpu.memory_space<vmem>>
      %dma_wait3A_278 = tpu.memref_squeeze %dma_wait3A_277 : memref<1x128x48xf32, #tpu.memory_space<vmem>> -> memref<128x48xf32, #tpu.memory_space<vmem>>
      tpu.wait_dma2 semaphore(%arg15 : memref<!tpu.dma_semaphore, #tpu.memory_space<semaphore_mem>>) src(%dma_wait3A_278 : memref<128x48xf32, #tpu.memory_space<vmem>>) dst(%dma_wait3A_274 : memref<128x48xf32, #tpu.memory_space<hbm>>)
      %dma_wait3A_279 = arith.constant 4 : i32
      %dma_wait3A_280 = arith.constant 0 : i32
      %dma_wait3A_281 = arith.constant 0 : i32
      %dma_wait3A_282 = tpu.memref_slice %arg6[%dma_wait3A_279, %dma_wait3A_280, %dma_wait3A_281] : memref<5x128x48xf32, #tpu.memory_space<vmem>> -> memref<1x128x48xf32, #tpu.memory_space<vmem>>
      %dma_wait3A_283 = tpu.memref_squeeze %dma_wait3A_282 : memref<1x128x48xf32, #tpu.memory_space<vmem>> -> memref<128x48xf32, #tpu.memory_space<vmem>>
      %dma_wait3A_284 = arith.constant 0 : i32
      %dma_wait3A_285 = tpu.memref_slice %arg4[%add3A_213, %dma_wait3A_284] : memref<40960x48xf32, #tpu.memory_space<hbm>> -> memref<128x48xf32, #tpu.memory_space<hbm>>
      %dma_wait3A_286 = arith.constant 0 : i32
      %dma_wait3A_287 = tpu.memref_slice %arg4[%add3A_213, %dma_wait3A_286] : memref<40960x48xf32, #tpu.memory_space<hbm>> -> memref<128x48xf32, #tpu.memory_space<hbm>>
      %dma_wait3A_288 = arith.constant 0 : i32
      %dma_wait3A_289 = arith.constant 0 : i32
      %dma_wait3A_290 = tpu.memref_slice %arg6[%dma_wait3A_279, %dma_wait3A_288, %dma_wait3A_289] : memref<5x128x48xf32, #tpu.memory_space<vmem>> -> memref<1x128x48xf32, #tpu.memory_space<vmem>>
      %dma_wait3A_291 = tpu.memref_squeeze %dma_wait3A_290 : memref<1x128x48xf32, #tpu.memory_space<vmem>> -> memref<128x48xf32, #tpu.memory_space<vmem>>
      tpu.wait_dma2 semaphore(%arg16 : memref<!tpu.dma_semaphore, #tpu.memory_space<semaphore_mem>>) src(%dma_wait3A_291 : memref<128x48xf32, #tpu.memory_space<vmem>>) dst(%dma_wait3A_287 : memref<128x48xf32, #tpu.memory_space<hbm>>)
    }
    %scan3A_7 = arith.constant 2 : i32
    return
  }
}

#map = affine_map<(d0, d1) -> (0, 0)>
#map1 = affine_map<(d0, d1) -> (0)>
module attributes {stable_mosaic.version = 14 : i64} {
  func.func @k(%arg0: i32, %arg1: i32, %arg2: memref<10000x48xf32, #tpu.memory_space<hbm>>, %arg3: memref<40960xi32, #tpu.memory_space<hbm>>, %arg4: memref<40960x48xf32, #tpu.memory_space<hbm>>, %arg5: memref<1280xi32, #tpu.memory_space<vmem>>, %arg6: memref<5x128x48xf32, #tpu.memory_space<vmem>>, %arg7: memref<!tpu.dma_semaphore, #tpu.memory_space<semaphore_mem>>, %arg8: memref<!tpu.dma_semaphore, #tpu.memory_space<semaphore_mem>>, %arg9: memref<!tpu.dma_semaphore, #tpu.memory_space<semaphore_mem>>, %arg10: memref<!tpu.dma_semaphore, #tpu.memory_space<semaphore_mem>>, %arg11: memref<!tpu.dma_semaphore, #tpu.memory_space<semaphore_mem>>, %arg12: memref<!tpu.dma_semaphore, #tpu.memory_space<semaphore_mem>>, %arg13: memref<!tpu.dma_semaphore, #tpu.memory_space<semaphore_mem>>, %arg14: memref<!tpu.dma_semaphore, #tpu.memory_space<semaphore_mem>>, %arg15: memref<!tpu.dma_semaphore, #tpu.memory_space<semaphore_mem>>, %arg16: memref<!tpu.dma_semaphore, #tpu.memory_space<semaphore_mem>>) attributes {dimension_semantics = [#tpu.dimension_semantics<core_parallel>, #tpu.dimension_semantics<subcore_parallel>], iteration_bounds = array<i64: 2, 16>, scalar_prefetch = 0 : i64, scratch_operands = 12 : i64, tpu.core_type = #tpu.core_type<sc_vector_subcore>, window_params = [{transform_indices = #map}, {transform_indices = #map1}, {transform_indices = #map}]} {
    %mul3A = arith.constant 2 : i32
    %mul3A_0 = arith.muli %arg1, %mul3A : i32
    %add3A = arith.addi %mul3A_0, %arg0 : i32
    %mul3A_1 = arith.constant 1280 : i32
    %mul3A_2 = arith.muli %add3A, %mul3A_1 : i32
    "tpu.region"() ({
      %run_scoped3A = tpu.sem_alloc : memref<!tpu.dma_semaphore, #tpu.memory_space<semaphore_mem>>
      %dma_start3A = tpu.memref_slice %arg3[%mul3A_2] : memref<40960xi32, #tpu.memory_space<hbm>> -> memref<1280xi32, #tpu.memory_space<hbm>>
      %dma_start3A_8 = tpu.memref_slice %arg3[%mul3A_2] : memref<40960xi32, #tpu.memory_space<hbm>> -> memref<1280xi32, #tpu.memory_space<hbm>>
      tpu.enqueue_dma source(%dma_start3A_8 : memref<1280xi32, #tpu.memory_space<hbm>>) target(%arg5 : memref<1280xi32, #tpu.memory_space<vmem>>) target_semaphore(%run_scoped3A : memref<!tpu.dma_semaphore, #tpu.memory_space<semaphore_mem>>)
      %dma_wait3A = tpu.memref_slice %arg3[%mul3A_2] : memref<40960xi32, #tpu.memory_space<hbm>> -> memref<1280xi32, #tpu.memory_space<hbm>>
      %dma_wait3A_9 = tpu.memref_slice %arg3[%mul3A_2] : memref<40960xi32, #tpu.memory_space<hbm>> -> memref<1280xi32, #tpu.memory_space<hbm>>
      tpu.wait_dma2 semaphore(%run_scoped3A : memref<!tpu.dma_semaphore, #tpu.memory_space<semaphore_mem>>) src(%dma_wait3A_9 : memref<1280xi32, #tpu.memory_space<hbm>>) dst(%arg5 : memref<1280xi32, #tpu.memory_space<vmem>>)
      tpu.yield
    }) : () -> ()
    %scan3A = arith.constant 0 : i32
    %scan3A_3 = arith.constant 0 : i32
    %scan3A_4 = arith.constant 2 : i32
    %scan3A_5 = arith.addi %scan3A_3, %scan3A_4 : i32
    %scan3A_6 = arith.constant 1 : i32
    scf.for %scan3A_8 = %scan3A_3 to %scan3A_5 step %scan3A_6  : i32 {
      %mul3A_9 = arith.constant 5 : i32
      %mul3A_10 = arith.muli %scan3A_8, %mul3A_9 : i32
      %add3A_11 = arith.constant 0 : i32
      %add3A_12 = arith.addi %mul3A_10, %add3A_11 : i32
      %mul3A_13 = arith.constant 128 : i32
      %mul3A_14 = arith.muli %add3A_12, %mul3A_13 : i32
      %dma_start3A = arith.constant 0 : i32
      %dma_start3A_15 = arith.constant 0 : i32
      %dma_start3A_16 = arith.constant 0 : i32
      %dma_start3A_17 = tpu.memref_slice %arg6[%dma_start3A, %dma_start3A_15, %dma_start3A_16] : memref<5x128x48xf32, #tpu.memory_space<vmem>> -> memref<1x128x48xf32, #tpu.memory_space<vmem>>
      %dma_start3A_18 = tpu.memref_squeeze %dma_start3A_17 : memref<1x128x48xf32, #tpu.memory_space<vmem>> -> memref<128x48xf32, #tpu.memory_space<vmem>>
      %dma_start3A_19 = tpu.memref_slice %arg5[%mul3A_14] : memref<1280xi32, #tpu.memory_space<vmem>> -> memref<128xi32, #tpu.memory_space<vmem>>
      %dma_start3A_20 = arith.constant 0 : i32
      %dma_start3A_21 = arith.constant 0 : i32
      %dma_start3A_22 = tpu.memref_slice %arg2[%dma_start3A_20, %dma_start3A_21] : memref<10000x48xf32, #tpu.memory_space<hbm>> -> memref<10000x48xf32, #tpu.memory_space<hbm>>
      tpu.enqueue_indirect_dma source(%dma_start3A_22 : memref<10000x48xf32, #tpu.memory_space<hbm>>) target(%dma_start3A_18 : memref<128x48xf32, #tpu.memory_space<vmem>>) offsets(%dma_start3A_19 : memref<128xi32, #tpu.memory_space<vmem>>) semaphore(%arg7 : memref<!tpu.dma_semaphore, #tpu.memory_space<semaphore_mem>>)
      %mul3A_23 = arith.constant 5 : i32
      %mul3A_24 = arith.muli %scan3A_8, %mul3A_23 : i32
      %add3A_25 = arith.constant 1 : i32
      %add3A_26 = arith.addi %mul3A_24, %add3A_25 : i32
      %mul3A_27 = arith.constant 128 : i32
      %mul3A_28 = arith.muli %add3A_26, %mul3A_27 : i32
      %dma_start3A_29 = arith.constant 1 : i32
      %dma_start3A_30 = arith.constant 0 : i32
      %dma_start3A_31 = arith.constant 0 : i32
      %dma_start3A_32 = tpu.memref_slice %arg6[%dma_start3A_29, %dma_start3A_30, %dma_start3A_31] : memref<5x128x48xf32, #tpu.memory_space<vmem>> -> memref<1x128x48xf32, #tpu.memory_space<vmem>>
      %dma_start3A_33 = tpu.memref_squeeze %dma_start3A_32 : memref<1x128x48xf32, #tpu.memory_space<vmem>> -> memref<128x48xf32, #tpu.memory_space<vmem>>
      %dma_start3A_34 = tpu.memref_slice %arg5[%mul3A_28] : memref<1280xi32, #tpu.memory_space<vmem>> -> memref<128xi32, #tpu.memory_space<vmem>>
      %dma_start3A_35 = arith.constant 0 : i32
      %dma_start3A_36 = arith.constant 0 : i32
      %dma_start3A_37 = tpu.memref_slice %arg2[%dma_start3A_35, %dma_start3A_36] : memref<10000x48xf32, #tpu.memory_space<hbm>> -> memref<10000x48xf32, #tpu.memory_space<hbm>>
      tpu.enqueue_indirect_dma source(%dma_start3A_37 : memref<10000x48xf32, #tpu.memory_space<hbm>>) target(%dma_start3A_33 : memref<128x48xf32, #tpu.memory_space<vmem>>) offsets(%dma_start3A_34 : memref<128xi32, #tpu.memory_space<vmem>>) semaphore(%arg8 : memref<!tpu.dma_semaphore, #tpu.memory_space<semaphore_mem>>)
      %mul3A_38 = arith.constant 5 : i32
      %mul3A_39 = arith.muli %scan3A_8, %mul3A_38 : i32
      %add3A_40 = arith.constant 2 : i32
      %add3A_41 = arith.addi %mul3A_39, %add3A_40 : i32
      %mul3A_42 = arith.constant 128 : i32
      %mul3A_43 = arith.muli %add3A_41, %mul3A_42 : i32
      %dma_start3A_44 = arith.constant 2 : i32
      %dma_start3A_45 = arith.constant 0 : i32
      %dma_start3A_46 = arith.constant 0 : i32
      %dma_start3A_47 = tpu.memref_slice %arg6[%dma_start3A_44, %dma_start3A_45, %dma_start3A_46] : memref<5x128x48xf32, #tpu.memory_space<vmem>> -> memref<1x128x48xf32, #tpu.memory_space<vmem>>
      %dma_start3A_48 = tpu.memref_squeeze %dma_start3A_47 : memref<1x128x48xf32, #tpu.memory_space<vmem>> -> memref<128x48xf32, #tpu.memory_space<vmem>>
      %dma_start3A_49 = tpu.memref_slice %arg5[%mul3A_43] : memref<1280xi32, #tpu.memory_space<vmem>> -> memref<128xi32, #tpu.memory_space<vmem>>
      %dma_start3A_50 = arith.constant 0 : i32
      %dma_start3A_51 = arith.constant 0 : i32
      %dma_start3A_52 = tpu.memref_slice %arg2[%dma_start3A_50, %dma_start3A_51] : memref<10000x48xf32, #tpu.memory_space<hbm>> -> memref<10000x48xf32, #tpu.memory_space<hbm>>
      tpu.enqueue_indirect_dma source(%dma_start3A_52 : memref<10000x48xf32, #tpu.memory_space<hbm>>) target(%dma_start3A_48 : memref<128x48xf32, #tpu.memory_space<vmem>>) offsets(%dma_start3A_49 : memref<128xi32, #tpu.memory_space<vmem>>) semaphore(%arg9 : memref<!tpu.dma_semaphore, #tpu.memory_space<semaphore_mem>>)
      %mul3A_53 = arith.constant 5 : i32
      %mul3A_54 = arith.muli %scan3A_8, %mul3A_53 : i32
      %add3A_55 = arith.constant 3 : i32
      %add3A_56 = arith.addi %mul3A_54, %add3A_55 : i32
      %mul3A_57 = arith.constant 128 : i32
      %mul3A_58 = arith.muli %add3A_56, %mul3A_57 : i32
      %dma_start3A_59 = arith.constant 3 : i32
      %dma_start3A_60 = arith.constant 0 : i32
      %dma_start3A_61 = arith.constant 0 : i32
      %dma_start3A_62 = tpu.memref_slice %arg6[%dma_start3A_59, %dma_start3A_60, %dma_start3A_61] : memref<5x128x48xf32, #tpu.memory_space<vmem>> -> memref<1x128x48xf32, #tpu.memory_space<vmem>>
      %dma_start3A_63 = tpu.memref_squeeze %dma_start3A_62 : memref<1x128x48xf32, #tpu.memory_space<vmem>> -> memref<128x48xf32, #tpu.memory_space<vmem>>
      %dma_start3A_64 = tpu.memref_slice %arg5[%mul3A_58] : memref<1280xi32, #tpu.memory_space<vmem>> -> memref<128xi32, #tpu.memory_space<vmem>>
      %dma_start3A_65 = arith.constant 0 : i32
      %dma_start3A_66 = arith.constant 0 : i32
      %dma_start3A_67 = tpu.memref_slice %arg2[%dma_start3A_65, %dma_start3A_66] : memref<10000x48xf32, #tpu.memory_space<hbm>> -> memref<10000x48xf32, #tpu.memory_space<hbm>>
      tpu.enqueue_indirect_dma source(%dma_start3A_67 : memref<10000x48xf32, #tpu.memory_space<hbm>>) target(%dma_start3A_63 : memref<128x48xf32, #tpu.memory_space<vmem>>) offsets(%dma_start3A_64 : memref<128xi32, #tpu.memory_space<vmem>>) semaphore(%arg10 : memref<!tpu.dma_semaphore, #tpu.memory_space<semaphore_mem>>)
      %mul3A_68 = arith.constant 5 : i32
      %mul3A_69 = arith.muli %scan3A_8, %mul3A_68 : i32
      %add3A_70 = arith.constant 4 : i32
      %add3A_71 = arith.addi %mul3A_69, %add3A_70 : i32
      %mul3A_72 = arith.constant 128 : i32
      %mul3A_73 = arith.muli %add3A_71, %mul3A_72 : i32
      %dma_start3A_74 = arith.constant 4 : i32
      %dma_start3A_75 = arith.constant 0 : i32
      %dma_start3A_76 = arith.constant 0 : i32
      %dma_start3A_77 = tpu.memref_slice %arg6[%dma_start3A_74, %dma_start3A_75, %dma_start3A_76] : memref<5x128x48xf32, #tpu.memory_space<vmem>> -> memref<1x128x48xf32, #tpu.memory_space<vmem>>
      %dma_start3A_78 = tpu.memref_squeeze %dma_start3A_77 : memref<1x128x48xf32, #tpu.memory_space<vmem>> -> memref<128x48xf32, #tpu.memory_space<vmem>>
      %dma_start3A_79 = tpu.memref_slice %arg5[%mul3A_73] : memref<1280xi32, #tpu.memory_space<vmem>> -> memref<128xi32, #tpu.memory_space<vmem>>
      %dma_start3A_80 = arith.constant 0 : i32
      %dma_start3A_81 = arith.constant 0 : i32
      %dma_start3A_82 = tpu.memref_slice %arg2[%dma_start3A_80, %dma_start3A_81] : memref<10000x48xf32, #tpu.memory_space<hbm>> -> memref<10000x48xf32, #tpu.memory_space<hbm>>
      tpu.enqueue_indirect_dma source(%dma_start3A_82 : memref<10000x48xf32, #tpu.memory_space<hbm>>) target(%dma_start3A_78 : memref<128x48xf32, #tpu.memory_space<vmem>>) offsets(%dma_start3A_79 : memref<128xi32, #tpu.memory_space<vmem>>) semaphore(%arg11 : memref<!tpu.dma_semaphore, #tpu.memory_space<semaphore_mem>>)
      %mul3A_83 = arith.constant 5 : i32
      %mul3A_84 = arith.muli %scan3A_8, %mul3A_83 : i32
      %add3A_85 = arith.constant 0 : i32
      %add3A_86 = arith.addi %mul3A_84, %add3A_85 : i32
      %dma_wait3A = arith.constant 0 : i32
      %dma_wait3A_87 = arith.constant 0 : i32
      %dma_wait3A_88 = arith.constant 0 : i32
      %dma_wait3A_89 = tpu.memref_slice %arg6[%dma_wait3A, %dma_wait3A_87, %dma_wait3A_88] : memref<5x128x48xf32, #tpu.memory_space<vmem>> -> memref<1x128x48xf32, #tpu.memory_space<vmem>>
      %dma_wait3A_90 = tpu.memref_squeeze %dma_wait3A_89 : memref<1x128x48xf32, #tpu.memory_space<vmem>> -> memref<128x48xf32, #tpu.memory_space<vmem>>
      %dma_wait3A_91 = tpu.memref_slice %arg5[%mul3A_14] : memref<1280xi32, #tpu.memory_space<vmem>> -> memref<128xi32, #tpu.memory_space<vmem>>
      %dma_wait3A_92 = arith.constant 0 : i32
      %dma_wait3A_93 = arith.constant 0 : i32
      %dma_wait3A_94 = tpu.memref_slice %arg2[%dma_wait3A_92, %dma_wait3A_93] : memref<10000x48xf32, #tpu.memory_space<hbm>> -> memref<10000x48xf32, #tpu.memory_space<hbm>>
      tpu.wait_indirect_dma semaphore(%arg7 : memref<!tpu.dma_semaphore, #tpu.memory_space<semaphore_mem>>) src(%dma_wait3A_94 : memref<10000x48xf32, #tpu.memory_space<hbm>>) dst(%dma_wait3A_90 : memref<128x48xf32, #tpu.memory_space<vmem>>)
      %mul3A_95 = arith.constant 128 : i32
      %mul3A_96 = arith.muli %add3A_86, %mul3A_95 : i32
      %add3A_97 = arith.addi %mul3A_2, %mul3A_96 : i32
      %dma_start3A_98 = arith.constant 0 : i32
      %dma_start3A_99 = arith.constant 0 : i32
      %dma_start3A_100 = arith.constant 0 : i32
      %dma_start3A_101 = tpu.memref_slice %arg6[%dma_start3A_98, %dma_start3A_99, %dma_start3A_100] : memref<5x128x48xf32, #tpu.memory_space<vmem>> -> memref<1x128x48xf32, #tpu.memory_space<vmem>>
      %dma_start3A_102 = tpu.memref_squeeze %dma_start3A_101 : memref<1x128x48xf32, #tpu.memory_space<vmem>> -> memref<128x48xf32, #tpu.memory_space<vmem>>
      %dma_start3A_103 = arith.constant 0 : i32
      %dma_start3A_104 = tpu.memref_slice %arg4[%add3A_97, %dma_start3A_103] : memref<40960x48xf32, #tpu.memory_space<hbm>> -> memref<128x48xf32, #tpu.memory_space<hbm>>
      %dma_start3A_105 = arith.constant 0 : i32
      %dma_start3A_106 = tpu.memref_slice %arg4[%add3A_97, %dma_start3A_105] : memref<40960x48xf32, #tpu.memory_space<hbm>> -> memref<128x48xf32, #tpu.memory_space<hbm>>
      %dma_start3A_107 = arith.constant 0 : i32
      %dma_start3A_108 = arith.constant 0 : i32
      %dma_start3A_109 = tpu.memref_slice %arg6[%dma_start3A_98, %dma_start3A_107, %dma_start3A_108] : memref<5x128x48xf32, #tpu.memory_space<vmem>> -> memref<1x128x48xf32, #tpu.memory_space<vmem>>
      %dma_start3A_110 = tpu.memref_squeeze %dma_start3A_109 : memref<1x128x48xf32, #tpu.memory_space<vmem>> -> memref<128x48xf32, #tpu.memory_space<vmem>>
      tpu.enqueue_dma source(%dma_start3A_110 : memref<128x48xf32, #tpu.memory_space<vmem>>) target(%dma_start3A_106 : memref<128x48xf32, #tpu.memory_space<hbm>>) target_semaphore(%arg12 : memref<!tpu.dma_semaphore, #tpu.memory_space<semaphore_mem>>)
      %mul3A_111 = arith.constant 5 : i32
      %mul3A_112 = arith.muli %scan3A_8, %mul3A_111 : i32
      %add3A_113 = arith.constant 1 : i32
      %add3A_114 = arith.addi %mul3A_112, %add3A_113 : i32
      %dma_wait3A_115 = arith.constant 1 : i32
      %dma_wait3A_116 = arith.constant 0 : i32
      %dma_wait3A_117 = arith.constant 0 : i32
      %dma_wait3A_118 = tpu.memref_slice %arg6[%dma_wait3A_115, %dma_wait3A_116, %dma_wait3A_117] : memref<5x128x48xf32, #tpu.memory_space<vmem>> -> memref<1x128x48xf32, #tpu.memory_space<vmem>>
      %dma_wait3A_119 = tpu.memref_squeeze %dma_wait3A_118 : memref<1x128x48xf32, #tpu.memory_space<vmem>> -> memref<128x48xf32, #tpu.memory_space<vmem>>
      %dma_wait3A_120 = tpu.memref_slice %arg5[%mul3A_28] : memref<1280xi32, #tpu.memory_space<vmem>> -> memref<128xi32, #tpu.memory_space<vmem>>
      %dma_wait3A_121 = arith.constant 0 : i32
      %dma_wait3A_122 = arith.constant 0 : i32
      %dma_wait3A_123 = tpu.memref_slice %arg2[%dma_wait3A_121, %dma_wait3A_122] : memref<10000x48xf32, #tpu.memory_space<hbm>> -> memref<10000x48xf32, #tpu.memory_space<hbm>>
      tpu.wait_indirect_dma semaphore(%arg8 : memref<!tpu.dma_semaphore, #tpu.memory_space<semaphore_mem>>) src(%dma_wait3A_123 : memref<10000x48xf32, #tpu.memory_space<hbm>>) dst(%dma_wait3A_119 : memref<128x48xf32, #tpu.memory_space<vmem>>)
      %mul3A_124 = arith.constant 128 : i32
      %mul3A_125 = arith.muli %add3A_114, %mul3A_124 : i32
      %add3A_126 = arith.addi %mul3A_2, %mul3A_125 : i32
      %dma_start3A_127 = arith.constant 1 : i32
      %dma_start3A_128 = arith.constant 0 : i32
      %dma_start3A_129 = arith.constant 0 : i32
      %dma_start3A_130 = tpu.memref_slice %arg6[%dma_start3A_127, %dma_start3A_128, %dma_start3A_129] : memref<5x128x48xf32, #tpu.memory_space<vmem>> -> memref<1x128x48xf32, #tpu.memory_space<vmem>>
      %dma_start3A_131 = tpu.memref_squeeze %dma_start3A_130 : memref<1x128x48xf32, #tpu.memory_space<vmem>> -> memref<128x48xf32, #tpu.memory_space<vmem>>
      %dma_start3A_132 = arith.constant 0 : i32
      %dma_start3A_133 = tpu.memref_slice %arg4[%add3A_126, %dma_start3A_132] : memref<40960x48xf32, #tpu.memory_space<hbm>> -> memref<128x48xf32, #tpu.memory_space<hbm>>
      %dma_start3A_134 = arith.constant 0 : i32
      %dma_start3A_135 = tpu.memref_slice %arg4[%add3A_126, %dma_start3A_134] : memref<40960x48xf32, #tpu.memory_space<hbm>> -> memref<128x48xf32, #tpu.memory_space<hbm>>
      %dma_start3A_136 = arith.constant 0 : i32
      %dma_start3A_137 = arith.constant 0 : i32
      %dma_start3A_138 = tpu.memref_slice %arg6[%dma_start3A_127, %dma_start3A_136, %dma_start3A_137] : memref<5x128x48xf32, #tpu.memory_space<vmem>> -> memref<1x128x48xf32, #tpu.memory_space<vmem>>
      %dma_start3A_139 = tpu.memref_squeeze %dma_start3A_138 : memref<1x128x48xf32, #tpu.memory_space<vmem>> -> memref<128x48xf32, #tpu.memory_space<vmem>>
      tpu.enqueue_dma source(%dma_start3A_139 : memref<128x48xf32, #tpu.memory_space<vmem>>) target(%dma_start3A_135 : memref<128x48xf32, #tpu.memory_space<hbm>>) target_semaphore(%arg13 : memref<!tpu.dma_semaphore, #tpu.memory_space<semaphore_mem>>)
      %mul3A_140 = arith.constant 5 : i32
      %mul3A_141 = arith.muli %scan3A_8, %mul3A_140 : i32
      %add3A_142 = arith.constant 2 : i32
      %add3A_143 = arith.addi %mul3A_141, %add3A_142 : i32
      %dma_wait3A_144 = arith.constant 2 : i32
      %dma_wait3A_145 = arith.constant 0 : i32
      %dma_wait3A_146 = arith.constant 0 : i32
      %dma_wait3A_147 = tpu.memref_slice %arg6[%dma_wait3A_144, %dma_wait3A_145, %dma_wait3A_146] : memref<5x128x48xf32, #tpu.memory_space<vmem>> -> memref<1x128x48xf32, #tpu.memory_space<vmem>>
      %dma_wait3A_148 = tpu.memref_squeeze %dma_wait3A_147 : memref<1x128x48xf32, #tpu.memory_space<vmem>> -> memref<128x48xf32, #tpu.memory_space<vmem>>
      %dma_wait3A_149 = tpu.memref_slice %arg5[%mul3A_43] : memref<1280xi32, #tpu.memory_space<vmem>> -> memref<128xi32, #tpu.memory_space<vmem>>
      %dma_wait3A_150 = arith.constant 0 : i32
      %dma_wait3A_151 = arith.constant 0 : i32
      %dma_wait3A_152 = tpu.memref_slice %arg2[%dma_wait3A_150, %dma_wait3A_151] : memref<10000x48xf32, #tpu.memory_space<hbm>> -> memref<10000x48xf32, #tpu.memory_space<hbm>>
      tpu.wait_indirect_dma semaphore(%arg9 : memref<!tpu.dma_semaphore, #tpu.memory_space<semaphore_mem>>) src(%dma_wait3A_152 : memref<10000x48xf32, #tpu.memory_space<hbm>>) dst(%dma_wait3A_148 : memref<128x48xf32, #tpu.memory_space<vmem>>)
      %mul3A_153 = arith.constant 128 : i32
      %mul3A_154 = arith.muli %add3A_143, %mul3A_153 : i32
      %add3A_155 = arith.addi %mul3A_2, %mul3A_154 : i32
      %dma_start3A_156 = arith.constant 2 : i32
      %dma_start3A_157 = arith.constant 0 : i32
      %dma_start3A_158 = arith.constant 0 : i32
      %dma_start3A_159 = tpu.memref_slice %arg6[%dma_start3A_156, %dma_start3A_157, %dma_start3A_158] : memref<5x128x48xf32, #tpu.memory_space<vmem>> -> memref<1x128x48xf32, #tpu.memory_space<vmem>>
      %dma_start3A_160 = tpu.memref_squeeze %dma_start3A_159 : memref<1x128x48xf32, #tpu.memory_space<vmem>> -> memref<128x48xf32, #tpu.memory_space<vmem>>
      %dma_start3A_161 = arith.constant 0 : i32
      %dma_start3A_162 = tpu.memref_slice %arg4[%add3A_155, %dma_start3A_161] : memref<40960x48xf32, #tpu.memory_space<hbm>> -> memref<128x48xf32, #tpu.memory_space<hbm>>
      %dma_start3A_163 = arith.constant 0 : i32
      %dma_start3A_164 = tpu.memref_slice %arg4[%add3A_155, %dma_start3A_163] : memref<40960x48xf32, #tpu.memory_space<hbm>> -> memref<128x48xf32, #tpu.memory_space<hbm>>
      %dma_start3A_165 = arith.constant 0 : i32
      %dma_start3A_166 = arith.constant 0 : i32
      %dma_start3A_167 = tpu.memref_slice %arg6[%dma_start3A_156, %dma_start3A_165, %dma_start3A_166] : memref<5x128x48xf32, #tpu.memory_space<vmem>> -> memref<1x128x48xf32, #tpu.memory_space<vmem>>
      %dma_start3A_168 = tpu.memref_squeeze %dma_start3A_167 : memref<1x128x48xf32, #tpu.memory_space<vmem>> -> memref<128x48xf32, #tpu.memory_space<vmem>>
      tpu.enqueue_dma source(%dma_start3A_168 : memref<128x48xf32, #tpu.memory_space<vmem>>) target(%dma_start3A_164 : memref<128x48xf32, #tpu.memory_space<hbm>>) target_semaphore(%arg14 : memref<!tpu.dma_semaphore, #tpu.memory_space<semaphore_mem>>)
      %mul3A_169 = arith.constant 5 : i32
      %mul3A_170 = arith.muli %scan3A_8, %mul3A_169 : i32
      %add3A_171 = arith.constant 3 : i32
      %add3A_172 = arith.addi %mul3A_170, %add3A_171 : i32
      %dma_wait3A_173 = arith.constant 3 : i32
      %dma_wait3A_174 = arith.constant 0 : i32
      %dma_wait3A_175 = arith.constant 0 : i32
      %dma_wait3A_176 = tpu.memref_slice %arg6[%dma_wait3A_173, %dma_wait3A_174, %dma_wait3A_175] : memref<5x128x48xf32, #tpu.memory_space<vmem>> -> memref<1x128x48xf32, #tpu.memory_space<vmem>>
      %dma_wait3A_177 = tpu.memref_squeeze %dma_wait3A_176 : memref<1x128x48xf32, #tpu.memory_space<vmem>> -> memref<128x48xf32, #tpu.memory_space<vmem>>
      %dma_wait3A_178 = tpu.memref_slice %arg5[%mul3A_58] : memref<1280xi32, #tpu.memory_space<vmem>> -> memref<128xi32, #tpu.memory_space<vmem>>
      %dma_wait3A_179 = arith.constant 0 : i32
      %dma_wait3A_180 = arith.constant 0 : i32
      %dma_wait3A_181 = tpu.memref_slice %arg2[%dma_wait3A_179, %dma_wait3A_180] : memref<10000x48xf32, #tpu.memory_space<hbm>> -> memref<10000x48xf32, #tpu.memory_space<hbm>>
      tpu.wait_indirect_dma semaphore(%arg10 : memref<!tpu.dma_semaphore, #tpu.memory_space<semaphore_mem>>) src(%dma_wait3A_181 : memref<10000x48xf32, #tpu.memory_space<hbm>>) dst(%dma_wait3A_177 : memref<128x48xf32, #tpu.memory_space<vmem>>)
      %mul3A_182 = arith.constant 128 : i32
      %mul3A_183 = arith.muli %add3A_172, %mul3A_182 : i32
      %add3A_184 = arith.addi %mul3A_2, %mul3A_183 : i32
      %dma_start3A_185 = arith.constant 3 : i32
      %dma_start3A_186 = arith.constant 0 : i32
      %dma_start3A_187 = arith.constant 0 : i32
      %dma_start3A_188 = tpu.memref_slice %arg6[%dma_start3A_185, %dma_start3A_186, %dma_start3A_187] : memref<5x128x48xf32, #tpu.memory_space<vmem>> -> memref<1x128x48xf32, #tpu.memory_space<vmem>>
      %dma_start3A_189 = tpu.memref_squeeze %dma_start3A_188 : memref<1x128x48xf32, #tpu.memory_space<vmem>> -> memref<128x48xf32, #tpu.memory_space<vmem>>
      %dma_start3A_190 = arith.constant 0 : i32
      %dma_start3A_191 = tpu.memref_slice %arg4[%add3A_184, %dma_start3A_190] : memref<40960x48xf32, #tpu.memory_space<hbm>> -> memref<128x48xf32, #tpu.memory_space<hbm>>
      %dma_start3A_192 = arith.constant 0 : i32
      %dma_start3A_193 = tpu.memref_slice %arg4[%add3A_184, %dma_start3A_192] : memref<40960x48xf32, #tpu.memory_space<hbm>> -> memref<128x48xf32, #tpu.memory_space<hbm>>
      %dma_start3A_194 = arith.constant 0 : i32
      %dma_start3A_195 = arith.constant 0 : i32
      %dma_start3A_196 = tpu.memref_slice %arg6[%dma_start3A_185, %dma_start3A_194, %dma_start3A_195] : memref<5x128x48xf32, #tpu.memory_space<vmem>> -> memref<1x128x48xf32, #tpu.memory_space<vmem>>
      %dma_start3A_197 = tpu.memref_squeeze %dma_start3A_196 : memref<1x128x48xf32, #tpu.memory_space<vmem>> -> memref<128x48xf32, #tpu.memory_space<vmem>>
      tpu.enqueue_dma source(%dma_start3A_197 : memref<128x48xf32, #tpu.memory_space<vmem>>) target(%dma_start3A_193 : memref<128x48xf32, #tpu.memory_space<hbm>>) target_semaphore(%arg15 : memref<!tpu.dma_semaphore, #tpu.memory_space<semaphore_mem>>)
      %mul3A_198 = arith.constant 5 : i32
      %mul3A_199 = arith.muli %scan3A_8, %mul3A_198 : i32
      %add3A_200 = arith.constant 4 : i32
      %add3A_201 = arith.addi %mul3A_199, %add3A_200 : i32
      %dma_wait3A_202 = arith.constant 4 : i32
      %dma_wait3A_203 = arith.constant 0 : i32
      %dma_wait3A_204 = arith.constant 0 : i32
      %dma_wait3A_205 = tpu.memref_slice %arg6[%dma_wait3A_202, %dma_wait3A_203, %dma_wait3A_204] : memref<5x128x48xf32, #tpu.memory_space<vmem>> -> memref<1x128x48xf32, #tpu.memory_space<vmem>>
      %dma_wait3A_206 = tpu.memref_squeeze %dma_wait3A_205 : memref<1x128x48xf32, #tpu.memory_space<vmem>> -> memref<128x48xf32, #tpu.memory_space<vmem>>
      %dma_wait3A_207 = tpu.memref_slice %arg5[%mul3A_73] : memref<1280xi32, #tpu.memory_space<vmem>> -> memref<128xi32, #tpu.memory_space<vmem>>
      %dma_wait3A_208 = arith.constant 0 : i32
      %dma_wait3A_209 = arith.constant 0 : i32
      %dma_wait3A_210 = tpu.memref_slice %arg2[%dma_wait3A_208, %dma_wait3A_209] : memref<10000x48xf32, #tpu.memory_space<hbm>> -> memref<10000x48xf32, #tpu.memory_space<hbm>>
      tpu.wait_indirect_dma semaphore(%arg11 : memref<!tpu.dma_semaphore, #tpu.memory_space<semaphore_mem>>) src(%dma_wait3A_210 : memref<10000x48xf32, #tpu.memory_space<hbm>>) dst(%dma_wait3A_206 : memref<128x48xf32, #tpu.memory_space<vmem>>)
      %mul3A_211 = arith.constant 128 : i32
      %mul3A_212 = arith.muli %add3A_201, %mul3A_211 : i32
      %add3A_213 = arith.addi %mul3A_2, %mul3A_212 : i32
      %dma_start3A_214 = arith.constant 4 : i32
      %dma_start3A_215 = arith.constant 0 : i32
      %dma_start3A_216 = arith.constant 0 : i32
      %dma_start3A_217 = tpu.memref_slice %arg6[%dma_start3A_214, %dma_start3A_215, %dma_start3A_216] : memref<5x128x48xf32, #tpu.memory_space<vmem>> -> memref<1x128x48xf32, #tpu.memory_space<vmem>>
      %dma_start3A_218 = tpu.memref_squeeze %dma_start3A_217 : memref<1x128x48xf32, #tpu.memory_space<vmem>> -> memref<128x48xf32, #tpu.memory_space<vmem>>
      %dma_start3A_219 = arith.constant 0 : i32
      %dma_start3A_220 = tpu.memref_slice %arg4[%add3A_213, %dma_start3A_219] : memref<40960x48xf32, #tpu.memory_space<hbm>> -> memref<128x48xf32, #tpu.memory_space<hbm>>
      %dma_start3A_221 = arith.constant 0 : i32
      %dma_start3A_222 = tpu.memref_slice %arg4[%add3A_213, %dma_start3A_221] : memref<40960x48xf32, #tpu.memory_space<hbm>> -> memref<128x48xf32, #tpu.memory_space<hbm>>
      %dma_start3A_223 = arith.constant 0 : i32
      %dma_start3A_224 = arith.constant 0 : i32
      %dma_start3A_225 = tpu.memref_slice %arg6[%dma_start3A_214, %dma_start3A_223, %dma_start3A_224] : memref<5x128x48xf32, #tpu.memory_space<vmem>> -> memref<1x128x48xf32, #tpu.memory_space<vmem>>
      %dma_start3A_226 = tpu.memref_squeeze %dma_start3A_225 : memref<1x128x48xf32, #tpu.memory_space<vmem>> -> memref<128x48xf32, #tpu.memory_space<vmem>>
      tpu.enqueue_dma source(%dma_start3A_226 : memref<128x48xf32, #tpu.memory_space<vmem>>) target(%dma_start3A_222 : memref<128x48xf32, #tpu.memory_space<hbm>>) target_semaphore(%arg16 : memref<!tpu.dma_semaphore, #tpu.memory_space<semaphore_mem>>)
      %dma_wait3A_227 = arith.constant 0 : i32
      %dma_wait3A_228 = arith.constant 0 : i32
      %dma_wait3A_229 = arith.constant 0 : i32
      %dma_wait3A_230 = tpu.memref_slice %arg6[%dma_wait3A_227, %dma_wait3A_228, %dma_wait3A_229] : memref<5x128x48xf32, #tpu.memory_space<vmem>> -> memref<1x128x48xf32, #tpu.memory_space<vmem>>
      %dma_wait3A_231 = tpu.memref_squeeze %dma_wait3A_230 : memref<1x128x48xf32, #tpu.memory_space<vmem>> -> memref<128x48xf32, #tpu.memory_space<vmem>>
      %dma_wait3A_232 = arith.constant 0 : i32
      %dma_wait3A_233 = tpu.memref_slice %arg4[%add3A_97, %dma_wait3A_232] : memref<40960x48xf32, #tpu.memory_space<hbm>> -> memref<128x48xf32, #tpu.memory_space<hbm>>
      %dma_wait3A_234 = arith.constant 0 : i32
      %dma_wait3A_235 = tpu.memref_slice %arg4[%add3A_97, %dma_wait3A_234] : memref<40960x48xf32, #tpu.memory_space<hbm>> -> memref<128x48xf32, #tpu.memory_space<hbm>>
      %dma_wait3A_236 = arith.constant 0 : i32
      %dma_wait3A_237 = arith.constant 0 : i32
      %dma_wait3A_238 = tpu.memref_slice %arg6[%dma_wait3A_227, %dma_wait3A_236, %dma_wait3A_237] : memref<5x128x48xf32, #tpu.memory_space<vmem>> -> memref<1x128x48xf32, #tpu.memory_space<vmem>>
      %dma_wait3A_239 = tpu.memref_squeeze %dma_wait3A_238 : memref<1x128x48xf32, #tpu.memory_space<vmem>> -> memref<128x48xf32, #tpu.memory_space<vmem>>
      tpu.wait_dma2 semaphore(%arg12 : memref<!tpu.dma_semaphore, #tpu.memory_space<semaphore_mem>>) src(%dma_wait3A_239 : memref<128x48xf32, #tpu.memory_space<vmem>>) dst(%dma_wait3A_235 : memref<128x48xf32, #tpu.memory_space<hbm>>)
      %dma_wait3A_240 = arith.constant 1 : i32
      %dma_wait3A_241 = arith.constant 0 : i32
      %dma_wait3A_242 = arith.constant 0 : i32
      %dma_wait3A_243 = tpu.memref_slice %arg6[%dma_wait3A_240, %dma_wait3A_241, %dma_wait3A_242] : memref<5x128x48xf32, #tpu.memory_space<vmem>> -> memref<1x128x48xf32, #tpu.memory_space<vmem>>
      %dma_wait3A_244 = tpu.memref_squeeze %dma_wait3A_243 : memref<1x128x48xf32, #tpu.memory_space<vmem>> -> memref<128x48xf32, #tpu.memory_space<vmem>>
      %dma_wait3A_245 = arith.constant 0 : i32
      %dma_wait3A_246 = tpu.memref_slice %arg4[%add3A_126, %dma_wait3A_245] : memref<40960x48xf32, #tpu.memory_space<hbm>> -> memref<128x48xf32, #tpu.memory_space<hbm>>
      %dma_wait3A_247 = arith.constant 0 : i32
      %dma_wait3A_248 = tpu.memref_slice %arg4[%add3A_126, %dma_wait3A_247] : memref<40960x48xf32, #tpu.memory_space<hbm>> -> memref<128x48xf32, #tpu.memory_space<hbm>>
      %dma_wait3A_249 = arith.constant 0 : i32
      %dma_wait3A_250 = arith.constant 0 : i32
      %dma_wait3A_251 = tpu.memref_slice %arg6[%dma_wait3A_240, %dma_wait3A_249, %dma_wait3A_250] : memref<5x128x48xf32, #tpu.memory_space<vmem>> -> memref<1x128x48xf32, #tpu.memory_space<vmem>>
      %dma_wait3A_252 = tpu.memref_squeeze %dma_wait3A_251 : memref<1x128x48xf32, #tpu.memory_space<vmem>> -> memref<128x48xf32, #tpu.memory_space<vmem>>
      tpu.wait_dma2 semaphore(%arg13 : memref<!tpu.dma_semaphore, #tpu.memory_space<semaphore_mem>>) src(%dma_wait3A_252 : memref<128x48xf32, #tpu.memory_space<vmem>>) dst(%dma_wait3A_248 : memref<128x48xf32, #tpu.memory_space<hbm>>)
      %dma_wait3A_253 = arith.constant 2 : i32
      %dma_wait3A_254 = arith.constant 0 : i32
      %dma_wait3A_255 = arith.constant 0 : i32
      %dma_wait3A_256 = tpu.memref_slice %arg6[%dma_wait3A_253, %dma_wait3A_254, %dma_wait3A_255] : memref<5x128x48xf32, #tpu.memory_space<vmem>> -> memref<1x128x48xf32, #tpu.memory_space<vmem>>
      %dma_wait3A_257 = tpu.memref_squeeze %dma_wait3A_256 : memref<1x128x48xf32, #tpu.memory_space<vmem>> -> memref<128x48xf32, #tpu.memory_space<vmem>>
      %dma_wait3A_258 = arith.constant 0 : i32
      %dma_wait3A_259 = tpu.memref_slice %arg4[%add3A_155, %dma_wait3A_258] : memref<40960x48xf32, #tpu.memory_space<hbm>> -> memref<128x48xf32, #tpu.memory_space<hbm>>
      %dma_wait3A_260 = arith.constant 0 : i32
      %dma_wait3A_261 = tpu.memref_slice %arg4[%add3A_155, %dma_wait3A_260] : memref<40960x48xf32, #tpu.memory_space<hbm>> -> memref<128x48xf32, #tpu.memory_space<hbm>>
      %dma_wait3A_262 = arith.constant 0 : i32
      %dma_wait3A_263 = arith.constant 0 : i32
      %dma_wait3A_264 = tpu.memref_slice %arg6[%dma_wait3A_253, %dma_wait3A_262, %dma_wait3A_263] : memref<5x128x48xf32, #tpu.memory_space<vmem>> -> memref<1x128x48xf32, #tpu.memory_space<vmem>>
      %dma_wait3A_265 = tpu.memref_squeeze %dma_wait3A_264 : memref<1x128x48xf32, #tpu.memory_space<vmem>> -> memref<128x48xf32, #tpu.memory_space<vmem>>
      tpu.wait_dma2 semaphore(%arg14 : memref<!tpu.dma_semaphore, #tpu.memory_space<semaphore_mem>>) src(%dma_wait3A_265 : memref<128x48xf32, #tpu.memory_space<vmem>>) dst(%dma_wait3A_261 : memref<128x48xf32, #tpu.memory_space<hbm>>)
      %dma_wait3A_266 = arith.constant 3 : i32
      %dma_wait3A_267 = arith.constant 0 : i32
      %dma_wait3A_268 = arith.constant 0 : i32
      %dma_wait3A_269 = tpu.memref_slice %arg6[%dma_wait3A_266, %dma_wait3A_267, %dma_wait3A_268] : memref<5x128x48xf32, #tpu.memory_space<vmem>> -> memref<1x128x48xf32, #tpu.memory_space<vmem>>
      %dma_wait3A_270 = tpu.memref_squeeze %dma_wait3A_269 : memref<1x128x48xf32, #tpu.memory_space<vmem>> -> memref<128x48xf32, #tpu.memory_space<vmem>>
      %dma_wait3A_271 = arith.constant 0 : i32
      %dma_wait3A_272 = tpu.memref_slice %arg4[%add3A_184, %dma_wait3A_271] : memref<40960x48xf32, #tpu.memory_space<hbm>> -> memref<128x48xf32, #tpu.memory_space<hbm>>
      %dma_wait3A_273 = arith.constant 0 : i32
      %dma_wait3A_274 = tpu.memref_slice %arg4[%add3A_184, %dma_wait3A_273] : memref<40960x48xf32, #tpu.memory_space<hbm>> -> memref<128x48xf32, #tpu.memory_space<hbm>>
      %dma_wait3A_275 = arith.constant 0 : i32
      %dma_wait3A_276 = arith.constant 0 : i32
      %dma_wait3A_277 = tpu.memref_slice %arg6[%dma_wait3A_266, %dma_wait3A_275, %dma_wait3A_276] : memref<5x128x48xf32, #tpu.memory_space<vmem>> -> memref<1x128x48xf32, #tpu.memory_space<vmem>>
      %dma_wait3A_278 = tpu.memref_squeeze %dma_wait3A_277 : memref<1x128x48xf32, #tpu.memory_space<vmem>> -> memref<128x48xf32, #tpu.memory_space<vmem>>
      tpu.wait_dma2 semaphore(%arg15 : memref<!tpu.dma_semaphore, #tpu.memory_space<semaphore_mem>>) src(%dma_wait3A_278 : memref<128x48xf32, #tpu.memory_space<vmem>>) dst(%dma_wait3A_274 : memref<128x48xf32, #tpu.memory_space<hbm>>)
      %dma_wait3A_279 = arith.constant 4 : i32
      %dma_wait3A_280 = arith.constant 0 : i32
      %dma_wait3A_281 = arith.constant 0 : i32
      %dma_wait3A_282 = tpu.memref_slice %arg6[%dma_wait3A_279, %dma_wait3A_280, %dma_wait3A_281] : memref<5x128x48xf32, #tpu.memory_space<vmem>> -> memref<1x128x48xf32, #tpu.memory_space<vmem>>
      %dma_wait3A_283 = tpu.memref_squeeze %dma_wait3A_282 : memref<1x128x48xf32, #tpu.memory_space<vmem>> -> memref<128x48xf32, #tpu.memory_space<vmem>>
      %dma_wait3A_284 = arith.constant 0 : i32
      %dma_wait3A_285 = tpu.memref_slice %arg4[%add3A_213, %dma_wait3A_284] : memref<40960x48xf32, #tpu.memory_space<hbm>> -> memref<128x48xf32, #tpu.memory_space<hbm>>
      %dma_wait3A_286 = arith.constant 0 : i32
      %dma_wait3A_287 = tpu.memref_slice %arg4[%add3A_213, %dma_wait3A_286] : memref<40960x48xf32, #tpu.memory_space<hbm>> -> memref<128x48xf32, #tpu.memory_space<hbm>>
      %dma_wait3A_288 = arith.constant 0 : i32
      %dma_wait3A_289 = arith.constant 0 : i32
      %dma_wait3A_290 = tpu.memref_slice %arg6[%dma_wait3A_279, %dma_wait3A_288, %dma_wait3A_289] : memref<5x128x48xf32, #tpu.memory_space<vmem>> -> memref<1x128x48xf32, #tpu.memory_space<vmem>>
      %dma_wait3A_291 = tpu.memref_squeeze %dma_wait3A_290 : memref<1x128x48xf32, #tpu.memory_space<vmem>> -> memref<128x48xf32, #tpu.memory_space<vmem>>
      tpu.wait_dma2 semaphore(%arg16 : memref<!tpu.dma_semaphore, #tpu.memory_space<semaphore_mem>>) src(%dma_wait3A_291 : memref<128x48xf32, #tpu.memory_space<vmem>>) dst(%dma_wait3A_287 : memref<128x48xf32, #tpu.memory_space<hbm>>)
    }
    %scan3A_7 = arith.constant 2 : i32
    return
  }
}

#map = affine_map<(d0, d1) -> (0, 0)>
#map1 = affine_map<(d0, d1) -> (0)>
module attributes {stable_mosaic.version = 14 : i64} {
  func.func @k(%arg0: i32, %arg1: i32, %arg2: memref<10000x48xf32, #tpu.memory_space<hbm>>, %arg3: memref<40960xi32, #tpu.memory_space<hbm>>, %arg4: memref<40960x48xf32, #tpu.memory_space<hbm>>, %arg5: memref<1280xi32, #tpu.memory_space<vmem>>, %arg6: memref<5x128x48xf32, #tpu.memory_space<vmem>>, %arg7: memref<!tpu.dma_semaphore, #tpu.memory_space<semaphore_mem>>, %arg8: memref<!tpu.dma_semaphore, #tpu.memory_space<semaphore_mem>>, %arg9: memref<!tpu.dma_semaphore, #tpu.memory_space<semaphore_mem>>, %arg10: memref<!tpu.dma_semaphore, #tpu.memory_space<semaphore_mem>>, %arg11: memref<!tpu.dma_semaphore, #tpu.memory_space<semaphore_mem>>, %arg12: memref<!tpu.dma_semaphore, #tpu.memory_space<semaphore_mem>>, %arg13: memref<!tpu.dma_semaphore, #tpu.memory_space<semaphore_mem>>, %arg14: memref<!tpu.dma_semaphore, #tpu.memory_space<semaphore_mem>>, %arg15: memref<!tpu.dma_semaphore, #tpu.memory_space<semaphore_mem>>, %arg16: memref<!tpu.dma_semaphore, #tpu.memory_space<semaphore_mem>>) attributes {dimension_semantics = [#tpu.dimension_semantics<core_parallel>, #tpu.dimension_semantics<subcore_parallel>], iteration_bounds = array<i64: 2, 16>, scalar_prefetch = 0 : i64, scratch_operands = 12 : i64, tpu.core_type = #tpu.core_type<sc_vector_subcore>, window_params = [{transform_indices = #map}, {transform_indices = #map1}, {transform_indices = #map}]} {
    %mul3A = arith.constant 2 : i32
    %mul3A_0 = arith.muli %arg1, %mul3A : i32
    %add3A = arith.addi %mul3A_0, %arg0 : i32
    %mul3A_1 = arith.constant 1280 : i32
    %mul3A_2 = arith.muli %add3A, %mul3A_1 : i32
    "tpu.region"() ({
      %run_scoped3A = tpu.sem_alloc : memref<!tpu.dma_semaphore, #tpu.memory_space<semaphore_mem>>
      %dma_start3A = tpu.memref_slice %arg3[%mul3A_2] : memref<40960xi32, #tpu.memory_space<hbm>> -> memref<1280xi32, #tpu.memory_space<hbm>>
      %dma_start3A_8 = tpu.memref_slice %arg3[%mul3A_2] : memref<40960xi32, #tpu.memory_space<hbm>> -> memref<1280xi32, #tpu.memory_space<hbm>>
      tpu.enqueue_dma source(%dma_start3A_8 : memref<1280xi32, #tpu.memory_space<hbm>>) target(%arg5 : memref<1280xi32, #tpu.memory_space<vmem>>) target_semaphore(%run_scoped3A : memref<!tpu.dma_semaphore, #tpu.memory_space<semaphore_mem>>)
      %dma_wait3A = tpu.memref_slice %arg3[%mul3A_2] : memref<40960xi32, #tpu.memory_space<hbm>> -> memref<1280xi32, #tpu.memory_space<hbm>>
      %dma_wait3A_9 = tpu.memref_slice %arg3[%mul3A_2] : memref<40960xi32, #tpu.memory_space<hbm>> -> memref<1280xi32, #tpu.memory_space<hbm>>
      tpu.wait_dma2 semaphore(%run_scoped3A : memref<!tpu.dma_semaphore, #tpu.memory_space<semaphore_mem>>) src(%dma_wait3A_9 : memref<1280xi32, #tpu.memory_space<hbm>>) dst(%arg5 : memref<1280xi32, #tpu.memory_space<vmem>>)
      tpu.yield
    }) : () -> ()
    %scan3A = arith.constant 0 : i32
    %scan3A_3 = arith.constant 0 : i32
    %scan3A_4 = arith.constant 2 : i32
    %scan3A_5 = arith.addi %scan3A_3, %scan3A_4 : i32
    %scan3A_6 = arith.constant 1 : i32
    scf.for %scan3A_8 = %scan3A_3 to %scan3A_5 step %scan3A_6  : i32 {
      %mul3A_9 = arith.constant 5 : i32
      %mul3A_10 = arith.muli %scan3A_8, %mul3A_9 : i32
      %add3A_11 = arith.constant 0 : i32
      %add3A_12 = arith.addi %mul3A_10, %add3A_11 : i32
      %mul3A_13 = arith.constant 128 : i32
      %mul3A_14 = arith.muli %add3A_12, %mul3A_13 : i32
      %dma_start3A = arith.constant 0 : i32
      %dma_start3A_15 = arith.constant 0 : i32
      %dma_start3A_16 = arith.constant 0 : i32
      %dma_start3A_17 = tpu.memref_slice %arg6[%dma_start3A, %dma_start3A_15, %dma_start3A_16] : memref<5x128x48xf32, #tpu.memory_space<vmem>> -> memref<1x128x48xf32, #tpu.memory_space<vmem>>
      %dma_start3A_18 = tpu.memref_squeeze %dma_start3A_17 : memref<1x128x48xf32, #tpu.memory_space<vmem>> -> memref<128x48xf32, #tpu.memory_space<vmem>>
      %dma_start3A_19 = tpu.memref_slice %arg5[%mul3A_14] : memref<1280xi32, #tpu.memory_space<vmem>> -> memref<128xi32, #tpu.memory_space<vmem>>
      %dma_start3A_20 = arith.constant 0 : i32
      %dma_start3A_21 = arith.constant 0 : i32
      %dma_start3A_22 = tpu.memref_slice %arg2[%dma_start3A_20, %dma_start3A_21] : memref<10000x48xf32, #tpu.memory_space<hbm>> -> memref<10000x48xf32, #tpu.memory_space<hbm>>
      tpu.enqueue_indirect_dma source(%dma_start3A_22 : memref<10000x48xf32, #tpu.memory_space<hbm>>) target(%dma_start3A_18 : memref<128x48xf32, #tpu.memory_space<vmem>>) offsets(%dma_start3A_19 : memref<128xi32, #tpu.memory_space<vmem>>) semaphore(%arg7 : memref<!tpu.dma_semaphore, #tpu.memory_space<semaphore_mem>>)
      %mul3A_23 = arith.constant 5 : i32
      %mul3A_24 = arith.muli %scan3A_8, %mul3A_23 : i32
      %add3A_25 = arith.constant 1 : i32
      %add3A_26 = arith.addi %mul3A_24, %add3A_25 : i32
      %mul3A_27 = arith.constant 128 : i32
      %mul3A_28 = arith.muli %add3A_26, %mul3A_27 : i32
      %dma_start3A_29 = arith.constant 1 : i32
      %dma_start3A_30 = arith.constant 0 : i32
      %dma_start3A_31 = arith.constant 0 : i32
      %dma_start3A_32 = tpu.memref_slice %arg6[%dma_start3A_29, %dma_start3A_30, %dma_start3A_31] : memref<5x128x48xf32, #tpu.memory_space<vmem>> -> memref<1x128x48xf32, #tpu.memory_space<vmem>>
      %dma_start3A_33 = tpu.memref_squeeze %dma_start3A_32 : memref<1x128x48xf32, #tpu.memory_space<vmem>> -> memref<128x48xf32, #tpu.memory_space<vmem>>
      %dma_start3A_34 = tpu.memref_slice %arg5[%mul3A_28] : memref<1280xi32, #tpu.memory_space<vmem>> -> memref<128xi32, #tpu.memory_space<vmem>>
      %dma_start3A_35 = arith.constant 0 : i32
      %dma_start3A_36 = arith.constant 0 : i32
      %dma_start3A_37 = tpu.memref_slice %arg2[%dma_start3A_35, %dma_start3A_36] : memref<10000x48xf32, #tpu.memory_space<hbm>> -> memref<10000x48xf32, #tpu.memory_space<hbm>>
      tpu.enqueue_indirect_dma source(%dma_start3A_37 : memref<10000x48xf32, #tpu.memory_space<hbm>>) target(%dma_start3A_33 : memref<128x48xf32, #tpu.memory_space<vmem>>) offsets(%dma_start3A_34 : memref<128xi32, #tpu.memory_space<vmem>>) semaphore(%arg8 : memref<!tpu.dma_semaphore, #tpu.memory_space<semaphore_mem>>)
      %mul3A_38 = arith.constant 5 : i32
      %mul3A_39 = arith.muli %scan3A_8, %mul3A_38 : i32
      %add3A_40 = arith.constant 2 : i32
      %add3A_41 = arith.addi %mul3A_39, %add3A_40 : i32
      %mul3A_42 = arith.constant 128 : i32
      %mul3A_43 = arith.muli %add3A_41, %mul3A_42 : i32
      %dma_start3A_44 = arith.constant 2 : i32
      %dma_start3A_45 = arith.constant 0 : i32
      %dma_start3A_46 = arith.constant 0 : i32
      %dma_start3A_47 = tpu.memref_slice %arg6[%dma_start3A_44, %dma_start3A_45, %dma_start3A_46] : memref<5x128x48xf32, #tpu.memory_space<vmem>> -> memref<1x128x48xf32, #tpu.memory_space<vmem>>
      %dma_start3A_48 = tpu.memref_squeeze %dma_start3A_47 : memref<1x128x48xf32, #tpu.memory_space<vmem>> -> memref<128x48xf32, #tpu.memory_space<vmem>>
      %dma_start3A_49 = tpu.memref_slice %arg5[%mul3A_43] : memref<1280xi32, #tpu.memory_space<vmem>> -> memref<128xi32, #tpu.memory_space<vmem>>
      %dma_start3A_50 = arith.constant 0 : i32
      %dma_start3A_51 = arith.constant 0 : i32
      %dma_start3A_52 = tpu.memref_slice %arg2[%dma_start3A_50, %dma_start3A_51] : memref<10000x48xf32, #tpu.memory_space<hbm>> -> memref<10000x48xf32, #tpu.memory_space<hbm>>
      tpu.enqueue_indirect_dma source(%dma_start3A_52 : memref<10000x48xf32, #tpu.memory_space<hbm>>) target(%dma_start3A_48 : memref<128x48xf32, #tpu.memory_space<vmem>>) offsets(%dma_start3A_49 : memref<128xi32, #tpu.memory_space<vmem>>) semaphore(%arg9 : memref<!tpu.dma_semaphore, #tpu.memory_space<semaphore_mem>>)
      %mul3A_53 = arith.constant 5 : i32
      %mul3A_54 = arith.muli %scan3A_8, %mul3A_53 : i32
      %add3A_55 = arith.constant 3 : i32
      %add3A_56 = arith.addi %mul3A_54, %add3A_55 : i32
      %mul3A_57 = arith.constant 128 : i32
      %mul3A_58 = arith.muli %add3A_56, %mul3A_57 : i32
      %dma_start3A_59 = arith.constant 3 : i32
      %dma_start3A_60 = arith.constant 0 : i32
      %dma_start3A_61 = arith.constant 0 : i32
      %dma_start3A_62 = tpu.memref_slice %arg6[%dma_start3A_59, %dma_start3A_60, %dma_start3A_61] : memref<5x128x48xf32, #tpu.memory_space<vmem>> -> memref<1x128x48xf32, #tpu.memory_space<vmem>>
      %dma_start3A_63 = tpu.memref_squeeze %dma_start3A_62 : memref<1x128x48xf32, #tpu.memory_space<vmem>> -> memref<128x48xf32, #tpu.memory_space<vmem>>
      %dma_start3A_64 = tpu.memref_slice %arg5[%mul3A_58] : memref<1280xi32, #tpu.memory_space<vmem>> -> memref<128xi32, #tpu.memory_space<vmem>>
      %dma_start3A_65 = arith.constant 0 : i32
      %dma_start3A_66 = arith.constant 0 : i32
      %dma_start3A_67 = tpu.memref_slice %arg2[%dma_start3A_65, %dma_start3A_66] : memref<10000x48xf32, #tpu.memory_space<hbm>> -> memref<10000x48xf32, #tpu.memory_space<hbm>>
      tpu.enqueue_indirect_dma source(%dma_start3A_67 : memref<10000x48xf32, #tpu.memory_space<hbm>>) target(%dma_start3A_63 : memref<128x48xf32, #tpu.memory_space<vmem>>) offsets(%dma_start3A_64 : memref<128xi32, #tpu.memory_space<vmem>>) semaphore(%arg10 : memref<!tpu.dma_semaphore, #tpu.memory_space<semaphore_mem>>)
      %mul3A_68 = arith.constant 5 : i32
      %mul3A_69 = arith.muli %scan3A_8, %mul3A_68 : i32
      %add3A_70 = arith.constant 4 : i32
      %add3A_71 = arith.addi %mul3A_69, %add3A_70 : i32
      %mul3A_72 = arith.constant 128 : i32
      %mul3A_73 = arith.muli %add3A_71, %mul3A_72 : i32
      %dma_start3A_74 = arith.constant 4 : i32
      %dma_start3A_75 = arith.constant 0 : i32
      %dma_start3A_76 = arith.constant 0 : i32
      %dma_start3A_77 = tpu.memref_slice %arg6[%dma_start3A_74, %dma_start3A_75, %dma_start3A_76] : memref<5x128x48xf32, #tpu.memory_space<vmem>> -> memref<1x128x48xf32, #tpu.memory_space<vmem>>
      %dma_start3A_78 = tpu.memref_squeeze %dma_start3A_77 : memref<1x128x48xf32, #tpu.memory_space<vmem>> -> memref<128x48xf32, #tpu.memory_space<vmem>>
      %dma_start3A_79 = tpu.memref_slice %arg5[%mul3A_73] : memref<1280xi32, #tpu.memory_space<vmem>> -> memref<128xi32, #tpu.memory_space<vmem>>
      %dma_start3A_80 = arith.constant 0 : i32
      %dma_start3A_81 = arith.constant 0 : i32
      %dma_start3A_82 = tpu.memref_slice %arg2[%dma_start3A_80, %dma_start3A_81] : memref<10000x48xf32, #tpu.memory_space<hbm>> -> memref<10000x48xf32, #tpu.memory_space<hbm>>
      tpu.enqueue_indirect_dma source(%dma_start3A_82 : memref<10000x48xf32, #tpu.memory_space<hbm>>) target(%dma_start3A_78 : memref<128x48xf32, #tpu.memory_space<vmem>>) offsets(%dma_start3A_79 : memref<128xi32, #tpu.memory_space<vmem>>) semaphore(%arg11 : memref<!tpu.dma_semaphore, #tpu.memory_space<semaphore_mem>>)
      %mul3A_83 = arith.constant 5 : i32
      %mul3A_84 = arith.muli %scan3A_8, %mul3A_83 : i32
      %add3A_85 = arith.constant 0 : i32
      %add3A_86 = arith.addi %mul3A_84, %add3A_85 : i32
      %dma_wait3A = arith.constant 0 : i32
      %dma_wait3A_87 = arith.constant 0 : i32
      %dma_wait3A_88 = arith.constant 0 : i32
      %dma_wait3A_89 = tpu.memref_slice %arg6[%dma_wait3A, %dma_wait3A_87, %dma_wait3A_88] : memref<5x128x48xf32, #tpu.memory_space<vmem>> -> memref<1x128x48xf32, #tpu.memory_space<vmem>>
      %dma_wait3A_90 = tpu.memref_squeeze %dma_wait3A_89 : memref<1x128x48xf32, #tpu.memory_space<vmem>> -> memref<128x48xf32, #tpu.memory_space<vmem>>
      %dma_wait3A_91 = tpu.memref_slice %arg5[%mul3A_14] : memref<1280xi32, #tpu.memory_space<vmem>> -> memref<128xi32, #tpu.memory_space<vmem>>
      %dma_wait3A_92 = arith.constant 0 : i32
      %dma_wait3A_93 = arith.constant 0 : i32
      %dma_wait3A_94 = tpu.memref_slice %arg2[%dma_wait3A_92, %dma_wait3A_93] : memref<10000x48xf32, #tpu.memory_space<hbm>> -> memref<10000x48xf32, #tpu.memory_space<hbm>>
      tpu.wait_indirect_dma semaphore(%arg7 : memref<!tpu.dma_semaphore, #tpu.memory_space<semaphore_mem>>) src(%dma_wait3A_94 : memref<10000x48xf32, #tpu.memory_space<hbm>>) dst(%dma_wait3A_90 : memref<128x48xf32, #tpu.memory_space<vmem>>)
      %mul3A_95 = arith.constant 128 : i32
      %mul3A_96 = arith.muli %add3A_86, %mul3A_95 : i32
      %add3A_97 = arith.addi %mul3A_2, %mul3A_96 : i32
      %dma_start3A_98 = arith.constant 0 : i32
      %dma_start3A_99 = arith.constant 0 : i32
      %dma_start3A_100 = arith.constant 0 : i32
      %dma_start3A_101 = tpu.memref_slice %arg6[%dma_start3A_98, %dma_start3A_99, %dma_start3A_100] : memref<5x128x48xf32, #tpu.memory_space<vmem>> -> memref<1x128x48xf32, #tpu.memory_space<vmem>>
      %dma_start3A_102 = tpu.memref_squeeze %dma_start3A_101 : memref<1x128x48xf32, #tpu.memory_space<vmem>> -> memref<128x48xf32, #tpu.memory_space<vmem>>
      %dma_start3A_103 = arith.constant 0 : i32
      %dma_start3A_104 = tpu.memref_slice %arg4[%add3A_97, %dma_start3A_103] : memref<40960x48xf32, #tpu.memory_space<hbm>> -> memref<128x48xf32, #tpu.memory_space<hbm>>
      %dma_start3A_105 = arith.constant 0 : i32
      %dma_start3A_106 = tpu.memref_slice %arg4[%add3A_97, %dma_start3A_105] : memref<40960x48xf32, #tpu.memory_space<hbm>> -> memref<128x48xf32, #tpu.memory_space<hbm>>
      %dma_start3A_107 = arith.constant 0 : i32
      %dma_start3A_108 = arith.constant 0 : i32
      %dma_start3A_109 = tpu.memref_slice %arg6[%dma_start3A_98, %dma_start3A_107, %dma_start3A_108] : memref<5x128x48xf32, #tpu.memory_space<vmem>> -> memref<1x128x48xf32, #tpu.memory_space<vmem>>
      %dma_start3A_110 = tpu.memref_squeeze %dma_start3A_109 : memref<1x128x48xf32, #tpu.memory_space<vmem>> -> memref<128x48xf32, #tpu.memory_space<vmem>>
      tpu.enqueue_dma source(%dma_start3A_110 : memref<128x48xf32, #tpu.memory_space<vmem>>) target(%dma_start3A_106 : memref<128x48xf32, #tpu.memory_space<hbm>>) target_semaphore(%arg12 : memref<!tpu.dma_semaphore, #tpu.memory_space<semaphore_mem>>)
      %mul3A_111 = arith.constant 5 : i32
      %mul3A_112 = arith.muli %scan3A_8, %mul3A_111 : i32
      %add3A_113 = arith.constant 1 : i32
      %add3A_114 = arith.addi %mul3A_112, %add3A_113 : i32
      %dma_wait3A_115 = arith.constant 1 : i32
      %dma_wait3A_116 = arith.constant 0 : i32
      %dma_wait3A_117 = arith.constant 0 : i32
      %dma_wait3A_118 = tpu.memref_slice %arg6[%dma_wait3A_115, %dma_wait3A_116, %dma_wait3A_117] : memref<5x128x48xf32, #tpu.memory_space<vmem>> -> memref<1x128x48xf32, #tpu.memory_space<vmem>>
      %dma_wait3A_119 = tpu.memref_squeeze %dma_wait3A_118 : memref<1x128x48xf32, #tpu.memory_space<vmem>> -> memref<128x48xf32, #tpu.memory_space<vmem>>
      %dma_wait3A_120 = tpu.memref_slice %arg5[%mul3A_28] : memref<1280xi32, #tpu.memory_space<vmem>> -> memref<128xi32, #tpu.memory_space<vmem>>
      %dma_wait3A_121 = arith.constant 0 : i32
      %dma_wait3A_122 = arith.constant 0 : i32
      %dma_wait3A_123 = tpu.memref_slice %arg2[%dma_wait3A_121, %dma_wait3A_122] : memref<10000x48xf32, #tpu.memory_space<hbm>> -> memref<10000x48xf32, #tpu.memory_space<hbm>>
      tpu.wait_indirect_dma semaphore(%arg8 : memref<!tpu.dma_semaphore, #tpu.memory_space<semaphore_mem>>) src(%dma_wait3A_123 : memref<10000x48xf32, #tpu.memory_space<hbm>>) dst(%dma_wait3A_119 : memref<128x48xf32, #tpu.memory_space<vmem>>)
      %mul3A_124 = arith.constant 128 : i32
      %mul3A_125 = arith.muli %add3A_114, %mul3A_124 : i32
      %add3A_126 = arith.addi %mul3A_2, %mul3A_125 : i32
      %dma_start3A_127 = arith.constant 1 : i32
      %dma_start3A_128 = arith.constant 0 : i32
      %dma_start3A_129 = arith.constant 0 : i32
      %dma_start3A_130 = tpu.memref_slice %arg6[%dma_start3A_127, %dma_start3A_128, %dma_start3A_129] : memref<5x128x48xf32, #tpu.memory_space<vmem>> -> memref<1x128x48xf32, #tpu.memory_space<vmem>>
      %dma_start3A_131 = tpu.memref_squeeze %dma_start3A_130 : memref<1x128x48xf32, #tpu.memory_space<vmem>> -> memref<128x48xf32, #tpu.memory_space<vmem>>
      %dma_start3A_132 = arith.constant 0 : i32
      %dma_start3A_133 = tpu.memref_slice %arg4[%add3A_126, %dma_start3A_132] : memref<40960x48xf32, #tpu.memory_space<hbm>> -> memref<128x48xf32, #tpu.memory_space<hbm>>
      %dma_start3A_134 = arith.constant 0 : i32
      %dma_start3A_135 = tpu.memref_slice %arg4[%add3A_126, %dma_start3A_134] : memref<40960x48xf32, #tpu.memory_space<hbm>> -> memref<128x48xf32, #tpu.memory_space<hbm>>
      %dma_start3A_136 = arith.constant 0 : i32
      %dma_start3A_137 = arith.constant 0 : i32
      %dma_start3A_138 = tpu.memref_slice %arg6[%dma_start3A_127, %dma_start3A_136, %dma_start3A_137] : memref<5x128x48xf32, #tpu.memory_space<vmem>> -> memref<1x128x48xf32, #tpu.memory_space<vmem>>
      %dma_start3A_139 = tpu.memref_squeeze %dma_start3A_138 : memref<1x128x48xf32, #tpu.memory_space<vmem>> -> memref<128x48xf32, #tpu.memory_space<vmem>>
      tpu.enqueue_dma source(%dma_start3A_139 : memref<128x48xf32, #tpu.memory_space<vmem>>) target(%dma_start3A_135 : memref<128x48xf32, #tpu.memory_space<hbm>>) target_semaphore(%arg13 : memref<!tpu.dma_semaphore, #tpu.memory_space<semaphore_mem>>)
      %mul3A_140 = arith.constant 5 : i32
      %mul3A_141 = arith.muli %scan3A_8, %mul3A_140 : i32
      %add3A_142 = arith.constant 2 : i32
      %add3A_143 = arith.addi %mul3A_141, %add3A_142 : i32
      %dma_wait3A_144 = arith.constant 2 : i32
      %dma_wait3A_145 = arith.constant 0 : i32
      %dma_wait3A_146 = arith.constant 0 : i32
      %dma_wait3A_147 = tpu.memref_slice %arg6[%dma_wait3A_144, %dma_wait3A_145, %dma_wait3A_146] : memref<5x128x48xf32, #tpu.memory_space<vmem>> -> memref<1x128x48xf32, #tpu.memory_space<vmem>>
      %dma_wait3A_148 = tpu.memref_squeeze %dma_wait3A_147 : memref<1x128x48xf32, #tpu.memory_space<vmem>> -> memref<128x48xf32, #tpu.memory_space<vmem>>
      %dma_wait3A_149 = tpu.memref_slice %arg5[%mul3A_43] : memref<1280xi32, #tpu.memory_space<vmem>> -> memref<128xi32, #tpu.memory_space<vmem>>
      %dma_wait3A_150 = arith.constant 0 : i32
      %dma_wait3A_151 = arith.constant 0 : i32
      %dma_wait3A_152 = tpu.memref_slice %arg2[%dma_wait3A_150, %dma_wait3A_151] : memref<10000x48xf32, #tpu.memory_space<hbm>> -> memref<10000x48xf32, #tpu.memory_space<hbm>>
      tpu.wait_indirect_dma semaphore(%arg9 : memref<!tpu.dma_semaphore, #tpu.memory_space<semaphore_mem>>) src(%dma_wait3A_152 : memref<10000x48xf32, #tpu.memory_space<hbm>>) dst(%dma_wait3A_148 : memref<128x48xf32, #tpu.memory_space<vmem>>)
      %mul3A_153 = arith.constant 128 : i32
      %mul3A_154 = arith.muli %add3A_143, %mul3A_153 : i32
      %add3A_155 = arith.addi %mul3A_2, %mul3A_154 : i32
      %dma_start3A_156 = arith.constant 2 : i32
      %dma_start3A_157 = arith.constant 0 : i32
      %dma_start3A_158 = arith.constant 0 : i32
      %dma_start3A_159 = tpu.memref_slice %arg6[%dma_start3A_156, %dma_start3A_157, %dma_start3A_158] : memref<5x128x48xf32, #tpu.memory_space<vmem>> -> memref<1x128x48xf32, #tpu.memory_space<vmem>>
      %dma_start3A_160 = tpu.memref_squeeze %dma_start3A_159 : memref<1x128x48xf32, #tpu.memory_space<vmem>> -> memref<128x48xf32, #tpu.memory_space<vmem>>
      %dma_start3A_161 = arith.constant 0 : i32
      %dma_start3A_162 = tpu.memref_slice %arg4[%add3A_155, %dma_start3A_161] : memref<40960x48xf32, #tpu.memory_space<hbm>> -> memref<128x48xf32, #tpu.memory_space<hbm>>
      %dma_start3A_163 = arith.constant 0 : i32
      %dma_start3A_164 = tpu.memref_slice %arg4[%add3A_155, %dma_start3A_163] : memref<40960x48xf32, #tpu.memory_space<hbm>> -> memref<128x48xf32, #tpu.memory_space<hbm>>
      %dma_start3A_165 = arith.constant 0 : i32
      %dma_start3A_166 = arith.constant 0 : i32
      %dma_start3A_167 = tpu.memref_slice %arg6[%dma_start3A_156, %dma_start3A_165, %dma_start3A_166] : memref<5x128x48xf32, #tpu.memory_space<vmem>> -> memref<1x128x48xf32, #tpu.memory_space<vmem>>
      %dma_start3A_168 = tpu.memref_squeeze %dma_start3A_167 : memref<1x128x48xf32, #tpu.memory_space<vmem>> -> memref<128x48xf32, #tpu.memory_space<vmem>>
      tpu.enqueue_dma source(%dma_start3A_168 : memref<128x48xf32, #tpu.memory_space<vmem>>) target(%dma_start3A_164 : memref<128x48xf32, #tpu.memory_space<hbm>>) target_semaphore(%arg14 : memref<!tpu.dma_semaphore, #tpu.memory_space<semaphore_mem>>)
      %mul3A_169 = arith.constant 5 : i32
      %mul3A_170 = arith.muli %scan3A_8, %mul3A_169 : i32
      %add3A_171 = arith.constant 3 : i32
      %add3A_172 = arith.addi %mul3A_170, %add3A_171 : i32
      %dma_wait3A_173 = arith.constant 3 : i32
      %dma_wait3A_174 = arith.constant 0 : i32
      %dma_wait3A_175 = arith.constant 0 : i32
      %dma_wait3A_176 = tpu.memref_slice %arg6[%dma_wait3A_173, %dma_wait3A_174, %dma_wait3A_175] : memref<5x128x48xf32, #tpu.memory_space<vmem>> -> memref<1x128x48xf32, #tpu.memory_space<vmem>>
      %dma_wait3A_177 = tpu.memref_squeeze %dma_wait3A_176 : memref<1x128x48xf32, #tpu.memory_space<vmem>> -> memref<128x48xf32, #tpu.memory_space<vmem>>
      %dma_wait3A_178 = tpu.memref_slice %arg5[%mul3A_58] : memref<1280xi32, #tpu.memory_space<vmem>> -> memref<128xi32, #tpu.memory_space<vmem>>
      %dma_wait3A_179 = arith.constant 0 : i32
      %dma_wait3A_180 = arith.constant 0 : i32
      %dma_wait3A_181 = tpu.memref_slice %arg2[%dma_wait3A_179, %dma_wait3A_180] : memref<10000x48xf32, #tpu.memory_space<hbm>> -> memref<10000x48xf32, #tpu.memory_space<hbm>>
      tpu.wait_indirect_dma semaphore(%arg10 : memref<!tpu.dma_semaphore, #tpu.memory_space<semaphore_mem>>) src(%dma_wait3A_181 : memref<10000x48xf32, #tpu.memory_space<hbm>>) dst(%dma_wait3A_177 : memref<128x48xf32, #tpu.memory_space<vmem>>)
      %mul3A_182 = arith.constant 128 : i32
      %mul3A_183 = arith.muli %add3A_172, %mul3A_182 : i32
      %add3A_184 = arith.addi %mul3A_2, %mul3A_183 : i32
      %dma_start3A_185 = arith.constant 3 : i32
      %dma_start3A_186 = arith.constant 0 : i32
      %dma_start3A_187 = arith.constant 0 : i32
      %dma_start3A_188 = tpu.memref_slice %arg6[%dma_start3A_185, %dma_start3A_186, %dma_start3A_187] : memref<5x128x48xf32, #tpu.memory_space<vmem>> -> memref<1x128x48xf32, #tpu.memory_space<vmem>>
      %dma_start3A_189 = tpu.memref_squeeze %dma_start3A_188 : memref<1x128x48xf32, #tpu.memory_space<vmem>> -> memref<128x48xf32, #tpu.memory_space<vmem>>
      %dma_start3A_190 = arith.constant 0 : i32
      %dma_start3A_191 = tpu.memref_slice %arg4[%add3A_184, %dma_start3A_190] : memref<40960x48xf32, #tpu.memory_space<hbm>> -> memref<128x48xf32, #tpu.memory_space<hbm>>
      %dma_start3A_192 = arith.constant 0 : i32
      %dma_start3A_193 = tpu.memref_slice %arg4[%add3A_184, %dma_start3A_192] : memref<40960x48xf32, #tpu.memory_space<hbm>> -> memref<128x48xf32, #tpu.memory_space<hbm>>
      %dma_start3A_194 = arith.constant 0 : i32
      %dma_start3A_195 = arith.constant 0 : i32
      %dma_start3A_196 = tpu.memref_slice %arg6[%dma_start3A_185, %dma_start3A_194, %dma_start3A_195] : memref<5x128x48xf32, #tpu.memory_space<vmem>> -> memref<1x128x48xf32, #tpu.memory_space<vmem>>
      %dma_start3A_197 = tpu.memref_squeeze %dma_start3A_196 : memref<1x128x48xf32, #tpu.memory_space<vmem>> -> memref<128x48xf32, #tpu.memory_space<vmem>>
      tpu.enqueue_dma source(%dma_start3A_197 : memref<128x48xf32, #tpu.memory_space<vmem>>) target(%dma_start3A_193 : memref<128x48xf32, #tpu.memory_space<hbm>>) target_semaphore(%arg15 : memref<!tpu.dma_semaphore, #tpu.memory_space<semaphore_mem>>)
      %mul3A_198 = arith.constant 5 : i32
      %mul3A_199 = arith.muli %scan3A_8, %mul3A_198 : i32
      %add3A_200 = arith.constant 4 : i32
      %add3A_201 = arith.addi %mul3A_199, %add3A_200 : i32
      %dma_wait3A_202 = arith.constant 4 : i32
      %dma_wait3A_203 = arith.constant 0 : i32
      %dma_wait3A_204 = arith.constant 0 : i32
      %dma_wait3A_205 = tpu.memref_slice %arg6[%dma_wait3A_202, %dma_wait3A_203, %dma_wait3A_204] : memref<5x128x48xf32, #tpu.memory_space<vmem>> -> memref<1x128x48xf32, #tpu.memory_space<vmem>>
      %dma_wait3A_206 = tpu.memref_squeeze %dma_wait3A_205 : memref<1x128x48xf32, #tpu.memory_space<vmem>> -> memref<128x48xf32, #tpu.memory_space<vmem>>
      %dma_wait3A_207 = tpu.memref_slice %arg5[%mul3A_73] : memref<1280xi32, #tpu.memory_space<vmem>> -> memref<128xi32, #tpu.memory_space<vmem>>
      %dma_wait3A_208 = arith.constant 0 : i32
      %dma_wait3A_209 = arith.constant 0 : i32
      %dma_wait3A_210 = tpu.memref_slice %arg2[%dma_wait3A_208, %dma_wait3A_209] : memref<10000x48xf32, #tpu.memory_space<hbm>> -> memref<10000x48xf32, #tpu.memory_space<hbm>>
      tpu.wait_indirect_dma semaphore(%arg11 : memref<!tpu.dma_semaphore, #tpu.memory_space<semaphore_mem>>) src(%dma_wait3A_210 : memref<10000x48xf32, #tpu.memory_space<hbm>>) dst(%dma_wait3A_206 : memref<128x48xf32, #tpu.memory_space<vmem>>)
      %mul3A_211 = arith.constant 128 : i32
      %mul3A_212 = arith.muli %add3A_201, %mul3A_211 : i32
      %add3A_213 = arith.addi %mul3A_2, %mul3A_212 : i32
      %dma_start3A_214 = arith.constant 4 : i32
      %dma_start3A_215 = arith.constant 0 : i32
      %dma_start3A_216 = arith.constant 0 : i32
      %dma_start3A_217 = tpu.memref_slice %arg6[%dma_start3A_214, %dma_start3A_215, %dma_start3A_216] : memref<5x128x48xf32, #tpu.memory_space<vmem>> -> memref<1x128x48xf32, #tpu.memory_space<vmem>>
      %dma_start3A_218 = tpu.memref_squeeze %dma_start3A_217 : memref<1x128x48xf32, #tpu.memory_space<vmem>> -> memref<128x48xf32, #tpu.memory_space<vmem>>
      %dma_start3A_219 = arith.constant 0 : i32
      %dma_start3A_220 = tpu.memref_slice %arg4[%add3A_213, %dma_start3A_219] : memref<40960x48xf32, #tpu.memory_space<hbm>> -> memref<128x48xf32, #tpu.memory_space<hbm>>
      %dma_start3A_221 = arith.constant 0 : i32
      %dma_start3A_222 = tpu.memref_slice %arg4[%add3A_213, %dma_start3A_221] : memref<40960x48xf32, #tpu.memory_space<hbm>> -> memref<128x48xf32, #tpu.memory_space<hbm>>
      %dma_start3A_223 = arith.constant 0 : i32
      %dma_start3A_224 = arith.constant 0 : i32
      %dma_start3A_225 = tpu.memref_slice %arg6[%dma_start3A_214, %dma_start3A_223, %dma_start3A_224] : memref<5x128x48xf32, #tpu.memory_space<vmem>> -> memref<1x128x48xf32, #tpu.memory_space<vmem>>
      %dma_start3A_226 = tpu.memref_squeeze %dma_start3A_225 : memref<1x128x48xf32, #tpu.memory_space<vmem>> -> memref<128x48xf32, #tpu.memory_space<vmem>>
      tpu.enqueue_dma source(%dma_start3A_226 : memref<128x48xf32, #tpu.memory_space<vmem>>) target(%dma_start3A_222 : memref<128x48xf32, #tpu.memory_space<hbm>>) target_semaphore(%arg16 : memref<!tpu.dma_semaphore, #tpu.memory_space<semaphore_mem>>)
      %dma_wait3A_227 = arith.constant 0 : i32
      %dma_wait3A_228 = arith.constant 0 : i32
      %dma_wait3A_229 = arith.constant 0 : i32
      %dma_wait3A_230 = tpu.memref_slice %arg6[%dma_wait3A_227, %dma_wait3A_228, %dma_wait3A_229] : memref<5x128x48xf32, #tpu.memory_space<vmem>> -> memref<1x128x48xf32, #tpu.memory_space<vmem>>
      %dma_wait3A_231 = tpu.memref_squeeze %dma_wait3A_230 : memref<1x128x48xf32, #tpu.memory_space<vmem>> -> memref<128x48xf32, #tpu.memory_space<vmem>>
      %dma_wait3A_232 = arith.constant 0 : i32
      %dma_wait3A_233 = tpu.memref_slice %arg4[%add3A_97, %dma_wait3A_232] : memref<40960x48xf32, #tpu.memory_space<hbm>> -> memref<128x48xf32, #tpu.memory_space<hbm>>
      %dma_wait3A_234 = arith.constant 0 : i32
      %dma_wait3A_235 = tpu.memref_slice %arg4[%add3A_97, %dma_wait3A_234] : memref<40960x48xf32, #tpu.memory_space<hbm>> -> memref<128x48xf32, #tpu.memory_space<hbm>>
      %dma_wait3A_236 = arith.constant 0 : i32
      %dma_wait3A_237 = arith.constant 0 : i32
      %dma_wait3A_238 = tpu.memref_slice %arg6[%dma_wait3A_227, %dma_wait3A_236, %dma_wait3A_237] : memref<5x128x48xf32, #tpu.memory_space<vmem>> -> memref<1x128x48xf32, #tpu.memory_space<vmem>>
      %dma_wait3A_239 = tpu.memref_squeeze %dma_wait3A_238 : memref<1x128x48xf32, #tpu.memory_space<vmem>> -> memref<128x48xf32, #tpu.memory_space<vmem>>
      tpu.wait_dma2 semaphore(%arg12 : memref<!tpu.dma_semaphore, #tpu.memory_space<semaphore_mem>>) src(%dma_wait3A_239 : memref<128x48xf32, #tpu.memory_space<vmem>>) dst(%dma_wait3A_235 : memref<128x48xf32, #tpu.memory_space<hbm>>)
      %dma_wait3A_240 = arith.constant 1 : i32
      %dma_wait3A_241 = arith.constant 0 : i32
      %dma_wait3A_242 = arith.constant 0 : i32
      %dma_wait3A_243 = tpu.memref_slice %arg6[%dma_wait3A_240, %dma_wait3A_241, %dma_wait3A_242] : memref<5x128x48xf32, #tpu.memory_space<vmem>> -> memref<1x128x48xf32, #tpu.memory_space<vmem>>
      %dma_wait3A_244 = tpu.memref_squeeze %dma_wait3A_243 : memref<1x128x48xf32, #tpu.memory_space<vmem>> -> memref<128x48xf32, #tpu.memory_space<vmem>>
      %dma_wait3A_245 = arith.constant 0 : i32
      %dma_wait3A_246 = tpu.memref_slice %arg4[%add3A_126, %dma_wait3A_245] : memref<40960x48xf32, #tpu.memory_space<hbm>> -> memref<128x48xf32, #tpu.memory_space<hbm>>
      %dma_wait3A_247 = arith.constant 0 : i32
      %dma_wait3A_248 = tpu.memref_slice %arg4[%add3A_126, %dma_wait3A_247] : memref<40960x48xf32, #tpu.memory_space<hbm>> -> memref<128x48xf32, #tpu.memory_space<hbm>>
      %dma_wait3A_249 = arith.constant 0 : i32
      %dma_wait3A_250 = arith.constant 0 : i32
      %dma_wait3A_251 = tpu.memref_slice %arg6[%dma_wait3A_240, %dma_wait3A_249, %dma_wait3A_250] : memref<5x128x48xf32, #tpu.memory_space<vmem>> -> memref<1x128x48xf32, #tpu.memory_space<vmem>>
      %dma_wait3A_252 = tpu.memref_squeeze %dma_wait3A_251 : memref<1x128x48xf32, #tpu.memory_space<vmem>> -> memref<128x48xf32, #tpu.memory_space<vmem>>
      tpu.wait_dma2 semaphore(%arg13 : memref<!tpu.dma_semaphore, #tpu.memory_space<semaphore_mem>>) src(%dma_wait3A_252 : memref<128x48xf32, #tpu.memory_space<vmem>>) dst(%dma_wait3A_248 : memref<128x48xf32, #tpu.memory_space<hbm>>)
      %dma_wait3A_253 = arith.constant 2 : i32
      %dma_wait3A_254 = arith.constant 0 : i32
      %dma_wait3A_255 = arith.constant 0 : i32
      %dma_wait3A_256 = tpu.memref_slice %arg6[%dma_wait3A_253, %dma_wait3A_254, %dma_wait3A_255] : memref<5x128x48xf32, #tpu.memory_space<vmem>> -> memref<1x128x48xf32, #tpu.memory_space<vmem>>
      %dma_wait3A_257 = tpu.memref_squeeze %dma_wait3A_256 : memref<1x128x48xf32, #tpu.memory_space<vmem>> -> memref<128x48xf32, #tpu.memory_space<vmem>>
      %dma_wait3A_258 = arith.constant 0 : i32
      %dma_wait3A_259 = tpu.memref_slice %arg4[%add3A_155, %dma_wait3A_258] : memref<40960x48xf32, #tpu.memory_space<hbm>> -> memref<128x48xf32, #tpu.memory_space<hbm>>
      %dma_wait3A_260 = arith.constant 0 : i32
      %dma_wait3A_261 = tpu.memref_slice %arg4[%add3A_155, %dma_wait3A_260] : memref<40960x48xf32, #tpu.memory_space<hbm>> -> memref<128x48xf32, #tpu.memory_space<hbm>>
      %dma_wait3A_262 = arith.constant 0 : i32
      %dma_wait3A_263 = arith.constant 0 : i32
      %dma_wait3A_264 = tpu.memref_slice %arg6[%dma_wait3A_253, %dma_wait3A_262, %dma_wait3A_263] : memref<5x128x48xf32, #tpu.memory_space<vmem>> -> memref<1x128x48xf32, #tpu.memory_space<vmem>>
      %dma_wait3A_265 = tpu.memref_squeeze %dma_wait3A_264 : memref<1x128x48xf32, #tpu.memory_space<vmem>> -> memref<128x48xf32, #tpu.memory_space<vmem>>
      tpu.wait_dma2 semaphore(%arg14 : memref<!tpu.dma_semaphore, #tpu.memory_space<semaphore_mem>>) src(%dma_wait3A_265 : memref<128x48xf32, #tpu.memory_space<vmem>>) dst(%dma_wait3A_261 : memref<128x48xf32, #tpu.memory_space<hbm>>)
      %dma_wait3A_266 = arith.constant 3 : i32
      %dma_wait3A_267 = arith.constant 0 : i32
      %dma_wait3A_268 = arith.constant 0 : i32
      %dma_wait3A_269 = tpu.memref_slice %arg6[%dma_wait3A_266, %dma_wait3A_267, %dma_wait3A_268] : memref<5x128x48xf32, #tpu.memory_space<vmem>> -> memref<1x128x48xf32, #tpu.memory_space<vmem>>
      %dma_wait3A_270 = tpu.memref_squeeze %dma_wait3A_269 : memref<1x128x48xf32, #tpu.memory_space<vmem>> -> memref<128x48xf32, #tpu.memory_space<vmem>>
      %dma_wait3A_271 = arith.constant 0 : i32
      %dma_wait3A_272 = tpu.memref_slice %arg4[%add3A_184, %dma_wait3A_271] : memref<40960x48xf32, #tpu.memory_space<hbm>> -> memref<128x48xf32, #tpu.memory_space<hbm>>
      %dma_wait3A_273 = arith.constant 0 : i32
      %dma_wait3A_274 = tpu.memref_slice %arg4[%add3A_184, %dma_wait3A_273] : memref<40960x48xf32, #tpu.memory_space<hbm>> -> memref<128x48xf32, #tpu.memory_space<hbm>>
      %dma_wait3A_275 = arith.constant 0 : i32
      %dma_wait3A_276 = arith.constant 0 : i32
      %dma_wait3A_277 = tpu.memref_slice %arg6[%dma_wait3A_266, %dma_wait3A_275, %dma_wait3A_276] : memref<5x128x48xf32, #tpu.memory_space<vmem>> -> memref<1x128x48xf32, #tpu.memory_space<vmem>>
      %dma_wait3A_278 = tpu.memref_squeeze %dma_wait3A_277 : memref<1x128x48xf32, #tpu.memory_space<vmem>> -> memref<128x48xf32, #tpu.memory_space<vmem>>
      tpu.wait_dma2 semaphore(%arg15 : memref<!tpu.dma_semaphore, #tpu.memory_space<semaphore_mem>>) src(%dma_wait3A_278 : memref<128x48xf32, #tpu.memory_space<vmem>>) dst(%dma_wait3A_274 : memref<128x48xf32, #tpu.memory_space<hbm>>)
      %dma_wait3A_279 = arith.constant 4 : i32
      %dma_wait3A_280 = arith.constant 0 : i32
      %dma_wait3A_281 = arith.constant 0 : i32
      %dma_wait3A_282 = tpu.memref_slice %arg6[%dma_wait3A_279, %dma_wait3A_280, %dma_wait3A_281] : memref<5x128x48xf32, #tpu.memory_space<vmem>> -> memref<1x128x48xf32, #tpu.memory_space<vmem>>
      %dma_wait3A_283 = tpu.memref_squeeze %dma_wait3A_282 : memref<1x128x48xf32, #tpu.memory_space<vmem>> -> memref<128x48xf32, #tpu.memory_space<vmem>>
      %dma_wait3A_284 = arith.constant 0 : i32
      %dma_wait3A_285 = tpu.memref_slice %arg4[%add3A_213, %dma_wait3A_284] : memref<40960x48xf32, #tpu.memory_space<hbm>> -> memref<128x48xf32, #tpu.memory_space<hbm>>
      %dma_wait3A_286 = arith.constant 0 : i32
      %dma_wait3A_287 = tpu.memref_slice %arg4[%add3A_213, %dma_wait3A_286] : memref<40960x48xf32, #tpu.memory_space<hbm>> -> memref<128x48xf32, #tpu.memory_space<hbm>>
      %dma_wait3A_288 = arith.constant 0 : i32
      %dma_wait3A_289 = arith.constant 0 : i32
      %dma_wait3A_290 = tpu.memref_slice %arg6[%dma_wait3A_279, %dma_wait3A_288, %dma_wait3A_289] : memref<5x128x48xf32, #tpu.memory_space<vmem>> -> memref<1x128x48xf32, #tpu.memory_space<vmem>>
      %dma_wait3A_291 = tpu.memref_squeeze %dma_wait3A_290 : memref<1x128x48xf32, #tpu.memory_space<vmem>> -> memref<128x48xf32, #tpu.memory_space<vmem>>
      tpu.wait_dma2 semaphore(%arg16 : memref<!tpu.dma_semaphore, #tpu.memory_space<semaphore_mem>>) src(%dma_wait3A_291 : memref<128x48xf32, #tpu.memory_space<vmem>>) dst(%dma_wait3A_287 : memref<128x48xf32, #tpu.memory_space<hbm>>)
    }
    %scan3A_7 = arith.constant 2 : i32
    return
  }
}

#map = affine_map<(d0, d1) -> (0, 0)>
#map1 = affine_map<(d0, d1) -> (0)>
module attributes {stable_mosaic.version = 14 : i64} {
  func.func @k(%arg0: i32, %arg1: i32, %arg2: memref<10000x48xf32, #tpu.memory_space<hbm>>, %arg3: memref<40960xi32, #tpu.memory_space<hbm>>, %arg4: memref<40960x48xf32, #tpu.memory_space<hbm>>, %arg5: memref<1280xi32, #tpu.memory_space<vmem>>, %arg6: memref<5x128x48xf32, #tpu.memory_space<vmem>>, %arg7: memref<!tpu.dma_semaphore, #tpu.memory_space<semaphore_mem>>, %arg8: memref<!tpu.dma_semaphore, #tpu.memory_space<semaphore_mem>>, %arg9: memref<!tpu.dma_semaphore, #tpu.memory_space<semaphore_mem>>, %arg10: memref<!tpu.dma_semaphore, #tpu.memory_space<semaphore_mem>>, %arg11: memref<!tpu.dma_semaphore, #tpu.memory_space<semaphore_mem>>, %arg12: memref<!tpu.dma_semaphore, #tpu.memory_space<semaphore_mem>>, %arg13: memref<!tpu.dma_semaphore, #tpu.memory_space<semaphore_mem>>, %arg14: memref<!tpu.dma_semaphore, #tpu.memory_space<semaphore_mem>>, %arg15: memref<!tpu.dma_semaphore, #tpu.memory_space<semaphore_mem>>, %arg16: memref<!tpu.dma_semaphore, #tpu.memory_space<semaphore_mem>>) attributes {dimension_semantics = [#tpu.dimension_semantics<core_parallel>, #tpu.dimension_semantics<subcore_parallel>], iteration_bounds = array<i64: 2, 16>, scalar_prefetch = 0 : i64, scratch_operands = 12 : i64, tpu.core_type = #tpu.core_type<sc_vector_subcore>, window_params = [{transform_indices = #map}, {transform_indices = #map1}, {transform_indices = #map}]} {
    %mul3A = arith.constant 2 : i32
    %mul3A_0 = arith.muli %arg1, %mul3A : i32
    %add3A = arith.addi %mul3A_0, %arg0 : i32
    %mul3A_1 = arith.constant 1280 : i32
    %mul3A_2 = arith.muli %add3A, %mul3A_1 : i32
    "tpu.region"() ({
      %run_scoped3A = tpu.sem_alloc : memref<!tpu.dma_semaphore, #tpu.memory_space<semaphore_mem>>
      %dma_start3A = tpu.memref_slice %arg3[%mul3A_2] : memref<40960xi32, #tpu.memory_space<hbm>> -> memref<1280xi32, #tpu.memory_space<hbm>>
      %dma_start3A_8 = tpu.memref_slice %arg3[%mul3A_2] : memref<40960xi32, #tpu.memory_space<hbm>> -> memref<1280xi32, #tpu.memory_space<hbm>>
      tpu.enqueue_dma source(%dma_start3A_8 : memref<1280xi32, #tpu.memory_space<hbm>>) target(%arg5 : memref<1280xi32, #tpu.memory_space<vmem>>) target_semaphore(%run_scoped3A : memref<!tpu.dma_semaphore, #tpu.memory_space<semaphore_mem>>)
      %dma_wait3A = tpu.memref_slice %arg3[%mul3A_2] : memref<40960xi32, #tpu.memory_space<hbm>> -> memref<1280xi32, #tpu.memory_space<hbm>>
      %dma_wait3A_9 = tpu.memref_slice %arg3[%mul3A_2] : memref<40960xi32, #tpu.memory_space<hbm>> -> memref<1280xi32, #tpu.memory_space<hbm>>
      tpu.wait_dma2 semaphore(%run_scoped3A : memref<!tpu.dma_semaphore, #tpu.memory_space<semaphore_mem>>) src(%dma_wait3A_9 : memref<1280xi32, #tpu.memory_space<hbm>>) dst(%arg5 : memref<1280xi32, #tpu.memory_space<vmem>>)
      tpu.yield
    }) : () -> ()
    %scan3A = arith.constant 0 : i32
    %scan3A_3 = arith.constant 0 : i32
    %scan3A_4 = arith.constant 2 : i32
    %scan3A_5 = arith.addi %scan3A_3, %scan3A_4 : i32
    %scan3A_6 = arith.constant 1 : i32
    scf.for %scan3A_8 = %scan3A_3 to %scan3A_5 step %scan3A_6  : i32 {
      %mul3A_9 = arith.constant 5 : i32
      %mul3A_10 = arith.muli %scan3A_8, %mul3A_9 : i32
      %add3A_11 = arith.constant 0 : i32
      %add3A_12 = arith.addi %mul3A_10, %add3A_11 : i32
      %mul3A_13 = arith.constant 128 : i32
      %mul3A_14 = arith.muli %add3A_12, %mul3A_13 : i32
      %dma_start3A = arith.constant 0 : i32
      %dma_start3A_15 = arith.constant 0 : i32
      %dma_start3A_16 = arith.constant 0 : i32
      %dma_start3A_17 = tpu.memref_slice %arg6[%dma_start3A, %dma_start3A_15, %dma_start3A_16] : memref<5x128x48xf32, #tpu.memory_space<vmem>> -> memref<1x128x48xf32, #tpu.memory_space<vmem>>
      %dma_start3A_18 = tpu.memref_squeeze %dma_start3A_17 : memref<1x128x48xf32, #tpu.memory_space<vmem>> -> memref<128x48xf32, #tpu.memory_space<vmem>>
      %dma_start3A_19 = tpu.memref_slice %arg5[%mul3A_14] : memref<1280xi32, #tpu.memory_space<vmem>> -> memref<128xi32, #tpu.memory_space<vmem>>
      %dma_start3A_20 = arith.constant 0 : i32
      %dma_start3A_21 = arith.constant 0 : i32
      %dma_start3A_22 = tpu.memref_slice %arg2[%dma_start3A_20, %dma_start3A_21] : memref<10000x48xf32, #tpu.memory_space<hbm>> -> memref<10000x48xf32, #tpu.memory_space<hbm>>
      tpu.enqueue_indirect_dma source(%dma_start3A_22 : memref<10000x48xf32, #tpu.memory_space<hbm>>) target(%dma_start3A_18 : memref<128x48xf32, #tpu.memory_space<vmem>>) offsets(%dma_start3A_19 : memref<128xi32, #tpu.memory_space<vmem>>) semaphore(%arg7 : memref<!tpu.dma_semaphore, #tpu.memory_space<semaphore_mem>>)
      %mul3A_23 = arith.constant 5 : i32
      %mul3A_24 = arith.muli %scan3A_8, %mul3A_23 : i32
      %add3A_25 = arith.constant 1 : i32
      %add3A_26 = arith.addi %mul3A_24, %add3A_25 : i32
      %mul3A_27 = arith.constant 128 : i32
      %mul3A_28 = arith.muli %add3A_26, %mul3A_27 : i32
      %dma_start3A_29 = arith.constant 1 : i32
      %dma_start3A_30 = arith.constant 0 : i32
      %dma_start3A_31 = arith.constant 0 : i32
      %dma_start3A_32 = tpu.memref_slice %arg6[%dma_start3A_29, %dma_start3A_30, %dma_start3A_31] : memref<5x128x48xf32, #tpu.memory_space<vmem>> -> memref<1x128x48xf32, #tpu.memory_space<vmem>>
      %dma_start3A_33 = tpu.memref_squeeze %dma_start3A_32 : memref<1x128x48xf32, #tpu.memory_space<vmem>> -> memref<128x48xf32, #tpu.memory_space<vmem>>
      %dma_start3A_34 = tpu.memref_slice %arg5[%mul3A_28] : memref<1280xi32, #tpu.memory_space<vmem>> -> memref<128xi32, #tpu.memory_space<vmem>>
      %dma_start3A_35 = arith.constant 0 : i32
      %dma_start3A_36 = arith.constant 0 : i32
      %dma_start3A_37 = tpu.memref_slice %arg2[%dma_start3A_35, %dma_start3A_36] : memref<10000x48xf32, #tpu.memory_space<hbm>> -> memref<10000x48xf32, #tpu.memory_space<hbm>>
      tpu.enqueue_indirect_dma source(%dma_start3A_37 : memref<10000x48xf32, #tpu.memory_space<hbm>>) target(%dma_start3A_33 : memref<128x48xf32, #tpu.memory_space<vmem>>) offsets(%dma_start3A_34 : memref<128xi32, #tpu.memory_space<vmem>>) semaphore(%arg8 : memref<!tpu.dma_semaphore, #tpu.memory_space<semaphore_mem>>)
      %mul3A_38 = arith.constant 5 : i32
      %mul3A_39 = arith.muli %scan3A_8, %mul3A_38 : i32
      %add3A_40 = arith.constant 2 : i32
      %add3A_41 = arith.addi %mul3A_39, %add3A_40 : i32
      %mul3A_42 = arith.constant 128 : i32
      %mul3A_43 = arith.muli %add3A_41, %mul3A_42 : i32
      %dma_start3A_44 = arith.constant 2 : i32
      %dma_start3A_45 = arith.constant 0 : i32
      %dma_start3A_46 = arith.constant 0 : i32
      %dma_start3A_47 = tpu.memref_slice %arg6[%dma_start3A_44, %dma_start3A_45, %dma_start3A_46] : memref<5x128x48xf32, #tpu.memory_space<vmem>> -> memref<1x128x48xf32, #tpu.memory_space<vmem>>
      %dma_start3A_48 = tpu.memref_squeeze %dma_start3A_47 : memref<1x128x48xf32, #tpu.memory_space<vmem>> -> memref<128x48xf32, #tpu.memory_space<vmem>>
      %dma_start3A_49 = tpu.memref_slice %arg5[%mul3A_43] : memref<1280xi32, #tpu.memory_space<vmem>> -> memref<128xi32, #tpu.memory_space<vmem>>
      %dma_start3A_50 = arith.constant 0 : i32
      %dma_start3A_51 = arith.constant 0 : i32
      %dma_start3A_52 = tpu.memref_slice %arg2[%dma_start3A_50, %dma_start3A_51] : memref<10000x48xf32, #tpu.memory_space<hbm>> -> memref<10000x48xf32, #tpu.memory_space<hbm>>
      tpu.enqueue_indirect_dma source(%dma_start3A_52 : memref<10000x48xf32, #tpu.memory_space<hbm>>) target(%dma_start3A_48 : memref<128x48xf32, #tpu.memory_space<vmem>>) offsets(%dma_start3A_49 : memref<128xi32, #tpu.memory_space<vmem>>) semaphore(%arg9 : memref<!tpu.dma_semaphore, #tpu.memory_space<semaphore_mem>>)
      %mul3A_53 = arith.constant 5 : i32
      %mul3A_54 = arith.muli %scan3A_8, %mul3A_53 : i32
      %add3A_55 = arith.constant 3 : i32
      %add3A_56 = arith.addi %mul3A_54, %add3A_55 : i32
      %mul3A_57 = arith.constant 128 : i32
      %mul3A_58 = arith.muli %add3A_56, %mul3A_57 : i32
      %dma_start3A_59 = arith.constant 3 : i32
      %dma_start3A_60 = arith.constant 0 : i32
      %dma_start3A_61 = arith.constant 0 : i32
      %dma_start3A_62 = tpu.memref_slice %arg6[%dma_start3A_59, %dma_start3A_60, %dma_start3A_61] : memref<5x128x48xf32, #tpu.memory_space<vmem>> -> memref<1x128x48xf32, #tpu.memory_space<vmem>>
      %dma_start3A_63 = tpu.memref_squeeze %dma_start3A_62 : memref<1x128x48xf32, #tpu.memory_space<vmem>> -> memref<128x48xf32, #tpu.memory_space<vmem>>
      %dma_start3A_64 = tpu.memref_slice %arg5[%mul3A_58] : memref<1280xi32, #tpu.memory_space<vmem>> -> memref<128xi32, #tpu.memory_space<vmem>>
      %dma_start3A_65 = arith.constant 0 : i32
      %dma_start3A_66 = arith.constant 0 : i32
      %dma_start3A_67 = tpu.memref_slice %arg2[%dma_start3A_65, %dma_start3A_66] : memref<10000x48xf32, #tpu.memory_space<hbm>> -> memref<10000x48xf32, #tpu.memory_space<hbm>>
      tpu.enqueue_indirect_dma source(%dma_start3A_67 : memref<10000x48xf32, #tpu.memory_space<hbm>>) target(%dma_start3A_63 : memref<128x48xf32, #tpu.memory_space<vmem>>) offsets(%dma_start3A_64 : memref<128xi32, #tpu.memory_space<vmem>>) semaphore(%arg10 : memref<!tpu.dma_semaphore, #tpu.memory_space<semaphore_mem>>)
      %mul3A_68 = arith.constant 5 : i32
      %mul3A_69 = arith.muli %scan3A_8, %mul3A_68 : i32
      %add3A_70 = arith.constant 4 : i32
      %add3A_71 = arith.addi %mul3A_69, %add3A_70 : i32
      %mul3A_72 = arith.constant 128 : i32
      %mul3A_73 = arith.muli %add3A_71, %mul3A_72 : i32
      %dma_start3A_74 = arith.constant 4 : i32
      %dma_start3A_75 = arith.constant 0 : i32
      %dma_start3A_76 = arith.constant 0 : i32
      %dma_start3A_77 = tpu.memref_slice %arg6[%dma_start3A_74, %dma_start3A_75, %dma_start3A_76] : memref<5x128x48xf32, #tpu.memory_space<vmem>> -> memref<1x128x48xf32, #tpu.memory_space<vmem>>
      %dma_start3A_78 = tpu.memref_squeeze %dma_start3A_77 : memref<1x128x48xf32, #tpu.memory_space<vmem>> -> memref<128x48xf32, #tpu.memory_space<vmem>>
      %dma_start3A_79 = tpu.memref_slice %arg5[%mul3A_73] : memref<1280xi32, #tpu.memory_space<vmem>> -> memref<128xi32, #tpu.memory_space<vmem>>
      %dma_start3A_80 = arith.constant 0 : i32
      %dma_start3A_81 = arith.constant 0 : i32
      %dma_start3A_82 = tpu.memref_slice %arg2[%dma_start3A_80, %dma_start3A_81] : memref<10000x48xf32, #tpu.memory_space<hbm>> -> memref<10000x48xf32, #tpu.memory_space<hbm>>
      tpu.enqueue_indirect_dma source(%dma_start3A_82 : memref<10000x48xf32, #tpu.memory_space<hbm>>) target(%dma_start3A_78 : memref<128x48xf32, #tpu.memory_space<vmem>>) offsets(%dma_start3A_79 : memref<128xi32, #tpu.memory_space<vmem>>) semaphore(%arg11 : memref<!tpu.dma_semaphore, #tpu.memory_space<semaphore_mem>>)
      %mul3A_83 = arith.constant 5 : i32
      %mul3A_84 = arith.muli %scan3A_8, %mul3A_83 : i32
      %add3A_85 = arith.constant 0 : i32
      %add3A_86 = arith.addi %mul3A_84, %add3A_85 : i32
      %dma_wait3A = arith.constant 0 : i32
      %dma_wait3A_87 = arith.constant 0 : i32
      %dma_wait3A_88 = arith.constant 0 : i32
      %dma_wait3A_89 = tpu.memref_slice %arg6[%dma_wait3A, %dma_wait3A_87, %dma_wait3A_88] : memref<5x128x48xf32, #tpu.memory_space<vmem>> -> memref<1x128x48xf32, #tpu.memory_space<vmem>>
      %dma_wait3A_90 = tpu.memref_squeeze %dma_wait3A_89 : memref<1x128x48xf32, #tpu.memory_space<vmem>> -> memref<128x48xf32, #tpu.memory_space<vmem>>
      %dma_wait3A_91 = tpu.memref_slice %arg5[%mul3A_14] : memref<1280xi32, #tpu.memory_space<vmem>> -> memref<128xi32, #tpu.memory_space<vmem>>
      %dma_wait3A_92 = arith.constant 0 : i32
      %dma_wait3A_93 = arith.constant 0 : i32
      %dma_wait3A_94 = tpu.memref_slice %arg2[%dma_wait3A_92, %dma_wait3A_93] : memref<10000x48xf32, #tpu.memory_space<hbm>> -> memref<10000x48xf32, #tpu.memory_space<hbm>>
      tpu.wait_indirect_dma semaphore(%arg7 : memref<!tpu.dma_semaphore, #tpu.memory_space<semaphore_mem>>) src(%dma_wait3A_94 : memref<10000x48xf32, #tpu.memory_space<hbm>>) dst(%dma_wait3A_90 : memref<128x48xf32, #tpu.memory_space<vmem>>)
      %mul3A_95 = arith.constant 128 : i32
      %mul3A_96 = arith.muli %add3A_86, %mul3A_95 : i32
      %add3A_97 = arith.addi %mul3A_2, %mul3A_96 : i32
      %dma_start3A_98 = arith.constant 0 : i32
      %dma_start3A_99 = arith.constant 0 : i32
      %dma_start3A_100 = arith.constant 0 : i32
      %dma_start3A_101 = tpu.memref_slice %arg6[%dma_start3A_98, %dma_start3A_99, %dma_start3A_100] : memref<5x128x48xf32, #tpu.memory_space<vmem>> -> memref<1x128x48xf32, #tpu.memory_space<vmem>>
      %dma_start3A_102 = tpu.memref_squeeze %dma_start3A_101 : memref<1x128x48xf32, #tpu.memory_space<vmem>> -> memref<128x48xf32, #tpu.memory_space<vmem>>
      %dma_start3A_103 = arith.constant 0 : i32
      %dma_start3A_104 = tpu.memref_slice %arg4[%add3A_97, %dma_start3A_103] : memref<40960x48xf32, #tpu.memory_space<hbm>> -> memref<128x48xf32, #tpu.memory_space<hbm>>
      %dma_start3A_105 = arith.constant 0 : i32
      %dma_start3A_106 = tpu.memref_slice %arg4[%add3A_97, %dma_start3A_105] : memref<40960x48xf32, #tpu.memory_space<hbm>> -> memref<128x48xf32, #tpu.memory_space<hbm>>
      %dma_start3A_107 = arith.constant 0 : i32
      %dma_start3A_108 = arith.constant 0 : i32
      %dma_start3A_109 = tpu.memref_slice %arg6[%dma_start3A_98, %dma_start3A_107, %dma_start3A_108] : memref<5x128x48xf32, #tpu.memory_space<vmem>> -> memref<1x128x48xf32, #tpu.memory_space<vmem>>
      %dma_start3A_110 = tpu.memref_squeeze %dma_start3A_109 : memref<1x128x48xf32, #tpu.memory_space<vmem>> -> memref<128x48xf32, #tpu.memory_space<vmem>>
      tpu.enqueue_dma source(%dma_start3A_110 : memref<128x48xf32, #tpu.memory_space<vmem>>) target(%dma_start3A_106 : memref<128x48xf32, #tpu.memory_space<hbm>>) target_semaphore(%arg12 : memref<!tpu.dma_semaphore, #tpu.memory_space<semaphore_mem>>)
      %mul3A_111 = arith.constant 5 : i32
      %mul3A_112 = arith.muli %scan3A_8, %mul3A_111 : i32
      %add3A_113 = arith.constant 1 : i32
      %add3A_114 = arith.addi %mul3A_112, %add3A_113 : i32
      %dma_wait3A_115 = arith.constant 1 : i32
      %dma_wait3A_116 = arith.constant 0 : i32
      %dma_wait3A_117 = arith.constant 0 : i32
      %dma_wait3A_118 = tpu.memref_slice %arg6[%dma_wait3A_115, %dma_wait3A_116, %dma_wait3A_117] : memref<5x128x48xf32, #tpu.memory_space<vmem>> -> memref<1x128x48xf32, #tpu.memory_space<vmem>>
      %dma_wait3A_119 = tpu.memref_squeeze %dma_wait3A_118 : memref<1x128x48xf32, #tpu.memory_space<vmem>> -> memref<128x48xf32, #tpu.memory_space<vmem>>
      %dma_wait3A_120 = tpu.memref_slice %arg5[%mul3A_28] : memref<1280xi32, #tpu.memory_space<vmem>> -> memref<128xi32, #tpu.memory_space<vmem>>
      %dma_wait3A_121 = arith.constant 0 : i32
      %dma_wait3A_122 = arith.constant 0 : i32
      %dma_wait3A_123 = tpu.memref_slice %arg2[%dma_wait3A_121, %dma_wait3A_122] : memref<10000x48xf32, #tpu.memory_space<hbm>> -> memref<10000x48xf32, #tpu.memory_space<hbm>>
      tpu.wait_indirect_dma semaphore(%arg8 : memref<!tpu.dma_semaphore, #tpu.memory_space<semaphore_mem>>) src(%dma_wait3A_123 : memref<10000x48xf32, #tpu.memory_space<hbm>>) dst(%dma_wait3A_119 : memref<128x48xf32, #tpu.memory_space<vmem>>)
      %mul3A_124 = arith.constant 128 : i32
      %mul3A_125 = arith.muli %add3A_114, %mul3A_124 : i32
      %add3A_126 = arith.addi %mul3A_2, %mul3A_125 : i32
      %dma_start3A_127 = arith.constant 1 : i32
      %dma_start3A_128 = arith.constant 0 : i32
      %dma_start3A_129 = arith.constant 0 : i32
      %dma_start3A_130 = tpu.memref_slice %arg6[%dma_start3A_127, %dma_start3A_128, %dma_start3A_129] : memref<5x128x48xf32, #tpu.memory_space<vmem>> -> memref<1x128x48xf32, #tpu.memory_space<vmem>>
      %dma_start3A_131 = tpu.memref_squeeze %dma_start3A_130 : memref<1x128x48xf32, #tpu.memory_space<vmem>> -> memref<128x48xf32, #tpu.memory_space<vmem>>
      %dma_start3A_132 = arith.constant 0 : i32
      %dma_start3A_133 = tpu.memref_slice %arg4[%add3A_126, %dma_start3A_132] : memref<40960x48xf32, #tpu.memory_space<hbm>> -> memref<128x48xf32, #tpu.memory_space<hbm>>
      %dma_start3A_134 = arith.constant 0 : i32
      %dma_start3A_135 = tpu.memref_slice %arg4[%add3A_126, %dma_start3A_134] : memref<40960x48xf32, #tpu.memory_space<hbm>> -> memref<128x48xf32, #tpu.memory_space<hbm>>
      %dma_start3A_136 = arith.constant 0 : i32
      %dma_start3A_137 = arith.constant 0 : i32
      %dma_start3A_138 = tpu.memref_slice %arg6[%dma_start3A_127, %dma_start3A_136, %dma_start3A_137] : memref<5x128x48xf32, #tpu.memory_space<vmem>> -> memref<1x128x48xf32, #tpu.memory_space<vmem>>
      %dma_start3A_139 = tpu.memref_squeeze %dma_start3A_138 : memref<1x128x48xf32, #tpu.memory_space<vmem>> -> memref<128x48xf32, #tpu.memory_space<vmem>>
      tpu.enqueue_dma source(%dma_start3A_139 : memref<128x48xf32, #tpu.memory_space<vmem>>) target(%dma_start3A_135 : memref<128x48xf32, #tpu.memory_space<hbm>>) target_semaphore(%arg13 : memref<!tpu.dma_semaphore, #tpu.memory_space<semaphore_mem>>)
      %mul3A_140 = arith.constant 5 : i32
      %mul3A_141 = arith.muli %scan3A_8, %mul3A_140 : i32
      %add3A_142 = arith.constant 2 : i32
      %add3A_143 = arith.addi %mul3A_141, %add3A_142 : i32
      %dma_wait3A_144 = arith.constant 2 : i32
      %dma_wait3A_145 = arith.constant 0 : i32
      %dma_wait3A_146 = arith.constant 0 : i32
      %dma_wait3A_147 = tpu.memref_slice %arg6[%dma_wait3A_144, %dma_wait3A_145, %dma_wait3A_146] : memref<5x128x48xf32, #tpu.memory_space<vmem>> -> memref<1x128x48xf32, #tpu.memory_space<vmem>>
      %dma_wait3A_148 = tpu.memref_squeeze %dma_wait3A_147 : memref<1x128x48xf32, #tpu.memory_space<vmem>> -> memref<128x48xf32, #tpu.memory_space<vmem>>
      %dma_wait3A_149 = tpu.memref_slice %arg5[%mul3A_43] : memref<1280xi32, #tpu.memory_space<vmem>> -> memref<128xi32, #tpu.memory_space<vmem>>
      %dma_wait3A_150 = arith.constant 0 : i32
      %dma_wait3A_151 = arith.constant 0 : i32
      %dma_wait3A_152 = tpu.memref_slice %arg2[%dma_wait3A_150, %dma_wait3A_151] : memref<10000x48xf32, #tpu.memory_space<hbm>> -> memref<10000x48xf32, #tpu.memory_space<hbm>>
      tpu.wait_indirect_dma semaphore(%arg9 : memref<!tpu.dma_semaphore, #tpu.memory_space<semaphore_mem>>) src(%dma_wait3A_152 : memref<10000x48xf32, #tpu.memory_space<hbm>>) dst(%dma_wait3A_148 : memref<128x48xf32, #tpu.memory_space<vmem>>)
      %mul3A_153 = arith.constant 128 : i32
      %mul3A_154 = arith.muli %add3A_143, %mul3A_153 : i32
      %add3A_155 = arith.addi %mul3A_2, %mul3A_154 : i32
      %dma_start3A_156 = arith.constant 2 : i32
      %dma_start3A_157 = arith.constant 0 : i32
      %dma_start3A_158 = arith.constant 0 : i32
      %dma_start3A_159 = tpu.memref_slice %arg6[%dma_start3A_156, %dma_start3A_157, %dma_start3A_158] : memref<5x128x48xf32, #tpu.memory_space<vmem>> -> memref<1x128x48xf32, #tpu.memory_space<vmem>>
      %dma_start3A_160 = tpu.memref_squeeze %dma_start3A_159 : memref<1x128x48xf32, #tpu.memory_space<vmem>> -> memref<128x48xf32, #tpu.memory_space<vmem>>
      %dma_start3A_161 = arith.constant 0 : i32
      %dma_start3A_162 = tpu.memref_slice %arg4[%add3A_155, %dma_start3A_161] : memref<40960x48xf32, #tpu.memory_space<hbm>> -> memref<128x48xf32, #tpu.memory_space<hbm>>
      %dma_start3A_163 = arith.constant 0 : i32
      %dma_start3A_164 = tpu.memref_slice %arg4[%add3A_155, %dma_start3A_163] : memref<40960x48xf32, #tpu.memory_space<hbm>> -> memref<128x48xf32, #tpu.memory_space<hbm>>
      %dma_start3A_165 = arith.constant 0 : i32
      %dma_start3A_166 = arith.constant 0 : i32
      %dma_start3A_167 = tpu.memref_slice %arg6[%dma_start3A_156, %dma_start3A_165, %dma_start3A_166] : memref<5x128x48xf32, #tpu.memory_space<vmem>> -> memref<1x128x48xf32, #tpu.memory_space<vmem>>
      %dma_start3A_168 = tpu.memref_squeeze %dma_start3A_167 : memref<1x128x48xf32, #tpu.memory_space<vmem>> -> memref<128x48xf32, #tpu.memory_space<vmem>>
      tpu.enqueue_dma source(%dma_start3A_168 : memref<128x48xf32, #tpu.memory_space<vmem>>) target(%dma_start3A_164 : memref<128x48xf32, #tpu.memory_space<hbm>>) target_semaphore(%arg14 : memref<!tpu.dma_semaphore, #tpu.memory_space<semaphore_mem>>)
      %mul3A_169 = arith.constant 5 : i32
      %mul3A_170 = arith.muli %scan3A_8, %mul3A_169 : i32
      %add3A_171 = arith.constant 3 : i32
      %add3A_172 = arith.addi %mul3A_170, %add3A_171 : i32
      %dma_wait3A_173 = arith.constant 3 : i32
      %dma_wait3A_174 = arith.constant 0 : i32
      %dma_wait3A_175 = arith.constant 0 : i32
      %dma_wait3A_176 = tpu.memref_slice %arg6[%dma_wait3A_173, %dma_wait3A_174, %dma_wait3A_175] : memref<5x128x48xf32, #tpu.memory_space<vmem>> -> memref<1x128x48xf32, #tpu.memory_space<vmem>>
      %dma_wait3A_177 = tpu.memref_squeeze %dma_wait3A_176 : memref<1x128x48xf32, #tpu.memory_space<vmem>> -> memref<128x48xf32, #tpu.memory_space<vmem>>
      %dma_wait3A_178 = tpu.memref_slice %arg5[%mul3A_58] : memref<1280xi32, #tpu.memory_space<vmem>> -> memref<128xi32, #tpu.memory_space<vmem>>
      %dma_wait3A_179 = arith.constant 0 : i32
      %dma_wait3A_180 = arith.constant 0 : i32
      %dma_wait3A_181 = tpu.memref_slice %arg2[%dma_wait3A_179, %dma_wait3A_180] : memref<10000x48xf32, #tpu.memory_space<hbm>> -> memref<10000x48xf32, #tpu.memory_space<hbm>>
      tpu.wait_indirect_dma semaphore(%arg10 : memref<!tpu.dma_semaphore, #tpu.memory_space<semaphore_mem>>) src(%dma_wait3A_181 : memref<10000x48xf32, #tpu.memory_space<hbm>>) dst(%dma_wait3A_177 : memref<128x48xf32, #tpu.memory_space<vmem>>)
      %mul3A_182 = arith.constant 128 : i32
      %mul3A_183 = arith.muli %add3A_172, %mul3A_182 : i32
      %add3A_184 = arith.addi %mul3A_2, %mul3A_183 : i32
      %dma_start3A_185 = arith.constant 3 : i32
      %dma_start3A_186 = arith.constant 0 : i32
      %dma_start3A_187 = arith.constant 0 : i32
      %dma_start3A_188 = tpu.memref_slice %arg6[%dma_start3A_185, %dma_start3A_186, %dma_start3A_187] : memref<5x128x48xf32, #tpu.memory_space<vmem>> -> memref<1x128x48xf32, #tpu.memory_space<vmem>>
      %dma_start3A_189 = tpu.memref_squeeze %dma_start3A_188 : memref<1x128x48xf32, #tpu.memory_space<vmem>> -> memref<128x48xf32, #tpu.memory_space<vmem>>
      %dma_start3A_190 = arith.constant 0 : i32
      %dma_start3A_191 = tpu.memref_slice %arg4[%add3A_184, %dma_start3A_190] : memref<40960x48xf32, #tpu.memory_space<hbm>> -> memref<128x48xf32, #tpu.memory_space<hbm>>
      %dma_start3A_192 = arith.constant 0 : i32
      %dma_start3A_193 = tpu.memref_slice %arg4[%add3A_184, %dma_start3A_192] : memref<40960x48xf32, #tpu.memory_space<hbm>> -> memref<128x48xf32, #tpu.memory_space<hbm>>
      %dma_start3A_194 = arith.constant 0 : i32
      %dma_start3A_195 = arith.constant 0 : i32
      %dma_start3A_196 = tpu.memref_slice %arg6[%dma_start3A_185, %dma_start3A_194, %dma_start3A_195] : memref<5x128x48xf32, #tpu.memory_space<vmem>> -> memref<1x128x48xf32, #tpu.memory_space<vmem>>
      %dma_start3A_197 = tpu.memref_squeeze %dma_start3A_196 : memref<1x128x48xf32, #tpu.memory_space<vmem>> -> memref<128x48xf32, #tpu.memory_space<vmem>>
      tpu.enqueue_dma source(%dma_start3A_197 : memref<128x48xf32, #tpu.memory_space<vmem>>) target(%dma_start3A_193 : memref<128x48xf32, #tpu.memory_space<hbm>>) target_semaphore(%arg15 : memref<!tpu.dma_semaphore, #tpu.memory_space<semaphore_mem>>)
      %mul3A_198 = arith.constant 5 : i32
      %mul3A_199 = arith.muli %scan3A_8, %mul3A_198 : i32
      %add3A_200 = arith.constant 4 : i32
      %add3A_201 = arith.addi %mul3A_199, %add3A_200 : i32
      %dma_wait3A_202 = arith.constant 4 : i32
      %dma_wait3A_203 = arith.constant 0 : i32
      %dma_wait3A_204 = arith.constant 0 : i32
      %dma_wait3A_205 = tpu.memref_slice %arg6[%dma_wait3A_202, %dma_wait3A_203, %dma_wait3A_204] : memref<5x128x48xf32, #tpu.memory_space<vmem>> -> memref<1x128x48xf32, #tpu.memory_space<vmem>>
      %dma_wait3A_206 = tpu.memref_squeeze %dma_wait3A_205 : memref<1x128x48xf32, #tpu.memory_space<vmem>> -> memref<128x48xf32, #tpu.memory_space<vmem>>
      %dma_wait3A_207 = tpu.memref_slice %arg5[%mul3A_73] : memref<1280xi32, #tpu.memory_space<vmem>> -> memref<128xi32, #tpu.memory_space<vmem>>
      %dma_wait3A_208 = arith.constant 0 : i32
      %dma_wait3A_209 = arith.constant 0 : i32
      %dma_wait3A_210 = tpu.memref_slice %arg2[%dma_wait3A_208, %dma_wait3A_209] : memref<10000x48xf32, #tpu.memory_space<hbm>> -> memref<10000x48xf32, #tpu.memory_space<hbm>>
      tpu.wait_indirect_dma semaphore(%arg11 : memref<!tpu.dma_semaphore, #tpu.memory_space<semaphore_mem>>) src(%dma_wait3A_210 : memref<10000x48xf32, #tpu.memory_space<hbm>>) dst(%dma_wait3A_206 : memref<128x48xf32, #tpu.memory_space<vmem>>)
      %mul3A_211 = arith.constant 128 : i32
      %mul3A_212 = arith.muli %add3A_201, %mul3A_211 : i32
      %add3A_213 = arith.addi %mul3A_2, %mul3A_212 : i32
      %dma_start3A_214 = arith.constant 4 : i32
      %dma_start3A_215 = arith.constant 0 : i32
      %dma_start3A_216 = arith.constant 0 : i32
      %dma_start3A_217 = tpu.memref_slice %arg6[%dma_start3A_214, %dma_start3A_215, %dma_start3A_216] : memref<5x128x48xf32, #tpu.memory_space<vmem>> -> memref<1x128x48xf32, #tpu.memory_space<vmem>>
      %dma_start3A_218 = tpu.memref_squeeze %dma_start3A_217 : memref<1x128x48xf32, #tpu.memory_space<vmem>> -> memref<128x48xf32, #tpu.memory_space<vmem>>
      %dma_start3A_219 = arith.constant 0 : i32
      %dma_start3A_220 = tpu.memref_slice %arg4[%add3A_213, %dma_start3A_219] : memref<40960x48xf32, #tpu.memory_space<hbm>> -> memref<128x48xf32, #tpu.memory_space<hbm>>
      %dma_start3A_221 = arith.constant 0 : i32
      %dma_start3A_222 = tpu.memref_slice %arg4[%add3A_213, %dma_start3A_221] : memref<40960x48xf32, #tpu.memory_space<hbm>> -> memref<128x48xf32, #tpu.memory_space<hbm>>
      %dma_start3A_223 = arith.constant 0 : i32
      %dma_start3A_224 = arith.constant 0 : i32
      %dma_start3A_225 = tpu.memref_slice %arg6[%dma_start3A_214, %dma_start3A_223, %dma_start3A_224] : memref<5x128x48xf32, #tpu.memory_space<vmem>> -> memref<1x128x48xf32, #tpu.memory_space<vmem>>
      %dma_start3A_226 = tpu.memref_squeeze %dma_start3A_225 : memref<1x128x48xf32, #tpu.memory_space<vmem>> -> memref<128x48xf32, #tpu.memory_space<vmem>>
      tpu.enqueue_dma source(%dma_start3A_226 : memref<128x48xf32, #tpu.memory_space<vmem>>) target(%dma_start3A_222 : memref<128x48xf32, #tpu.memory_space<hbm>>) target_semaphore(%arg16 : memref<!tpu.dma_semaphore, #tpu.memory_space<semaphore_mem>>)
      %dma_wait3A_227 = arith.constant 0 : i32
      %dma_wait3A_228 = arith.constant 0 : i32
      %dma_wait3A_229 = arith.constant 0 : i32
      %dma_wait3A_230 = tpu.memref_slice %arg6[%dma_wait3A_227, %dma_wait3A_228, %dma_wait3A_229] : memref<5x128x48xf32, #tpu.memory_space<vmem>> -> memref<1x128x48xf32, #tpu.memory_space<vmem>>
      %dma_wait3A_231 = tpu.memref_squeeze %dma_wait3A_230 : memref<1x128x48xf32, #tpu.memory_space<vmem>> -> memref<128x48xf32, #tpu.memory_space<vmem>>
      %dma_wait3A_232 = arith.constant 0 : i32
      %dma_wait3A_233 = tpu.memref_slice %arg4[%add3A_97, %dma_wait3A_232] : memref<40960x48xf32, #tpu.memory_space<hbm>> -> memref<128x48xf32, #tpu.memory_space<hbm>>
      %dma_wait3A_234 = arith.constant 0 : i32
      %dma_wait3A_235 = tpu.memref_slice %arg4[%add3A_97, %dma_wait3A_234] : memref<40960x48xf32, #tpu.memory_space<hbm>> -> memref<128x48xf32, #tpu.memory_space<hbm>>
      %dma_wait3A_236 = arith.constant 0 : i32
      %dma_wait3A_237 = arith.constant 0 : i32
      %dma_wait3A_238 = tpu.memref_slice %arg6[%dma_wait3A_227, %dma_wait3A_236, %dma_wait3A_237] : memref<5x128x48xf32, #tpu.memory_space<vmem>> -> memref<1x128x48xf32, #tpu.memory_space<vmem>>
      %dma_wait3A_239 = tpu.memref_squeeze %dma_wait3A_238 : memref<1x128x48xf32, #tpu.memory_space<vmem>> -> memref<128x48xf32, #tpu.memory_space<vmem>>
      tpu.wait_dma2 semaphore(%arg12 : memref<!tpu.dma_semaphore, #tpu.memory_space<semaphore_mem>>) src(%dma_wait3A_239 : memref<128x48xf32, #tpu.memory_space<vmem>>) dst(%dma_wait3A_235 : memref<128x48xf32, #tpu.memory_space<hbm>>)
      %dma_wait3A_240 = arith.constant 1 : i32
      %dma_wait3A_241 = arith.constant 0 : i32
      %dma_wait3A_242 = arith.constant 0 : i32
      %dma_wait3A_243 = tpu.memref_slice %arg6[%dma_wait3A_240, %dma_wait3A_241, %dma_wait3A_242] : memref<5x128x48xf32, #tpu.memory_space<vmem>> -> memref<1x128x48xf32, #tpu.memory_space<vmem>>
      %dma_wait3A_244 = tpu.memref_squeeze %dma_wait3A_243 : memref<1x128x48xf32, #tpu.memory_space<vmem>> -> memref<128x48xf32, #tpu.memory_space<vmem>>
      %dma_wait3A_245 = arith.constant 0 : i32
      %dma_wait3A_246 = tpu.memref_slice %arg4[%add3A_126, %dma_wait3A_245] : memref<40960x48xf32, #tpu.memory_space<hbm>> -> memref<128x48xf32, #tpu.memory_space<hbm>>
      %dma_wait3A_247 = arith.constant 0 : i32
      %dma_wait3A_248 = tpu.memref_slice %arg4[%add3A_126, %dma_wait3A_247] : memref<40960x48xf32, #tpu.memory_space<hbm>> -> memref<128x48xf32, #tpu.memory_space<hbm>>
      %dma_wait3A_249 = arith.constant 0 : i32
      %dma_wait3A_250 = arith.constant 0 : i32
      %dma_wait3A_251 = tpu.memref_slice %arg6[%dma_wait3A_240, %dma_wait3A_249, %dma_wait3A_250] : memref<5x128x48xf32, #tpu.memory_space<vmem>> -> memref<1x128x48xf32, #tpu.memory_space<vmem>>
      %dma_wait3A_252 = tpu.memref_squeeze %dma_wait3A_251 : memref<1x128x48xf32, #tpu.memory_space<vmem>> -> memref<128x48xf32, #tpu.memory_space<vmem>>
      tpu.wait_dma2 semaphore(%arg13 : memref<!tpu.dma_semaphore, #tpu.memory_space<semaphore_mem>>) src(%dma_wait3A_252 : memref<128x48xf32, #tpu.memory_space<vmem>>) dst(%dma_wait3A_248 : memref<128x48xf32, #tpu.memory_space<hbm>>)
      %dma_wait3A_253 = arith.constant 2 : i32
      %dma_wait3A_254 = arith.constant 0 : i32
      %dma_wait3A_255 = arith.constant 0 : i32
      %dma_wait3A_256 = tpu.memref_slice %arg6[%dma_wait3A_253, %dma_wait3A_254, %dma_wait3A_255] : memref<5x128x48xf32, #tpu.memory_space<vmem>> -> memref<1x128x48xf32, #tpu.memory_space<vmem>>
      %dma_wait3A_257 = tpu.memref_squeeze %dma_wait3A_256 : memref<1x128x48xf32, #tpu.memory_space<vmem>> -> memref<128x48xf32, #tpu.memory_space<vmem>>
      %dma_wait3A_258 = arith.constant 0 : i32
      %dma_wait3A_259 = tpu.memref_slice %arg4[%add3A_155, %dma_wait3A_258] : memref<40960x48xf32, #tpu.memory_space<hbm>> -> memref<128x48xf32, #tpu.memory_space<hbm>>
      %dma_wait3A_260 = arith.constant 0 : i32
      %dma_wait3A_261 = tpu.memref_slice %arg4[%add3A_155, %dma_wait3A_260] : memref<40960x48xf32, #tpu.memory_space<hbm>> -> memref<128x48xf32, #tpu.memory_space<hbm>>
      %dma_wait3A_262 = arith.constant 0 : i32
      %dma_wait3A_263 = arith.constant 0 : i32
      %dma_wait3A_264 = tpu.memref_slice %arg6[%dma_wait3A_253, %dma_wait3A_262, %dma_wait3A_263] : memref<5x128x48xf32, #tpu.memory_space<vmem>> -> memref<1x128x48xf32, #tpu.memory_space<vmem>>
      %dma_wait3A_265 = tpu.memref_squeeze %dma_wait3A_264 : memref<1x128x48xf32, #tpu.memory_space<vmem>> -> memref<128x48xf32, #tpu.memory_space<vmem>>
      tpu.wait_dma2 semaphore(%arg14 : memref<!tpu.dma_semaphore, #tpu.memory_space<semaphore_mem>>) src(%dma_wait3A_265 : memref<128x48xf32, #tpu.memory_space<vmem>>) dst(%dma_wait3A_261 : memref<128x48xf32, #tpu.memory_space<hbm>>)
      %dma_wait3A_266 = arith.constant 3 : i32
      %dma_wait3A_267 = arith.constant 0 : i32
      %dma_wait3A_268 = arith.constant 0 : i32
      %dma_wait3A_269 = tpu.memref_slice %arg6[%dma_wait3A_266, %dma_wait3A_267, %dma_wait3A_268] : memref<5x128x48xf32, #tpu.memory_space<vmem>> -> memref<1x128x48xf32, #tpu.memory_space<vmem>>
      %dma_wait3A_270 = tpu.memref_squeeze %dma_wait3A_269 : memref<1x128x48xf32, #tpu.memory_space<vmem>> -> memref<128x48xf32, #tpu.memory_space<vmem>>
      %dma_wait3A_271 = arith.constant 0 : i32
      %dma_wait3A_272 = tpu.memref_slice %arg4[%add3A_184, %dma_wait3A_271] : memref<40960x48xf32, #tpu.memory_space<hbm>> -> memref<128x48xf32, #tpu.memory_space<hbm>>
      %dma_wait3A_273 = arith.constant 0 : i32
      %dma_wait3A_274 = tpu.memref_slice %arg4[%add3A_184, %dma_wait3A_273] : memref<40960x48xf32, #tpu.memory_space<hbm>> -> memref<128x48xf32, #tpu.memory_space<hbm>>
      %dma_wait3A_275 = arith.constant 0 : i32
      %dma_wait3A_276 = arith.constant 0 : i32
      %dma_wait3A_277 = tpu.memref_slice %arg6[%dma_wait3A_266, %dma_wait3A_275, %dma_wait3A_276] : memref<5x128x48xf32, #tpu.memory_space<vmem>> -> memref<1x128x48xf32, #tpu.memory_space<vmem>>
      %dma_wait3A_278 = tpu.memref_squeeze %dma_wait3A_277 : memref<1x128x48xf32, #tpu.memory_space<vmem>> -> memref<128x48xf32, #tpu.memory_space<vmem>>
      tpu.wait_dma2 semaphore(%arg15 : memref<!tpu.dma_semaphore, #tpu.memory_space<semaphore_mem>>) src(%dma_wait3A_278 : memref<128x48xf32, #tpu.memory_space<vmem>>) dst(%dma_wait3A_274 : memref<128x48xf32, #tpu.memory_space<hbm>>)
      %dma_wait3A_279 = arith.constant 4 : i32
      %dma_wait3A_280 = arith.constant 0 : i32
      %dma_wait3A_281 = arith.constant 0 : i32
      %dma_wait3A_282 = tpu.memref_slice %arg6[%dma_wait3A_279, %dma_wait3A_280, %dma_wait3A_281] : memref<5x128x48xf32, #tpu.memory_space<vmem>> -> memref<1x128x48xf32, #tpu.memory_space<vmem>>
      %dma_wait3A_283 = tpu.memref_squeeze %dma_wait3A_282 : memref<1x128x48xf32, #tpu.memory_space<vmem>> -> memref<128x48xf32, #tpu.memory_space<vmem>>
      %dma_wait3A_284 = arith.constant 0 : i32
      %dma_wait3A_285 = tpu.memref_slice %arg4[%add3A_213, %dma_wait3A_284] : memref<40960x48xf32, #tpu.memory_space<hbm>> -> memref<128x48xf32, #tpu.memory_space<hbm>>
      %dma_wait3A_286 = arith.constant 0 : i32
      %dma_wait3A_287 = tpu.memref_slice %arg4[%add3A_213, %dma_wait3A_286] : memref<40960x48xf32, #tpu.memory_space<hbm>> -> memref<128x48xf32, #tpu.memory_space<hbm>>
      %dma_wait3A_288 = arith.constant 0 : i32
      %dma_wait3A_289 = arith.constant 0 : i32
      %dma_wait3A_290 = tpu.memref_slice %arg6[%dma_wait3A_279, %dma_wait3A_288, %dma_wait3A_289] : memref<5x128x48xf32, #tpu.memory_space<vmem>> -> memref<1x128x48xf32, #tpu.memory_space<vmem>>
      %dma_wait3A_291 = tpu.memref_squeeze %dma_wait3A_290 : memref<1x128x48xf32, #tpu.memory_space<vmem>> -> memref<128x48xf32, #tpu.memory_space<vmem>>
      tpu.wait_dma2 semaphore(%arg16 : memref<!tpu.dma_semaphore, #tpu.memory_space<semaphore_mem>>) src(%dma_wait3A_291 : memref<128x48xf32, #tpu.memory_space<vmem>>) dst(%dma_wait3A_287 : memref<128x48xf32, #tpu.memory_space<hbm>>)
    }
    %scan3A_7 = arith.constant 2 : i32
    return
  }
}

#map = affine_map<(d0, d1) -> (0, 0)>
#map1 = affine_map<(d0, d1) -> (0)>
#map2 = affine_map<(d0, d1) -> (0, 0, 0)>
module attributes {stable_mosaic.version = 14 : i64} {
  func.func @k(%arg0: i32, %arg1: i32, %arg2: memref<40960x64xf32, #tpu.memory_space<hbm>>, %arg3: memref<40960xi32, #tpu.memory_space<hbm>>, %arg4: memref<10112x64xf32, #tpu.memory_space<hbm>>, %arg5: memref<2x10112x64xf32, #tpu.memory_space<hbm>>, %arg6: memref<128xi32, #tpu.memory_space<vmem>>, %arg7: memref<128x64xf32, #tpu.memory_space<vmem>>, %arg8: memref<10112x64xf32, #tpu.memory_space<vmem_shared>>) attributes {dimension_semantics = [#tpu.dimension_semantics<core_parallel>, #tpu.dimension_semantics<subcore_parallel>], iteration_bounds = array<i64: 2, 16>, scalar_prefetch = 0 : i64, scratch_operands = 3 : i64, tpu.core_type = #tpu.core_type<sc_vector_subcore>, window_params = [{transform_indices = #map}, {transform_indices = #map1}, {transform_indices = #map}, {transform_indices = #map2}]} {
    %mul3A = arith.constant 2 : i32
    %mul3A_0 = arith.muli %arg1, %mul3A : i32
    %add3A = arith.addi %mul3A_0, %arg0 : i32
    %mul3A_1 = arith.constant 632 : i32
    %mul3A_2 = arith.muli %arg1, %mul3A_1 : i32
    %mul3A_3 = arith.constant 632 : i32
    %mul3A_4 = arith.muli %arg1, %mul3A_3 : i32
    "tpu.region"() ({
      %run_scoped3A = tpu.sem_alloc : memref<!tpu.dma_semaphore, #tpu.memory_space<semaphore_mem>>
      %dma_start3A = arith.constant 0 : i32
      %dma_start3A_17 = tpu.memref_slice %arg8[%mul3A_4, %dma_start3A] : memref<10112x64xf32, #tpu.memory_space<vmem_shared>> -> memref<632x64xf32, #tpu.memory_space<vmem_shared>>
      %dma_start3A_18 = arith.constant 0 : i32
      %dma_start3A_19 = tpu.memref_slice %arg4[%mul3A_2, %dma_start3A_18] : memref<10112x64xf32, #tpu.memory_space<hbm>> -> memref<632x64xf32, #tpu.memory_space<hbm>>
      tpu.enqueue_dma source(%dma_start3A_19 : memref<632x64xf32, #tpu.memory_space<hbm>>) target(%dma_start3A_17 : memref<632x64xf32, #tpu.memory_space<vmem_shared>>) target_semaphore(%run_scoped3A : memref<!tpu.dma_semaphore, #tpu.memory_space<semaphore_mem>>)
      %dma_wait3A = arith.constant 0 : i32
      %dma_wait3A_20 = tpu.memref_slice %arg8[%mul3A_4, %dma_wait3A] : memref<10112x64xf32, #tpu.memory_space<vmem_shared>> -> memref<632x64xf32, #tpu.memory_space<vmem_shared>>
      %dma_wait3A_21 = arith.constant 0 : i32
      %dma_wait3A_22 = tpu.memref_slice %arg4[%mul3A_2, %dma_wait3A_21] : memref<10112x64xf32, #tpu.memory_space<hbm>> -> memref<632x64xf32, #tpu.memory_space<hbm>>
      tpu.wait_dma2 semaphore(%run_scoped3A : memref<!tpu.dma_semaphore, #tpu.memory_space<semaphore_mem>>) src(%dma_wait3A_22 : memref<632x64xf32, #tpu.memory_space<hbm>>) dst(%dma_wait3A_20 : memref<632x64xf32, #tpu.memory_space<vmem_shared>>)
      tpu.yield
    }) : () -> ()
    %barrier3A = arith.constant 0 : index
    tpu.barrier barrier_id(%barrier3A)
    %mul3A_5 = arith.constant 1280 : i32
    %mul3A_6 = arith.muli %add3A, %mul3A_5 : i32
    %scan3A = arith.constant 0 : i32
    %scan3A_7 = arith.constant 0 : i32
    %scan3A_8 = arith.constant 10 : i32
    %scan3A_9 = arith.addi %scan3A_7, %scan3A_8 : i32
    %scan3A_10 = arith.constant 1 : i32
    scf.for %scan3A_17 = %scan3A_7 to %scan3A_9 step %scan3A_10  : i32 {
      %mul3A_18 = arith.constant 128 : i32
      %mul3A_19 = arith.muli %scan3A_17, %mul3A_18 : i32
      %add3A_20 = arith.addi %mul3A_6, %mul3A_19 : i32
      "tpu.region"() ({
        %run_scoped3A = tpu.sem_alloc : memref<!tpu.dma_semaphore, #tpu.memory_space<semaphore_mem>>
        %dma_start3A = tpu.memref_slice %arg3[%add3A_20] : memref<40960xi32, #tpu.memory_space<hbm>> -> memref<128xi32, #tpu.memory_space<hbm>>
        %dma_start3A_21 = tpu.memref_slice %arg3[%add3A_20] : memref<40960xi32, #tpu.memory_space<hbm>> -> memref<128xi32, #tpu.memory_space<hbm>>
        tpu.enqueue_dma source(%dma_start3A_21 : memref<128xi32, #tpu.memory_space<hbm>>) target(%arg6 : memref<128xi32, #tpu.memory_space<vmem>>) target_semaphore(%run_scoped3A : memref<!tpu.dma_semaphore, #tpu.memory_space<semaphore_mem>>)
        %dma_wait3A = tpu.memref_slice %arg3[%add3A_20] : memref<40960xi32, #tpu.memory_space<hbm>> -> memref<128xi32, #tpu.memory_space<hbm>>
        %dma_wait3A_22 = tpu.memref_slice %arg3[%add3A_20] : memref<40960xi32, #tpu.memory_space<hbm>> -> memref<128xi32, #tpu.memory_space<hbm>>
        tpu.wait_dma2 semaphore(%run_scoped3A : memref<!tpu.dma_semaphore, #tpu.memory_space<semaphore_mem>>) src(%dma_wait3A_22 : memref<128xi32, #tpu.memory_space<hbm>>) dst(%arg6 : memref<128xi32, #tpu.memory_space<vmem>>)
        tpu.yield
      }) : () -> ()
      "tpu.region"() ({
        %run_scoped3A = tpu.sem_alloc : memref<!tpu.dma_semaphore, #tpu.memory_space<semaphore_mem>>
        %dma_start3A = arith.constant 0 : i32
        %dma_start3A_21 = tpu.memref_slice %arg2[%add3A_20, %dma_start3A] : memref<40960x64xf32, #tpu.memory_space<hbm>> -> memref<128x64xf32, #tpu.memory_space<hbm>>
        %dma_start3A_22 = arith.constant 0 : i32
        %dma_start3A_23 = tpu.memref_slice %arg2[%add3A_20, %dma_start3A_22] : memref<40960x64xf32, #tpu.memory_space<hbm>> -> memref<128x64xf32, #tpu.memory_space<hbm>>
        tpu.enqueue_dma source(%dma_start3A_23 : memref<128x64xf32, #tpu.memory_space<hbm>>) target(%arg7 : memref<128x64xf32, #tpu.memory_space<vmem>>) target_semaphore(%run_scoped3A : memref<!tpu.dma_semaphore, #tpu.memory_space<semaphore_mem>>)
        %dma_wait3A = arith.constant 0 : i32
        %dma_wait3A_24 = tpu.memref_slice %arg2[%add3A_20, %dma_wait3A] : memref<40960x64xf32, #tpu.memory_space<hbm>> -> memref<128x64xf32, #tpu.memory_space<hbm>>
        %dma_wait3A_25 = arith.constant 0 : i32
        %dma_wait3A_26 = tpu.memref_slice %arg2[%add3A_20, %dma_wait3A_25] : memref<40960x64xf32, #tpu.memory_space<hbm>> -> memref<128x64xf32, #tpu.memory_space<hbm>>
        tpu.wait_dma2 semaphore(%run_scoped3A : memref<!tpu.dma_semaphore, #tpu.memory_space<semaphore_mem>>) src(%dma_wait3A_26 : memref<128x64xf32, #tpu.memory_space<hbm>>) dst(%arg7 : memref<128x64xf32, #tpu.memory_space<vmem>>)
        tpu.yield
      }) : () -> ()
      "tpu.region"() ({
        %run_scoped3A = tpu.sem_alloc : memref<!tpu.dma_semaphore, #tpu.memory_space<semaphore_mem>>
        %dma_start3A = arith.constant 0 : i32
        %dma_start3A_21 = arith.constant 0 : i32
        %dma_start3A_22 = tpu.memref_slice %arg8[%dma_start3A, %dma_start3A_21] : memref<10112x64xf32, #tpu.memory_space<vmem_shared>> -> memref<10112x64xf32, #tpu.memory_space<vmem_shared>>
        tpu.enqueue_indirect_dma source(%arg7 : memref<128x64xf32, #tpu.memory_space<vmem>>) target(%dma_start3A_22 : memref<10112x64xf32, #tpu.memory_space<vmem_shared>>) offsets(%arg6 : memref<128xi32, #tpu.memory_space<vmem>>) semaphore(%run_scoped3A : memref<!tpu.dma_semaphore, #tpu.memory_space<semaphore_mem>>) {add = true}
        %dma_wait3A = arith.constant 0 : i32
        %dma_wait3A_23 = arith.constant 0 : i32
        %dma_wait3A_24 = tpu.memref_slice %arg8[%dma_wait3A, %dma_wait3A_23] : memref<10112x64xf32, #tpu.memory_space<vmem_shared>> -> memref<10112x64xf32, #tpu.memory_space<vmem_shared>>
        tpu.wait_indirect_dma semaphore(%run_scoped3A : memref<!tpu.dma_semaphore, #tpu.memory_space<semaphore_mem>>) src(%arg7 : memref<128x64xf32, #tpu.memory_space<vmem>>) dst(%dma_wait3A_24 : memref<10112x64xf32, #tpu.memory_space<vmem_shared>>)
        tpu.yield
      }) : () -> ()
    }
    %scan3A_11 = arith.constant 10 : i32
    %barrier3A_12 = arith.constant 0 : index
    tpu.barrier barrier_id(%barrier3A_12)
    %mul3A_13 = arith.constant 632 : i32
    %mul3A_14 = arith.muli %arg1, %mul3A_13 : i32
    %mul3A_15 = arith.constant 632 : i32
    %mul3A_16 = arith.muli %arg1, %mul3A_15 : i32
    "tpu.region"() ({
      %run_scoped3A = tpu.sem_alloc : memref<!tpu.dma_semaphore, #tpu.memory_space<semaphore_mem>>
      %dma_start3A = arith.constant 0 : i32
      %dma_start3A_17 = tpu.memref_slice %arg5[%arg0, %mul3A_16, %dma_start3A] : memref<2x10112x64xf32, #tpu.memory_space<hbm>> -> memref<1x632x64xf32, #tpu.memory_space<hbm>>
      %dma_start3A_18 = tpu.memref_squeeze %dma_start3A_17 : memref<1x632x64xf32, #tpu.memory_space<hbm>> -> memref<632x64xf32, #tpu.memory_space<hbm>>
      %dma_start3A_19 = arith.constant 0 : i32
      %dma_start3A_20 = tpu.memref_slice %arg8[%mul3A_14, %dma_start3A_19] : memref<10112x64xf32, #tpu.memory_space<vmem_shared>> -> memref<632x64xf32, #tpu.memory_space<vmem_shared>>
      tpu.enqueue_dma source(%dma_start3A_20 : memref<632x64xf32, #tpu.memory_space<vmem_shared>>) target(%dma_start3A_18 : memref<632x64xf32, #tpu.memory_space<hbm>>) target_semaphore(%run_scoped3A : memref<!tpu.dma_semaphore, #tpu.memory_space<semaphore_mem>>)
      %dma_wait3A = arith.constant 0 : i32
      %dma_wait3A_21 = tpu.memref_slice %arg5[%arg0, %mul3A_16, %dma_wait3A] : memref<2x10112x64xf32, #tpu.memory_space<hbm>> -> memref<1x632x64xf32, #tpu.memory_space<hbm>>
      %dma_wait3A_22 = tpu.memref_squeeze %dma_wait3A_21 : memref<1x632x64xf32, #tpu.memory_space<hbm>> -> memref<632x64xf32, #tpu.memory_space<hbm>>
      %dma_wait3A_23 = arith.constant 0 : i32
      %dma_wait3A_24 = tpu.memref_slice %arg8[%mul3A_14, %dma_wait3A_23] : memref<10112x64xf32, #tpu.memory_space<vmem_shared>> -> memref<632x64xf32, #tpu.memory_space<vmem_shared>>
      tpu.wait_dma2 semaphore(%run_scoped3A : memref<!tpu.dma_semaphore, #tpu.memory_space<semaphore_mem>>) src(%dma_wait3A_24 : memref<632x64xf32, #tpu.memory_space<vmem_shared>>) dst(%dma_wait3A_22 : memref<632x64xf32, #tpu.memory_space<hbm>>)
      tpu.yield
    }) : () -> ()
    return
  }
}

#map = affine_map<(d0, d1) -> (0, 0)>
#map1 = affine_map<(d0, d1) -> (0)>
#map2 = affine_map<(d0, d1) -> (0, 0, 0)>
module attributes {stable_mosaic.version = 14 : i64} {
  func.func @k(%arg0: i32, %arg1: i32, %arg2: memref<40960x64xf32, #tpu.memory_space<hbm>>, %arg3: memref<40960xi32, #tpu.memory_space<hbm>>, %arg4: memref<10112x64xf32, #tpu.memory_space<hbm>>, %arg5: memref<2x10112x64xf32, #tpu.memory_space<hbm>>, %arg6: memref<128xi32, #tpu.memory_space<vmem>>, %arg7: memref<128x64xf32, #tpu.memory_space<vmem>>, %arg8: memref<10112x64xf32, #tpu.memory_space<vmem_shared>>) attributes {dimension_semantics = [#tpu.dimension_semantics<core_parallel>, #tpu.dimension_semantics<subcore_parallel>], iteration_bounds = array<i64: 2, 16>, scalar_prefetch = 0 : i64, scratch_operands = 3 : i64, tpu.core_type = #tpu.core_type<sc_vector_subcore>, window_params = [{transform_indices = #map}, {transform_indices = #map1}, {transform_indices = #map}, {transform_indices = #map2}]} {
    %mul3A = arith.constant 2 : i32
    %mul3A_0 = arith.muli %arg1, %mul3A : i32
    %add3A = arith.addi %mul3A_0, %arg0 : i32
    %mul3A_1 = arith.constant 632 : i32
    %mul3A_2 = arith.muli %arg1, %mul3A_1 : i32
    %mul3A_3 = arith.constant 632 : i32
    %mul3A_4 = arith.muli %arg1, %mul3A_3 : i32
    "tpu.region"() ({
      %run_scoped3A = tpu.sem_alloc : memref<!tpu.dma_semaphore, #tpu.memory_space<semaphore_mem>>
      %dma_start3A = arith.constant 0 : i32
      %dma_start3A_17 = tpu.memref_slice %arg8[%mul3A_4, %dma_start3A] : memref<10112x64xf32, #tpu.memory_space<vmem_shared>> -> memref<632x64xf32, #tpu.memory_space<vmem_shared>>
      %dma_start3A_18 = arith.constant 0 : i32
      %dma_start3A_19 = tpu.memref_slice %arg4[%mul3A_2, %dma_start3A_18] : memref<10112x64xf32, #tpu.memory_space<hbm>> -> memref<632x64xf32, #tpu.memory_space<hbm>>
      tpu.enqueue_dma source(%dma_start3A_19 : memref<632x64xf32, #tpu.memory_space<hbm>>) target(%dma_start3A_17 : memref<632x64xf32, #tpu.memory_space<vmem_shared>>) target_semaphore(%run_scoped3A : memref<!tpu.dma_semaphore, #tpu.memory_space<semaphore_mem>>)
      %dma_wait3A = arith.constant 0 : i32
      %dma_wait3A_20 = tpu.memref_slice %arg8[%mul3A_4, %dma_wait3A] : memref<10112x64xf32, #tpu.memory_space<vmem_shared>> -> memref<632x64xf32, #tpu.memory_space<vmem_shared>>
      %dma_wait3A_21 = arith.constant 0 : i32
      %dma_wait3A_22 = tpu.memref_slice %arg4[%mul3A_2, %dma_wait3A_21] : memref<10112x64xf32, #tpu.memory_space<hbm>> -> memref<632x64xf32, #tpu.memory_space<hbm>>
      tpu.wait_dma2 semaphore(%run_scoped3A : memref<!tpu.dma_semaphore, #tpu.memory_space<semaphore_mem>>) src(%dma_wait3A_22 : memref<632x64xf32, #tpu.memory_space<hbm>>) dst(%dma_wait3A_20 : memref<632x64xf32, #tpu.memory_space<vmem_shared>>)
      tpu.yield
    }) : () -> ()
    %barrier3A = arith.constant 0 : index
    tpu.barrier barrier_id(%barrier3A)
    %mul3A_5 = arith.constant 1280 : i32
    %mul3A_6 = arith.muli %add3A, %mul3A_5 : i32
    %scan3A = arith.constant 0 : i32
    %scan3A_7 = arith.constant 0 : i32
    %scan3A_8 = arith.constant 10 : i32
    %scan3A_9 = arith.addi %scan3A_7, %scan3A_8 : i32
    %scan3A_10 = arith.constant 1 : i32
    scf.for %scan3A_17 = %scan3A_7 to %scan3A_9 step %scan3A_10  : i32 {
      %mul3A_18 = arith.constant 128 : i32
      %mul3A_19 = arith.muli %scan3A_17, %mul3A_18 : i32
      %add3A_20 = arith.addi %mul3A_6, %mul3A_19 : i32
      "tpu.region"() ({
        %run_scoped3A = tpu.sem_alloc : memref<!tpu.dma_semaphore, #tpu.memory_space<semaphore_mem>>
        %dma_start3A = tpu.memref_slice %arg3[%add3A_20] : memref<40960xi32, #tpu.memory_space<hbm>> -> memref<128xi32, #tpu.memory_space<hbm>>
        %dma_start3A_21 = tpu.memref_slice %arg3[%add3A_20] : memref<40960xi32, #tpu.memory_space<hbm>> -> memref<128xi32, #tpu.memory_space<hbm>>
        tpu.enqueue_dma source(%dma_start3A_21 : memref<128xi32, #tpu.memory_space<hbm>>) target(%arg6 : memref<128xi32, #tpu.memory_space<vmem>>) target_semaphore(%run_scoped3A : memref<!tpu.dma_semaphore, #tpu.memory_space<semaphore_mem>>)
        %dma_wait3A = tpu.memref_slice %arg3[%add3A_20] : memref<40960xi32, #tpu.memory_space<hbm>> -> memref<128xi32, #tpu.memory_space<hbm>>
        %dma_wait3A_22 = tpu.memref_slice %arg3[%add3A_20] : memref<40960xi32, #tpu.memory_space<hbm>> -> memref<128xi32, #tpu.memory_space<hbm>>
        tpu.wait_dma2 semaphore(%run_scoped3A : memref<!tpu.dma_semaphore, #tpu.memory_space<semaphore_mem>>) src(%dma_wait3A_22 : memref<128xi32, #tpu.memory_space<hbm>>) dst(%arg6 : memref<128xi32, #tpu.memory_space<vmem>>)
        tpu.yield
      }) : () -> ()
      "tpu.region"() ({
        %run_scoped3A = tpu.sem_alloc : memref<!tpu.dma_semaphore, #tpu.memory_space<semaphore_mem>>
        %dma_start3A = arith.constant 0 : i32
        %dma_start3A_21 = tpu.memref_slice %arg2[%add3A_20, %dma_start3A] : memref<40960x64xf32, #tpu.memory_space<hbm>> -> memref<128x64xf32, #tpu.memory_space<hbm>>
        %dma_start3A_22 = arith.constant 0 : i32
        %dma_start3A_23 = tpu.memref_slice %arg2[%add3A_20, %dma_start3A_22] : memref<40960x64xf32, #tpu.memory_space<hbm>> -> memref<128x64xf32, #tpu.memory_space<hbm>>
        tpu.enqueue_dma source(%dma_start3A_23 : memref<128x64xf32, #tpu.memory_space<hbm>>) target(%arg7 : memref<128x64xf32, #tpu.memory_space<vmem>>) target_semaphore(%run_scoped3A : memref<!tpu.dma_semaphore, #tpu.memory_space<semaphore_mem>>)
        %dma_wait3A = arith.constant 0 : i32
        %dma_wait3A_24 = tpu.memref_slice %arg2[%add3A_20, %dma_wait3A] : memref<40960x64xf32, #tpu.memory_space<hbm>> -> memref<128x64xf32, #tpu.memory_space<hbm>>
        %dma_wait3A_25 = arith.constant 0 : i32
        %dma_wait3A_26 = tpu.memref_slice %arg2[%add3A_20, %dma_wait3A_25] : memref<40960x64xf32, #tpu.memory_space<hbm>> -> memref<128x64xf32, #tpu.memory_space<hbm>>
        tpu.wait_dma2 semaphore(%run_scoped3A : memref<!tpu.dma_semaphore, #tpu.memory_space<semaphore_mem>>) src(%dma_wait3A_26 : memref<128x64xf32, #tpu.memory_space<hbm>>) dst(%arg7 : memref<128x64xf32, #tpu.memory_space<vmem>>)
        tpu.yield
      }) : () -> ()
      "tpu.region"() ({
        %run_scoped3A = tpu.sem_alloc : memref<!tpu.dma_semaphore, #tpu.memory_space<semaphore_mem>>
        %dma_start3A = arith.constant 0 : i32
        %dma_start3A_21 = arith.constant 0 : i32
        %dma_start3A_22 = tpu.memref_slice %arg8[%dma_start3A, %dma_start3A_21] : memref<10112x64xf32, #tpu.memory_space<vmem_shared>> -> memref<10112x64xf32, #tpu.memory_space<vmem_shared>>
        tpu.enqueue_indirect_dma source(%arg7 : memref<128x64xf32, #tpu.memory_space<vmem>>) target(%dma_start3A_22 : memref<10112x64xf32, #tpu.memory_space<vmem_shared>>) offsets(%arg6 : memref<128xi32, #tpu.memory_space<vmem>>) semaphore(%run_scoped3A : memref<!tpu.dma_semaphore, #tpu.memory_space<semaphore_mem>>) {add = true}
        %dma_wait3A = arith.constant 0 : i32
        %dma_wait3A_23 = arith.constant 0 : i32
        %dma_wait3A_24 = tpu.memref_slice %arg8[%dma_wait3A, %dma_wait3A_23] : memref<10112x64xf32, #tpu.memory_space<vmem_shared>> -> memref<10112x64xf32, #tpu.memory_space<vmem_shared>>
        tpu.wait_indirect_dma semaphore(%run_scoped3A : memref<!tpu.dma_semaphore, #tpu.memory_space<semaphore_mem>>) src(%arg7 : memref<128x64xf32, #tpu.memory_space<vmem>>) dst(%dma_wait3A_24 : memref<10112x64xf32, #tpu.memory_space<vmem_shared>>)
        tpu.yield
      }) : () -> ()
    }
    %scan3A_11 = arith.constant 10 : i32
    %barrier3A_12 = arith.constant 0 : index
    tpu.barrier barrier_id(%barrier3A_12)
    %mul3A_13 = arith.constant 632 : i32
    %mul3A_14 = arith.muli %arg1, %mul3A_13 : i32
    %mul3A_15 = arith.constant 632 : i32
    %mul3A_16 = arith.muli %arg1, %mul3A_15 : i32
    "tpu.region"() ({
      %run_scoped3A = tpu.sem_alloc : memref<!tpu.dma_semaphore, #tpu.memory_space<semaphore_mem>>
      %dma_start3A = arith.constant 0 : i32
      %dma_start3A_17 = tpu.memref_slice %arg5[%arg0, %mul3A_16, %dma_start3A] : memref<2x10112x64xf32, #tpu.memory_space<hbm>> -> memref<1x632x64xf32, #tpu.memory_space<hbm>>
      %dma_start3A_18 = tpu.memref_squeeze %dma_start3A_17 : memref<1x632x64xf32, #tpu.memory_space<hbm>> -> memref<632x64xf32, #tpu.memory_space<hbm>>
      %dma_start3A_19 = arith.constant 0 : i32
      %dma_start3A_20 = tpu.memref_slice %arg8[%mul3A_14, %dma_start3A_19] : memref<10112x64xf32, #tpu.memory_space<vmem_shared>> -> memref<632x64xf32, #tpu.memory_space<vmem_shared>>
      tpu.enqueue_dma source(%dma_start3A_20 : memref<632x64xf32, #tpu.memory_space<vmem_shared>>) target(%dma_start3A_18 : memref<632x64xf32, #tpu.memory_space<hbm>>) target_semaphore(%run_scoped3A : memref<!tpu.dma_semaphore, #tpu.memory_space<semaphore_mem>>)
      %dma_wait3A = arith.constant 0 : i32
      %dma_wait3A_21 = tpu.memref_slice %arg5[%arg0, %mul3A_16, %dma_wait3A] : memref<2x10112x64xf32, #tpu.memory_space<hbm>> -> memref<1x632x64xf32, #tpu.memory_space<hbm>>
      %dma_wait3A_22 = tpu.memref_squeeze %dma_wait3A_21 : memref<1x632x64xf32, #tpu.memory_space<hbm>> -> memref<632x64xf32, #tpu.memory_space<hbm>>
      %dma_wait3A_23 = arith.constant 0 : i32
      %dma_wait3A_24 = tpu.memref_slice %arg8[%mul3A_14, %dma_wait3A_23] : memref<10112x64xf32, #tpu.memory_space<vmem_shared>> -> memref<632x64xf32, #tpu.memory_space<vmem_shared>>
      tpu.wait_dma2 semaphore(%run_scoped3A : memref<!tpu.dma_semaphore, #tpu.memory_space<semaphore_mem>>) src(%dma_wait3A_24 : memref<632x64xf32, #tpu.memory_space<vmem_shared>>) dst(%dma_wait3A_22 : memref<632x64xf32, #tpu.memory_space<hbm>>)
      tpu.yield
    }) : () -> ()
    return
  }
}

#map = affine_map<(d0, d1) -> (0, 0)>
#map1 = affine_map<(d0, d1) -> (0)>
#map2 = affine_map<(d0, d1) -> (0, 0, 0)>
module attributes {stable_mosaic.version = 14 : i64} {
  func.func @k(%arg0: i32, %arg1: i32, %arg2: memref<40960x64xf32, #tpu.memory_space<hbm>>, %arg3: memref<40960xi32, #tpu.memory_space<hbm>>, %arg4: memref<10112x64xf32, #tpu.memory_space<hbm>>, %arg5: memref<2x10112x64xf32, #tpu.memory_space<hbm>>, %arg6: memref<128xi32, #tpu.memory_space<vmem>>, %arg7: memref<128x64xf32, #tpu.memory_space<vmem>>, %arg8: memref<10112x64xf32, #tpu.memory_space<vmem_shared>>) attributes {dimension_semantics = [#tpu.dimension_semantics<core_parallel>, #tpu.dimension_semantics<subcore_parallel>], iteration_bounds = array<i64: 2, 16>, scalar_prefetch = 0 : i64, scratch_operands = 3 : i64, tpu.core_type = #tpu.core_type<sc_vector_subcore>, window_params = [{transform_indices = #map}, {transform_indices = #map1}, {transform_indices = #map}, {transform_indices = #map2}]} {
    %mul3A = arith.constant 2 : i32
    %mul3A_0 = arith.muli %arg1, %mul3A : i32
    %add3A = arith.addi %mul3A_0, %arg0 : i32
    %mul3A_1 = arith.constant 632 : i32
    %mul3A_2 = arith.muli %arg1, %mul3A_1 : i32
    %mul3A_3 = arith.constant 632 : i32
    %mul3A_4 = arith.muli %arg1, %mul3A_3 : i32
    "tpu.region"() ({
      %run_scoped3A = tpu.sem_alloc : memref<!tpu.dma_semaphore, #tpu.memory_space<semaphore_mem>>
      %dma_start3A = arith.constant 0 : i32
      %dma_start3A_17 = tpu.memref_slice %arg8[%mul3A_4, %dma_start3A] : memref<10112x64xf32, #tpu.memory_space<vmem_shared>> -> memref<632x64xf32, #tpu.memory_space<vmem_shared>>
      %dma_start3A_18 = arith.constant 0 : i32
      %dma_start3A_19 = tpu.memref_slice %arg4[%mul3A_2, %dma_start3A_18] : memref<10112x64xf32, #tpu.memory_space<hbm>> -> memref<632x64xf32, #tpu.memory_space<hbm>>
      tpu.enqueue_dma source(%dma_start3A_19 : memref<632x64xf32, #tpu.memory_space<hbm>>) target(%dma_start3A_17 : memref<632x64xf32, #tpu.memory_space<vmem_shared>>) target_semaphore(%run_scoped3A : memref<!tpu.dma_semaphore, #tpu.memory_space<semaphore_mem>>)
      %dma_wait3A = arith.constant 0 : i32
      %dma_wait3A_20 = tpu.memref_slice %arg8[%mul3A_4, %dma_wait3A] : memref<10112x64xf32, #tpu.memory_space<vmem_shared>> -> memref<632x64xf32, #tpu.memory_space<vmem_shared>>
      %dma_wait3A_21 = arith.constant 0 : i32
      %dma_wait3A_22 = tpu.memref_slice %arg4[%mul3A_2, %dma_wait3A_21] : memref<10112x64xf32, #tpu.memory_space<hbm>> -> memref<632x64xf32, #tpu.memory_space<hbm>>
      tpu.wait_dma2 semaphore(%run_scoped3A : memref<!tpu.dma_semaphore, #tpu.memory_space<semaphore_mem>>) src(%dma_wait3A_22 : memref<632x64xf32, #tpu.memory_space<hbm>>) dst(%dma_wait3A_20 : memref<632x64xf32, #tpu.memory_space<vmem_shared>>)
      tpu.yield
    }) : () -> ()
    %barrier3A = arith.constant 0 : index
    tpu.barrier barrier_id(%barrier3A)
    %mul3A_5 = arith.constant 1280 : i32
    %mul3A_6 = arith.muli %add3A, %mul3A_5 : i32
    %scan3A = arith.constant 0 : i32
    %scan3A_7 = arith.constant 0 : i32
    %scan3A_8 = arith.constant 10 : i32
    %scan3A_9 = arith.addi %scan3A_7, %scan3A_8 : i32
    %scan3A_10 = arith.constant 1 : i32
    scf.for %scan3A_17 = %scan3A_7 to %scan3A_9 step %scan3A_10  : i32 {
      %mul3A_18 = arith.constant 128 : i32
      %mul3A_19 = arith.muli %scan3A_17, %mul3A_18 : i32
      %add3A_20 = arith.addi %mul3A_6, %mul3A_19 : i32
      "tpu.region"() ({
        %run_scoped3A = tpu.sem_alloc : memref<!tpu.dma_semaphore, #tpu.memory_space<semaphore_mem>>
        %dma_start3A = tpu.memref_slice %arg3[%add3A_20] : memref<40960xi32, #tpu.memory_space<hbm>> -> memref<128xi32, #tpu.memory_space<hbm>>
        %dma_start3A_21 = tpu.memref_slice %arg3[%add3A_20] : memref<40960xi32, #tpu.memory_space<hbm>> -> memref<128xi32, #tpu.memory_space<hbm>>
        tpu.enqueue_dma source(%dma_start3A_21 : memref<128xi32, #tpu.memory_space<hbm>>) target(%arg6 : memref<128xi32, #tpu.memory_space<vmem>>) target_semaphore(%run_scoped3A : memref<!tpu.dma_semaphore, #tpu.memory_space<semaphore_mem>>)
        %dma_wait3A = tpu.memref_slice %arg3[%add3A_20] : memref<40960xi32, #tpu.memory_space<hbm>> -> memref<128xi32, #tpu.memory_space<hbm>>
        %dma_wait3A_22 = tpu.memref_slice %arg3[%add3A_20] : memref<40960xi32, #tpu.memory_space<hbm>> -> memref<128xi32, #tpu.memory_space<hbm>>
        tpu.wait_dma2 semaphore(%run_scoped3A : memref<!tpu.dma_semaphore, #tpu.memory_space<semaphore_mem>>) src(%dma_wait3A_22 : memref<128xi32, #tpu.memory_space<hbm>>) dst(%arg6 : memref<128xi32, #tpu.memory_space<vmem>>)
        tpu.yield
      }) : () -> ()
      "tpu.region"() ({
        %run_scoped3A = tpu.sem_alloc : memref<!tpu.dma_semaphore, #tpu.memory_space<semaphore_mem>>
        %dma_start3A = arith.constant 0 : i32
        %dma_start3A_21 = tpu.memref_slice %arg2[%add3A_20, %dma_start3A] : memref<40960x64xf32, #tpu.memory_space<hbm>> -> memref<128x64xf32, #tpu.memory_space<hbm>>
        %dma_start3A_22 = arith.constant 0 : i32
        %dma_start3A_23 = tpu.memref_slice %arg2[%add3A_20, %dma_start3A_22] : memref<40960x64xf32, #tpu.memory_space<hbm>> -> memref<128x64xf32, #tpu.memory_space<hbm>>
        tpu.enqueue_dma source(%dma_start3A_23 : memref<128x64xf32, #tpu.memory_space<hbm>>) target(%arg7 : memref<128x64xf32, #tpu.memory_space<vmem>>) target_semaphore(%run_scoped3A : memref<!tpu.dma_semaphore, #tpu.memory_space<semaphore_mem>>)
        %dma_wait3A = arith.constant 0 : i32
        %dma_wait3A_24 = tpu.memref_slice %arg2[%add3A_20, %dma_wait3A] : memref<40960x64xf32, #tpu.memory_space<hbm>> -> memref<128x64xf32, #tpu.memory_space<hbm>>
        %dma_wait3A_25 = arith.constant 0 : i32
        %dma_wait3A_26 = tpu.memref_slice %arg2[%add3A_20, %dma_wait3A_25] : memref<40960x64xf32, #tpu.memory_space<hbm>> -> memref<128x64xf32, #tpu.memory_space<hbm>>
        tpu.wait_dma2 semaphore(%run_scoped3A : memref<!tpu.dma_semaphore, #tpu.memory_space<semaphore_mem>>) src(%dma_wait3A_26 : memref<128x64xf32, #tpu.memory_space<hbm>>) dst(%arg7 : memref<128x64xf32, #tpu.memory_space<vmem>>)
        tpu.yield
      }) : () -> ()
      "tpu.region"() ({
        %run_scoped3A = tpu.sem_alloc : memref<!tpu.dma_semaphore, #tpu.memory_space<semaphore_mem>>
        %dma_start3A = arith.constant 0 : i32
        %dma_start3A_21 = arith.constant 0 : i32
        %dma_start3A_22 = tpu.memref_slice %arg8[%dma_start3A, %dma_start3A_21] : memref<10112x64xf32, #tpu.memory_space<vmem_shared>> -> memref<10112x64xf32, #tpu.memory_space<vmem_shared>>
        tpu.enqueue_indirect_dma source(%arg7 : memref<128x64xf32, #tpu.memory_space<vmem>>) target(%dma_start3A_22 : memref<10112x64xf32, #tpu.memory_space<vmem_shared>>) offsets(%arg6 : memref<128xi32, #tpu.memory_space<vmem>>) semaphore(%run_scoped3A : memref<!tpu.dma_semaphore, #tpu.memory_space<semaphore_mem>>) {add = true}
        %dma_wait3A = arith.constant 0 : i32
        %dma_wait3A_23 = arith.constant 0 : i32
        %dma_wait3A_24 = tpu.memref_slice %arg8[%dma_wait3A, %dma_wait3A_23] : memref<10112x64xf32, #tpu.memory_space<vmem_shared>> -> memref<10112x64xf32, #tpu.memory_space<vmem_shared>>
        tpu.wait_indirect_dma semaphore(%run_scoped3A : memref<!tpu.dma_semaphore, #tpu.memory_space<semaphore_mem>>) src(%arg7 : memref<128x64xf32, #tpu.memory_space<vmem>>) dst(%dma_wait3A_24 : memref<10112x64xf32, #tpu.memory_space<vmem_shared>>)
        tpu.yield
      }) : () -> ()
    }
    %scan3A_11 = arith.constant 10 : i32
    %barrier3A_12 = arith.constant 0 : index
    tpu.barrier barrier_id(%barrier3A_12)
    %mul3A_13 = arith.constant 632 : i32
    %mul3A_14 = arith.muli %arg1, %mul3A_13 : i32
    %mul3A_15 = arith.constant 632 : i32
    %mul3A_16 = arith.muli %arg1, %mul3A_15 : i32
    "tpu.region"() ({
      %run_scoped3A = tpu.sem_alloc : memref<!tpu.dma_semaphore, #tpu.memory_space<semaphore_mem>>
      %dma_start3A = arith.constant 0 : i32
      %dma_start3A_17 = tpu.memref_slice %arg5[%arg0, %mul3A_16, %dma_start3A] : memref<2x10112x64xf32, #tpu.memory_space<hbm>> -> memref<1x632x64xf32, #tpu.memory_space<hbm>>
      %dma_start3A_18 = tpu.memref_squeeze %dma_start3A_17 : memref<1x632x64xf32, #tpu.memory_space<hbm>> -> memref<632x64xf32, #tpu.memory_space<hbm>>
      %dma_start3A_19 = arith.constant 0 : i32
      %dma_start3A_20 = tpu.memref_slice %arg8[%mul3A_14, %dma_start3A_19] : memref<10112x64xf32, #tpu.memory_space<vmem_shared>> -> memref<632x64xf32, #tpu.memory_space<vmem_shared>>
      tpu.enqueue_dma source(%dma_start3A_20 : memref<632x64xf32, #tpu.memory_space<vmem_shared>>) target(%dma_start3A_18 : memref<632x64xf32, #tpu.memory_space<hbm>>) target_semaphore(%run_scoped3A : memref<!tpu.dma_semaphore, #tpu.memory_space<semaphore_mem>>)
      %dma_wait3A = arith.constant 0 : i32
      %dma_wait3A_21 = tpu.memref_slice %arg5[%arg0, %mul3A_16, %dma_wait3A] : memref<2x10112x64xf32, #tpu.memory_space<hbm>> -> memref<1x632x64xf32, #tpu.memory_space<hbm>>
      %dma_wait3A_22 = tpu.memref_squeeze %dma_wait3A_21 : memref<1x632x64xf32, #tpu.memory_space<hbm>> -> memref<632x64xf32, #tpu.memory_space<hbm>>
      %dma_wait3A_23 = arith.constant 0 : i32
      %dma_wait3A_24 = tpu.memref_slice %arg8[%mul3A_14, %dma_wait3A_23] : memref<10112x64xf32, #tpu.memory_space<vmem_shared>> -> memref<632x64xf32, #tpu.memory_space<vmem_shared>>
      tpu.wait_dma2 semaphore(%run_scoped3A : memref<!tpu.dma_semaphore, #tpu.memory_space<semaphore_mem>>) src(%dma_wait3A_24 : memref<632x64xf32, #tpu.memory_space<vmem_shared>>) dst(%dma_wait3A_22 : memref<632x64xf32, #tpu.memory_space<hbm>>)
      tpu.yield
    }) : () -> ()
    return
  }
}

#map = affine_map<(d0, d1) -> (0, 0)>
#map1 = affine_map<(d0, d1) -> (0)>
#map2 = affine_map<(d0, d1) -> (0, 0, 0)>
module attributes {stable_mosaic.version = 14 : i64} {
  func.func @k(%arg0: i32, %arg1: i32, %arg2: memref<40960x64xf32, #tpu.memory_space<hbm>>, %arg3: memref<40960xi32, #tpu.memory_space<hbm>>, %arg4: memref<10112x64xf32, #tpu.memory_space<hbm>>, %arg5: memref<2x10112x64xf32, #tpu.memory_space<hbm>>, %arg6: memref<128xi32, #tpu.memory_space<vmem>>, %arg7: memref<128x64xf32, #tpu.memory_space<vmem>>, %arg8: memref<10112x64xf32, #tpu.memory_space<vmem_shared>>) attributes {dimension_semantics = [#tpu.dimension_semantics<core_parallel>, #tpu.dimension_semantics<subcore_parallel>], iteration_bounds = array<i64: 2, 16>, scalar_prefetch = 0 : i64, scratch_operands = 3 : i64, tpu.core_type = #tpu.core_type<sc_vector_subcore>, window_params = [{transform_indices = #map}, {transform_indices = #map1}, {transform_indices = #map}, {transform_indices = #map2}]} {
    %mul3A = arith.constant 2 : i32
    %mul3A_0 = arith.muli %arg1, %mul3A : i32
    %add3A = arith.addi %mul3A_0, %arg0 : i32
    %mul3A_1 = arith.constant 632 : i32
    %mul3A_2 = arith.muli %arg1, %mul3A_1 : i32
    %mul3A_3 = arith.constant 632 : i32
    %mul3A_4 = arith.muli %arg1, %mul3A_3 : i32
    "tpu.region"() ({
      %run_scoped3A = tpu.sem_alloc : memref<!tpu.dma_semaphore, #tpu.memory_space<semaphore_mem>>
      %dma_start3A = arith.constant 0 : i32
      %dma_start3A_17 = tpu.memref_slice %arg8[%mul3A_4, %dma_start3A] : memref<10112x64xf32, #tpu.memory_space<vmem_shared>> -> memref<632x64xf32, #tpu.memory_space<vmem_shared>>
      %dma_start3A_18 = arith.constant 0 : i32
      %dma_start3A_19 = tpu.memref_slice %arg4[%mul3A_2, %dma_start3A_18] : memref<10112x64xf32, #tpu.memory_space<hbm>> -> memref<632x64xf32, #tpu.memory_space<hbm>>
      tpu.enqueue_dma source(%dma_start3A_19 : memref<632x64xf32, #tpu.memory_space<hbm>>) target(%dma_start3A_17 : memref<632x64xf32, #tpu.memory_space<vmem_shared>>) target_semaphore(%run_scoped3A : memref<!tpu.dma_semaphore, #tpu.memory_space<semaphore_mem>>)
      %dma_wait3A = arith.constant 0 : i32
      %dma_wait3A_20 = tpu.memref_slice %arg8[%mul3A_4, %dma_wait3A] : memref<10112x64xf32, #tpu.memory_space<vmem_shared>> -> memref<632x64xf32, #tpu.memory_space<vmem_shared>>
      %dma_wait3A_21 = arith.constant 0 : i32
      %dma_wait3A_22 = tpu.memref_slice %arg4[%mul3A_2, %dma_wait3A_21] : memref<10112x64xf32, #tpu.memory_space<hbm>> -> memref<632x64xf32, #tpu.memory_space<hbm>>
      tpu.wait_dma2 semaphore(%run_scoped3A : memref<!tpu.dma_semaphore, #tpu.memory_space<semaphore_mem>>) src(%dma_wait3A_22 : memref<632x64xf32, #tpu.memory_space<hbm>>) dst(%dma_wait3A_20 : memref<632x64xf32, #tpu.memory_space<vmem_shared>>)
      tpu.yield
    }) : () -> ()
    %barrier3A = arith.constant 0 : index
    tpu.barrier barrier_id(%barrier3A)
    %mul3A_5 = arith.constant 1280 : i32
    %mul3A_6 = arith.muli %add3A, %mul3A_5 : i32
    %scan3A = arith.constant 0 : i32
    %scan3A_7 = arith.constant 0 : i32
    %scan3A_8 = arith.constant 10 : i32
    %scan3A_9 = arith.addi %scan3A_7, %scan3A_8 : i32
    %scan3A_10 = arith.constant 1 : i32
    scf.for %scan3A_17 = %scan3A_7 to %scan3A_9 step %scan3A_10  : i32 {
      %mul3A_18 = arith.constant 128 : i32
      %mul3A_19 = arith.muli %scan3A_17, %mul3A_18 : i32
      %add3A_20 = arith.addi %mul3A_6, %mul3A_19 : i32
      "tpu.region"() ({
        %run_scoped3A = tpu.sem_alloc : memref<!tpu.dma_semaphore, #tpu.memory_space<semaphore_mem>>
        %dma_start3A = tpu.memref_slice %arg3[%add3A_20] : memref<40960xi32, #tpu.memory_space<hbm>> -> memref<128xi32, #tpu.memory_space<hbm>>
        %dma_start3A_21 = tpu.memref_slice %arg3[%add3A_20] : memref<40960xi32, #tpu.memory_space<hbm>> -> memref<128xi32, #tpu.memory_space<hbm>>
        tpu.enqueue_dma source(%dma_start3A_21 : memref<128xi32, #tpu.memory_space<hbm>>) target(%arg6 : memref<128xi32, #tpu.memory_space<vmem>>) target_semaphore(%run_scoped3A : memref<!tpu.dma_semaphore, #tpu.memory_space<semaphore_mem>>)
        %dma_wait3A = tpu.memref_slice %arg3[%add3A_20] : memref<40960xi32, #tpu.memory_space<hbm>> -> memref<128xi32, #tpu.memory_space<hbm>>
        %dma_wait3A_22 = tpu.memref_slice %arg3[%add3A_20] : memref<40960xi32, #tpu.memory_space<hbm>> -> memref<128xi32, #tpu.memory_space<hbm>>
        tpu.wait_dma2 semaphore(%run_scoped3A : memref<!tpu.dma_semaphore, #tpu.memory_space<semaphore_mem>>) src(%dma_wait3A_22 : memref<128xi32, #tpu.memory_space<hbm>>) dst(%arg6 : memref<128xi32, #tpu.memory_space<vmem>>)
        tpu.yield
      }) : () -> ()
      "tpu.region"() ({
        %run_scoped3A = tpu.sem_alloc : memref<!tpu.dma_semaphore, #tpu.memory_space<semaphore_mem>>
        %dma_start3A = arith.constant 0 : i32
        %dma_start3A_21 = tpu.memref_slice %arg2[%add3A_20, %dma_start3A] : memref<40960x64xf32, #tpu.memory_space<hbm>> -> memref<128x64xf32, #tpu.memory_space<hbm>>
        %dma_start3A_22 = arith.constant 0 : i32
        %dma_start3A_23 = tpu.memref_slice %arg2[%add3A_20, %dma_start3A_22] : memref<40960x64xf32, #tpu.memory_space<hbm>> -> memref<128x64xf32, #tpu.memory_space<hbm>>
        tpu.enqueue_dma source(%dma_start3A_23 : memref<128x64xf32, #tpu.memory_space<hbm>>) target(%arg7 : memref<128x64xf32, #tpu.memory_space<vmem>>) target_semaphore(%run_scoped3A : memref<!tpu.dma_semaphore, #tpu.memory_space<semaphore_mem>>)
        %dma_wait3A = arith.constant 0 : i32
        %dma_wait3A_24 = tpu.memref_slice %arg2[%add3A_20, %dma_wait3A] : memref<40960x64xf32, #tpu.memory_space<hbm>> -> memref<128x64xf32, #tpu.memory_space<hbm>>
        %dma_wait3A_25 = arith.constant 0 : i32
        %dma_wait3A_26 = tpu.memref_slice %arg2[%add3A_20, %dma_wait3A_25] : memref<40960x64xf32, #tpu.memory_space<hbm>> -> memref<128x64xf32, #tpu.memory_space<hbm>>
        tpu.wait_dma2 semaphore(%run_scoped3A : memref<!tpu.dma_semaphore, #tpu.memory_space<semaphore_mem>>) src(%dma_wait3A_26 : memref<128x64xf32, #tpu.memory_space<hbm>>) dst(%arg7 : memref<128x64xf32, #tpu.memory_space<vmem>>)
        tpu.yield
      }) : () -> ()
      "tpu.region"() ({
        %run_scoped3A = tpu.sem_alloc : memref<!tpu.dma_semaphore, #tpu.memory_space<semaphore_mem>>
        %dma_start3A = arith.constant 0 : i32
        %dma_start3A_21 = arith.constant 0 : i32
        %dma_start3A_22 = tpu.memref_slice %arg8[%dma_start3A, %dma_start3A_21] : memref<10112x64xf32, #tpu.memory_space<vmem_shared>> -> memref<10112x64xf32, #tpu.memory_space<vmem_shared>>
        tpu.enqueue_indirect_dma source(%arg7 : memref<128x64xf32, #tpu.memory_space<vmem>>) target(%dma_start3A_22 : memref<10112x64xf32, #tpu.memory_space<vmem_shared>>) offsets(%arg6 : memref<128xi32, #tpu.memory_space<vmem>>) semaphore(%run_scoped3A : memref<!tpu.dma_semaphore, #tpu.memory_space<semaphore_mem>>) {add = true}
        %dma_wait3A = arith.constant 0 : i32
        %dma_wait3A_23 = arith.constant 0 : i32
        %dma_wait3A_24 = tpu.memref_slice %arg8[%dma_wait3A, %dma_wait3A_23] : memref<10112x64xf32, #tpu.memory_space<vmem_shared>> -> memref<10112x64xf32, #tpu.memory_space<vmem_shared>>
        tpu.wait_indirect_dma semaphore(%run_scoped3A : memref<!tpu.dma_semaphore, #tpu.memory_space<semaphore_mem>>) src(%arg7 : memref<128x64xf32, #tpu.memory_space<vmem>>) dst(%dma_wait3A_24 : memref<10112x64xf32, #tpu.memory_space<vmem_shared>>)
        tpu.yield
      }) : () -> ()
    }
    %scan3A_11 = arith.constant 10 : i32
    %barrier3A_12 = arith.constant 0 : index
    tpu.barrier barrier_id(%barrier3A_12)
    %mul3A_13 = arith.constant 632 : i32
    %mul3A_14 = arith.muli %arg1, %mul3A_13 : i32
    %mul3A_15 = arith.constant 632 : i32
    %mul3A_16 = arith.muli %arg1, %mul3A_15 : i32
    "tpu.region"() ({
      %run_scoped3A = tpu.sem_alloc : memref<!tpu.dma_semaphore, #tpu.memory_space<semaphore_mem>>
      %dma_start3A = arith.constant 0 : i32
      %dma_start3A_17 = tpu.memref_slice %arg5[%arg0, %mul3A_16, %dma_start3A] : memref<2x10112x64xf32, #tpu.memory_space<hbm>> -> memref<1x632x64xf32, #tpu.memory_space<hbm>>
      %dma_start3A_18 = tpu.memref_squeeze %dma_start3A_17 : memref<1x632x64xf32, #tpu.memory_space<hbm>> -> memref<632x64xf32, #tpu.memory_space<hbm>>
      %dma_start3A_19 = arith.constant 0 : i32
      %dma_start3A_20 = tpu.memref_slice %arg8[%mul3A_14, %dma_start3A_19] : memref<10112x64xf32, #tpu.memory_space<vmem_shared>> -> memref<632x64xf32, #tpu.memory_space<vmem_shared>>
      tpu.enqueue_dma source(%dma_start3A_20 : memref<632x64xf32, #tpu.memory_space<vmem_shared>>) target(%dma_start3A_18 : memref<632x64xf32, #tpu.memory_space<hbm>>) target_semaphore(%run_scoped3A : memref<!tpu.dma_semaphore, #tpu.memory_space<semaphore_mem>>)
      %dma_wait3A = arith.constant 0 : i32
      %dma_wait3A_21 = tpu.memref_slice %arg5[%arg0, %mul3A_16, %dma_wait3A] : memref<2x10112x64xf32, #tpu.memory_space<hbm>> -> memref<1x632x64xf32, #tpu.memory_space<hbm>>
      %dma_wait3A_22 = tpu.memref_squeeze %dma_wait3A_21 : memref<1x632x64xf32, #tpu.memory_space<hbm>> -> memref<632x64xf32, #tpu.memory_space<hbm>>
      %dma_wait3A_23 = arith.constant 0 : i32
      %dma_wait3A_24 = tpu.memref_slice %arg8[%mul3A_14, %dma_wait3A_23] : memref<10112x64xf32, #tpu.memory_space<vmem_shared>> -> memref<632x64xf32, #tpu.memory_space<vmem_shared>>
      tpu.wait_dma2 semaphore(%run_scoped3A : memref<!tpu.dma_semaphore, #tpu.memory_space<semaphore_mem>>) src(%dma_wait3A_24 : memref<632x64xf32, #tpu.memory_space<vmem_shared>>) dst(%dma_wait3A_22 : memref<632x64xf32, #tpu.memory_space<hbm>>)
      tpu.yield
    }) : () -> ()
    return
  }
}

module attributes {stable_mosaic.version = 14 : i64} {
  func.func @body(%arg0: i32, %arg1: memref<2048x48xf32, #tpu.memory_space<vmem>>, %arg2: memref<2048x16xf32, #tpu.memory_space<vmem>>, %arg3: memref<48x1024xf32, #tpu.memory_space<vmem>>, %arg4: memref<2048x64xf32, #tpu.memory_space<vmem>>) attributes {dimension_semantics = [#tpu.dimension_semantics<arbitrary>], iteration_bounds = array<i64: 20>, scalar_prefetch = 0 : i64, scratch_operands = 0 : i64, tpu.core_type = #tpu.core_type<tc>, window_params = [{transform_indices = @transform_0, window_bounds = array<i64: 2048, 48>}, {transform_indices = @transform_1, window_bounds = array<i64: 2048, 16>}, {pipeline_mode = #tpu.pipeline_mode<synchronous>, transform_indices = @transform_2, window_bounds = array<i64: 48, 1024>}, {transform_indices = @transform_3, window_bounds = array<i64: 2048, 64>}]} {
    %get3A = arith.constant 0 : index
    %get3A_0 = arith.constant 0 : index
    %get3A_1 = vector.load %arg1[%get3A, %get3A_0] : memref<2048x48xf32, #tpu.memory_space<vmem>>, vector<2048x48xf32>
    %get3A_2 = arith.constant 0 : index
    %get3A_3 = arith.constant 0 : index
    %get3A_4 = vector.load %arg2[%get3A_2, %get3A_3] : memref<2048x16xf32, #tpu.memory_space<vmem>>, vector<2048x16xf32>
    %get3A_5 = arith.constant 0 : index
    %get3A_6 = arith.constant 0 : index
    %get3A_7 = vector.load %arg3[%get3A_5, %get3A_6] : memref<48x1024xf32, #tpu.memory_space<vmem>>, vector<48x1024xf32>
    %dot_general3A = arith.constant dense<0.000000e+00> : vector<2048x1024xf32>
    %dot_general3A_8 = tpu.matmul %get3A_1, %get3A_7, %dot_general3A {dimension_numbers = #tpu.dot_dimension_numbers<[1], [0], [0], [1], [0, 0, 1, 1], [], []>, transpose_lhs_hint = false} : vector<2048x48xf32>, vector<48x1024xf32>, vector<2048x1024xf32> -> vector<2048x1024xf32>
    %broadcast_in_dim3A = arith.constant 0.000000e+00 : f32
    %broadcast_in_dim3A_9 = vector.broadcast %broadcast_in_dim3A : f32 to vector<2048x64xf32>
    %slice3A = vector.extract_strided_slice %get3A_4 {offsets = [0, 0], sizes = [2048, 1], strides = [1, 1]} : vector<2048x16xf32> to vector<2048x1xf32>
    %slice3A_10 = vector.extract_strided_slice %dot_general3A_8 {offsets = [0, 0], sizes = [2048, 64], strides = [1, 1]} : vector<2048x1024xf32> to vector<2048x64xf32>
    %mul3A = vector.broadcast %slice3A : vector<2048x1xf32> to vector<2048x64xf32>
    %mul3A_11 = arith.mulf %mul3A, %slice3A_10 : vector<2048x64xf32>
    %add3A = arith.addf %broadcast_in_dim3A_9, %mul3A_11 : vector<2048x64xf32>
    %slice3A_12 = vector.extract_strided_slice %get3A_4 {offsets = [0, 1], sizes = [2048, 1], strides = [1, 1]} : vector<2048x16xf32> to vector<2048x1xf32>
    %slice3A_13 = vector.extract_strided_slice %dot_general3A_8 {offsets = [0, 64], sizes = [2048, 64], strides = [1, 1]} : vector<2048x1024xf32> to vector<2048x64xf32>
    %mul3A_14 = vector.broadcast %slice3A_12 : vector<2048x1xf32> to vector<2048x64xf32>
    %mul3A_15 = arith.mulf %mul3A_14, %slice3A_13 : vector<2048x64xf32>
    %add3A_16 = arith.addf %add3A, %mul3A_15 : vector<2048x64xf32>
    %slice3A_17 = vector.extract_strided_slice %get3A_4 {offsets = [0, 2], sizes = [2048, 1], strides = [1, 1]} : vector<2048x16xf32> to vector<2048x1xf32>
    %slice3A_18 = vector.extract_strided_slice %dot_general3A_8 {offsets = [0, 128], sizes = [2048, 64], strides = [1, 1]} : vector<2048x1024xf32> to vector<2048x64xf32>
    %mul3A_19 = vector.broadcast %slice3A_17 : vector<2048x1xf32> to vector<2048x64xf32>
    %mul3A_20 = arith.mulf %mul3A_19, %slice3A_18 : vector<2048x64xf32>
    %add3A_21 = arith.addf %add3A_16, %mul3A_20 : vector<2048x64xf32>
    %slice3A_22 = vector.extract_strided_slice %get3A_4 {offsets = [0, 3], sizes = [2048, 1], strides = [1, 1]} : vector<2048x16xf32> to vector<2048x1xf32>
    %slice3A_23 = vector.extract_strided_slice %dot_general3A_8 {offsets = [0, 192], sizes = [2048, 64], strides = [1, 1]} : vector<2048x1024xf32> to vector<2048x64xf32>
    %mul3A_24 = vector.broadcast %slice3A_22 : vector<2048x1xf32> to vector<2048x64xf32>
    %mul3A_25 = arith.mulf %mul3A_24, %slice3A_23 : vector<2048x64xf32>
    %add3A_26 = arith.addf %add3A_21, %mul3A_25 : vector<2048x64xf32>
    %slice3A_27 = vector.extract_strided_slice %get3A_4 {offsets = [0, 4], sizes = [2048, 1], strides = [1, 1]} : vector<2048x16xf32> to vector<2048x1xf32>
    %slice3A_28 = vector.extract_strided_slice %dot_general3A_8 {offsets = [0, 256], sizes = [2048, 64], strides = [1, 1]} : vector<2048x1024xf32> to vector<2048x64xf32>
    %mul3A_29 = vector.broadcast %slice3A_27 : vector<2048x1xf32> to vector<2048x64xf32>
    %mul3A_30 = arith.mulf %mul3A_29, %slice3A_28 : vector<2048x64xf32>
    %add3A_31 = arith.addf %add3A_26, %mul3A_30 : vector<2048x64xf32>
    %slice3A_32 = vector.extract_strided_slice %get3A_4 {offsets = [0, 5], sizes = [2048, 1], strides = [1, 1]} : vector<2048x16xf32> to vector<2048x1xf32>
    %slice3A_33 = vector.extract_strided_slice %dot_general3A_8 {offsets = [0, 320], sizes = [2048, 64], strides = [1, 1]} : vector<2048x1024xf32> to vector<2048x64xf32>
    %mul3A_34 = vector.broadcast %slice3A_32 : vector<2048x1xf32> to vector<2048x64xf32>
    %mul3A_35 = arith.mulf %mul3A_34, %slice3A_33 : vector<2048x64xf32>
    %add3A_36 = arith.addf %add3A_31, %mul3A_35 : vector<2048x64xf32>
    %slice3A_37 = vector.extract_strided_slice %get3A_4 {offsets = [0, 6], sizes = [2048, 1], strides = [1, 1]} : vector<2048x16xf32> to vector<2048x1xf32>
    %slice3A_38 = vector.extract_strided_slice %dot_general3A_8 {offsets = [0, 384], sizes = [2048, 64], strides = [1, 1]} : vector<2048x1024xf32> to vector<2048x64xf32>
    %mul3A_39 = vector.broadcast %slice3A_37 : vector<2048x1xf32> to vector<2048x64xf32>
    %mul3A_40 = arith.mulf %mul3A_39, %slice3A_38 : vector<2048x64xf32>
    %add3A_41 = arith.addf %add3A_36, %mul3A_40 : vector<2048x64xf32>
    %slice3A_42 = vector.extract_strided_slice %get3A_4 {offsets = [0, 7], sizes = [2048, 1], strides = [1, 1]} : vector<2048x16xf32> to vector<2048x1xf32>
    %slice3A_43 = vector.extract_strided_slice %dot_general3A_8 {offsets = [0, 448], sizes = [2048, 64], strides = [1, 1]} : vector<2048x1024xf32> to vector<2048x64xf32>
    %mul3A_44 = vector.broadcast %slice3A_42 : vector<2048x1xf32> to vector<2048x64xf32>
    %mul3A_45 = arith.mulf %mul3A_44, %slice3A_43 : vector<2048x64xf32>
    %add3A_46 = arith.addf %add3A_41, %mul3A_45 : vector<2048x64xf32>
    %slice3A_47 = vector.extract_strided_slice %get3A_4 {offsets = [0, 8], sizes = [2048, 1], strides = [1, 1]} : vector<2048x16xf32> to vector<2048x1xf32>
    %slice3A_48 = vector.extract_strided_slice %dot_general3A_8 {offsets = [0, 512], sizes = [2048, 64], strides = [1, 1]} : vector<2048x1024xf32> to vector<2048x64xf32>
    %mul3A_49 = vector.broadcast %slice3A_47 : vector<2048x1xf32> to vector<2048x64xf32>
    %mul3A_50 = arith.mulf %mul3A_49, %slice3A_48 : vector<2048x64xf32>
    %add3A_51 = arith.addf %add3A_46, %mul3A_50 : vector<2048x64xf32>
    %slice3A_52 = vector.extract_strided_slice %get3A_4 {offsets = [0, 9], sizes = [2048, 1], strides = [1, 1]} : vector<2048x16xf32> to vector<2048x1xf32>
    %slice3A_53 = vector.extract_strided_slice %dot_general3A_8 {offsets = [0, 576], sizes = [2048, 64], strides = [1, 1]} : vector<2048x1024xf32> to vector<2048x64xf32>
    %mul3A_54 = vector.broadcast %slice3A_52 : vector<2048x1xf32> to vector<2048x64xf32>
    %mul3A_55 = arith.mulf %mul3A_54, %slice3A_53 : vector<2048x64xf32>
    %add3A_56 = arith.addf %add3A_51, %mul3A_55 : vector<2048x64xf32>
    %slice3A_57 = vector.extract_strided_slice %get3A_4 {offsets = [0, 10], sizes = [2048, 1], strides = [1, 1]} : vector<2048x16xf32> to vector<2048x1xf32>
    %slice3A_58 = vector.extract_strided_slice %dot_general3A_8 {offsets = [0, 640], sizes = [2048, 64], strides = [1, 1]} : vector<2048x1024xf32> to vector<2048x64xf32>
    %mul3A_59 = vector.broadcast %slice3A_57 : vector<2048x1xf32> to vector<2048x64xf32>
    %mul3A_60 = arith.mulf %mul3A_59, %slice3A_58 : vector<2048x64xf32>
    %add3A_61 = arith.addf %add3A_56, %mul3A_60 : vector<2048x64xf32>
    %slice3A_62 = vector.extract_strided_slice %get3A_4 {offsets = [0, 11], sizes = [2048, 1], strides = [1, 1]} : vector<2048x16xf32> to vector<2048x1xf32>
    %slice3A_63 = vector.extract_strided_slice %dot_general3A_8 {offsets = [0, 704], sizes = [2048, 64], strides = [1, 1]} : vector<2048x1024xf32> to vector<2048x64xf32>
    %mul3A_64 = vector.broadcast %slice3A_62 : vector<2048x1xf32> to vector<2048x64xf32>
    %mul3A_65 = arith.mulf %mul3A_64, %slice3A_63 : vector<2048x64xf32>
    %add3A_66 = arith.addf %add3A_61, %mul3A_65 : vector<2048x64xf32>
    %slice3A_67 = vector.extract_strided_slice %get3A_4 {offsets = [0, 12], sizes = [2048, 1], strides = [1, 1]} : vector<2048x16xf32> to vector<2048x1xf32>
    %slice3A_68 = vector.extract_strided_slice %dot_general3A_8 {offsets = [0, 768], sizes = [2048, 64], strides = [1, 1]} : vector<2048x1024xf32> to vector<2048x64xf32>
    %mul3A_69 = vector.broadcast %slice3A_67 : vector<2048x1xf32> to vector<2048x64xf32>
    %mul3A_70 = arith.mulf %mul3A_69, %slice3A_68 : vector<2048x64xf32>
    %add3A_71 = arith.addf %add3A_66, %mul3A_70 : vector<2048x64xf32>
    %slice3A_72 = vector.extract_strided_slice %get3A_4 {offsets = [0, 13], sizes = [2048, 1], strides = [1, 1]} : vector<2048x16xf32> to vector<2048x1xf32>
    %slice3A_73 = vector.extract_strided_slice %dot_general3A_8 {offsets = [0, 832], sizes = [2048, 64], strides = [1, 1]} : vector<2048x1024xf32> to vector<2048x64xf32>
    %mul3A_74 = vector.broadcast %slice3A_72 : vector<2048x1xf32> to vector<2048x64xf32>
    %mul3A_75 = arith.mulf %mul3A_74, %slice3A_73 : vector<2048x64xf32>
    %add3A_76 = arith.addf %add3A_71, %mul3A_75 : vector<2048x64xf32>
    %slice3A_77 = vector.extract_strided_slice %get3A_4 {offsets = [0, 14], sizes = [2048, 1], strides = [1, 1]} : vector<2048x16xf32> to vector<2048x1xf32>
    %slice3A_78 = vector.extract_strided_slice %dot_general3A_8 {offsets = [0, 896], sizes = [2048, 64], strides = [1, 1]} : vector<2048x1024xf32> to vector<2048x64xf32>
    %mul3A_79 = vector.broadcast %slice3A_77 : vector<2048x1xf32> to vector<2048x64xf32>
    %mul3A_80 = arith.mulf %mul3A_79, %slice3A_78 : vector<2048x64xf32>
    %add3A_81 = arith.addf %add3A_76, %mul3A_80 : vector<2048x64xf32>
    %slice3A_82 = vector.extract_strided_slice %get3A_4 {offsets = [0, 15], sizes = [2048, 1], strides = [1, 1]} : vector<2048x16xf32> to vector<2048x1xf32>
    %slice3A_83 = vector.extract_strided_slice %dot_general3A_8 {offsets = [0, 960], sizes = [2048, 64], strides = [1, 1]} : vector<2048x1024xf32> to vector<2048x64xf32>
    %mul3A_84 = vector.broadcast %slice3A_82 : vector<2048x1xf32> to vector<2048x64xf32>
    %mul3A_85 = arith.mulf %mul3A_84, %slice3A_83 : vector<2048x64xf32>
    %add3A_86 = arith.addf %add3A_81, %mul3A_85 : vector<2048x64xf32>
    %iota3A = tpu.iota {dimensions = array<i32: 1>} : vector<2048x64xi32>
    %eq3A = arith.constant 48 : i32
    %eq3A_87 = vector.broadcast %eq3A : i32 to vector<2048x64xi32>
    %eq3A_88 = arith.cmpi eq, %iota3A, %eq3A_87 : vector<2048x64xi32>
    %jit3A = arith.constant 1.000000e+00 : f32
    %jit3A_89 = arith.constant 0.000000e+00 : f32
    %broadcast_in_dim3A_90 = vector.broadcast %jit3A : f32 to vector<2048x64xf32>
    %broadcast_in_dim3A_91 = vector.broadcast %jit3A_89 : f32 to vector<2048x64xf32>
    %select_n3A = arith.select %eq3A_88, %broadcast_in_dim3A_90, %broadcast_in_dim3A_91 : vector<2048x64xi1>, vector<2048x64xf32>
    %add3A_92 = arith.addf %add3A_86, %select_n3A : vector<2048x64xf32>
    %swap3A = arith.constant 0 : index
    %swap3A_93 = arith.constant 0 : index
    %swap3A_94 = vector.load %arg4[%swap3A, %swap3A_93] : memref<2048x64xf32, #tpu.memory_space<vmem>>, vector<2048x64xf32>
    tpu.vector_store %arg4[%swap3A, %swap3A_93], %add3A_92 {strides = array<i32>} : memref<2048x64xf32, #tpu.memory_space<vmem>>, vector<2048x64xf32>,
    return
  }
  func.func @transform_0(%arg0: i32) -> (i32, i32) {
    %c0_i32 = arith.constant 0 : i32
    %c0_i32_0 = arith.constant 0 : i32
    return %arg0, %c0_i32 : i32, i32
  }
  func.func @transform_1(%arg0: i32) -> (i32, i32) {
    %c0_i32 = arith.constant 0 : i32
    %c0_i32_0 = arith.constant 0 : i32
    return %arg0, %c0_i32 : i32, i32
  }
  func.func @transform_2(%arg0: i32) -> (i32, i32) {
    %c0_i32 = arith.constant 0 : i32
    %c0_i32_0 = arith.constant 0 : i32
    %c0_i32_1 = arith.constant 0 : i32
    return %c0_i32, %c0_i32_0 : i32, i32
  }
  func.func @transform_3(%arg0: i32) -> (i32, i32) {
    %c0_i32 = arith.constant 0 : i32
    %c0_i32_0 = arith.constant 0 : i32
    return %arg0, %c0_i32 : i32, i32
  }
}

module attributes {stable_mosaic.version = 14 : i64} {
  func.func @body(%arg0: i32, %arg1: memref<2x2000x64xf32, #tpu.memory_space<vmem>>, %arg2: memref<2x2000x64xf32, #tpu.memory_space<vmem>>, %arg3: memref<2x2000x64xf32, #tpu.memory_space<vmem>>, %arg4: memref<2x2000x64xf32, #tpu.memory_space<vmem>>, %arg5: memref<2000x48xf32, #tpu.memory_space<vmem>>, %arg6: memref<48x48xf32, #tpu.memory_space<vmem>>, %arg7: memref<1x48xf32, #tpu.memory_space<vmem>>, %arg8: memref<1x48xf32, #tpu.memory_space<vmem>>, %arg9: memref<1x48xf32, #tpu.memory_space<vmem>>, %arg10: memref<2000x48xf32, #tpu.memory_space<vmem>>) attributes {dimension_semantics = [#tpu.dimension_semantics<arbitrary>], iteration_bounds = array<i64: 5>, scalar_prefetch = 0 : i64, scratch_operands = 0 : i64, tpu.core_type = #tpu.core_type<tc>, window_params = [{transform_indices = @transform_0, window_bounds = array<i64: 2, 2000, 64>}, {transform_indices = @transform_1, window_bounds = array<i64: 2, 2000, 64>}, {transform_indices = @transform_2, window_bounds = array<i64: 2, 2000, 64>}, {transform_indices = @transform_3, window_bounds = array<i64: 2, 2000, 64>}, {transform_indices = @transform_4, window_bounds = array<i64: 2000, 48>}, {pipeline_mode = #tpu.pipeline_mode<synchronous>, transform_indices = @transform_5, window_bounds = array<i64: 48, 48>}, {pipeline_mode = #tpu.pipeline_mode<synchronous>, transform_indices = @transform_6, window_bounds = array<i64: 1, 48>}, {pipeline_mode = #tpu.pipeline_mode<synchronous>, transform_indices = @transform_7, window_bounds = array<i64: 1, 48>}, {pipeline_mode = #tpu.pipeline_mode<synchronous>, transform_indices = @transform_8, window_bounds = array<i64: 1, 48>}, {transform_indices = @transform_9, window_bounds = array<i64: 2000, 48>}]} {
    %get3A = arith.constant 0 : index
    %get3A_0 = arith.constant 0 : index
    %get3A_1 = arith.constant 0 : index
    %get3A_2 = vector.load %arg1[%get3A, %get3A_0, %get3A_1] : memref<2x2000x64xf32, #tpu.memory_space<vmem>>, vector<1x2000x64xf32>
    %get3A_3 = vector.shape_cast %get3A_2 : vector<1x2000x64xf32> to vector<2000x64xf32>
    %get3A_4 = arith.constant 1 : index
    %get3A_5 = arith.constant 0 : index
    %get3A_6 = arith.constant 0 : index
    %get3A_7 = vector.load %arg1[%get3A_4, %get3A_5, %get3A_6] : memref<2x2000x64xf32, #tpu.memory_space<vmem>>, vector<1x2000x64xf32>
    %get3A_8 = vector.shape_cast %get3A_7 : vector<1x2000x64xf32> to vector<2000x64xf32>
    %add3A = arith.addf %get3A_3, %get3A_8 : vector<2000x64xf32>
    %add3A_9 = arith.constant 0.000000e+00 : f32
    %add3A_10 = vector.broadcast %add3A_9 : f32 to vector<2000x64xf32>
    %add3A_11 = arith.addf %add3A_10, %add3A : vector<2000x64xf32>
    %get3A_12 = arith.constant 0 : index
    %get3A_13 = arith.constant 0 : index
    %get3A_14 = arith.constant 0 : index
    %get3A_15 = vector.load %arg2[%get3A_12, %get3A_13, %get3A_14] : memref<2x2000x64xf32, #tpu.memory_space<vmem>>, vector<1x2000x64xf32>
    %get3A_16 = vector.shape_cast %get3A_15 : vector<1x2000x64xf32> to vector<2000x64xf32>
    %get3A_17 = arith.constant 1 : index
    %get3A_18 = arith.constant 0 : index
    %get3A_19 = arith.constant 0 : index
    %get3A_20 = vector.load %arg2[%get3A_17, %get3A_18, %get3A_19] : memref<2x2000x64xf32, #tpu.memory_space<vmem>>, vector<1x2000x64xf32>
    %get3A_21 = vector.shape_cast %get3A_20 : vector<1x2000x64xf32> to vector<2000x64xf32>
    %add3A_22 = arith.addf %get3A_16, %get3A_21 : vector<2000x64xf32>
    %add3A_23 = arith.addf %add3A_11, %add3A_22 : vector<2000x64xf32>
    %get3A_24 = arith.constant 0 : index
    %get3A_25 = arith.constant 0 : index
    %get3A_26 = arith.constant 0 : index
    %get3A_27 = vector.load %arg3[%get3A_24, %get3A_25, %get3A_26] : memref<2x2000x64xf32, #tpu.memory_space<vmem>>, vector<1x2000x64xf32>
    %get3A_28 = vector.shape_cast %get3A_27 : vector<1x2000x64xf32> to vector<2000x64xf32>
    %get3A_29 = arith.constant 1 : index
    %get3A_30 = arith.constant 0 : index
    %get3A_31 = arith.constant 0 : index
    %get3A_32 = vector.load %arg3[%get3A_29, %get3A_30, %get3A_31] : memref<2x2000x64xf32, #tpu.memory_space<vmem>>, vector<1x2000x64xf32>
    %get3A_33 = vector.shape_cast %get3A_32 : vector<1x2000x64xf32> to vector<2000x64xf32>
    %add3A_34 = arith.addf %get3A_28, %get3A_33 : vector<2000x64xf32>
    %add3A_35 = arith.addf %add3A_23, %add3A_34 : vector<2000x64xf32>
    %get3A_36 = arith.constant 0 : index
    %get3A_37 = arith.constant 0 : index
    %get3A_38 = arith.constant 0 : index
    %get3A_39 = vector.load %arg4[%get3A_36, %get3A_37, %get3A_38] : memref<2x2000x64xf32, #tpu.memory_space<vmem>>, vector<1x2000x64xf32>
    %get3A_40 = vector.shape_cast %get3A_39 : vector<1x2000x64xf32> to vector<2000x64xf32>
    %get3A_41 = arith.constant 1 : index
    %get3A_42 = arith.constant 0 : index
    %get3A_43 = arith.constant 0 : index
    %get3A_44 = vector.load %arg4[%get3A_41, %get3A_42, %get3A_43] : memref<2x2000x64xf32, #tpu.memory_space<vmem>>, vector<1x2000x64xf32>
    %get3A_45 = vector.shape_cast %get3A_44 : vector<1x2000x64xf32> to vector<2000x64xf32>
    %add3A_46 = arith.addf %get3A_40, %get3A_45 : vector<2000x64xf32>
    %add3A_47 = arith.addf %add3A_35, %add3A_46 : vector<2000x64xf32>
    %slice3A = vector.extract_strided_slice %add3A_47 {offsets = [0, 48], sizes = [2000, 1], strides = [1, 1]} : vector<2000x64xf32> to vector<2000x1xf32>
    %slice3A_48 = vector.extract_strided_slice %add3A_47 {offsets = [0, 0], sizes = [2000, 48], strides = [1, 1]} : vector<2000x64xf32> to vector<2000x48xf32>
    %max3A = arith.constant 1.000000e+00 : f32
    %max3A_49 = vector.broadcast %max3A : f32 to vector<2000x1xf32>
    %max3A_50 = arith.maximumf %slice3A, %max3A_49 : vector<2000x1xf32>
    %div3A = vector.broadcast %max3A_50 : vector<2000x1xf32> to vector<2000x48xf32>
    %div3A_51 = arith.divf %slice3A_48, %div3A : vector<2000x48xf32>
    %get3A_52 = arith.constant 0 : index
    %get3A_53 = arith.constant 0 : index
    %get3A_54 = vector.load %arg5[%get3A_52, %get3A_53] : memref<2000x48xf32, #tpu.memory_space<vmem>>, vector<2000x48xf32>
    %get3A_55 = arith.constant 0 : index
    %get3A_56 = arith.constant 0 : index
    %get3A_57 = vector.load %arg6[%get3A_55, %get3A_56] : memref<48x48xf32, #tpu.memory_space<vmem>>, vector<48x48xf32>
    %dot_general3A = arith.constant dense<0.000000e+00> : vector<2000x48xf32>
    %dot_general3A_58 = tpu.matmul %get3A_54, %get3A_57, %dot_general3A {dimension_numbers = #tpu.dot_dimension_numbers<[1], [0], [0], [1], [0, 0, 1, 1], [], []>, transpose_lhs_hint = false} : vector<2000x48xf32>, vector<48x48xf32>, vector<2000x48xf32> -> vector<2000x48xf32>
    %add3A_59 = arith.addf %div3A_51, %dot_general3A_58 : vector<2000x48xf32>
    %get3A_60 = arith.constant 0 : index
    %get3A_61 = arith.constant 0 : index
    %get3A_62 = vector.load %arg7[%get3A_60, %get3A_61] : memref<1x48xf32, #tpu.memory_space<vmem>>, vector<1x48xf32>
    %add3A_63 = vector.broadcast %get3A_62 : vector<1x48xf32> to vector<2000x48xf32>
    %add3A_64 = arith.addf %add3A_59, %add3A_63 : vector<2000x48xf32>
    %sub3A = arith.subf %add3A_64, %add3A_64 : vector<2000x48xf32>
    %mul3A = arith.mulf %sub3A, %sub3A : vector<2000x48xf32>
    %add3A_65 = arith.constant 9.99999997E-7 : f32
    %add3A_66 = vector.broadcast %add3A_65 : f32 to vector<2000x48xf32>
    %add3A_67 = arith.addf %mul3A, %add3A_66 : vector<2000x48xf32>
    %rsqrt3A = math.rsqrt %add3A_67 : vector<2000x48xf32>
    %mul3A_68 = arith.mulf %sub3A, %rsqrt3A : vector<2000x48xf32>
    %get3A_69 = arith.constant 0 : index
    %get3A_70 = arith.constant 0 : index
    %get3A_71 = vector.load %arg8[%get3A_69, %get3A_70] : memref<1x48xf32, #tpu.memory_space<vmem>>, vector<1x48xf32>
    %mul3A_72 = vector.broadcast %get3A_71 : vector<1x48xf32> to vector<2000x48xf32>
    %mul3A_73 = arith.mulf %mul3A_68, %mul3A_72 : vector<2000x48xf32>
    %get3A_74 = arith.constant 0 : index
    %get3A_75 = arith.constant 0 : index
    %get3A_76 = vector.load %arg9[%get3A_74, %get3A_75] : memref<1x48xf32, #tpu.memory_space<vmem>>, vector<1x48xf32>
    %add3A_77 = vector.broadcast %get3A_76 : vector<1x48xf32> to vector<2000x48xf32>
    %add3A_78 = arith.addf %mul3A_73, %add3A_77 : vector<2000x48xf32>
    %swap3A = arith.constant 0 : index
    %swap3A_79 = arith.constant 0 : index
    %swap3A_80 = vector.load %arg10[%swap3A, %swap3A_79] : memref<2000x48xf32, #tpu.memory_space<vmem>>, vector<2000x48xf32>
    tpu.vector_store %arg10[%swap3A, %swap3A_79], %add3A_78 {strides = array<i32>} : memref<2000x48xf32, #tpu.memory_space<vmem>>, vector<2000x48xf32>,
    return
  }
  func.func @transform_0(%arg0: i32) -> (i32, i32, i32) {
    %c0_i32 = arith.constant 0 : i32
    %c0_i32_0 = arith.constant 0 : i32
    %c0_i32_1 = arith.constant 0 : i32
    return %c0_i32, %arg0, %c0_i32_0 : i32, i32, i32
  }
  func.func @transform_1(%arg0: i32) -> (i32, i32, i32) {
    %c0_i32 = arith.constant 0 : i32
    %c0_i32_0 = arith.constant 0 : i32
    %c0_i32_1 = arith.constant 0 : i32
    return %c0_i32, %arg0, %c0_i32_0 : i32, i32, i32
  }
  func.func @transform_2(%arg0: i32) -> (i32, i32, i32) {
    %c0_i32 = arith.constant 0 : i32
    %c0_i32_0 = arith.constant 0 : i32
    %c0_i32_1 = arith.constant 0 : i32
    return %c0_i32, %arg0, %c0_i32_0 : i32, i32, i32
  }
  func.func @transform_3(%arg0: i32) -> (i32, i32, i32) {
    %c0_i32 = arith.constant 0 : i32
    %c0_i32_0 = arith.constant 0 : i32
    %c0_i32_1 = arith.constant 0 : i32
    return %c0_i32, %arg0, %c0_i32_0 : i32, i32, i32
  }
  func.func @transform_4(%arg0: i32) -> (i32, i32) {
    %c0_i32 = arith.constant 0 : i32
    %c0_i32_0 = arith.constant 0 : i32
    return %arg0, %c0_i32 : i32, i32
  }
  func.func @transform_5(%arg0: i32) -> (i32, i32) {
    %c0_i32 = arith.constant 0 : i32
    %c0_i32_0 = arith.constant 0 : i32
    %c0_i32_1 = arith.constant 0 : i32
    return %c0_i32, %c0_i32_0 : i32, i32
  }
  func.func @transform_6(%arg0: i32) -> (i32, i32) {
    %c0_i32 = arith.constant 0 : i32
    %c0_i32_0 = arith.constant 0 : i32
    %c0_i32_1 = arith.constant 0 : i32
    return %c0_i32, %c0_i32_0 : i32, i32
  }
  func.func @transform_7(%arg0: i32) -> (i32, i32) {
    %c0_i32 = arith.constant 0 : i32
    %c0_i32_0 = arith.constant 0 : i32
    %c0_i32_1 = arith.constant 0 : i32
    return %c0_i32, %c0_i32_0 : i32, i32
  }
  func.func @transform_8(%arg0: i32) -> (i32, i32) {
    %c0_i32 = arith.constant 0 : i32
    %c0_i32_0 = arith.constant 0 : i32
    %c0_i32_1 = arith.constant 0 : i32
    return %c0_i32, %c0_i32_0 : i32, i32
  }
  func.func @transform_9(%arg0: i32) -> (i32, i32) {
    %c0_i32 = arith.constant 0 : i32
    %c0_i32_0 = arith.constant 0 : i32
    return %arg0, %c0_i32 : i32, i32
  }
}

</mosaic_0001>

<sc_bundles>
// kernel: kernel.15.cloned.1.call-start
scs
__scs_entry_jumppad:
0x0: {  	(pc) =	sbr.rel $0x88, $3  }
0x1: {  	(tag) =	ssettag $0x0;
	lr =	simm.s32 $0x1  }
0x2: {  	[smem:$0x3F98] =	sst lr;
	_ =	strace $0xD0000000  }
0x3: {  	_ = 	snop  }
0x4: {  	_ = 	snop  }
0x5: {  	_ = 	snop  }
0x6: {  	_ = 	snop  }
0x7: {  	_ = 	snop  }
__scs_overlays_trampoline_lowered:
0x8: {  	[smem:$0x3FA7] =	sst s0  }
0x9: {  	[smem:$0x3FA8] =	sst s1  }
0xa: {  	[smem:$0x3FA9] =	sst s2  }
0xb: {  	[smem:$0x3FAA] =	sst s3  }
0xc: {  	[smem:$0x3FAB] =	sst s4  }
0xd: {  	[smem:$0x3FAC] =	sst s5  }
0xe: {  	[smem:$0x3FAD] =	sst s6  }
0xf: {  	[smem:$0x3FAE] =	sst s7  }
0x10: {  	[smem:$0x3FAF] =	sst s8  }
0x11: {  	[smem:$0x3FB0] =	sst s9;
	s0 =	simm.s32 @!p0 $0x0  }
0x12: {  	s1 =	sld [smem:$0x3F96];
	s0 =	simm.s32 @p0 $0x1  }
0x13: {  	[smem:$0x3FB1] =	sst s0;
	s0 =	simm.s32 @!p1 $0x0  }
0x14: {  	s2 =	sld [smem:$0x3F95];
	s0 =	simm.s32 @p1 $0x1  }
0x15: {  	[smem:$0x3FB2] =	sst s0;
	s0 =	simm.s32 @!p2 $0x0  }
0x16: {  	s3 =	sld [smem:$0x3FDB];
	s0 =	simm.s32 @p2 $0x1  }
0x17: {  	s4 =	simm.s32 $0x1BF5;
	[smem:$0x3FB4] =	sst s0  }
0x18: {  	s0 =	sld [smem:$0x3F97];
	_ =	swait.ge [sflag:s4], $0x0  }
0x19: {  	s7 =	sld [smem:$0x3F98]  }
0x1a: {  	s8 =	sadd.s32 $0xFFFFE003, lr  }
0x1b: {  	s9 =	sadd.s32 $0xFFFFFEF7, lr;
	s5 =	simm.s32 $0xFFFFFFFF;
	p2 =	slt.u32 s8, $0xFFFFF086  }
0x1c: {  	p1 =	slt.u32 s9, $0xF7A;
	s5 =	simm.s32 @!p2 $0x0  }
0x1d: {  	s5 =	simm.s32 @p1 $0x1;
	p0 =	seq.s32 s7, s2  }
0x1e: {  	s7 =	smul.u32 @!p0 $0xF7A, s2;
	p2 =	seq.s32 @!p0 s5, $0x0  }
0x1f: {  	s9 =	smul.u32 $0xF7A, s1;
	s8 =	simm.s32 @!p0 $0x1BF5;
	p2 =	por !p2, p0  }
0x20: {  	[sflag:s8] =	ssyncset.s32 @!p0 $0xFFFFF086;
	s6 =	sadd.s32 @!p0 s3, s7;
	s7 =	simm.s32 @!p0 $0x108  }
0x21: {  	s3 =	sadd.s32 s3, s9;
	s6 =	sadd.s32 @!p0 $0x88, s6;
	s7 =	simm.s32 @p2 $0x1082  }
0x22: {  	[simem:s7], [sflag:s8] =	dma.local @!p0 [hbm:s6], $0xF7A  }
0x23: {  	s9 =	sor.u32 $0xD0000000, s2;
	s6 =	simm.s32 $0x108;
	_ =	swait.ge @!p0 [sflag:s8], $0x0  }
0x24: {  	s3 =	sadd.s32 $0x88, s3;
	s6 =	simm.s32 @!p1 $0x1082;
	[sflag:s4] =	ssyncset.s32 $0xFFFFF086  }
0x25: {  	[simem:s6], [sflag:s4] =	dma.local [hbm:s3], $0xF7A  }
0x26: {  	[smem:$0x3F98] =	sst s1;
	(tag) =	ssettag s2;
	_ =	strace s9  }
0x27: {  	s1 =	sld [smem:$0x3FA8]  }
0x28: {  	s2 =	sld [smem:$0x3FA9]  }
0x29: {  	s4 =	sld [smem:$0x3FAB]  }
0x2a: {  	p0 =	seq.s32 s5, $0x0;
	s5 =	sld [smem:$0x3FAC]  }
0x2b: {  	s6 =	sld [smem:$0x3FAD]  }
0x2c: {  	s7 =	sld [smem:$0x3FAE]  }
0x2d: {  	s3 =	simm.s32 $0x108;
	s8 =	sld [smem:$0x3FAF]  }
0x2e: {  	s3 =	simm.s32 @!p0 $0x1082;
	s9 =	sld [smem:$0x3FB0]  }
0x2f: {  	lr =	sadd.s32 s0, s3;
	s0 =	sld [smem:$0x3FA7]  }
0x30: {  	s3 =	sld [smem:$0x3FAA]  }
0x31: {  	[smem:$0x3FB3] =	sst s10  }
0x32: {  	s10 =	sld [smem:$0x3FB1];
	_ =	sdelay $0x3  }
0x33: {  	p0 =	seq.s32 s10, $0x1;
	s10 =	sld [smem:$0x3FB3];
	_ =	sdelay $0x3  }
0x34: {  	[smem:$0x3FB3] =	sst s10  }
0x35: {  	s10 =	sld [smem:$0x3FB2];
	_ =	sdelay $0x3  }
0x36: {  	p1 =	seq.s32 s10, $0x1;
	s10 =	sld [smem:$0x3FB3];
	_ =	sdelay $0x3  }
0x37: {  	[smem:$0x3FB3] =	sst s10  }
0x38: {  	s10 =	sld [smem:$0x3FB4]  }
0x39: {  	_ = 	snop;
	(pc) =	sbr.ind lr, $3  }
0x3a: {  	_ = 	snop  }
0x3b: {  	_ = 	snop  }
0x3c: {  	p2 =	seq.s32 s10, $0x1;
	s10 =	sld [smem:$0x3FB3]  }
0x3d: {  	_ =	shalt  }
0x3e: {  	_ =	shalt  }
0x3f: {  	_ =	shalt  }
0x40: {  	_ =	shalt  }
0x41: {  	_ =	shalt  }
0x42: {  	_ =	shalt  }
0x43: {  	_ =	shalt  }
0x44: {  	_ =	shalt  }
0x45: {  	_ =	shalt  }
0x46: {  	_ =	shalt  }
0x47: {  	_ =	shalt  }
0x48: {  	_ =	shalt  }
0x49: {  	_ =	shalt  }
0x4a: {  	_ =	shalt  }
0x4b: {  	_ =	shalt  }
0x4c: {  	_ =	shalt  }
0x4d: {  	_ =	shalt  }
0x4e: {  	_ =	shalt  }
0x4f: {  	_ =	shalt  }
0x50: {  	_ =	shalt  }
0x51: {  	_ =	shalt  }
0x52: {  	_ =	shalt  }
0x53: {  	_ =	shalt  }
0x54: {  	_ =	shalt  }
0x55: {  	_ =	shalt  }
0x56: {  	_ =	shalt  }
0x57: {  	_ =	shalt  }
0x58: {  	_ =	shalt  }
0x59: {  	_ =	shalt  }
0x5a: {  	_ =	shalt  }
0x5b: {  	_ =	shalt  }
0x5c: {  	_ =	shalt  }
0x5d: {  	_ =	shalt  }
0x5e: {  	_ =	shalt  }
0x5f: {  	_ =	shalt  }
0x60: {  	_ =	shalt  }
0x61: {  	_ =	shalt  }
0x62: {  	_ =	shalt  }
0x63: {  	_ =	shalt  }
0x64: {  	_ =	shalt  }
0x65: {  	_ =	shalt  }
0x66: {  	_ =	shalt  }
0x67: {  	_ =	shalt  }
0x68: {  	_ =	shalt  }
0x69: {  	_ =	shalt  }
0x6a: {  	_ =	shalt  }
0x6b: {  	_ =	shalt  }
0x6c: {  	_ =	shalt  }
0x6d: {  	_ =	shalt  }
0x6e: {  	_ =	shalt  }
0x6f: {  	_ =	shalt  }
0x70: {  	_ =	shalt  }
0x71: {  	_ =	shalt  }
0x72: {  	_ =	shalt  }
0x73: {  	_ =	shalt  }
0x74: {  	_ =	shalt  }
0x75: {  	_ =	shalt  }
0x76: {  	_ =	shalt  }
0x77: {  	_ =	shalt  }
0x78: {  	_ =	shalt  }
0x79: {  	_ =	shalt  }
0x7a: {  	_ =	shalt  }
0x7b: {  	_ =	shalt  }
0x7c: {  	_ =	shalt  }
0x7d: {  	_ =	shalt  }
0x7e: {  	_ =	shalt  }
0x7f: {  	_ =	shalt  }
0x80: {  	_ =	shalt  }
0x81: {  	_ =	shalt  }
0x82: {  	_ =	shalt  }
0x83: {  	_ =	shalt  }
0x84: {  	_ =	shalt  }
0x85: {  	_ =	shalt  }
0x86: {  	_ =	shalt  }
0x87: {  	_ =	shalt  }
.Lfunc_end0:
.L_simem_size_0:
called_computation_lowered:
.L_overlay_start_0:
0x88: {  	s2 =	sld [smem:$0x3FD9]  }
0x89: {  	s3 =	sld [smem:$0x3FFE];
	_ =	sdelay $0x1  }
0x8a: {  	s1 =	srdreg.scid  }
0x8b: {  	s0 =	sand.u32 $0x1, s1  }
0x8c: {  	s17 =	sshll.u32 s0, $0xA;
	s2 =	sadd.s32 s3, s2  }
0x8d: {  	s2 =	sadd.s32 s2, s17  }
0x8e: {  	[smem:$0x3FBF] =	sst s2  }
0x8f: {  	_ = 	snop  }
0x90: {  	s18 =	sld [smem:$0x3FD0];
	(tm) =	ssettm $0x1  }
0x91: {  	s19 =	sld [smem:$0x3FFB];
	_ =	sdelay $0x3  }
0x92: {  	_ =	strace s19  }
0x93: {  	s2 =	sld [smem:$0x3FFC];
	_ =	sdelay $0x3  }
0x94: {  	_ =	strace s2  }
0x95: {  	s2 =	sld [smem:$0x3FFD];
	_ =	sdelay $0x3  }
0x96: {  	_ =	strace s2  }
0x97: {  	_ =	strace $0x8FFFFFFF  }
0x98: {  	s20 =	sld [smem:$0x3FDB];
	_ =	sdelay $0x1  }
0x99: {  	s4 =	simm.s32 $_scs_section_size  }
0x9a: {  	s5 =	simm.s32 $_size__tile_overlayer_lowered;
	s6 =	simm.s32 $_tile_overlayer_lowered  }
0x9b: {  	s7 =	simm.s32 $0x1BFF;
	s21 =	sshll.u32 s6, $0x1;
	s4 =	sadd.s32 s4, s20  }
0x9c: {  	s22 =	simm.s32 $0x0;
	s5 =	sshll.u32 s5, $0x1;
	s6 =	sadd.s32 s21, s4  }
0x9d: {  	[timem:s22], [sflag:s7] =	dma.local [hbm:s6], s5  }
0x9e: {  	_ =	swait.ge [sflag:s7], s5  }
0x9f: {  	s5 =	ssub.s32 $0x0, s5;
	[sflag:s7] =	ssyncset.done $0x0  }
0xa0: {  	[sflag:s7] =	ssyncadd.s32 s5;
	_ =	sdelay $0x1  }
0xa1: {  	s23 =	simm.s32 $0x1B8B  }
0xa2: {  	_ =	swait.ge [sflag:s23], $0x1  }
0xa3: {  	[sflag:s23] =	ssyncset.done $0x0  }
0xa4: {  	[sflag:s23] =	ssyncadd.s32 $0xFFFFFFFF  }
0xa5: {  	s5 =	sld [smem:$0x0]  }
0xa6: {  	s6 =	sand.u32 $0xFFFFFFFE, s1  }
0xa7: {  	p0 =	sne.s32 s1, s6  }
0xa8: {  	s6 =	sshll.u32 @p0 s6, $0xE  }
0xa9: {  	s6 =	sadd.s32 @p0 $0x11B8D, s6;
	s7 =	sshll.u32 @p0 s5, $0x11  }
0xaa: {  	s6 =	sor.u32 @p0 s7, s6  }
0xab: {  	[sflag:s6] =	ssyncadd.remote.s32 @p0 $0x1;
	_ =	sdelay $0x1  }
0xac: {  	s6 =	simm.s32 @p0 $0x1B8D  }
0xad: {  	_ =	swait.eq @p0 [sflag:s6], $0x1  }
0xae: {  	[sflag:s6] =	ssyncadd.s32 @p0 $0xFFFFFFFF  }
0xaf: {  	s7 =	sshll.u32 @!p0 s1, $0xE  }
0xb0: {  	s7 =	sor.u32 @!p0 $0x4000, s7;
	s6 =	simm.s32 @!p0 $0x1B8D  }
0xb1: {  	s5 =	sshll.u32 @!p0 s5, $0x11;
	s7 =	sadd.s32 @!p0 $0x11B8D, s7;
	_ =	swait.eq @!p0 [sflag:s6], $0x1  }
0xb2: {  	s5 =	sor.u32 @!p0 s5, s7;
	[sflag:s6] =	ssyncadd.s32 @!p0 $0xFFFFFFFF  }
0xb3: {  	s25 =	simm.s32 $0x1B8E;
	s24 =	sld [smem:$0x3FFE];
	[sflag:s5] =	ssyncadd.remote.s32 @!p0 $0x1  }
0xb4: {  	s26 =	simm.s32 $execute0_lowered;
	[smem:$0x3FD2] =	sst s25  }
0xb5: {  	s6 =	sshll.u32 s26, $0x1;
	_ =	strace $0x8000004C;
	[dreg:$0x1] =	wrdreg $0xFFFFFFFF  }
0xb6: {  	s28 =	simm.s32 $_size_execute0_lowered;
	s4 =	sadd.s32 s4, s6;
	[dreg:$0x0] =	wrdreg $0x0  }
0xb7: {  	s6 =	sshll.u32 s28, $0x1;
	[dreg:$0x2] =	wrdreg s4  }
0xb8: {  	[dreg:$0x3] =	wrdreg s6  }
0xb9: {  	[dreg:$0x4] =	wrdreg $0xC0  }
0xba: {  	_ =	task [dreg:s22], $0x5FFFF  }
0xbb: {  	[dreg:$0x1] =	wrdreg $0xFFFFFFFF  }
0xbc: {  	[dreg:$0x0] =	wrdreg $0x60  }
0xbd: {  	[dreg:$0x2] =	wrdreg s18  }
0xbe: {  	[dreg:$0x3] =	wrdreg s24  }
0xbf: {  	[dreg:$0x4] =	wrdreg $0xB  }
0xc0: {  	_ =	task.clear_ibuf [dreg:s22], $0x5FFFF;
	_ =	strace $0x9000004C  }
0xc1: {  	s29 =	simm.s32 $0xB;
	_ =	strace $0x8000004E  }
0xc2: {  	_ =	swait.ge [sflag:s29], $0x1  }
0xc3: {  	[sflag:s29] =	ssyncadd.s32 $0xFFFFFFFF  }
0xc4: {  	_ =	strace $0x9000004E  }
0xc5: {  	_ =	sfence  }
0xc6: {  	s30 =	sld [smem:$0x0];
	_ =	sdelay $0x2  }
0xc7: {  	s31 =	sshll.u32 s1, $0xD;
	s1 =	sshrl.u32 s1, $0x2  }
0xc8: {  	s4 =	sand.u32 $0x4000, s31;
	s1 =	sadd.s32 s1, s30  }
0xc9: {  	s0 =	sor.u32 s4, s0;
	s1 =	sshll.u32 s1, $0x11  }
0xca: {  	s0 =	sor.u32 s1, s0  }
0xcb: {  	s0 =	sadd.s32 $0x8F2B, s0  }
0xcc: {  	[sflag:s0] =	ssyncadd.remote.s32 $0x1  }
0xcd: {  	_ =	sfence.sel $0xFFFF  }
0xce: {  	[dreg:$0x0] =	wrdreg $0xFFFFFFFF;
	(pc) =	sbr.abs _section_cstart, $3  }
0xcf: {  	[dreg:$0x1] =	wrdreg $0xFFFFFFFF  }
0xd0: {  	_ =	task.clear_ibuf [dreg:s22], $0x2FFFF;
	_ =	strace $0x9FFFFFFF  }
0xd1: {  	(tm) =	ssettm $0x7FFFFFFF  }
tec
execute0_lowered:
.L_overlay_start_1:
0x0: {  	(tag) =	ssettag $0x1  }
0x1: {  	s0 =	srdreg.scid;
	s3 =	rddreg [dreg:$0x0]  }
0x2: {  	s1 =	stileid.u32;
	s4 =	rddreg [dreg:$0x1];
	s2 =	simm.s32 $0x0  }
0x3: {  	s28 =	simm.s32 $0xB;
	s15 =	simm.s32 $0x1D00;
	s29 =	simm.s32 $0x100  }
0x4: {  	s13 =	simm.s32 $0x3500;
	s30 =	simm.s32 $0x180;
	s11 =	simm.s32 $0x4D00  }
0x5: {  	s31 =	simm.s32 $0x200;
	s9 =	simm.s32 $0x6500;
	s16 =	simm.s32 $0x4  }
0x6: {  	s14 =	simm.s32 $0x5;
	s0 =	sand.u32 $0x1, s0;
	s1 =	sshll.u32 s1, $0x1  }
0x7: {  	s12 =	simm.s32 $0x6;
	s10 =	simm.s32 $0x7;
	s1 =	sor.u32 s0, s1  }
0x8: {  	s8 =	simm.s32 $0x8;
	s6 =	simm.s32 $0x9;
	s5 =	smul.u32 $0xA0, s1  }
0x9: {  	p0 =	por $0x0, $0x0;
	[smem:$0x7FF] =	sst s2;
	s1 =	smul.u32 $0x1E00, s1  }
0xa: {  	s7 =	simm.s32 $0xA;
	_ =	strace $0x8000004D;
	s5 =	sadd.s32 s5, s4  }
0xb: {  	s0 =	ssub.s32 $0x2, s0;
	s1 =	sadd.s32 s1, s4;
	s17 =	sadd.s32 $0x2E400, s5  }
0xc: {  	s24 =	sshrl.u32 s0, $0x1;
	s18 =	sadd.s32 $0xA8C00, s1;
	[dreg:$0x3] =	wrdreg s17  }
0xd: {  	s0 =	ssub.s32 s0, s24;
	s19 =	sadd.s32 $0xA8F00, s1;
	[dreg:$0x4] =	wrdreg s18  }
0xe: {  	s24 =	simm.s32 $0x380;
	s20 =	sadd.s32 $0xA9200, s1;
	[dreg:$0x5] =	wrdreg s19  }
0xf: {  	s0 =	smax.u32 s0, $0x1;
	s21 =	sadd.s32 $0xA9500, s1;
	[dreg:$0x6] =	wrdreg s20  }
0x10: {  	s22 =	sadd.s32 $0xA9800, s1;
	s23 =	sadd.s32 $0xA9B00, s1;
	[dreg:$0x7] =	wrdreg s21  }
0x11: {  	s25 =	sadd.s32 $0xA9E00, s1;
	s26 =	sadd.s32 $0xAA100, s1;
	[dreg:$0x8] =	wrdreg s22  }
0x12: {  	s5 =	sadd.s32 $0xAA400, s1;
	p1 =	sne.s32 s0, $0x1;
	[dreg:$0x9] =	wrdreg s23  }
.Ltmp0:
0x13: {  	s4 =	sadd.s32 $0xAA700, s1;
	[dreg:$0xa] =	wrdreg s25;
	(pc) =	sbr.rel @!p1 .LBB2_3-.Ltmp0, $4  }
0x14: {  	s1 =	sadd.s32 $0xFFFFFFFF, s0;
	[dreg:$0xb] =	wrdreg s26;
	s19 =	simm.s32 $0x80  }
0x15: {  	s17 =	simm.s32 $0x500;
	s21 =	simm.s32 $0x1;
	s20 =	simm.s32 $0x2  }
0x16: {  	s18 =	simm.s32 $0x3;
	s22 =	simm.s32 $0x280;
	s23 =	simm.s32 $0x300  }
0x17: {  	s25 =	simm.s32 $0x400;
	s26 =	simm.s32 $0x480;
	s0 =	rddreg [dreg:$0x3]  }
0x18: {  	[tilespmem:s2], [sflag:$0xB] =	stream.linear.gather [hbm4b:s0+s2], $0x500, $0x38;
	[tilespmem:$0x7D00] =	vst v63  }
0x19: {  	_ =	swait.ge [sflag:s28], $0x500  }
0x1a: {  	[sflag:s28] =	ssyncset.done $0x0  }
0x1b: {  	[sflag:s28] =	ssyncadd.s32 $0xFFFFFB00  }
0x1c: {  	[tilespmem:s17], [sflag:$0x1] =	stream.indirect.gather [hbm4b:s3+s19], $0x30, s2, s19, $0xb8;
	[tilespmem:$0x7D00] =	vst v63  }
0x1d: {  	_ = 	snop  }
0x1e: {  	[tilespmem:s15], [sflag:$0x2] =	stream.indirect.gather [hbm4b:s3+s19], $0x30, s19, s19, $0xb8;
	[tilespmem:$0x7D00] =	vst v63  }
0x1f: {  	_ = 	snop  }
0x20: {  	[tilespmem:s13], [sflag:$0x3] =	stream.indirect.gather [hbm4b:s3+s19], $0x30, s29, s19, $0xb8;
	[tilespmem:$0x7D00] =	vst v63  }
0x21: {  	_ = 	snop  }
0x22: {  	[tilespmem:s11], [sflag:$0x4] =	stream.indirect.gather [hbm4b:s3+s19], $0x30, s30, s19, $0xb8;
	[tilespmem:$0x7D00] =	vst v63  }
0x23: {  	_ = 	snop  }
0x24: {  	[tilespmem:s9], [sflag:$0x5] =	stream.indirect.gather [hbm4b:s3+s19], $0x30, s31, s19, $0xb8;
	[tilespmem:$0x7D00] =	vst v63  }
0x25: {  	_ =	swait.ge [sflag:s21], $0x1800  }
0x26: {  	[sflag:s21] =	ssyncset.done $0x0  }
0x27: {  	s0 =	rddreg [dreg:$0x4];
	[sflag:s21] =	ssyncadd.s32 $0xFFFFE800  }
0x28: {  	[hbm4b:s0+s2] =	stream.linear.scatter [tilespmem:s17], [sflag:$0x6], $0x1800, $0x38;
	[tilespmem:$0x7D00] =	vst v63  }
0x29: {  	_ =	swait.ge [sflag:s20], $0x1800  }
0x2a: {  	[sflag:s20] =	ssyncset.done $0x0  }
0x2b: {  	s0 =	rddreg [dreg:$0x5];
	[sflag:s20] =	ssyncadd.s32 $0xFFFFE800  }
0x2c: {  	[hbm4b:s0+s2] =	stream.linear.scatter [tilespmem:s15], [sflag:$0x7], $0x1800, $0x38;
	[tilespmem:$0x7D00] =	vst v63  }
0x2d: {  	_ =	swait.ge [sflag:s18], $0x1800  }
0x2e: {  	[sflag:s18] =	ssyncset.done $0x0  }
0x2f: {  	s0 =	rddreg [dreg:$0x6];
	[sflag:s18] =	ssyncadd.s32 $0xFFFFE800  }
0x30: {  	[hbm4b:s0+s2] =	stream.linear.scatter [tilespmem:s13], [sflag:$0x8], $0x1800, $0x38;
	[tilespmem:$0x7D00] =	vst v63  }
0x31: {  	_ =	swait.ge [sflag:s16], $0x1800  }
0x32: {  	[sflag:s16] =	ssyncset.done $0x0  }
0x33: {  	s0 =	rddreg [dreg:$0x7];
	[sflag:s16] =	ssyncadd.s32 $0xFFFFE800  }
0x34: {  	[hbm4b:s0+s2] =	stream.linear.scatter [tilespmem:s11], [sflag:$0x9], $0x1800, $0x38;
	[tilespmem:$0x7D00] =	vst v63  }
0x35: {  	_ =	swait.ge [sflag:s14], $0x1800  }
0x36: {  	[sflag:s14] =	ssyncset.done $0x0  }
0x37: {  	s0 =	rddreg [dreg:$0x8];
	[sflag:s14] =	ssyncadd.s32 $0xFFFFE800  }
0x38: {  	[hbm4b:s0+s2] =	stream.linear.scatter [tilespmem:s9], [sflag:$0xA], $0x1800, $0x38;
	[tilespmem:$0x7D00] =	vst v63  }
0x39: {  	_ =	swait.ge [sflag:s12], $0x1800  }
0x3a: {  	[sflag:s12] =	ssyncset.done $0x0  }
0x3b: {  	[sflag:s12] =	ssyncadd.s32 $0xFFFFE800  }
0x3c: {  	_ =	swait.ge [sflag:s10], $0x1800  }
0x3d: {  	[sflag:s10] =	ssyncset.done $0x0  }
0x3e: {  	[sflag:s10] =	ssyncadd.s32 $0xFFFFE800  }
0x3f: {  	_ =	swait.ge [sflag:s8], $0x1800  }
0x40: {  	[sflag:s8] =	ssyncset.done $0x0  }
0x41: {  	[sflag:s8] =	ssyncadd.s32 $0xFFFFE800  }
0x42: {  	_ =	swait.ge [sflag:s6], $0x1800  }
0x43: {  	[sflag:s6] =	ssyncset.done $0x0  }
0x44: {  	[sflag:s6] =	ssyncadd.s32 $0xFFFFE800  }
0x45: {  	_ =	swait.ge [sflag:s7], $0x1800  }
0x46: {  	[sflag:s7] =	ssyncset.done $0x0  }
0x47: {  	[sflag:s7] =	ssyncadd.s32 $0xFFFFE800  }
0x48: {  	[tilespmem:s17], [sflag:$0x1] =	stream.indirect.gather [hbm4b:s3+s19], $0x30, s22, s19, $0xb8;
	[tilespmem:$0x7D00] =	vst v63  }
0x49: {  	_ = 	snop  }
0x4a: {  	[tilespmem:s15], [sflag:$0x2] =	stream.indirect.gather [hbm4b:s3+s19], $0x30, s23, s19, $0xb8;
	[tilespmem:$0x7D00] =	vst v63  }
0x4b: {  	_ = 	snop  }
0x4c: {  	[tilespmem:s13], [sflag:$0x3] =	stream.indirect.gather [hbm4b:s3+s19], $0x30, s24, s19, $0xb8;
	[tilespmem:$0x7D00] =	vst v63  }
0x4d: {  	_ = 	snop  }
0x4e: {  	[tilespmem:s11], [sflag:$0x4] =	stream.indirect.gather [hbm4b:s3+s19], $0x30, s25, s19, $0xb8;
	[tilespmem:$0x7D00] =	vst v63  }
0x4f: {  	_ = 	snop  }
0x50: {  	[tilespmem:s9], [sflag:$0x5] =	stream.indirect.gather [hbm4b:s3+s19], $0x30, s26, s19, $0xb8;
	[tilespmem:$0x7D00] =	vst v63  }
0x51: {  	_ =	swait.ge [sflag:s21], $0x1800  }
0x52: {  	[sflag:s21] =	ssyncset.done $0x0  }
0x53: {  	s0 =	rddreg [dreg:$0x9];
	[sflag:s21] =	ssyncadd.s32 $0xFFFFE800  }
0x54: {  	[hbm4b:s0+s2] =	stream.linear.scatter [tilespmem:s17], [sflag:$0x6], $0x1800, $0x38;
	[tilespmem:$0x7D00] =	vst v63  }
0x55: {  	_ =	swait.ge [sflag:s20], $0x1800  }
0x56: {  	[sflag:s20] =	ssyncset.done $0x0  }
0x57: {  	s0 =	rddreg [dreg:$0xa];
	[sflag:s20] =	ssyncadd.s32 $0xFFFFE800  }
0x58: {  	[hbm4b:s0+s2] =	stream.linear.scatter [tilespmem:s15], [sflag:$0x7], $0x1800, $0x38;
	[tilespmem:$0x7D00] =	vst v63  }
0x59: {  	_ =	swait.ge [sflag:s18], $0x1800  }
0x5a: {  	[sflag:s18] =	ssyncset.done $0x0  }
0x5b: {  	s0 =	rddreg [dreg:$0xb];
	[sflag:s18] =	ssyncadd.s32 $0xFFFFE800  }
0x5c: {  	[hbm4b:s0+s2] =	stream.linear.scatter [tilespmem:s13], [sflag:$0x8], $0x1800, $0x38;
	[tilespmem:$0x7D00] =	vst v63  }
0x5d: {  	_ =	swait.ge [sflag:s16], $0x1800  }
0x5e: {  	[sflag:s16] =	ssyncset.done $0x0  }
0x5f: {  	[sflag:s16] =	ssyncadd.s32 $0xFFFFE800  }
0x60: {  	[hbm4b:s5+s2] =	stream.linear.scatter [tilespmem:s11], [sflag:$0x9], $0x1800, $0x38;
	[tilespmem:$0x7D00] =	vst v63  }
0x61: {  	_ =	swait.ge [sflag:s14], $0x1800  }
0x62: {  	[sflag:s14] =	ssyncset.done $0x0  }
0x63: {  	[sflag:s14] =	ssyncadd.s32 $0xFFFFE800  }
0x64: {  	[hbm4b:s4+s2] =	stream.linear.scatter [tilespmem:s9], [sflag:$0xA], $0x1800, $0x38;
	[tilespmem:$0x7D00] =	vst v63  }
0x65: {  	_ =	swait.ge [sflag:s12], $0x1800  }
0x66: {  	[sflag:s12] =	ssyncset.done $0x0  }
0x67: {  	[sflag:s12] =	ssyncadd.s32 $0xFFFFE800  }
0x68: {  	_ =	swait.ge [sflag:s10], $0x1800  }
0x69: {  	[sflag:s10] =	ssyncset.done $0x0  }
0x6a: {  	[sflag:s10] =	ssyncadd.s32 $0xFFFFE800  }
0x6b: {  	_ =	swait.ge [sflag:s8], $0x1800  }
0x6c: {  	[sflag:s8] =	ssyncset.done $0x0  }
0x6d: {  	p1 =	sne.s32 s1, $0x1;
	[sflag:s8] =	ssyncadd.s32 $0xFFFFE800  }
.Ltmp1:
0x6e: {  	_ =	swait.ge [sflag:s6], $0x1800;
	(pc) =	sbr.rel @!p1 .LBB2_3-.Ltmp1, $4  }
0x6f: {  	[sflag:s6] =	ssyncset.done $0x0  }
0x70: {  	[sflag:s6] =	ssyncadd.s32 $0xFFFFE800  }
0x71: {  	s1 =	sadd.s32 $0xFFFFFFFF, s1;
	_ =	swait.ge [sflag:s7], $0x1800  }
0x72: {  	p0 =	por $0x1, $0x1;
	s0 =	rddreg [dreg:$0x3];
	[sflag:s7] =	ssyncset.done $0x0  }
.LBB2_2:
0x73: {  	[sflag:s7] =	ssyncadd.s32 $0xFFFFE800  }
0x74: {  	[tilespmem:s2], [sflag:$0xB] =	stream.linear.gather [hbm4b:s0+s2], $0x500, $0x38;
	[tilespmem:$0x7D00] =	vst v63  }
0x75: {  	_ =	swait.ge [sflag:s28], $0x500  }
0x76: {  	[sflag:s28] =	ssyncset.done $0x0  }
0x77: {  	[sflag:s28] =	ssyncadd.s32 $0xFFFFFB00  }
0x78: {  	[tilespmem:s17], [sflag:$0x1] =	stream.indirect.gather [hbm4b:s3+s19], $0x30, s2, s19, $0xb8;
	[tilespmem:$0x7D00] =	vst v63  }
0x79: {  	_ = 	snop  }
0x7a: {  	[tilespmem:s15], [sflag:$0x2] =	stream.indirect.gather [hbm4b:s3+s19], $0x30, s19, s19, $0xb8;
	[tilespmem:$0x7D00] =	vst v63  }
0x7b: {  	_ = 	snop  }
0x7c: {  	[tilespmem:s13], [sflag:$0x3] =	stream.indirect.gather [hbm4b:s3+s19], $0x30, s29, s19, $0xb8;
	[tilespmem:$0x7D00] =	vst v63  }
0x7d: {  	_ = 	snop  }
0x7e: {  	[tilespmem:s11], [sflag:$0x4] =	stream.indirect.gather [hbm4b:s3+s19], $0x30, s30, s19, $0xb8;
	[tilespmem:$0x7D00] =	vst v63  }
0x7f: {  	_ = 	snop  }
0x80: {  	[tilespmem:s9], [sflag:$0x5] =	stream.indirect.gather [hbm4b:s3+s19], $0x30, s31, s19, $0xb8;
	[tilespmem:$0x7D00] =	vst v63  }
0x81: {  	_ =	swait.ge [sflag:s21], $0x1800  }
0x82: {  	[sflag:s21] =	ssyncset.done $0x0  }
0x83: {  	s0 =	rddreg [dreg:$0x4];
	[sflag:s21] =	ssyncadd.s32 $0xFFFFE800  }
0x84: {  	[hbm4b:s0+s2] =	stream.linear.scatter [tilespmem:s17], [sflag:$0x6], $0x1800, $0x38;
	[tilespmem:$0x7D00] =	vst v63  }
0x85: {  	_ =	swait.ge [sflag:s20], $0x1800  }
0x86: {  	[sflag:s20] =	ssyncset.done $0x0  }
0x87: {  	s0 =	rddreg [dreg:$0x5];
	[sflag:s20] =	ssyncadd.s32 $0xFFFFE800  }
0x88: {  	[hbm4b:s0+s2] =	stream.linear.scatter [tilespmem:s15], [sflag:$0x7], $0x1800, $0x38;
	[tilespmem:$0x7D00] =	vst v63  }
0x89: {  	_ =	swait.ge [sflag:s18], $0x1800  }
0x8a: {  	[sflag:s18] =	ssyncset.done $0x0  }
0x8b: {  	s0 =	rddreg [dreg:$0x6];
	[sflag:s18] =	ssyncadd.s32 $0xFFFFE800  }
0x8c: {  	[hbm4b:s0+s2] =	stream.linear.scatter [tilespmem:s13], [sflag:$0x8], $0x1800, $0x38;
	[tilespmem:$0x7D00] =	vst v63  }
0x8d: {  	_ =	swait.ge [sflag:s16], $0x1800  }
0x8e: {  	[sflag:s16] =	ssyncset.done $0x0  }
0x8f: {  	s0 =	rddreg [dreg:$0x7];
	[sflag:s16] =	ssyncadd.s32 $0xFFFFE800  }
0x90: {  	[hbm4b:s0+s2] =	stream.linear.scatter [tilespmem:s11], [sflag:$0x9], $0x1800, $0x38;
	[tilespmem:$0x7D00] =	vst v63  }
0x91: {  	_ =	swait.ge [sflag:s14], $0x1800  }
0x92: {  	[sflag:s14] =	ssyncset.done $0x0  }
0x93: {  	s0 =	rddreg [dreg:$0x8];
	[sflag:s14] =	ssyncadd.s32 $0xFFFFE800  }
0x94: {  	[hbm4b:s0+s2] =	stream.linear.scatter [tilespmem:s9], [sflag:$0xA], $0x1800, $0x38;
	[tilespmem:$0x7D00] =	vst v63  }
0x95: {  	_ =	swait.ge [sflag:s12], $0x1800  }
0x96: {  	[sflag:s12] =	ssyncset.done $0x0  }
0x97: {  	[sflag:s12] =	ssyncadd.s32 $0xFFFFE800  }
0x98: {  	_ =	swait.ge [sflag:s10], $0x1800  }
0x99: {  	[sflag:s10] =	ssyncset.done $0x0  }
0x9a: {  	[sflag:s10] =	ssyncadd.s32 $0xFFFFE800  }
0x9b: {  	_ =	swait.ge [sflag:s8], $0x1800  }
0x9c: {  	[sflag:s8] =	ssyncset.done $0x0  }
0x9d: {  	[sflag:s8] =	ssyncadd.s32 $0xFFFFE800  }
0x9e: {  	_ =	swait.ge [sflag:s6], $0x1800  }
0x9f: {  	[sflag:s6] =	ssyncset.done $0x0  }
0xa0: {  	[sflag:s6] =	ssyncadd.s32 $0xFFFFE800  }
0xa1: {  	_ =	swait.ge [sflag:s7], $0x1800  }
0xa2: {  	[sflag:s7] =	ssyncset.done $0x0  }
0xa3: {  	[sflag:s7] =	ssyncadd.s32 $0xFFFFE800  }
0xa4: {  	[tilespmem:s17], [sflag:$0x1] =	stream.indirect.gather [hbm4b:s3+s19], $0x30, s22, s19, $0xb8;
	[tilespmem:$0x7D00] =	vst v63  }
0xa5: {  	_ = 	snop  }
0xa6: {  	[tilespmem:s15], [sflag:$0x2] =	stream.indirect.gather [hbm4b:s3+s19], $0x30, s23, s19, $0xb8;
	[tilespmem:$0x7D00] =	vst v63  }
0xa7: {  	_ = 	snop  }
0xa8: {  	[tilespmem:s13], [sflag:$0x3] =	stream.indirect.gather [hbm4b:s3+s19], $0x30, s24, s19, $0xb8;
	[tilespmem:$0x7D00] =	vst v63  }
0xa9: {  	_ = 	snop  }
0xaa: {  	[tilespmem:s11], [sflag:$0x4] =	stream.indirect.gather [hbm4b:s3+s19], $0x30, s25, s19, $0xb8;
	[tilespmem:$0x7D00] =	vst v63  }
0xab: {  	_ = 	snop  }
0xac: {  	[tilespmem:s9], [sflag:$0x5] =	stream.indirect.gather [hbm4b:s3+s19], $0x30, s26, s19, $0xb8;
	[tilespmem:$0x7D00] =	vst v63  }
0xad: {  	_ =	swait.ge [sflag:s21], $0x1800  }
0xae: {  	[sflag:s21] =	ssyncset.done $0x0  }
0xaf: {  	s0 =	rddreg [dreg:$0x9];
	[sflag:s21] =	ssyncadd.s32 $0xFFFFE800  }
0xb0: {  	[hbm4b:s0+s2] =	stream.linear.scatter [tilespmem:s17], [sflag:$0x6], $0x1800, $0x38;
	[tilespmem:$0x7D00] =	vst v63  }
0xb1: {  	_ =	swait.ge [sflag:s20], $0x1800  }
0xb2: {  	[sflag:s20] =	ssyncset.done $0x0  }
0xb3: {  	s0 =	rddreg [dreg:$0xa];
	[sflag:s20] =	ssyncadd.s32 $0xFFFFE800  }
0xb4: {  	[hbm4b:s0+s2] =	stream.linear.scatter [tilespmem:s15], [sflag:$0x7], $0x1800, $0x38;
	[tilespmem:$0x7D00] =	vst v63  }
0xb5: {  	_ =	swait.ge [sflag:s18], $0x1800  }
0xb6: {  	[sflag:s18] =	ssyncset.done $0x0  }
0xb7: {  	s0 =	rddreg [dreg:$0xb];
	[sflag:s18] =	ssyncadd.s32 $0xFFFFE800  }
0xb8: {  	[hbm4b:s0+s2] =	stream.linear.scatter [tilespmem:s13], [sflag:$0x8], $0x1800, $0x38;
	[tilespmem:$0x7D00] =	vst v63  }
0xb9: {  	_ =	swait.ge [sflag:s16], $0x1800  }
0xba: {  	[sflag:s16] =	ssyncset.done $0x0  }
0xbb: {  	[sflag:s16] =	ssyncadd.s32 $0xFFFFE800  }
0xbc: {  	[hbm4b:s5+s2] =	stream.linear.scatter [tilespmem:s11], [sflag:$0x9], $0x1800, $0x38;
	[tilespmem:$0x7D00] =	vst v63  }
0xbd: {  	_ =	swait.ge [sflag:s14], $0x1800  }
0xbe: {  	[sflag:s14] =	ssyncset.done $0x0  }
0xbf: {  	[sflag:s14] =	ssyncadd.s32 $0xFFFFE800  }
0xc0: {  	[hbm4b:s4+s2] =	stream.linear.scatter [tilespmem:s9], [sflag:$0xA], $0x1800, $0x38;
	[tilespmem:$0x7D00] =	vst v63  }
0xc1: {  	_ =	swait.ge [sflag:s12], $0x1800  }
0xc2: {  	[sflag:s12] =	ssyncset.done $0x0  }
0xc3: {  	[sflag:s12] =	ssyncadd.s32 $0xFFFFE800  }
0xc4: {  	_ =	swait.ge [sflag:s10], $0x1800  }
0xc5: {  	[sflag:s10] =	ssyncset.done $0x0  }
0xc6: {  	[sflag:s10] =	ssyncadd.s32 $0xFFFFE800  }
0xc7: {  	_ =	swait.ge [sflag:s8], $0x1800  }
0xc8: {  	[sflag:s8] =	ssyncset.done $0x0  }
0xc9: {  	p1 =	sne.s32 s1, $0x1;
	[sflag:s8] =	ssyncadd.s32 $0xFFFFE800  }
.Ltmp2:
0xca: {  	_ =	swait.ge [sflag:s6], $0x1800;
	(pc) =	sbr.rel @p1 .LBB2_2-.Ltmp2, $4  }
0xcb: {  	[sflag:s6] =	ssyncset.done $0x0  }
0xcc: {  	[sflag:s6] =	ssyncadd.s32 $0xFFFFE800  }
0xcd: {  	_ =	swait.ge [sflag:s7], $0x1800  }
0xce: {  	s1 =	sadd.s32 $0xFFFFFFFF, s1;
	s0 =	rddreg [dreg:$0x3];
	[sflag:s7] =	ssyncset.done $0x0  }
.LBB2_3:
0xcf: {  	[sflag:s7] =	ssyncadd.s32 @p0 $0xFFFFE800  }
0xd0: {  	[tilespmem:s2], [sflag:$0xB] =	stream.linear.gather [hbm4b:s0+s2], $0x500, $0x38;
	[tilespmem:$0x7D00] =	vst v63  }
0xd1: {  	_ =	swait.ge [sflag:s28], $0x500  }
0xd2: {  	[sflag:s28] =	ssyncset.done $0x0  }
0xd3: {  	[sflag:s28] =	ssyncadd.s32 $0xFFFFFB00  }
0xd4: {  	[tilespmem:s17], [sflag:$0x1] =	stream.indirect.gather [hbm4b:s3+s19], $0x30, s2, s19, $0xb8;
	[tilespmem:$0x7D00] =	vst v63  }
0xd5: {  	_ = 	snop  }
0xd6: {  	[tilespmem:s15], [sflag:$0x2] =	stream.indirect.gather [hbm4b:s3+s19], $0x30, s19, s19, $0xb8;
	[tilespmem:$0x7D00] =	vst v63  }
0xd7: {  	_ = 	snop  }
0xd8: {  	[tilespmem:s13], [sflag:$0x3] =	stream.indirect.gather [hbm4b:s3+s19], $0x30, s29, s19, $0xb8;
	[tilespmem:$0x7D00] =	vst v63  }
0xd9: {  	_ = 	snop  }
0xda: {  	[tilespmem:s11], [sflag:$0x4] =	stream.indirect.gather [hbm4b:s3+s19], $0x30, s30, s19, $0xb8;
	[tilespmem:$0x7D00] =	vst v63  }
0xdb: {  	_ = 	snop  }
0xdc: {  	[tilespmem:s9], [sflag:$0x5] =	stream.indirect.gather [hbm4b:s3+s19], $0x30, s31, s19, $0xb8;
	[tilespmem:$0x7D00] =	vst v63  }
0xdd: {  	_ =	swait.ge [sflag:s21], $0x1800  }
0xde: {  	[sflag:s21] =	ssyncset.done $0x0  }
0xdf: {  	s28 =	rddreg [dreg:$0x4];
	[sflag:s21] =	ssyncadd.s32 $0xFFFFE800  }
0xe0: {  	[hbm4b:s28+s2] =	stream.linear.scatter [tilespmem:s17], [sflag:$0x6], $0x1800, $0x38;
	[tilespmem:$0x7D00] =	vst v63  }
0xe1: {  	_ =	swait.ge [sflag:s20], $0x1800  }
0xe2: {  	[sflag:s20] =	ssyncset.done $0x0  }
0xe3: {  	s29 =	rddreg [dreg:$0x5];
	[sflag:s20] =	ssyncadd.s32 $0xFFFFE800  }
0xe4: {  	[hbm4b:s29+s2] =	stream.linear.scatter [tilespmem:s15], [sflag:$0x7], $0x1800, $0x38;
	[tilespmem:$0x7D00] =	vst v63  }
0xe5: {  	_ =	swait.ge [sflag:s18], $0x1800  }
0xe6: {  	[sflag:s18] =	ssyncset.done $0x0  }
0xe7: {  	s30 =	rddreg [dreg:$0x6];
	[sflag:s18] =	ssyncadd.s32 $0xFFFFE800  }
0xe8: {  	[hbm4b:s30+s2] =	stream.linear.scatter [tilespmem:s13], [sflag:$0x8], $0x1800, $0x38;
	[tilespmem:$0x7D00] =	vst v63  }
0xe9: {  	_ =	swait.ge [sflag:s16], $0x1800  }
0xea: {  	[sflag:s16] =	ssyncset.done $0x0  }
0xeb: {  	s31 =	rddreg [dreg:$0x7];
	[sflag:s16] =	ssyncadd.s32 $0xFFFFE800  }
0xec: {  	[hbm4b:s31+s2] =	stream.linear.scatter [tilespmem:s11], [sflag:$0x9], $0x1800, $0x38;
	[tilespmem:$0x7D00] =	vst v63  }
0xed: {  	_ =	swait.ge [sflag:s14], $0x1800  }
0xee: {  	[sflag:s14] =	ssyncset.done $0x0  }
0xef: {  	s1 =	rddreg [dreg:$0x8];
	[sflag:s14] =	ssyncadd.s32 $0xFFFFE800  }
0xf0: {  	[hbm4b:s1+s2] =	stream.linear.scatter [tilespmem:s9], [sflag:$0xA], $0x1800, $0x38;
	[tilespmem:$0x7D00] =	vst v63  }
0xf1: {  	_ =	swait.ge [sflag:s12], $0x1800  }
0xf2: {  	[sflag:s12] =	ssyncset.done $0x0  }
0xf3: {  	[sflag:s12] =	ssyncadd.s32 $0xFFFFE800  }
0xf4: {  	_ =	swait.ge [sflag:s10], $0x1800  }
0xf5: {  	[sflag:s10] =	ssyncset.done $0x0  }
0xf6: {  	[sflag:s10] =	ssyncadd.s32 $0xFFFFE800  }
0xf7: {  	_ =	swait.ge [sflag:s8], $0x1800  }
0xf8: {  	[sflag:s8] =	ssyncset.done $0x0  }
0xf9: {  	[sflag:s8] =	ssyncadd.s32 $0xFFFFE800  }
0xfa: {  	_ =	swait.ge [sflag:s6], $0x1800  }
0xfb: {  	[sflag:s6] =	ssyncset.done $0x0  }
0xfc: {  	[sflag:s6] =	ssyncadd.s32 $0xFFFFE800  }
0xfd: {  	_ =	swait.ge [sflag:s7], $0x1800  }
0xfe: {  	[sflag:s7] =	ssyncset.done $0x0  }
0xff: {  	[sflag:s7] =	ssyncadd.s32 $0xFFFFE800  }
0x100: {  	[tilespmem:s17], [sflag:$0x1] =	stream.indirect.gather [hbm4b:s3+s19], $0x30, s22, s19, $0xb8;
	[tilespmem:$0x7D00] =	vst v63  }
0x101: {  	_ = 	snop  }
0x102: {  	[tilespmem:s15], [sflag:$0x2] =	stream.indirect.gather [hbm4b:s3+s19], $0x30, s23, s19, $0xb8;
	[tilespmem:$0x7D00] =	vst v63  }
0x103: {  	_ = 	snop  }
0x104: {  	[tilespmem:s13], [sflag:$0x3] =	stream.indirect.gather [hbm4b:s3+s19], $0x30, s24, s19, $0xb8;
	[tilespmem:$0x7D00] =	vst v63  }
0x105: {  	_ = 	snop  }
0x106: {  	[tilespmem:s11], [sflag:$0x4] =	stream.indirect.gather [hbm4b:s3+s19], $0x30, s25, s19, $0xb8;
	[tilespmem:$0x7D00] =	vst v63  }
0x107: {  	_ = 	snop  }
0x108: {  	[tilespmem:s9], [sflag:$0x5] =	stream.indirect.gather [hbm4b:s3+s19], $0x30, s26, s19, $0xb8;
	[tilespmem:$0x7D00] =	vst v63  }
0x109: {  	_ =	swait.ge [sflag:s21], $0x1800  }
0x10a: {  	[sflag:s21] =	ssyncset.done $0x0  }
0x10b: {  	s28 =	rddreg [dreg:$0x9];
	[sflag:s21] =	ssyncadd.s32 $0xFFFFE800  }
0x10c: {  	[hbm4b:s28+s2] =	stream.linear.scatter [tilespmem:s17], [sflag:$0x6], $0x1800, $0x38;
	[tilespmem:$0x7D00] =	vst v63  }
0x10d: {  	_ =	swait.ge [sflag:s20], $0x1800  }
0x10e: {  	[sflag:s20] =	ssyncset.done $0x0  }
0x10f: {  	s29 =	rddreg [dreg:$0xa];
	[sflag:s20] =	ssyncadd.s32 $0xFFFFE800  }
0x110: {  	[hbm4b:s29+s2] =	stream.linear.scatter [tilespmem:s15], [sflag:$0x7], $0x1800, $0x38;
	[tilespmem:$0x7D00] =	vst v63  }
0x111: {  	_ =	swait.ge [sflag:s18], $0x1800  }
0x112: {  	[sflag:s18] =	ssyncset.done $0x0  }
0x113: {  	s30 =	rddreg [dreg:$0xb];
	[sflag:s18] =	ssyncadd.s32 $0xFFFFE800  }
0x114: {  	[hbm4b:s30+s2] =	stream.linear.scatter [tilespmem:s13], [sflag:$0x8], $0x1800, $0x38;
	[tilespmem:$0x7D00] =	vst v63  }
0x115: {  	_ =	swait.ge [sflag:s16], $0x1800  }
0x116: {  	[sflag:s16] =	ssyncset.done $0x0  }
0x117: {  	[sflag:s16] =	ssyncadd.s32 $0xFFFFE800  }
0x118: {  	[hbm4b:s5+s2] =	stream.linear.scatter [tilespmem:s11], [sflag:$0x9], $0x1800, $0x38;
	[tilespmem:$0x7D00] =	vst v63  }
0x119: {  	_ =	swait.ge [sflag:s14], $0x1800  }
0x11a: {  	[sflag:s14] =	ssyncset.done $0x0  }
0x11b: {  	[sflag:s14] =	ssyncadd.s32 $0xFFFFE800  }
0x11c: {  	[hbm4b:s4+s2] =	stream.linear.scatter [tilespmem:s9], [sflag:$0xA], $0x1800, $0x38;
	[tilespmem:$0x7D00] =	vst v63  }
0x11d: {  	_ =	swait.ge [sflag:s12], $0x1800  }
0x11e: {  	[sflag:s12] =	ssyncset.done $0x0  }
0x11f: {  	[sflag:s12] =	ssyncadd.s32 $0xFFFFE800  }
0x120: {  	_ =	swait.ge [sflag:s10], $0x1800  }
0x121: {  	[sflag:s10] =	ssyncset.done $0x0  }
0x122: {  	[sflag:s10] =	ssyncadd.s32 $0xFFFFE800  }
0x123: {  	_ =	swait.ge [sflag:s8], $0x1800  }
0x124: {  	[sflag:s8] =	ssyncset.done $0x0  }
0x125: {  	[sflag:s8] =	ssyncadd.s32 $0xFFFFE800  }
0x126: {  	_ =	swait.ge [sflag:s6], $0x1800  }
0x127: {  	[sflag:s6] =	ssyncset.done $0x0  }
0x128: {  	[sflag:s6] =	ssyncadd.s32 $0xFFFFE800  }
0x129: {  	_ =	swait.ge [sflag:s7], $0x1800  }
0x12a: {  	[sflag:s7] =	ssyncset.done $0x0  }
0x12b: {  	[sflag:s7] =	ssyncadd.s32 $0xFFFFE800  }
0x12c: {  	_ =	sfence.sel $0x180000  }
0x12d: {  	[bflag:$0x0] =	sbarrier.arrive $0xFFFF  }
0x12e: {  	_ =	strace $0x9000004D  }
0x12f: {  	s31 =	stileid.u32;
	[bflag:$0x2] =	sbarrier.arrive $0xFFFF  }
0x130: {  	p0 =	sne.s32 s31, $0x0;
	s0 =	rddreg [dreg:$0x2]  }
0x131: {  	s0 =	sadd.s32 @!p0 $0x100000, s0  }
0x132: {  	[sflag:s0] =	ssyncadd.tile.s32 @!p0 $0x1;
	_ =	shalt  }
.Lfunc_end2:
_tile_overlayer_lowered:
.L_overlay_start_2:
0x133: {  	(tag) =	ssettag $0x2  }
0x134: {  	s0 =	rddreg [dreg:$0x0];
	s2 =	stileid.u32  }
0x135: {  	s1 =	rddreg [dreg:$0x1];
	p0 =	sne.s32 s2, $0x0  }
0x136: {  	s3 =	rddreg [dreg:$0x2];
	[bflag:$0x3] =	sbarrier.arrive $0xFFFF;
	s2 =	simm.s32 @!p0 $0x1C0B  }
0x137: {  	[timem:s3], [sflag:s2] =	dma.local @!p0 [hbm:s0], s1  }
0x138: {  	s0 =	simm.s32 @!p0 $0xB  }
0x139: {  	_ =	swait.ge @!p0 [sflag:s0], s1  }
0x13a: {  	s1 =	ssub.s32 @!p0 $0x0, s1;
	[sflag:s0] =	ssyncset.done @!p0 $0x0  }
0x13b: {  	[sflag:s0] =	ssyncadd.s32 @!p0 s1  }
0x13c: {  	[bflag:$0x3] =	sbarrier.arrive $0xFFFF  }
0x13d: {  	_ =	shalt  }

// kernel: kernel.18.cloned.1.call-start
scs
__scs_entry_jumppad:
0x0: {  	(pc) =	sbr.rel $0x88, $3  }
0x1: {  	(tag) =	ssettag $0x0;
	lr =	simm.s32 $0x1  }
0x2: {  	[smem:$0x3F98] =	sst lr;
	_ =	strace $0xD0000000  }
0x3: {  	_ = 	snop  }
0x4: {  	_ = 	snop  }
0x5: {  	_ = 	snop  }
0x6: {  	_ = 	snop  }
0x7: {  	_ = 	snop  }
__scs_overlays_trampoline_lowered:
0x8: {  	[smem:$0x3FA7] =	sst s0  }
0x9: {  	[smem:$0x3FA8] =	sst s1  }
0xa: {  	[smem:$0x3FA9] =	sst s2  }
0xb: {  	[smem:$0x3FAA] =	sst s3  }
0xc: {  	[smem:$0x3FAB] =	sst s4  }
0xd: {  	[smem:$0x3FAC] =	sst s5  }
0xe: {  	[smem:$0x3FAD] =	sst s6  }
0xf: {  	[smem:$0x3FAE] =	sst s7  }
0x10: {  	[smem:$0x3FAF] =	sst s8  }
0x11: {  	[smem:$0x3FB0] =	sst s9;
	s0 =	simm.s32 @!p0 $0x0  }
0x12: {  	s1 =	sld [smem:$0x3F96];
	s0 =	simm.s32 @p0 $0x1  }
0x13: {  	[smem:$0x3FB1] =	sst s0;
	s0 =	simm.s32 @!p1 $0x0  }
0x14: {  	s2 =	sld [smem:$0x3F95];
	s0 =	simm.s32 @p1 $0x1  }
0x15: {  	[smem:$0x3FB2] =	sst s0;
	s0 =	simm.s32 @!p2 $0x0  }
0x16: {  	s3 =	sld [smem:$0x3FDB];
	s0 =	simm.s32 @p2 $0x1  }
0x17: {  	s4 =	simm.s32 $0x1BF5;
	[smem:$0x3FB4] =	sst s0  }
0x18: {  	s0 =	sld [smem:$0x3F97];
	_ =	swait.ge [sflag:s4], $0x0  }
0x19: {  	s7 =	sld [smem:$0x3F98]  }
0x1a: {  	s8 =	sadd.s32 $0xFFFFE003, lr  }
0x1b: {  	s9 =	sadd.s32 $0xFFFFFEF7, lr;
	s5 =	simm.s32 $0xFFFFFFFF;
	p2 =	slt.u32 s8, $0xFFFFF086  }
0x1c: {  	p1 =	slt.u32 s9, $0xF7A;
	s5 =	simm.s32 @!p2 $0x0  }
0x1d: {  	s5 =	simm.s32 @p1 $0x1;
	p0 =	seq.s32 s7, s2  }
0x1e: {  	s7 =	smul.u32 @!p0 $0xF7A, s2;
	p2 =	seq.s32 @!p0 s5, $0x0  }
0x1f: {  	s9 =	smul.u32 $0xF7A, s1;
	s8 =	simm.s32 @!p0 $0x1BF5;
	p2 =	por !p2, p0  }
0x20: {  	[sflag:s8] =	ssyncset.s32 @!p0 $0xFFFFF086;
	s6 =	sadd.s32 @!p0 s3, s7;
	s7 =	simm.s32 @!p0 $0x108  }
0x21: {  	s3 =	sadd.s32 s3, s9;
	s6 =	sadd.s32 @!p0 $0x88, s6;
	s7 =	simm.s32 @p2 $0x1082  }
0x22: {  	[simem:s7], [sflag:s8] =	dma.local @!p0 [hbm:s6], $0xF7A  }
0x23: {  	s9 =	sor.u32 $0xD0000000, s2;
	s6 =	simm.s32 $0x108;
	_ =	swait.ge @!p0 [sflag:s8], $0x0  }
0x24: {  	s3 =	sadd.s32 $0x88, s3;
	s6 =	simm.s32 @!p1 $0x1082;
	[sflag:s4] =	ssyncset.s32 $0xFFFFF086  }
0x25: {  	[simem:s6], [sflag:s4] =	dma.local [hbm:s3], $0xF7A  }
0x26: {  	[smem:$0x3F98] =	sst s1;
	(tag) =	ssettag s2;
	_ =	strace s9  }
0x27: {  	s1 =	sld [smem:$0x3FA8]  }
0x28: {  	s2 =	sld [smem:$0x3FA9]  }
0x29: {  	s4 =	sld [smem:$0x3FAB]  }
0x2a: {  	p0 =	seq.s32 s5, $0x0;
	s5 =	sld [smem:$0x3FAC]  }
0x2b: {  	s6 =	sld [smem:$0x3FAD]  }
0x2c: {  	s7 =	sld [smem:$0x3FAE]  }
0x2d: {  	s3 =	simm.s32 $0x108;
	s8 =	sld [smem:$0x3FAF]  }
0x2e: {  	s3 =	simm.s32 @!p0 $0x1082;
	s9 =	sld [smem:$0x3FB0]  }
0x2f: {  	lr =	sadd.s32 s0, s3;
	s0 =	sld [smem:$0x3FA7]  }
0x30: {  	s3 =	sld [smem:$0x3FAA]  }
0x31: {  	[smem:$0x3FB3] =	sst s10  }
0x32: {  	s10 =	sld [smem:$0x3FB1];
	_ =	sdelay $0x3  }
0x33: {  	p0 =	seq.s32 s10, $0x1;
	s10 =	sld [smem:$0x3FB3];
	_ =	sdelay $0x3  }
0x34: {  	[smem:$0x3FB3] =	sst s10  }
0x35: {  	s10 =	sld [smem:$0x3FB2];
	_ =	sdelay $0x3  }
0x36: {  	p1 =	seq.s32 s10, $0x1;
	s10 =	sld [smem:$0x3FB3];
	_ =	sdelay $0x3  }
0x37: {  	[smem:$0x3FB3] =	sst s10  }
0x38: {  	s10 =	sld [smem:$0x3FB4]  }
0x39: {  	_ = 	snop;
	(pc) =	sbr.ind lr, $3  }
0x3a: {  	_ = 	snop  }
0x3b: {  	_ = 	snop  }
0x3c: {  	p2 =	seq.s32 s10, $0x1;
	s10 =	sld [smem:$0x3FB3]  }
0x3d: {  	_ =	shalt  }
0x3e: {  	_ =	shalt  }
0x3f: {  	_ =	shalt  }
0x40: {  	_ =	shalt  }
0x41: {  	_ =	shalt  }
0x42: {  	_ =	shalt  }
0x43: {  	_ =	shalt  }
0x44: {  	_ =	shalt  }
0x45: {  	_ =	shalt  }
0x46: {  	_ =	shalt  }
0x47: {  	_ =	shalt  }
0x48: {  	_ =	shalt  }
0x49: {  	_ =	shalt  }
0x4a: {  	_ =	shalt  }
0x4b: {  	_ =	shalt  }
0x4c: {  	_ =	shalt  }
0x4d: {  	_ =	shalt  }
0x4e: {  	_ =	shalt  }
0x4f: {  	_ =	shalt  }
0x50: {  	_ =	shalt  }
0x51: {  	_ =	shalt  }
0x52: {  	_ =	shalt  }
0x53: {  	_ =	shalt  }
0x54: {  	_ =	shalt  }
0x55: {  	_ =	shalt  }
0x56: {  	_ =	shalt  }
0x57: {  	_ =	shalt  }
0x58: {  	_ =	shalt  }
0x59: {  	_ =	shalt  }
0x5a: {  	_ =	shalt  }
0x5b: {  	_ =	shalt  }
0x5c: {  	_ =	shalt  }
0x5d: {  	_ =	shalt  }
0x5e: {  	_ =	shalt  }
0x5f: {  	_ =	shalt  }
0x60: {  	_ =	shalt  }
0x61: {  	_ =	shalt  }
0x62: {  	_ =	shalt  }
0x63: {  	_ =	shalt  }
0x64: {  	_ =	shalt  }
0x65: {  	_ =	shalt  }
0x66: {  	_ =	shalt  }
0x67: {  	_ =	shalt  }
0x68: {  	_ =	shalt  }
0x69: {  	_ =	shalt  }
0x6a: {  	_ =	shalt  }
0x6b: {  	_ =	shalt  }
0x6c: {  	_ =	shalt  }
0x6d: {  	_ =	shalt  }
0x6e: {  	_ =	shalt  }
0x6f: {  	_ =	shalt  }
0x70: {  	_ =	shalt  }
0x71: {  	_ =	shalt  }
0x72: {  	_ =	shalt  }
0x73: {  	_ =	shalt  }
0x74: {  	_ =	shalt  }
0x75: {  	_ =	shalt  }
0x76: {  	_ =	shalt  }
0x77: {  	_ =	shalt  }
0x78: {  	_ =	shalt  }
0x79: {  	_ =	shalt  }
0x7a: {  	_ =	shalt  }
0x7b: {  	_ =	shalt  }
0x7c: {  	_ =	shalt  }
0x7d: {  	_ =	shalt  }
0x7e: {  	_ =	shalt  }
0x7f: {  	_ =	shalt  }
0x80: {  	_ =	shalt  }
0x81: {  	_ =	shalt  }
0x82: {  	_ =	shalt  }
0x83: {  	_ =	shalt  }
0x84: {  	_ =	shalt  }
0x85: {  	_ =	shalt  }
0x86: {  	_ =	shalt  }
0x87: {  	_ =	shalt  }
.Lfunc_end0:
.L_simem_size_0:
called_computation.1_lowered:
.L_overlay_start_0:
0x88: {  	s2 =	sld [smem:$0x3FD9]  }
0x89: {  	s3 =	sld [smem:$0x3FFE];
	_ =	sdelay $0x1  }
0x8a: {  	s1 =	srdreg.scid  }
0x8b: {  	s0 =	sand.u32 $0x1, s1  }
0x8c: {  	s17 =	sshll.u32 s0, $0xA;
	s2 =	sadd.s32 s3, s2  }
0x8d: {  	s2 =	sadd.s32 s2, s17  }
0x8e: {  	[smem:$0x3FBF] =	sst s2  }
0x8f: {  	_ = 	snop  }
0x90: {  	(tm) =	ssettm $0x1  }
0x91: {  	s18 =	sld [smem:$0x3FFB];
	_ =	sdelay $0x3  }
0x92: {  	_ =	strace s18  }
0x93: {  	s2 =	sld [smem:$0x3FFC];
	_ =	sdelay $0x3  }
0x94: {  	_ =	strace s2  }
0x95: {  	s2 =	sld [smem:$0x3FFD];
	_ =	sdelay $0x3  }
0x96: {  	_ =	strace s2  }
0x97: {  	_ =	strace $0x8FFFFFFF  }
0x98: {  	s19 =	sld [smem:$0x3FDB];
	_ =	sdelay $0x1  }
0x99: {  	s20 =	simm.s32 $_scs_section_size  }
0x9a: {  	s4 =	simm.s32 $_size__tile_overlayer_lowered;
	s5 =	simm.s32 $_tile_overlayer_lowered  }
0x9b: {  	s6 =	simm.s32 $0x1BFF;
	s21 =	sshll.u32 s5, $0x1;
	s3 =	sadd.s32 s20, s19  }
0x9c: {  	s22 =	simm.s32 $0x0;
	s4 =	sshll.u32 s4, $0x1;
	s5 =	sadd.s32 s21, s3  }
0x9d: {  	[timem:s22], [sflag:s6] =	dma.local [hbm:s5], s4  }
0x9e: {  	_ =	swait.ge [sflag:s6], s4  }
0x9f: {  	s4 =	ssub.s32 $0x0, s4;
	[sflag:s6] =	ssyncset.done $0x0  }
0xa0: {  	[sflag:s6] =	ssyncadd.s32 s4;
	_ =	sdelay $0x1  }
0xa1: {  	s23 =	simm.s32 $0x1B8B  }
0xa2: {  	_ =	swait.ge [sflag:s23], $0x1  }
0xa3: {  	[sflag:s23] =	ssyncset.done $0x0  }
0xa4: {  	[sflag:s23] =	ssyncadd.s32 $0xFFFFFFFF  }
0xa5: {  	s4 =	sld [smem:$0x0]  }
0xa6: {  	s5 =	sand.u32 $0xFFFFFFFE, s1  }
0xa7: {  	p0 =	sne.s32 s1, s5  }
0xa8: {  	s5 =	sshll.u32 @p0 s5, $0xE  }
0xa9: {  	s5 =	sadd.s32 @p0 $0x11B8D, s5;
	s6 =	sshll.u32 @p0 s4, $0x11  }
0xaa: {  	s5 =	sor.u32 @p0 s6, s5  }
0xab: {  	[sflag:s5] =	ssyncadd.remote.s32 @p0 $0x1;
	_ =	sdelay $0x1  }
0xac: {  	s5 =	simm.s32 @p0 $0x1B8D  }
0xad: {  	_ =	swait.eq @p0 [sflag:s5], $0x1  }
0xae: {  	[sflag:s5] =	ssyncadd.s32 @p0 $0xFFFFFFFF  }
0xaf: {  	s6 =	sshll.u32 @!p0 s1, $0xE  }
0xb0: {  	s6 =	sor.u32 @!p0 $0x4000, s6;
	s5 =	simm.s32 @!p0 $0x1B8D  }
0xb1: {  	s4 =	sshll.u32 @!p0 s4, $0x11;
	s6 =	sadd.s32 @!p0 $0x11B8D, s6;
	_ =	swait.eq @!p0 [sflag:s5], $0x1  }
0xb2: {  	s4 =	sor.u32 @!p0 s4, s6;
	[sflag:s5] =	ssyncadd.s32 @!p0 $0xFFFFFFFF  }
0xb3: {  	s25 =	simm.s32 $0x1B8E;
	s24 =	sld [smem:$0x3FFE];
	[sflag:s4] =	ssyncadd.remote.s32 @!p0 $0x1  }
0xb4: {  	s26 =	simm.s32 $execute0_lowered;
	[smem:$0x3FD2] =	sst s25  }
0xb5: {  	s5 =	sshll.u32 s26, $0x1;
	_ =	strace $0x80000058;
	[dreg:$0x1] =	wrdreg $0xFFFFFFFF  }
0xb6: {  	s28 =	simm.s32 $_size_execute0_lowered;
	s3 =	sadd.s32 s3, s5;
	[dreg:$0x0] =	wrdreg $0x0  }
0xb7: {  	s5 =	sshll.u32 s28, $0x1;
	[dreg:$0x2] =	wrdreg s3  }
0xb8: {  	[dreg:$0x3] =	wrdreg s5  }
0xb9: {  	[dreg:$0x4] =	wrdreg $0xC0  }
0xba: {  	_ =	task [dreg:s22], $0x5FFFF  }
0xbb: {  	[dreg:$0x1] =	wrdreg $0xFFFFFFFF  }
0xbc: {  	[dreg:$0x0] =	wrdreg $0x60  }
0xbd: {  	[dreg:$0x2] =	wrdreg s24  }
0xbe: {  	[dreg:$0x3] =	wrdreg $0x20800  }
0xbf: {  	[dreg:$0x4] =	wrdreg $0xB  }
0xc0: {  	_ =	task.clear_ibuf [dreg:s22], $0x5FFFF;
	_ =	strace $0x90000058  }
0xc1: {  	s29 =	simm.s32 $0xB;
	_ =	strace $0x8000005A  }
0xc2: {  	_ =	swait.ge [sflag:s29], $0x1  }
0xc3: {  	[sflag:s29] =	ssyncadd.s32 $0xFFFFFFFF  }
0xc4: {  	_ =	strace $0x9000005A  }
0xc5: {  	_ =	sfence  }
0xc6: {  	s30 =	sld [smem:$0x0];
	_ =	sdelay $0x2  }
0xc7: {  	s31 =	sshll.u32 s1, $0xD;
	s1 =	sshrl.u32 s1, $0x2  }
0xc8: {  	s4 =	sand.u32 $0x4000, s31;
	s1 =	sadd.s32 s1, s30  }
0xc9: {  	s0 =	sor.u32 s4, s0;
	s1 =	sshll.u32 s1, $0x11  }
0xca: {  	s0 =	sor.u32 s1, s0  }
0xcb: {  	s0 =	sadd.s32 $0x8F2B, s0  }
0xcc: {  	[sflag:s0] =	ssyncadd.remote.s32 $0x1  }
0xcd: {  	_ =	sfence.sel $0xFFFF  }
0xce: {  	[dreg:$0x0] =	wrdreg $0xFFFFFFFF;
	(pc) =	sbr.abs _section_cstart, $3  }
0xcf: {  	[dreg:$0x1] =	wrdreg $0xFFFFFFFF  }
0xd0: {  	_ =	task.clear_ibuf [dreg:s22], $0x2FFFF;
	_ =	strace $0x9FFFFFFF  }
0xd1: {  	(tm) =	ssettm $0x7FFFFFFF  }
tec
execute0_lowered:
.L_overlay_start_1:
0x0: {  	(tag) =	ssettag $0x1  }
0x1: {  	s0 =	stileid.u32;
	s1 =	srdreg.scid  }
0x2: {  	s5 =	rddreg [dreg:$0x0];
	s4 =	smul.u32 $0x5000, s0  }
0x3: {  	s2 =	rddreg [dreg:$0x1];
	s3 =	simm.s32 $0x0;
	s7 =	smul.u32 $0xA00, s0  }
0x4: {  	s6 =	sand.u32 $0x1, s1;
	s1 =	rddreg [dreg:$0x2];
	s9 =	smul.u32 $0x9E00, s0  }
0x5: {  	[smem:$0x7FF] =	sst s3;
	s30 =	sshll.u32 s0, $0x6;
	s8 =	smul.u32 $0x500, s6  }
0x6: {  	s24 =	smul.u32 $0x9E000, s6;
	_ =	strace $0x80000059;
	s28 =	ssub.s32 $0x2, s6  }
0x7: {  	s13 =	smul.u32 $0x2800, s6;
	s10 =	sadd.s32 s4, s5;
	s26 =	sshrl.u32 s9, $0x3  }
0x8: {  	s29 =	sshrl.u32 s28, $0x1;
	s14 =	sadd.s32 s9, s2;
	s7 =	sadd.s32 s8, s7  }
0x9: {  	s25 =	sadd.s32 s9, s24;
	s8 =	ssub.s32 s28, s29;
	s31 =	sadd.s32 s13, s10  }
0xa: {  	s10 =	sshrl.u32 s14, $0x3;
	s13 =	simm.s32 $0x0;
	s7 =	sshrl.u32 s7, $0x3  }
0xb: {  	s4 =	sshrl.u32 s25, $0x3;
	s11 =	sadd.s32 s7, s5;
	s7 =	sadd.s32 s26, s5  }
0xc: {  	s12 =	sadd.s32 s4, s5;
	s5 =	sor.u32 $0x1C01, s30;
	s4 =	sadd.s32 $0x30C00, s7  }
0xd: {  	s6 =	sadd.s32 $0x436C00, s12;
	s7 =	smax.u32 s8, $0x1;
	s8 =	sadd.s32 $0x93800, s31  }
0xe: {  	s9 =	sadd.s32 $0x394400, s11;
	s11 =	simm.s32 $0x1;
	s12 =	simm.s32 $0x80  }
.LBB2_1:
0xf: {  	[spmem:s10], [sflag:s5] =	dma.local [hbm:s4], $0x13C0  }
0x10: {  	_ =	swait.ge [sflag:s11], $0x13C0  }
0x11: {  	[sflag:s11] =	ssyncset.done $0x0  }
0x12: {  	[sflag:s11] =	ssyncadd.s32 $0xFFFFEC40  }
0x13: {  	s14 =	sadd.s32 $0x0, s9;
	[bflag:$0x0] =	sbarrier.arrive $0xFFFF  }
0x14: {  	[tilespmem:s3], [sflag:$0x1] =	stream.linear.gather [hbm4b:s14+s3], $0x80, $0x38;
	[tilespmem:$0xBE80] =	vst v63  }
0x15: {  	_ =	swait.ge [sflag:s11], $0x80  }
0x16: {  	[sflag:s11] =	ssyncset.done $0x0  }
0x17: {  	[sflag:s11] =	ssyncadd.s32 $0xFFFFFF80  }
0x18: {  	[tilespmem:s12], [sflag:$0x1] =	stream.linear.gather [hbm4b:s8+s3], $0x2000, $0x38;
	[tilespmem:$0xBE80] =	vst v63  }
0x19: {  	_ =	swait.ge [sflag:s11], $0x2000  }
0x1a: {  	[sflag:s11] =	ssyncset.done $0x0  }
0x1b: {  	[sflag:s11] =	ssyncadd.s32 $0xFFFFE000  }
0x1c: {  	[spmem:s2] =	stream.indirect.scatter.add.f32 [tilespmem:s12], [sflag:$0x1], $0x40, s3, s12, $0xb8;
	[tilespmem:$0xBE80] =	vst v63  }
0x1d: {  	s15 =	simm.s32 $0x10;
	_ =	swait.ge [sflag:s11], $0x2000  }
0x1e: {  	s16 =	simm.s32 $0x20;
	s14 =	sadd.s32 $0x400, s8;
	[sflag:s11] =	ssyncset.done $0x0  }
.LBB2_2:
0x1f: {  	s17 =	sadd.s32 s15, s9  }
0x20: {  	[sflag:s11] =	ssyncadd.s32 $0xFFFFE000;
	s15 =	smov.u32 s16;
	s18 =	sadd.s32 $0x10, s16  }
0x21: {  	[tilespmem:s3], [sflag:$0x1] =	stream.linear.gather [hbm4b:s17+s3], $0x80, $0x38;
	[tilespmem:$0xBE80] =	vst v63  }
0x22: {  	p0 =	sne.s32 s16, $0x90;
	_ =	swait.ge [sflag:s11], $0x80  }
0x23: {  	[sflag:s11] =	ssyncset.done $0x0  }
0x24: {  	[sflag:s11] =	ssyncadd.s32 $0xFFFFFF80  }
0x25: {  	[tilespmem:s12], [sflag:$0x1] =	stream.linear.gather [hbm4b:s14+s3], $0x2000, $0x38;
	[tilespmem:$0xBE80] =	vst v63  }
0x26: {  	_ =	swait.ge [sflag:s11], $0x2000  }
.Ltmp0:
0x27: {  	[sflag:s11] =	ssyncset.done $0x0;
	(pc) =	sbr.rel @p0 .LBB2_2-.Ltmp0, $4  }
0x28: {  	[sflag:s11] =	ssyncadd.s32 $0xFFFFE000  }
0x29: {  	[spmem:s2] =	stream.indirect.scatter.add.f32 [tilespmem:s12], [sflag:$0x1], $0x40, s3, s12, $0xb8;
	[tilespmem:$0xBE80] =	vst v63  }
0x2a: {  	_ =	swait.ge [sflag:s11], $0x2000  }
0x2b: {  	s16 =	smov.u32 s18;
	s14 =	sadd.s32 $0x400, s14;
	[sflag:s11] =	ssyncset.done $0x0  }
0x2c: {  	s15 =	sadd.s32 s15, s9;
	[sflag:s11] =	ssyncadd.s32 $0xFFFFE000  }
0x2d: {  	[tilespmem:s3], [sflag:$0x1] =	stream.linear.gather [hbm4b:s15+s3], $0x80, $0x38;
	[tilespmem:$0xBE80] =	vst v63  }
0x2e: {  	_ =	swait.ge [sflag:s11], $0x80  }
0x2f: {  	[sflag:s11] =	ssyncset.done $0x0  }
0x30: {  	[sflag:s11] =	ssyncadd.s32 $0xFFFFFF80  }
0x31: {  	[tilespmem:s12], [sflag:$0x1] =	stream.linear.gather [hbm4b:s14+s3], $0x2000, $0x38;
	[tilespmem:$0xBE80] =	vst v63  }
0x32: {  	_ =	swait.ge [sflag:s11], $0x2000  }
0x33: {  	[sflag:s11] =	ssyncset.done $0x0  }
0x34: {  	[sflag:s11] =	ssyncadd.s32 $0xFFFFE000  }
0x35: {  	[spmem:s2] =	stream.indirect.scatter.add.f32 [tilespmem:s12], [sflag:$0x1], $0x40, s3, s12, $0xb8;
	[tilespmem:$0xBE80] =	vst v63  }
0x36: {  	_ =	swait.ge [sflag:s11], $0x2000  }
0x37: {  	s13 =	sadd.s32 $0x1, s13;
	[sflag:s11] =	ssyncset.done $0x0  }
0x38: {  	p0 =	sne.s32 s13, s7;
	[sflag:s11] =	ssyncadd.s32 $0xFFFFE000  }
.Ltmp1:
0x39: {  	[bflag:$0x0] =	sbarrier.arrive $0xFFFF;
	(pc) =	sbr.rel @p0 .LBB2_1-.Ltmp1, $4  }
0x3a: {  	[hbm:s6], [sflag:s5] =	dma.local [spmem:s10], $0x13C0  }
0x3b: {  	_ =	swait.ge [sflag:s11], $0x13C0  }
0x3c: {  	[sflag:s11] =	ssyncset.done $0x0  }
0x3d: {  	[sflag:s11] =	ssyncadd.s32 $0xFFFFEC40  }
0x3e: {  	_ =	sfence.sel $0x180000  }
0x3f: {  	[bflag:$0x0] =	sbarrier.arrive $0xFFFF  }
0x40: {  	p0 =	sne.s32 s0, $0x0;
	_ =	strace $0x90000059  }
0x41: {  	s0 =	sadd.s32 @!p0 $0x100000, s1;
	[bflag:$0x2] =	sbarrier.arrive $0xFFFF  }
0x42: {  	[sflag:s0] =	ssyncadd.tile.s32 @!p0 $0x1;
	_ =	shalt  }
.Lfunc_end2:
_tile_overlayer_lowered:
.L_overlay_start_2:
0x43: {  	(tag) =	ssettag $0x2  }
0x44: {  	s0 =	rddreg [dreg:$0x0];
	s2 =	stileid.u32  }
0x45: {  	s1 =	rddreg [dreg:$0x1];
	p0 =	sne.s32 s2, $0x0  }
0x46: {  	s3 =	rddreg [dreg:$0x2];
	[bflag:$0x3] =	sbarrier.arrive $0xFFFF;
	s2 =	simm.s32 @!p0 $0x1C01  }
0x47: {  	[timem:s3], [sflag:s2] =	dma.local @!p0 [hbm:s0], s1  }
0x48: {  	s0 =	simm.s32 @!p0 $0x1  }
0x49: {  	_ =	swait.ge @!p0 [sflag:s0], s1  }
0x4a: {  	s1 =	ssub.s32 @!p0 $0x0, s1;
	[sflag:s0] =	ssyncset.done @!p0 $0x0  }
0x4b: {  	[sflag:s0] =	ssyncadd.s32 @!p0 s1  }
0x4c: {  	[bflag:$0x3] =	sbarrier.arrive $0xFFFF  }
0x4d: {  	_ =	shalt  }

// kernel: kernel.21.cloned.1.call-start
scs
__scs_entry_jumppad:
0x0: {  	(pc) =	sbr.rel $0x88, $3  }
0x1: {  	(tag) =	ssettag $0x0;
	lr =	simm.s32 $0x1  }
0x2: {  	[smem:$0x3F98] =	sst lr;
	_ =	strace $0xD0000000  }
0x3: {  	_ = 	snop  }
0x4: {  	_ = 	snop  }
0x5: {  	_ = 	snop  }
0x6: {  	_ = 	snop  }
0x7: {  	_ = 	snop  }
__scs_overlays_trampoline_lowered:
0x8: {  	[smem:$0x3FA7] =	sst s0  }
0x9: {  	[smem:$0x3FA8] =	sst s1  }
0xa: {  	[smem:$0x3FA9] =	sst s2  }
0xb: {  	[smem:$0x3FAA] =	sst s3  }
0xc: {  	[smem:$0x3FAB] =	sst s4  }
0xd: {  	[smem:$0x3FAC] =	sst s5  }
0xe: {  	[smem:$0x3FAD] =	sst s6  }
0xf: {  	[smem:$0x3FAE] =	sst s7  }
0x10: {  	[smem:$0x3FAF] =	sst s8  }
0x11: {  	[smem:$0x3FB0] =	sst s9;
	s0 =	simm.s32 @!p0 $0x0  }
0x12: {  	s1 =	sld [smem:$0x3F96];
	s0 =	simm.s32 @p0 $0x1  }
0x13: {  	[smem:$0x3FB1] =	sst s0;
	s0 =	simm.s32 @!p1 $0x0  }
0x14: {  	s2 =	sld [smem:$0x3F95];
	s0 =	simm.s32 @p1 $0x1  }
0x15: {  	[smem:$0x3FB2] =	sst s0;
	s0 =	simm.s32 @!p2 $0x0  }
0x16: {  	s3 =	sld [smem:$0x3FDB];
	s0 =	simm.s32 @p2 $0x1  }
0x17: {  	s4 =	simm.s32 $0x1BF5;
	[smem:$0x3FB4] =	sst s0  }
0x18: {  	s0 =	sld [smem:$0x3F97];
	_ =	swait.ge [sflag:s4], $0x0  }
0x19: {  	s7 =	sld [smem:$0x3F98]  }
0x1a: {  	s8 =	sadd.s32 $0xFFFFE003, lr  }
0x1b: {  	s9 =	sadd.s32 $0xFFFFFEF7, lr;
	s5 =	simm.s32 $0xFFFFFFFF;
	p2 =	slt.u32 s8, $0xFFFFF086  }
0x1c: {  	p1 =	slt.u32 s9, $0xF7A;
	s5 =	simm.s32 @!p2 $0x0  }
0x1d: {  	s5 =	simm.s32 @p1 $0x1;
	p0 =	seq.s32 s7, s2  }
0x1e: {  	s7 =	smul.u32 @!p0 $0xF7A, s2;
	p2 =	seq.s32 @!p0 s5, $0x0  }
0x1f: {  	s9 =	smul.u32 $0xF7A, s1;
	s8 =	simm.s32 @!p0 $0x1BF5;
	p2 =	por !p2, p0  }
0x20: {  	[sflag:s8] =	ssyncset.s32 @!p0 $0xFFFFF086;
	s6 =	sadd.s32 @!p0 s3, s7;
	s7 =	simm.s32 @!p0 $0x108  }
0x21: {  	s3 =	sadd.s32 s3, s9;
	s6 =	sadd.s32 @!p0 $0x88, s6;
	s7 =	simm.s32 @p2 $0x1082  }
0x22: {  	[simem:s7], [sflag:s8] =	dma.local @!p0 [hbm:s6], $0xF7A  }
0x23: {  	s9 =	sor.u32 $0xD0000000, s2;
	s6 =	simm.s32 $0x108;
	_ =	swait.ge @!p0 [sflag:s8], $0x0  }
0x24: {  	s3 =	sadd.s32 $0x88, s3;
	s6 =	simm.s32 @!p1 $0x1082;
	[sflag:s4] =	ssyncset.s32 $0xFFFFF086  }
0x25: {  	[simem:s6], [sflag:s4] =	dma.local [hbm:s3], $0xF7A  }
0x26: {  	[smem:$0x3F98] =	sst s1;
	(tag) =	ssettag s2;
	_ =	strace s9  }
0x27: {  	s1 =	sld [smem:$0x3FA8]  }
0x28: {  	s2 =	sld [smem:$0x3FA9]  }
0x29: {  	s4 =	sld [smem:$0x3FAB]  }
0x2a: {  	p0 =	seq.s32 s5, $0x0;
	s5 =	sld [smem:$0x3FAC]  }
0x2b: {  	s6 =	sld [smem:$0x3FAD]  }
0x2c: {  	s7 =	sld [smem:$0x3FAE]  }
0x2d: {  	s3 =	simm.s32 $0x108;
	s8 =	sld [smem:$0x3FAF]  }
0x2e: {  	s3 =	simm.s32 @!p0 $0x1082;
	s9 =	sld [smem:$0x3FB0]  }
0x2f: {  	lr =	sadd.s32 s0, s3;
	s0 =	sld [smem:$0x3FA7]  }
0x30: {  	s3 =	sld [smem:$0x3FAA]  }
0x31: {  	[smem:$0x3FB3] =	sst s10  }
0x32: {  	s10 =	sld [smem:$0x3FB1];
	_ =	sdelay $0x3  }
0x33: {  	p0 =	seq.s32 s10, $0x1;
	s10 =	sld [smem:$0x3FB3];
	_ =	sdelay $0x3  }
0x34: {  	[smem:$0x3FB3] =	sst s10  }
0x35: {  	s10 =	sld [smem:$0x3FB2];
	_ =	sdelay $0x3  }
0x36: {  	p1 =	seq.s32 s10, $0x1;
	s10 =	sld [smem:$0x3FB3];
	_ =	sdelay $0x3  }
0x37: {  	[smem:$0x3FB3] =	sst s10  }
0x38: {  	s10 =	sld [smem:$0x3FB4]  }
0x39: {  	_ = 	snop;
	(pc) =	sbr.ind lr, $3  }
0x3a: {  	_ = 	snop  }
0x3b: {  	_ = 	snop  }
0x3c: {  	p2 =	seq.s32 s10, $0x1;
	s10 =	sld [smem:$0x3FB3]  }
0x3d: {  	_ =	shalt  }
0x3e: {  	_ =	shalt  }
0x3f: {  	_ =	shalt  }
0x40: {  	_ =	shalt  }
0x41: {  	_ =	shalt  }
0x42: {  	_ =	shalt  }
0x43: {  	_ =	shalt  }
0x44: {  	_ =	shalt  }
0x45: {  	_ =	shalt  }
0x46: {  	_ =	shalt  }
0x47: {  	_ =	shalt  }
0x48: {  	_ =	shalt  }
0x49: {  	_ =	shalt  }
0x4a: {  	_ =	shalt  }
0x4b: {  	_ =	shalt  }
0x4c: {  	_ =	shalt  }
0x4d: {  	_ =	shalt  }
0x4e: {  	_ =	shalt  }
0x4f: {  	_ =	shalt  }
0x50: {  	_ =	shalt  }
0x51: {  	_ =	shalt  }
0x52: {  	_ =	shalt  }
0x53: {  	_ =	shalt  }
0x54: {  	_ =	shalt  }
0x55: {  	_ =	shalt  }
0x56: {  	_ =	shalt  }
0x57: {  	_ =	shalt  }
0x58: {  	_ =	shalt  }
0x59: {  	_ =	shalt  }
0x5a: {  	_ =	shalt  }
0x5b: {  	_ =	shalt  }
0x5c: {  	_ =	shalt  }
0x5d: {  	_ =	shalt  }
0x5e: {  	_ =	shalt  }
0x5f: {  	_ =	shalt  }
0x60: {  	_ =	shalt  }
0x61: {  	_ =	shalt  }
0x62: {  	_ =	shalt  }
0x63: {  	_ =	shalt  }
0x64: {  	_ =	shalt  }
0x65: {  	_ =	shalt  }
0x66: {  	_ =	shalt  }
0x67: {  	_ =	shalt  }
0x68: {  	_ =	shalt  }
0x69: {  	_ =	shalt  }
0x6a: {  	_ =	shalt  }
0x6b: {  	_ =	shalt  }
0x6c: {  	_ =	shalt  }
0x6d: {  	_ =	shalt  }
0x6e: {  	_ =	shalt  }
0x6f: {  	_ =	shalt  }
0x70: {  	_ =	shalt  }
0x71: {  	_ =	shalt  }
0x72: {  	_ =	shalt  }
0x73: {  	_ =	shalt  }
0x74: {  	_ =	shalt  }
0x75: {  	_ =	shalt  }
0x76: {  	_ =	shalt  }
0x77: {  	_ =	shalt  }
0x78: {  	_ =	shalt  }
0x79: {  	_ =	shalt  }
0x7a: {  	_ =	shalt  }
0x7b: {  	_ =	shalt  }
0x7c: {  	_ =	shalt  }
0x7d: {  	_ =	shalt  }
0x7e: {  	_ =	shalt  }
0x7f: {  	_ =	shalt  }
0x80: {  	_ =	shalt  }
0x81: {  	_ =	shalt  }
0x82: {  	_ =	shalt  }
0x83: {  	_ =	shalt  }
0x84: {  	_ =	shalt  }
0x85: {  	_ =	shalt  }
0x86: {  	_ =	shalt  }
0x87: {  	_ =	shalt  }
.Lfunc_end0:
.L_simem_size_0:
called_computation.2_lowered:
.L_overlay_start_0:
0x88: {  	s2 =	sld [smem:$0x3FD9]  }
0x89: {  	s3 =	sld [smem:$0x3FFE];
	_ =	sdelay $0x1  }
0x8a: {  	s1 =	srdreg.scid  }
0x8b: {  	s0 =	sand.u32 $0x1, s1  }
0x8c: {  	s17 =	sshll.u32 s0, $0xA;
	s2 =	sadd.s32 s3, s2  }
0x8d: {  	s2 =	sadd.s32 s2, s17  }
0x8e: {  	[smem:$0x3FBF] =	sst s2  }
0x8f: {  	_ = 	snop  }
0x90: {  	s18 =	sld [smem:$0x3FD0];
	(tm) =	ssettm $0x1  }
0x91: {  	s19 =	sld [smem:$0x3FFB];
	_ =	sdelay $0x3  }
0x92: {  	_ =	strace s19  }
0x93: {  	s2 =	sld [smem:$0x3FFC];
	_ =	sdelay $0x3  }
0x94: {  	_ =	strace s2  }
0x95: {  	s2 =	sld [smem:$0x3FFD];
	_ =	sdelay $0x3  }
0x96: {  	_ =	strace s2  }
0x97: {  	_ =	strace $0x8FFFFFFF  }
0x98: {  	s20 =	sld [smem:$0x3FDB];
	_ =	sdelay $0x1  }
0x99: {  	s4 =	simm.s32 $_scs_section_size  }
0x9a: {  	s5 =	simm.s32 $_size__tile_overlayer_lowered;
	s6 =	simm.s32 $_tile_overlayer_lowered  }
0x9b: {  	s7 =	simm.s32 $0x1BFF;
	s21 =	sshll.u32 s6, $0x1;
	s4 =	sadd.s32 s4, s20  }
0x9c: {  	s22 =	simm.s32 $0x0;
	s5 =	sshll.u32 s5, $0x1;
	s6 =	sadd.s32 s21, s4  }
0x9d: {  	[timem:s22], [sflag:s7] =	dma.local [hbm:s6], s5  }
0x9e: {  	_ =	swait.ge [sflag:s7], s5  }
0x9f: {  	s5 =	ssub.s32 $0x0, s5;
	[sflag:s7] =	ssyncset.done $0x0  }
0xa0: {  	[sflag:s7] =	ssyncadd.s32 s5;
	_ =	sdelay $0x1  }
0xa1: {  	s23 =	simm.s32 $0x1B8B  }
0xa2: {  	_ =	swait.ge [sflag:s23], $0x1  }
0xa3: {  	[sflag:s23] =	ssyncset.done $0x0  }
0xa4: {  	[sflag:s23] =	ssyncadd.s32 $0xFFFFFFFF  }
0xa5: {  	s5 =	sld [smem:$0x0]  }
0xa6: {  	s6 =	sand.u32 $0xFFFFFFFE, s1  }
0xa7: {  	p0 =	sne.s32 s1, s6  }
0xa8: {  	s6 =	sshll.u32 @p0 s6, $0xE  }
0xa9: {  	s6 =	sadd.s32 @p0 $0x11B8D, s6;
	s7 =	sshll.u32 @p0 s5, $0x11  }
0xaa: {  	s6 =	sor.u32 @p0 s7, s6  }
0xab: {  	[sflag:s6] =	ssyncadd.remote.s32 @p0 $0x1;
	_ =	sdelay $0x1  }
0xac: {  	s6 =	simm.s32 @p0 $0x1B8D  }
0xad: {  	_ =	swait.eq @p0 [sflag:s6], $0x1  }
0xae: {  	[sflag:s6] =	ssyncadd.s32 @p0 $0xFFFFFFFF  }
0xaf: {  	s7 =	sshll.u32 @!p0 s1, $0xE  }
0xb0: {  	s7 =	sor.u32 @!p0 $0x4000, s7;
	s6 =	simm.s32 @!p0 $0x1B8D  }
0xb1: {  	s5 =	sshll.u32 @!p0 s5, $0x11;
	s7 =	sadd.s32 @!p0 $0x11B8D, s7;
	_ =	swait.eq @!p0 [sflag:s6], $0x1  }
0xb2: {  	s5 =	sor.u32 @!p0 s5, s7;
	[sflag:s6] =	ssyncadd.s32 @!p0 $0xFFFFFFFF  }
0xb3: {  	s25 =	simm.s32 $0x1B8E;
	s24 =	sld [smem:$0x3FFE];
	[sflag:s5] =	ssyncadd.remote.s32 @!p0 $0x1  }
0xb4: {  	s26 =	simm.s32 $execute0_lowered;
	[smem:$0x3FD2] =	sst s25  }
0xb5: {  	s6 =	sshll.u32 s26, $0x1;
	_ =	strace $0x80000049;
	[dreg:$0x1] =	wrdreg $0xFFFFFFFF  }
0xb6: {  	s28 =	simm.s32 $_size_execute0_lowered;
	s4 =	sadd.s32 s4, s6;
	[dreg:$0x0] =	wrdreg $0x0  }
0xb7: {  	s6 =	sshll.u32 s28, $0x1;
	[dreg:$0x2] =	wrdreg s4  }
0xb8: {  	[dreg:$0x3] =	wrdreg s6  }
0xb9: {  	[dreg:$0x4] =	wrdreg $0xC0  }
0xba: {  	_ =	task [dreg:s22], $0x5FFFF  }
0xbb: {  	[dreg:$0x1] =	wrdreg $0xFFFFFFFF  }
0xbc: {  	[dreg:$0x0] =	wrdreg $0x60  }
0xbd: {  	[dreg:$0x2] =	wrdreg s18  }
0xbe: {  	[dreg:$0x3] =	wrdreg s24  }
0xbf: {  	[dreg:$0x4] =	wrdreg $0xC  }
0xc0: {  	_ =	task.clear_ibuf [dreg:s22], $0x5FFFF;
	_ =	strace $0x90000049  }
0xc1: {  	s29 =	simm.s32 $0xC;
	_ =	strace $0x8000004B  }
0xc2: {  	_ =	swait.ge [sflag:s29], $0x1  }
0xc3: {  	[sflag:s29] =	ssyncadd.s32 $0xFFFFFFFF  }
0xc4: {  	_ =	strace $0x9000004B  }
0xc5: {  	_ =	sfence  }
0xc6: {  	s30 =	sld [smem:$0x0];
	_ =	sdelay $0x2  }
0xc7: {  	s31 =	sshll.u32 s1, $0xD;
	s1 =	sshrl.u32 s1, $0x2  }
0xc8: {  	s4 =	sand.u32 $0x4000, s31;
	s1 =	sadd.s32 s1, s30  }
0xc9: {  	s0 =	sor.u32 s4, s0;
	s1 =	sshll.u32 s1, $0x11  }
0xca: {  	s0 =	sor.u32 s1, s0  }
0xcb: {  	s0 =	sadd.s32 $0x8F2B, s0  }
0xcc: {  	[sflag:s0] =	ssyncadd.remote.s32 $0x1  }
0xcd: {  	_ =	sfence.sel $0xFFFF  }
0xce: {  	[dreg:$0x0] =	wrdreg $0xFFFFFFFF;
	(pc) =	sbr.abs _section_cstart, $3  }
0xcf: {  	[dreg:$0x1] =	wrdreg $0xFFFFFFFF  }
0xd0: {  	_ =	task.clear_ibuf [dreg:s22], $0x2FFFF;
	_ =	strace $0x9FFFFFFF  }
0xd1: {  	(tm) =	ssettm $0x7FFFFFFF  }
tec
execute0_lowered:
.L_overlay_start_1:
0x0: {  	(tag) =	ssettag $0x1  }
0x1: {  	s0 =	srdreg.scid;
	s3 =	rddreg [dreg:$0x0]  }
0x2: {  	s1 =	stileid.u32;
	s4 =	rddreg [dreg:$0x1];
	s2 =	simm.s32 $0x0  }
0x3: {  	s28 =	simm.s32 $0xB;
	s15 =	simm.s32 $0x1D00;
	s29 =	simm.s32 $0x100  }
0x4: {  	s13 =	simm.s32 $0x3500;
	s30 =	simm.s32 $0x180;
	s11 =	simm.s32 $0x4D00  }
0x5: {  	s31 =	simm.s32 $0x200;
	s9 =	simm.s32 $0x6500;
	s16 =	simm.s32 $0x4  }
0x6: {  	s14 =	simm.s32 $0x5;
	s0 =	sand.u32 $0x1, s0;
	s1 =	sshll.u32 s1, $0x1  }
0x7: {  	s12 =	simm.s32 $0x6;
	s10 =	simm.s32 $0x7;
	s1 =	sor.u32 s0, s1  }
0x8: {  	s8 =	simm.s32 $0x8;
	s6 =	simm.s32 $0x9;
	s5 =	smul.u32 $0xA0, s1  }
0x9: {  	p0 =	por $0x0, $0x0;
	[smem:$0x7FF] =	sst s2;
	s1 =	smul.u32 $0x1E00, s1  }
0xa: {  	s7 =	simm.s32 $0xA;
	_ =	strace $0x8000004A;
	s5 =	sadd.s32 s5, s4  }
0xb: {  	s0 =	ssub.s32 $0x2, s0;
	s1 =	sadd.s32 s1, s4;
	s17 =	sadd.s32 $0x2D000, s5  }
0xc: {  	s24 =	sshrl.u32 s0, $0x1;
	s18 =	sadd.s32 $0x6CC00, s1;
	[dreg:$0x3] =	wrdreg s17  }
0xd: {  	s0 =	ssub.s32 s0, s24;
	s19 =	sadd.s32 $0x6CF00, s1;
	[dreg:$0x4] =	wrdreg s18  }
0xe: {  	s24 =	simm.s32 $0x380;
	s20 =	sadd.s32 $0x6D200, s1;
	[dreg:$0x5] =	wrdreg s19  }
0xf: {  	s0 =	smax.u32 s0, $0x1;
	s21 =	sadd.s32 $0x6D500, s1;
	[dreg:$0x6] =	wrdreg s20  }
0x10: {  	s22 =	sadd.s32 $0x6D800, s1;
	s23 =	sadd.s32 $0x6DB00, s1;
	[dreg:$0x7] =	wrdreg s21  }
0x11: {  	s25 =	sadd.s32 $0x6DE00, s1;
	s26 =	sadd.s32 $0x6E100, s1;
	[dreg:$0x8] =	wrdreg s22  }
0x12: {  	s5 =	sadd.s32 $0x6E400, s1;
	p1 =	sne.s32 s0, $0x1;
	[dreg:$0x9] =	wrdreg s23  }
.Ltmp0:
0x13: {  	s4 =	sadd.s32 $0x6E700, s1;
	[dreg:$0xa] =	wrdreg s25;
	(pc) =	sbr.rel @!p1 .LBB2_3-.Ltmp0, $4  }
0x14: {  	s1 =	sadd.s32 $0xFFFFFFFF, s0;
	[dreg:$0xb] =	wrdreg s26;
	s19 =	simm.s32 $0x80  }
0x15: {  	s17 =	simm.s32 $0x500;
	s21 =	simm.s32 $0x1;
	s20 =	simm.s32 $0x2  }
0x16: {  	s18 =	simm.s32 $0x3;
	s22 =	simm.s32 $0x280;
	s23 =	simm.s32 $0x300  }
0x17: {  	s25 =	simm.s32 $0x400;
	s26 =	simm.s32 $0x480;
	s0 =	rddreg [dreg:$0x3]  }
0x18: {  	[tilespmem:s2], [sflag:$0xB] =	stream.linear.gather [hbm4b:s0+s2], $0x500, $0x38;
	[tilespmem:$0x7D00] =	vst v63  }
0x19: {  	_ =	swait.ge [sflag:s28], $0x500  }
0x1a: {  	[sflag:s28] =	ssyncset.done $0x0  }
0x1b: {  	[sflag:s28] =	ssyncadd.s32 $0xFFFFFB00  }
0x1c: {  	[tilespmem:s17], [sflag:$0x1] =	stream.indirect.gather [hbm4b:s3+s19], $0x30, s2, s19, $0xb8;
	[tilespmem:$0x7D00] =	vst v63  }
0x1d: {  	_ = 	snop  }
0x1e: {  	[tilespmem:s15], [sflag:$0x2] =	stream.indirect.gather [hbm4b:s3+s19], $0x30, s19, s19, $0xb8;
	[tilespmem:$0x7D00] =	vst v63  }
0x1f: {  	_ = 	snop  }
0x20: {  	[tilespmem:s13], [sflag:$0x3] =	stream.indirect.gather [hbm4b:s3+s19], $0x30, s29, s19, $0xb8;
	[tilespmem:$0x7D00] =	vst v63  }
0x21: {  	_ = 	snop  }
0x22: {  	[tilespmem:s11], [sflag:$0x4] =	stream.indirect.gather [hbm4b:s3+s19], $0x30, s30, s19, $0xb8;
	[tilespmem:$0x7D00] =	vst v63  }
0x23: {  	_ = 	snop  }
0x24: {  	[tilespmem:s9], [sflag:$0x5] =	stream.indirect.gather [hbm4b:s3+s19], $0x30, s31, s19, $0xb8;
	[tilespmem:$0x7D00] =	vst v63  }
0x25: {  	_ =	swait.ge [sflag:s21], $0x1800  }
0x26: {  	[sflag:s21] =	ssyncset.done $0x0  }
0x27: {  	s0 =	rddreg [dreg:$0x4];
	[sflag:s21] =	ssyncadd.s32 $0xFFFFE800  }
0x28: {  	[hbm4b:s0+s2] =	stream.linear.scatter [tilespmem:s17], [sflag:$0x6], $0x1800, $0x38;
	[tilespmem:$0x7D00] =	vst v63  }
0x29: {  	_ =	swait.ge [sflag:s20], $0x1800  }
0x2a: {  	[sflag:s20] =	ssyncset.done $0x0  }
0x2b: {  	s0 =	rddreg [dreg:$0x5];
	[sflag:s20] =	ssyncadd.s32 $0xFFFFE800  }
0x2c: {  	[hbm4b:s0+s2] =	stream.linear.scatter [tilespmem:s15], [sflag:$0x7], $0x1800, $0x38;
	[tilespmem:$0x7D00] =	vst v63  }
0x2d: {  	_ =	swait.ge [sflag:s18], $0x1800  }
0x2e: {  	[sflag:s18] =	ssyncset.done $0x0  }
0x2f: {  	s0 =	rddreg [dreg:$0x6];
	[sflag:s18] =	ssyncadd.s32 $0xFFFFE800  }
0x30: {  	[hbm4b:s0+s2] =	stream.linear.scatter [tilespmem:s13], [sflag:$0x8], $0x1800, $0x38;
	[tilespmem:$0x7D00] =	vst v63  }
0x31: {  	_ =	swait.ge [sflag:s16], $0x1800  }
0x32: {  	[sflag:s16] =	ssyncset.done $0x0  }
0x33: {  	s0 =	rddreg [dreg:$0x7];
	[sflag:s16] =	ssyncadd.s32 $0xFFFFE800  }
0x34: {  	[hbm4b:s0+s2] =	stream.linear.scatter [tilespmem:s11], [sflag:$0x9], $0x1800, $0x38;
	[tilespmem:$0x7D00] =	vst v63  }
0x35: {  	_ =	swait.ge [sflag:s14], $0x1800  }
0x36: {  	[sflag:s14] =	ssyncset.done $0x0  }
0x37: {  	s0 =	rddreg [dreg:$0x8];
	[sflag:s14] =	ssyncadd.s32 $0xFFFFE800  }
0x38: {  	[hbm4b:s0+s2] =	stream.linear.scatter [tilespmem:s9], [sflag:$0xA], $0x1800, $0x38;
	[tilespmem:$0x7D00] =	vst v63  }
0x39: {  	_ =	swait.ge [sflag:s12], $0x1800  }
0x3a: {  	[sflag:s12] =	ssyncset.done $0x0  }
0x3b: {  	[sflag:s12] =	ssyncadd.s32 $0xFFFFE800  }
0x3c: {  	_ =	swait.ge [sflag:s10], $0x1800  }
0x3d: {  	[sflag:s10] =	ssyncset.done $0x0  }
0x3e: {  	[sflag:s10] =	ssyncadd.s32 $0xFFFFE800  }
0x3f: {  	_ =	swait.ge [sflag:s8], $0x1800  }
0x40: {  	[sflag:s8] =	ssyncset.done $0x0  }
0x41: {  	[sflag:s8] =	ssyncadd.s32 $0xFFFFE800  }
0x42: {  	_ =	swait.ge [sflag:s6], $0x1800  }
0x43: {  	[sflag:s6] =	ssyncset.done $0x0  }
0x44: {  	[sflag:s6] =	ssyncadd.s32 $0xFFFFE800  }
0x45: {  	_ =	swait.ge [sflag:s7], $0x1800  }
0x46: {  	[sflag:s7] =	ssyncset.done $0x0  }
0x47: {  	[sflag:s7] =	ssyncadd.s32 $0xFFFFE800  }
0x48: {  	[tilespmem:s17], [sflag:$0x1] =	stream.indirect.gather [hbm4b:s3+s19], $0x30, s22, s19, $0xb8;
	[tilespmem:$0x7D00] =	vst v63  }
0x49: {  	_ = 	snop  }
0x4a: {  	[tilespmem:s15], [sflag:$0x2] =	stream.indirect.gather [hbm4b:s3+s19], $0x30, s23, s19, $0xb8;
	[tilespmem:$0x7D00] =	vst v63  }
0x4b: {  	_ = 	snop  }
0x4c: {  	[tilespmem:s13], [sflag:$0x3] =	stream.indirect.gather [hbm4b:s3+s19], $0x30, s24, s19, $0xb8;
	[tilespmem:$0x7D00] =	vst v63  }
0x4d: {  	_ = 	snop  }
0x4e: {  	[tilespmem:s11], [sflag:$0x4] =	stream.indirect.gather [hbm4b:s3+s19], $0x30, s25, s19, $0xb8;
	[tilespmem:$0x7D00] =	vst v63  }
0x4f: {  	_ = 	snop  }
0x50: {  	[tilespmem:s9], [sflag:$0x5] =	stream.indirect.gather [hbm4b:s3+s19], $0x30, s26, s19, $0xb8;
	[tilespmem:$0x7D00] =	vst v63  }
0x51: {  	_ =	swait.ge [sflag:s21], $0x1800  }
0x52: {  	[sflag:s21] =	ssyncset.done $0x0  }
0x53: {  	s0 =	rddreg [dreg:$0x9];
	[sflag:s21] =	ssyncadd.s32 $0xFFFFE800  }
0x54: {  	[hbm4b:s0+s2] =	stream.linear.scatter [tilespmem:s17], [sflag:$0x6], $0x1800, $0x38;
	[tilespmem:$0x7D00] =	vst v63  }
0x55: {  	_ =	swait.ge [sflag:s20], $0x1800  }
0x56: {  	[sflag:s20] =	ssyncset.done $0x0  }
0x57: {  	s0 =	rddreg [dreg:$0xa];
	[sflag:s20] =	ssyncadd.s32 $0xFFFFE800  }
0x58: {  	[hbm4b:s0+s2] =	stream.linear.scatter [tilespmem:s15], [sflag:$0x7], $0x1800, $0x38;
	[tilespmem:$0x7D00] =	vst v63  }
0x59: {  	_ =	swait.ge [sflag:s18], $0x1800  }
0x5a: {  	[sflag:s18] =	ssyncset.done $0x0  }
0x5b: {  	s0 =	rddreg [dreg:$0xb];
	[sflag:s18] =	ssyncadd.s32 $0xFFFFE800  }
0x5c: {  	[hbm4b:s0+s2] =	stream.linear.scatter [tilespmem:s13], [sflag:$0x8], $0x1800, $0x38;
	[tilespmem:$0x7D00] =	vst v63  }
0x5d: {  	_ =	swait.ge [sflag:s16], $0x1800  }
0x5e: {  	[sflag:s16] =	ssyncset.done $0x0  }
0x5f: {  	[sflag:s16] =	ssyncadd.s32 $0xFFFFE800  }
0x60: {  	[hbm4b:s5+s2] =	stream.linear.scatter [tilespmem:s11], [sflag:$0x9], $0x1800, $0x38;
	[tilespmem:$0x7D00] =	vst v63  }
0x61: {  	_ =	swait.ge [sflag:s14], $0x1800  }
0x62: {  	[sflag:s14] =	ssyncset.done $0x0  }
0x63: {  	[sflag:s14] =	ssyncadd.s32 $0xFFFFE800  }
0x64: {  	[hbm4b:s4+s2] =	stream.linear.scatter [tilespmem:s9], [sflag:$0xA], $0x1800, $0x38;
	[tilespmem:$0x7D00] =	vst v63  }
0x65: {  	_ =	swait.ge [sflag:s12], $0x1800  }
0x66: {  	[sflag:s12] =	ssyncset.done $0x0  }
0x67: {  	[sflag:s12] =	ssyncadd.s32 $0xFFFFE800  }
0x68: {  	_ =	swait.ge [sflag:s10], $0x1800  }
0x69: {  	[sflag:s10] =	ssyncset.done $0x0  }
0x6a: {  	[sflag:s10] =	ssyncadd.s32 $0xFFFFE800  }
0x6b: {  	_ =	swait.ge [sflag:s8], $0x1800  }
0x6c: {  	[sflag:s8] =	ssyncset.done $0x0  }
0x6d: {  	p1 =	sne.s32 s1, $0x1;
	[sflag:s8] =	ssyncadd.s32 $0xFFFFE800  }
.Ltmp1:
0x6e: {  	_ =	swait.ge [sflag:s6], $0x1800;
	(pc) =	sbr.rel @!p1 .LBB2_3-.Ltmp1, $4  }
0x6f: {  	[sflag:s6] =	ssyncset.done $0x0  }
0x70: {  	[sflag:s6] =	ssyncadd.s32 $0xFFFFE800  }
0x71: {  	s1 =	sadd.s32 $0xFFFFFFFF, s1;
	_ =	swait.ge [sflag:s7], $0x1800  }
0x72: {  	p0 =	por $0x1, $0x1;
	s0 =	rddreg [dreg:$0x3];
	[sflag:s7] =	ssyncset.done $0x0  }
.LBB2_2:
0x73: {  	[sflag:s7] =	ssyncadd.s32 $0xFFFFE800  }
0x74: {  	[tilespmem:s2], [sflag:$0xB] =	stream.linear.gather [hbm4b:s0+s2], $0x500, $0x38;
	[tilespmem:$0x7D00] =	vst v63  }
0x75: {  	_ =	swait.ge [sflag:s28], $0x500  }
0x76: {  	[sflag:s28] =	ssyncset.done $0x0  }
0x77: {  	[sflag:s28] =	ssyncadd.s32 $0xFFFFFB00  }
0x78: {  	[tilespmem:s17], [sflag:$0x1] =	stream.indirect.gather [hbm4b:s3+s19], $0x30, s2, s19, $0xb8;
	[tilespmem:$0x7D00] =	vst v63  }
0x79: {  	_ = 	snop  }
0x7a: {  	[tilespmem:s15], [sflag:$0x2] =	stream.indirect.gather [hbm4b:s3+s19], $0x30, s19, s19, $0xb8;
	[tilespmem:$0x7D00] =	vst v63  }
0x7b: {  	_ = 	snop  }
0x7c: {  	[tilespmem:s13], [sflag:$0x3] =	stream.indirect.gather [hbm4b:s3+s19], $0x30, s29, s19, $0xb8;
	[tilespmem:$0x7D00] =	vst v63  }
0x7d: {  	_ = 	snop  }
0x7e: {  	[tilespmem:s11], [sflag:$0x4] =	stream.indirect.gather [hbm4b:s3+s19], $0x30, s30, s19, $0xb8;
	[tilespmem:$0x7D00] =	vst v63  }
0x7f: {  	_ = 	snop  }
0x80: {  	[tilespmem:s9], [sflag:$0x5] =	stream.indirect.gather [hbm4b:s3+s19], $0x30, s31, s19, $0xb8;
	[tilespmem:$0x7D00] =	vst v63  }
0x81: {  	_ =	swait.ge [sflag:s21], $0x1800  }
0x82: {  	[sflag:s21] =	ssyncset.done $0x0  }
0x83: {  	s0 =	rddreg [dreg:$0x4];
	[sflag:s21] =	ssyncadd.s32 $0xFFFFE800  }
0x84: {  	[hbm4b:s0+s2] =	stream.linear.scatter [tilespmem:s17], [sflag:$0x6], $0x1800, $0x38;
	[tilespmem:$0x7D00] =	vst v63  }
0x85: {  	_ =	swait.ge [sflag:s20], $0x1800  }
0x86: {  	[sflag:s20] =	ssyncset.done $0x0  }
0x87: {  	s0 =	rddreg [dreg:$0x5];
	[sflag:s20] =	ssyncadd.s32 $0xFFFFE800  }
0x88: {  	[hbm4b:s0+s2] =	stream.linear.scatter [tilespmem:s15], [sflag:$0x7], $0x1800, $0x38;
	[tilespmem:$0x7D00] =	vst v63  }
0x89: {  	_ =	swait.ge [sflag:s18], $0x1800  }
0x8a: {  	[sflag:s18] =	ssyncset.done $0x0  }
0x8b: {  	s0 =	rddreg [dreg:$0x6];
	[sflag:s18] =	ssyncadd.s32 $0xFFFFE800  }
0x8c: {  	[hbm4b:s0+s2] =	stream.linear.scatter [tilespmem:s13], [sflag:$0x8], $0x1800, $0x38;
	[tilespmem:$0x7D00] =	vst v63  }
0x8d: {  	_ =	swait.ge [sflag:s16], $0x1800  }
0x8e: {  	[sflag:s16] =	ssyncset.done $0x0  }
0x8f: {  	s0 =	rddreg [dreg:$0x7];
	[sflag:s16] =	ssyncadd.s32 $0xFFFFE800  }
0x90: {  	[hbm4b:s0+s2] =	stream.linear.scatter [tilespmem:s11], [sflag:$0x9], $0x1800, $0x38;
	[tilespmem:$0x7D00] =	vst v63  }
0x91: {  	_ =	swait.ge [sflag:s14], $0x1800  }
0x92: {  	[sflag:s14] =	ssyncset.done $0x0  }
0x93: {  	s0 =	rddreg [dreg:$0x8];
	[sflag:s14] =	ssyncadd.s32 $0xFFFFE800  }
0x94: {  	[hbm4b:s0+s2] =	stream.linear.scatter [tilespmem:s9], [sflag:$0xA], $0x1800, $0x38;
	[tilespmem:$0x7D00] =	vst v63  }
0x95: {  	_ =	swait.ge [sflag:s12], $0x1800  }
0x96: {  	[sflag:s12] =	ssyncset.done $0x0  }
0x97: {  	[sflag:s12] =	ssyncadd.s32 $0xFFFFE800  }
0x98: {  	_ =	swait.ge [sflag:s10], $0x1800  }
0x99: {  	[sflag:s10] =	ssyncset.done $0x0  }
0x9a: {  	[sflag:s10] =	ssyncadd.s32 $0xFFFFE800  }
0x9b: {  	_ =	swait.ge [sflag:s8], $0x1800  }
0x9c: {  	[sflag:s8] =	ssyncset.done $0x0  }
0x9d: {  	[sflag:s8] =	ssyncadd.s32 $0xFFFFE800  }
0x9e: {  	_ =	swait.ge [sflag:s6], $0x1800  }
0x9f: {  	[sflag:s6] =	ssyncset.done $0x0  }
0xa0: {  	[sflag:s6] =	ssyncadd.s32 $0xFFFFE800  }
0xa1: {  	_ =	swait.ge [sflag:s7], $0x1800  }
0xa2: {  	[sflag:s7] =	ssyncset.done $0x0  }
0xa3: {  	[sflag:s7] =	ssyncadd.s32 $0xFFFFE800  }
0xa4: {  	[tilespmem:s17], [sflag:$0x1] =	stream.indirect.gather [hbm4b:s3+s19], $0x30, s22, s19, $0xb8;
	[tilespmem:$0x7D00] =	vst v63  }
0xa5: {  	_ = 	snop  }
0xa6: {  	[tilespmem:s15], [sflag:$0x2] =	stream.indirect.gather [hbm4b:s3+s19], $0x30, s23, s19, $0xb8;
	[tilespmem:$0x7D00] =	vst v63  }
0xa7: {  	_ = 	snop  }
0xa8: {  	[tilespmem:s13], [sflag:$0x3] =	stream.indirect.gather [hbm4b:s3+s19], $0x30, s24, s19, $0xb8;
	[tilespmem:$0x7D00] =	vst v63  }
0xa9: {  	_ = 	snop  }
0xaa: {  	[tilespmem:s11], [sflag:$0x4] =	stream.indirect.gather [hbm4b:s3+s19], $0x30, s25, s19, $0xb8;
	[tilespmem:$0x7D00] =	vst v63  }
0xab: {  	_ = 	snop  }
0xac: {  	[tilespmem:s9], [sflag:$0x5] =	stream.indirect.gather [hbm4b:s3+s19], $0x30, s26, s19, $0xb8;
	[tilespmem:$0x7D00] =	vst v63  }
0xad: {  	_ =	swait.ge [sflag:s21], $0x1800  }
0xae: {  	[sflag:s21] =	ssyncset.done $0x0  }
0xaf: {  	s0 =	rddreg [dreg:$0x9];
	[sflag:s21] =	ssyncadd.s32 $0xFFFFE800  }
0xb0: {  	[hbm4b:s0+s2] =	stream.linear.scatter [tilespmem:s17], [sflag:$0x6], $0x1800, $0x38;
	[tilespmem:$0x7D00] =	vst v63  }
0xb1: {  	_ =	swait.ge [sflag:s20], $0x1800  }
0xb2: {  	[sflag:s20] =	ssyncset.done $0x0  }
0xb3: {  	s0 =	rddreg [dreg:$0xa];
	[sflag:s20] =	ssyncadd.s32 $0xFFFFE800  }
0xb4: {  	[hbm4b:s0+s2] =	stream.linear.scatter [tilespmem:s15], [sflag:$0x7], $0x1800, $0x38;
	[tilespmem:$0x7D00] =	vst v63  }
0xb5: {  	_ =	swait.ge [sflag:s18], $0x1800  }
0xb6: {  	[sflag:s18] =	ssyncset.done $0x0  }
0xb7: {  	s0 =	rddreg [dreg:$0xb];
	[sflag:s18] =	ssyncadd.s32 $0xFFFFE800  }
0xb8: {  	[hbm4b:s0+s2] =	stream.linear.scatter [tilespmem:s13], [sflag:$0x8], $0x1800, $0x38;
	[tilespmem:$0x7D00] =	vst v63  }
0xb9: {  	_ =	swait.ge [sflag:s16], $0x1800  }
0xba: {  	[sflag:s16] =	ssyncset.done $0x0  }
0xbb: {  	[sflag:s16] =	ssyncadd.s32 $0xFFFFE800  }
0xbc: {  	[hbm4b:s5+s2] =	stream.linear.scatter [tilespmem:s11], [sflag:$0x9], $0x1800, $0x38;
	[tilespmem:$0x7D00] =	vst v63  }
0xbd: {  	_ =	swait.ge [sflag:s14], $0x1800  }
0xbe: {  	[sflag:s14] =	ssyncset.done $0x0  }
0xbf: {  	[sflag:s14] =	ssyncadd.s32 $0xFFFFE800  }
0xc0: {  	[hbm4b:s4+s2] =	stream.linear.scatter [tilespmem:s9], [sflag:$0xA], $0x1800, $0x38;
	[tilespmem:$0x7D00] =	vst v63  }
0xc1: {  	_ =	swait.ge [sflag:s12], $0x1800  }
0xc2: {  	[sflag:s12] =	ssyncset.done $0x0  }
0xc3: {  	[sflag:s12] =	ssyncadd.s32 $0xFFFFE800  }
0xc4: {  	_ =	swait.ge [sflag:s10], $0x1800  }
0xc5: {  	[sflag:s10] =	ssyncset.done $0x0  }
0xc6: {  	[sflag:s10] =	ssyncadd.s32 $0xFFFFE800  }
0xc7: {  	_ =	swait.ge [sflag:s8], $0x1800  }
0xc8: {  	[sflag:s8] =	ssyncset.done $0x0  }
0xc9: {  	p1 =	sne.s32 s1, $0x1;
	[sflag:s8] =	ssyncadd.s32 $0xFFFFE800  }
.Ltmp2:
0xca: {  	_ =	swait.ge [sflag:s6], $0x1800;
	(pc) =	sbr.rel @p1 .LBB2_2-.Ltmp2, $4  }
0xcb: {  	[sflag:s6] =	ssyncset.done $0x0  }
0xcc: {  	[sflag:s6] =	ssyncadd.s32 $0xFFFFE800  }
0xcd: {  	_ =	swait.ge [sflag:s7], $0x1800  }
0xce: {  	s1 =	sadd.s32 $0xFFFFFFFF, s1;
	s0 =	rddreg [dreg:$0x3];
	[sflag:s7] =	ssyncset.done $0x0  }
.LBB2_3:
0xcf: {  	[sflag:s7] =	ssyncadd.s32 @p0 $0xFFFFE800  }
0xd0: {  	[tilespmem:s2], [sflag:$0xB] =	stream.linear.gather [hbm4b:s0+s2], $0x500, $0x38;
	[tilespmem:$0x7D00] =	vst v63  }
0xd1: {  	_ =	swait.ge [sflag:s28], $0x500  }
0xd2: {  	[sflag:s28] =	ssyncset.done $0x0  }
0xd3: {  	[sflag:s28] =	ssyncadd.s32 $0xFFFFFB00  }
0xd4: {  	[tilespmem:s17], [sflag:$0x1] =	stream.indirect.gather [hbm4b:s3+s19], $0x30, s2, s19, $0xb8;
	[tilespmem:$0x7D00] =	vst v63  }
0xd5: {  	_ = 	snop  }
0xd6: {  	[tilespmem:s15], [sflag:$0x2] =	stream.indirect.gather [hbm4b:s3+s19], $0x30, s19, s19, $0xb8;
	[tilespmem:$0x7D00] =	vst v63  }
0xd7: {  	_ = 	snop  }
0xd8: {  	[tilespmem:s13], [sflag:$0x3] =	stream.indirect.gather [hbm4b:s3+s19], $0x30, s29, s19, $0xb8;
	[tilespmem:$0x7D00] =	vst v63  }
0xd9: {  	_ = 	snop  }
0xda: {  	[tilespmem:s11], [sflag:$0x4] =	stream.indirect.gather [hbm4b:s3+s19], $0x30, s30, s19, $0xb8;
	[tilespmem:$0x7D00] =	vst v63  }
0xdb: {  	_ = 	snop  }
0xdc: {  	[tilespmem:s9], [sflag:$0x5] =	stream.indirect.gather [hbm4b:s3+s19], $0x30, s31, s19, $0xb8;
	[tilespmem:$0x7D00] =	vst v63  }
0xdd: {  	_ =	swait.ge [sflag:s21], $0x1800  }
0xde: {  	[sflag:s21] =	ssyncset.done $0x0  }
0xdf: {  	s28 =	rddreg [dreg:$0x4];
	[sflag:s21] =	ssyncadd.s32 $0xFFFFE800  }
0xe0: {  	[hbm4b:s28+s2] =	stream.linear.scatter [tilespmem:s17], [sflag:$0x6], $0x1800, $0x38;
	[tilespmem:$0x7D00] =	vst v63  }
0xe1: {  	_ =	swait.ge [sflag:s20], $0x1800  }
0xe2: {  	[sflag:s20] =	ssyncset.done $0x0  }
0xe3: {  	s29 =	rddreg [dreg:$0x5];
	[sflag:s20] =	ssyncadd.s32 $0xFFFFE800  }
0xe4: {  	[hbm4b:s29+s2] =	stream.linear.scatter [tilespmem:s15], [sflag:$0x7], $0x1800, $0x38;
	[tilespmem:$0x7D00] =	vst v63  }
0xe5: {  	_ =	swait.ge [sflag:s18], $0x1800  }
0xe6: {  	[sflag:s18] =	ssyncset.done $0x0  }
0xe7: {  	s30 =	rddreg [dreg:$0x6];
	[sflag:s18] =	ssyncadd.s32 $0xFFFFE800  }
0xe8: {  	[hbm4b:s30+s2] =	stream.linear.scatter [tilespmem:s13], [sflag:$0x8], $0x1800, $0x38;
	[tilespmem:$0x7D00] =	vst v63  }
0xe9: {  	_ =	swait.ge [sflag:s16], $0x1800  }
0xea: {  	[sflag:s16] =	ssyncset.done $0x0  }
0xeb: {  	s31 =	rddreg [dreg:$0x7];
	[sflag:s16] =	ssyncadd.s32 $0xFFFFE800  }
0xec: {  	[hbm4b:s31+s2] =	stream.linear.scatter [tilespmem:s11], [sflag:$0x9], $0x1800, $0x38;
	[tilespmem:$0x7D00] =	vst v63  }
0xed: {  	_ =	swait.ge [sflag:s14], $0x1800  }
0xee: {  	[sflag:s14] =	ssyncset.done $0x0  }
0xef: {  	s1 =	rddreg [dreg:$0x8];
	[sflag:s14] =	ssyncadd.s32 $0xFFFFE800  }
0xf0: {  	[hbm4b:s1+s2] =	stream.linear.scatter [tilespmem:s9], [sflag:$0xA], $0x1800, $0x38;
	[tilespmem:$0x7D00] =	vst v63  }
0xf1: {  	_ =	swait.ge [sflag:s12], $0x1800  }
0xf2: {  	[sflag:s12] =	ssyncset.done $0x0  }
0xf3: {  	[sflag:s12] =	ssyncadd.s32 $0xFFFFE800  }
0xf4: {  	_ =	swait.ge [sflag:s10], $0x1800  }
0xf5: {  	[sflag:s10] =	ssyncset.done $0x0  }
0xf6: {  	[sflag:s10] =	ssyncadd.s32 $0xFFFFE800  }
0xf7: {  	_ =	swait.ge [sflag:s8], $0x1800  }
0xf8: {  	[sflag:s8] =	ssyncset.done $0x0  }
0xf9: {  	[sflag:s8] =	ssyncadd.s32 $0xFFFFE800  }
0xfa: {  	_ =	swait.ge [sflag:s6], $0x1800  }
0xfb: {  	[sflag:s6] =	ssyncset.done $0x0  }
0xfc: {  	[sflag:s6] =	ssyncadd.s32 $0xFFFFE800  }
0xfd: {  	_ =	swait.ge [sflag:s7], $0x1800  }
0xfe: {  	[sflag:s7] =	ssyncset.done $0x0  }
0xff: {  	[sflag:s7] =	ssyncadd.s32 $0xFFFFE800  }
0x100: {  	[tilespmem:s17], [sflag:$0x1] =	stream.indirect.gather [hbm4b:s3+s19], $0x30, s22, s19, $0xb8;
	[tilespmem:$0x7D00] =	vst v63  }
0x101: {  	_ = 	snop  }
0x102: {  	[tilespmem:s15], [sflag:$0x2] =	stream.indirect.gather [hbm4b:s3+s19], $0x30, s23, s19, $0xb8;
	[tilespmem:$0x7D00] =	vst v63  }
0x103: {  	_ = 	snop  }
0x104: {  	[tilespmem:s13], [sflag:$0x3] =	stream.indirect.gather [hbm4b:s3+s19], $0x30, s24, s19, $0xb8;
	[tilespmem:$0x7D00] =	vst v63  }
0x105: {  	_ = 	snop  }
0x106: {  	[tilespmem:s11], [sflag:$0x4] =	stream.indirect.gather [hbm4b:s3+s19], $0x30, s25, s19, $0xb8;
	[tilespmem:$0x7D00] =	vst v63  }
0x107: {  	_ = 	snop  }
0x108: {  	[tilespmem:s9], [sflag:$0x5] =	stream.indirect.gather [hbm4b:s3+s19], $0x30, s26, s19, $0xb8;
	[tilespmem:$0x7D00] =	vst v63  }
0x109: {  	_ =	swait.ge [sflag:s21], $0x1800  }
0x10a: {  	[sflag:s21] =	ssyncset.done $0x0  }
0x10b: {  	s28 =	rddreg [dreg:$0x9];
	[sflag:s21] =	ssyncadd.s32 $0xFFFFE800  }
0x10c: {  	[hbm4b:s28+s2] =	stream.linear.scatter [tilespmem:s17], [sflag:$0x6], $0x1800, $0x38;
	[tilespmem:$0x7D00] =	vst v63  }
0x10d: {  	_ =	swait.ge [sflag:s20], $0x1800  }
0x10e: {  	[sflag:s20] =	ssyncset.done $0x0  }
0x10f: {  	s29 =	rddreg [dreg:$0xa];
	[sflag:s20] =	ssyncadd.s32 $0xFFFFE800  }
0x110: {  	[hbm4b:s29+s2] =	stream.linear.scatter [tilespmem:s15], [sflag:$0x7], $0x1800, $0x38;
	[tilespmem:$0x7D00] =	vst v63  }
0x111: {  	_ =	swait.ge [sflag:s18], $0x1800  }
0x112: {  	[sflag:s18] =	ssyncset.done $0x0  }
0x113: {  	s30 =	rddreg [dreg:$0xb];
	[sflag:s18] =	ssyncadd.s32 $0xFFFFE800  }
0x114: {  	[hbm4b:s30+s2] =	stream.linear.scatter [tilespmem:s13], [sflag:$0x8], $0x1800, $0x38;
	[tilespmem:$0x7D00] =	vst v63  }
0x115: {  	_ =	swait.ge [sflag:s16], $0x1800  }
0x116: {  	[sflag:s16] =	ssyncset.done $0x0  }
0x117: {  	[sflag:s16] =	ssyncadd.s32 $0xFFFFE800  }
0x118: {  	[hbm4b:s5+s2] =	stream.linear.scatter [tilespmem:s11], [sflag:$0x9], $0x1800, $0x38;
	[tilespmem:$0x7D00] =	vst v63  }
0x119: {  	_ =	swait.ge [sflag:s14], $0x1800  }
0x11a: {  	[sflag:s14] =	ssyncset.done $0x0  }
0x11b: {  	[sflag:s14] =	ssyncadd.s32 $0xFFFFE800  }
0x11c: {  	[hbm4b:s4+s2] =	stream.linear.scatter [tilespmem:s9], [sflag:$0xA], $0x1800, $0x38;
	[tilespmem:$0x7D00] =	vst v63  }
0x11d: {  	_ =	swait.ge [sflag:s12], $0x1800  }
0x11e: {  	[sflag:s12] =	ssyncset.done $0x0  }
0x11f: {  	[sflag:s12] =	ssyncadd.s32 $0xFFFFE800  }
0x120: {  	_ =	swait.ge [sflag:s10], $0x1800  }
0x121: {  	[sflag:s10] =	ssyncset.done $0x0  }
0x122: {  	[sflag:s10] =	ssyncadd.s32 $0xFFFFE800  }
0x123: {  	_ =	swait.ge [sflag:s8], $0x1800  }
0x124: {  	[sflag:s8] =	ssyncset.done $0x0  }
0x125: {  	[sflag:s8] =	ssyncadd.s32 $0xFFFFE800  }
0x126: {  	_ =	swait.ge [sflag:s6], $0x1800  }
0x127: {  	[sflag:s6] =	ssyncset.done $0x0  }
0x128: {  	[sflag:s6] =	ssyncadd.s32 $0xFFFFE800  }
0x129: {  	_ =	swait.ge [sflag:s7], $0x1800  }
0x12a: {  	[sflag:s7] =	ssyncset.done $0x0  }
0x12b: {  	[sflag:s7] =	ssyncadd.s32 $0xFFFFE800  }
0x12c: {  	_ =	sfence.sel $0x180000  }
0x12d: {  	[bflag:$0x0] =	sbarrier.arrive $0xFFFF  }
0x12e: {  	_ =	strace $0x9000004A  }
0x12f: {  	s31 =	stileid.u32;
	[bflag:$0x2] =	sbarrier.arrive $0xFFFF  }
0x130: {  	p0 =	sne.s32 s31, $0x0;
	s0 =	rddreg [dreg:$0x2]  }
0x131: {  	s0 =	sadd.s32 @!p0 $0x100000, s0  }
0x132: {  	[sflag:s0] =	ssyncadd.tile.s32 @!p0 $0x1;
	_ =	shalt  }
.Lfunc_end2:
_tile_overlayer_lowered:
.L_overlay_start_2:
0x133: {  	(tag) =	ssettag $0x2  }
0x134: {  	s0 =	rddreg [dreg:$0x0];
	s2 =	stileid.u32  }
0x135: {  	s1 =	rddreg [dreg:$0x1];
	p0 =	sne.s32 s2, $0x0  }
0x136: {  	s3 =	rddreg [dreg:$0x2];
	[bflag:$0x3] =	sbarrier.arrive $0xFFFF;
	s2 =	simm.s32 @!p0 $0x1C0B  }
0x137: {  	[timem:s3], [sflag:s2] =	dma.local @!p0 [hbm:s0], s1  }
0x138: {  	s0 =	simm.s32 @!p0 $0xB  }
0x139: {  	_ =	swait.ge @!p0 [sflag:s0], s1  }
0x13a: {  	s1 =	ssub.s32 @!p0 $0x0, s1;
	[sflag:s0] =	ssyncset.done @!p0 $0x0  }
0x13b: {  	[sflag:s0] =	ssyncadd.s32 @!p0 s1  }
0x13c: {  	[bflag:$0x3] =	sbarrier.arrive $0xFFFF  }
0x13d: {  	_ =	shalt  }

// kernel: kernel.24.cloned.1.call-start
scs
__scs_entry_jumppad:
0x0: {  	(pc) =	sbr.rel $0x88, $3  }
0x1: {  	(tag) =	ssettag $0x0;
	lr =	simm.s32 $0x1  }
0x2: {  	[smem:$0x3F98] =	sst lr;
	_ =	strace $0xD0000000  }
0x3: {  	_ = 	snop  }
0x4: {  	_ = 	snop  }
0x5: {  	_ = 	snop  }
0x6: {  	_ = 	snop  }
0x7: {  	_ = 	snop  }
__scs_overlays_trampoline_lowered:
0x8: {  	[smem:$0x3FA7] =	sst s0  }
0x9: {  	[smem:$0x3FA8] =	sst s1  }
0xa: {  	[smem:$0x3FA9] =	sst s2  }
0xb: {  	[smem:$0x3FAA] =	sst s3  }
0xc: {  	[smem:$0x3FAB] =	sst s4  }
0xd: {  	[smem:$0x3FAC] =	sst s5  }
0xe: {  	[smem:$0x3FAD] =	sst s6  }
0xf: {  	[smem:$0x3FAE] =	sst s7  }
0x10: {  	[smem:$0x3FAF] =	sst s8  }
0x11: {  	[smem:$0x3FB0] =	sst s9;
	s0 =	simm.s32 @!p0 $0x0  }
0x12: {  	s1 =	sld [smem:$0x3F96];
	s0 =	simm.s32 @p0 $0x1  }
0x13: {  	[smem:$0x3FB1] =	sst s0;
	s0 =	simm.s32 @!p1 $0x0  }
0x14: {  	s2 =	sld [smem:$0x3F95];
	s0 =	simm.s32 @p1 $0x1  }
0x15: {  	[smem:$0x3FB2] =	sst s0;
	s0 =	simm.s32 @!p2 $0x0  }
0x16: {  	s3 =	sld [smem:$0x3FDB];
	s0 =	simm.s32 @p2 $0x1  }
0x17: {  	s4 =	simm.s32 $0x1BF5;
	[smem:$0x3FB4] =	sst s0  }
0x18: {  	s0 =	sld [smem:$0x3F97];
	_ =	swait.ge [sflag:s4], $0x0  }
0x19: {  	s7 =	sld [smem:$0x3F98]  }
0x1a: {  	s8 =	sadd.s32 $0xFFFFE003, lr  }
0x1b: {  	s9 =	sadd.s32 $0xFFFFFEF7, lr;
	s5 =	simm.s32 $0xFFFFFFFF;
	p2 =	slt.u32 s8, $0xFFFFF086  }
0x1c: {  	p1 =	slt.u32 s9, $0xF7A;
	s5 =	simm.s32 @!p2 $0x0  }
0x1d: {  	s5 =	simm.s32 @p1 $0x1;
	p0 =	seq.s32 s7, s2  }
0x1e: {  	s7 =	smul.u32 @!p0 $0xF7A, s2;
	p2 =	seq.s32 @!p0 s5, $0x0  }
0x1f: {  	s9 =	smul.u32 $0xF7A, s1;
	s8 =	simm.s32 @!p0 $0x1BF5;
	p2 =	por !p2, p0  }
0x20: {  	[sflag:s8] =	ssyncset.s32 @!p0 $0xFFFFF086;
	s6 =	sadd.s32 @!p0 s3, s7;
	s7 =	simm.s32 @!p0 $0x108  }
0x21: {  	s3 =	sadd.s32 s3, s9;
	s6 =	sadd.s32 @!p0 $0x88, s6;
	s7 =	simm.s32 @p2 $0x1082  }
0x22: {  	[simem:s7], [sflag:s8] =	dma.local @!p0 [hbm:s6], $0xF7A  }
0x23: {  	s9 =	sor.u32 $0xD0000000, s2;
	s6 =	simm.s32 $0x108;
	_ =	swait.ge @!p0 [sflag:s8], $0x0  }
0x24: {  	s3 =	sadd.s32 $0x88, s3;
	s6 =	simm.s32 @!p1 $0x1082;
	[sflag:s4] =	ssyncset.s32 $0xFFFFF086  }
0x25: {  	[simem:s6], [sflag:s4] =	dma.local [hbm:s3], $0xF7A  }
0x26: {  	[smem:$0x3F98] =	sst s1;
	(tag) =	ssettag s2;
	_ =	strace s9  }
0x27: {  	s1 =	sld [smem:$0x3FA8]  }
0x28: {  	s2 =	sld [smem:$0x3FA9]  }
0x29: {  	s4 =	sld [smem:$0x3FAB]  }
0x2a: {  	p0 =	seq.s32 s5, $0x0;
	s5 =	sld [smem:$0x3FAC]  }
0x2b: {  	s6 =	sld [smem:$0x3FAD]  }
0x2c: {  	s7 =	sld [smem:$0x3FAE]  }
0x2d: {  	s3 =	simm.s32 $0x108;
	s8 =	sld [smem:$0x3FAF]  }
0x2e: {  	s3 =	simm.s32 @!p0 $0x1082;
	s9 =	sld [smem:$0x3FB0]  }
0x2f: {  	lr =	sadd.s32 s0, s3;
	s0 =	sld [smem:$0x3FA7]  }
0x30: {  	s3 =	sld [smem:$0x3FAA]  }
0x31: {  	[smem:$0x3FB3] =	sst s10  }
0x32: {  	s10 =	sld [smem:$0x3FB1];
	_ =	sdelay $0x3  }
0x33: {  	p0 =	seq.s32 s10, $0x1;
	s10 =	sld [smem:$0x3FB3];
	_ =	sdelay $0x3  }
0x34: {  	[smem:$0x3FB3] =	sst s10  }
0x35: {  	s10 =	sld [smem:$0x3FB2];
	_ =	sdelay $0x3  }
0x36: {  	p1 =	seq.s32 s10, $0x1;
	s10 =	sld [smem:$0x3FB3];
	_ =	sdelay $0x3  }
0x37: {  	[smem:$0x3FB3] =	sst s10  }
0x38: {  	s10 =	sld [smem:$0x3FB4]  }
0x39: {  	_ = 	snop;
	(pc) =	sbr.ind lr, $3  }
0x3a: {  	_ = 	snop  }
0x3b: {  	_ = 	snop  }
0x3c: {  	p2 =	seq.s32 s10, $0x1;
	s10 =	sld [smem:$0x3FB3]  }
0x3d: {  	_ =	shalt  }
0x3e: {  	_ =	shalt  }
0x3f: {  	_ =	shalt  }
0x40: {  	_ =	shalt  }
0x41: {  	_ =	shalt  }
0x42: {  	_ =	shalt  }
0x43: {  	_ =	shalt  }
0x44: {  	_ =	shalt  }
0x45: {  	_ =	shalt  }
0x46: {  	_ =	shalt  }
0x47: {  	_ =	shalt  }
0x48: {  	_ =	shalt  }
0x49: {  	_ =	shalt  }
0x4a: {  	_ =	shalt  }
0x4b: {  	_ =	shalt  }
0x4c: {  	_ =	shalt  }
0x4d: {  	_ =	shalt  }
0x4e: {  	_ =	shalt  }
0x4f: {  	_ =	shalt  }
0x50: {  	_ =	shalt  }
0x51: {  	_ =	shalt  }
0x52: {  	_ =	shalt  }
0x53: {  	_ =	shalt  }
0x54: {  	_ =	shalt  }
0x55: {  	_ =	shalt  }
0x56: {  	_ =	shalt  }
0x57: {  	_ =	shalt  }
0x58: {  	_ =	shalt  }
0x59: {  	_ =	shalt  }
0x5a: {  	_ =	shalt  }
0x5b: {  	_ =	shalt  }
0x5c: {  	_ =	shalt  }
0x5d: {  	_ =	shalt  }
0x5e: {  	_ =	shalt  }
0x5f: {  	_ =	shalt  }
0x60: {  	_ =	shalt  }
0x61: {  	_ =	shalt  }
0x62: {  	_ =	shalt  }
0x63: {  	_ =	shalt  }
0x64: {  	_ =	shalt  }
0x65: {  	_ =	shalt  }
0x66: {  	_ =	shalt  }
0x67: {  	_ =	shalt  }
0x68: {  	_ =	shalt  }
0x69: {  	_ =	shalt  }
0x6a: {  	_ =	shalt  }
0x6b: {  	_ =	shalt  }
0x6c: {  	_ =	shalt  }
0x6d: {  	_ =	shalt  }
0x6e: {  	_ =	shalt  }
0x6f: {  	_ =	shalt  }
0x70: {  	_ =	shalt  }
0x71: {  	_ =	shalt  }
0x72: {  	_ =	shalt  }
0x73: {  	_ =	shalt  }
0x74: {  	_ =	shalt  }
0x75: {  	_ =	shalt  }
0x76: {  	_ =	shalt  }
0x77: {  	_ =	shalt  }
0x78: {  	_ =	shalt  }
0x79: {  	_ =	shalt  }
0x7a: {  	_ =	shalt  }
0x7b: {  	_ =	shalt  }
0x7c: {  	_ =	shalt  }
0x7d: {  	_ =	shalt  }
0x7e: {  	_ =	shalt  }
0x7f: {  	_ =	shalt  }
0x80: {  	_ =	shalt  }
0x81: {  	_ =	shalt  }
0x82: {  	_ =	shalt  }
0x83: {  	_ =	shalt  }
0x84: {  	_ =	shalt  }
0x85: {  	_ =	shalt  }
0x86: {  	_ =	shalt  }
0x87: {  	_ =	shalt  }
.Lfunc_end0:
.L_simem_size_0:
called_computation.3_lowered:
.L_overlay_start_0:
0x88: {  	s2 =	sld [smem:$0x3FD9]  }
0x89: {  	s3 =	sld [smem:$0x3FFE];
	_ =	sdelay $0x1  }
0x8a: {  	s1 =	srdreg.scid  }
0x8b: {  	s0 =	sand.u32 $0x1, s1  }
0x8c: {  	s17 =	sshll.u32 s0, $0xA;
	s2 =	sadd.s32 s3, s2  }
0x8d: {  	s2 =	sadd.s32 s2, s17  }
0x8e: {  	[smem:$0x3FBF] =	sst s2  }
0x8f: {  	_ = 	snop  }
0x90: {  	(tm) =	ssettm $0x1  }
0x91: {  	s18 =	sld [smem:$0x3FFB];
	_ =	sdelay $0x3  }
0x92: {  	_ =	strace s18  }
0x93: {  	s2 =	sld [smem:$0x3FFC];
	_ =	sdelay $0x3  }
0x94: {  	_ =	strace s2  }
0x95: {  	s2 =	sld [smem:$0x3FFD];
	_ =	sdelay $0x3  }
0x96: {  	_ =	strace s2  }
0x97: {  	_ =	strace $0x8FFFFFFF  }
0x98: {  	s19 =	sld [smem:$0x3FDB];
	_ =	sdelay $0x1  }
0x99: {  	s20 =	simm.s32 $_scs_section_size  }
0x9a: {  	s4 =	simm.s32 $_size__tile_overlayer_lowered;
	s5 =	simm.s32 $_tile_overlayer_lowered  }
0x9b: {  	s6 =	simm.s32 $0x1BFF;
	s21 =	sshll.u32 s5, $0x1;
	s3 =	sadd.s32 s20, s19  }
0x9c: {  	s22 =	simm.s32 $0x0;
	s4 =	sshll.u32 s4, $0x1;
	s5 =	sadd.s32 s21, s3  }
0x9d: {  	[timem:s22], [sflag:s6] =	dma.local [hbm:s5], s4  }
0x9e: {  	_ =	swait.ge [sflag:s6], s4  }
0x9f: {  	s4 =	ssub.s32 $0x0, s4;
	[sflag:s6] =	ssyncset.done $0x0  }
0xa0: {  	[sflag:s6] =	ssyncadd.s32 s4;
	_ =	sdelay $0x1  }
0xa1: {  	s23 =	simm.s32 $0x1B8B  }
0xa2: {  	_ =	swait.ge [sflag:s23], $0x1  }
0xa3: {  	[sflag:s23] =	ssyncset.done $0x0  }
0xa4: {  	[sflag:s23] =	ssyncadd.s32 $0xFFFFFFFF  }
0xa5: {  	s4 =	sld [smem:$0x0]  }
0xa6: {  	s5 =	sand.u32 $0xFFFFFFFE, s1  }
0xa7: {  	p0 =	sne.s32 s1, s5  }
0xa8: {  	s5 =	sshll.u32 @p0 s5, $0xE  }
0xa9: {  	s5 =	sadd.s32 @p0 $0x11B8D, s5;
	s6 =	sshll.u32 @p0 s4, $0x11  }
0xaa: {  	s5 =	sor.u32 @p0 s6, s5  }
0xab: {  	[sflag:s5] =	ssyncadd.remote.s32 @p0 $0x1;
	_ =	sdelay $0x1  }
0xac: {  	s5 =	simm.s32 @p0 $0x1B8D  }
0xad: {  	_ =	swait.eq @p0 [sflag:s5], $0x1  }
0xae: {  	[sflag:s5] =	ssyncadd.s32 @p0 $0xFFFFFFFF  }
0xaf: {  	s6 =	sshll.u32 @!p0 s1, $0xE  }
0xb0: {  	s6 =	sor.u32 @!p0 $0x4000, s6;
	s5 =	simm.s32 @!p0 $0x1B8D  }
0xb1: {  	s4 =	sshll.u32 @!p0 s4, $0x11;
	s6 =	sadd.s32 @!p0 $0x11B8D, s6;
	_ =	swait.eq @!p0 [sflag:s5], $0x1  }
0xb2: {  	s4 =	sor.u32 @!p0 s4, s6;
	[sflag:s5] =	ssyncadd.s32 @!p0 $0xFFFFFFFF  }
0xb3: {  	s25 =	simm.s32 $0x1B8E;
	s24 =	sld [smem:$0x3FFE];
	[sflag:s4] =	ssyncadd.remote.s32 @!p0 $0x1  }
0xb4: {  	s26 =	simm.s32 $execute0_lowered;
	[smem:$0x3FD2] =	sst s25  }
0xb5: {  	s5 =	sshll.u32 s26, $0x1;
	_ =	strace $0x80000055;
	[dreg:$0x1] =	wrdreg $0xFFFFFFFF  }
0xb6: {  	s28 =	simm.s32 $_size_execute0_lowered;
	s3 =	sadd.s32 s3, s5;
	[dreg:$0x0] =	wrdreg $0x0  }
0xb7: {  	s5 =	sshll.u32 s28, $0x1;
	[dreg:$0x2] =	wrdreg s3  }
0xb8: {  	[dreg:$0x3] =	wrdreg s5  }
0xb9: {  	[dreg:$0x4] =	wrdreg $0xC0  }
0xba: {  	_ =	task [dreg:s22], $0x5FFFF  }
0xbb: {  	[dreg:$0x1] =	wrdreg $0xFFFFFFFF  }
0xbc: {  	[dreg:$0x0] =	wrdreg $0x60  }
0xbd: {  	[dreg:$0x2] =	wrdreg s24  }
0xbe: {  	[dreg:$0x3] =	wrdreg $0x20800  }
0xbf: {  	[dreg:$0x4] =	wrdreg $0xC  }
0xc0: {  	_ =	task.clear_ibuf [dreg:s22], $0x5FFFF;
	_ =	strace $0x90000055  }
0xc1: {  	s29 =	simm.s32 $0xC;
	_ =	strace $0x80000057  }
0xc2: {  	_ =	swait.ge [sflag:s29], $0x1  }
0xc3: {  	[sflag:s29] =	ssyncadd.s32 $0xFFFFFFFF  }
0xc4: {  	_ =	strace $0x90000057  }
0xc5: {  	_ =	sfence  }
0xc6: {  	s30 =	sld [smem:$0x0];
	_ =	sdelay $0x2  }
0xc7: {  	s31 =	sshll.u32 s1, $0xD;
	s1 =	sshrl.u32 s1, $0x2  }
0xc8: {  	s4 =	sand.u32 $0x4000, s31;
	s1 =	sadd.s32 s1, s30  }
0xc9: {  	s0 =	sor.u32 s4, s0;
	s1 =	sshll.u32 s1, $0x11  }
0xca: {  	s0 =	sor.u32 s1, s0  }
0xcb: {  	s0 =	sadd.s32 $0x8F2B, s0  }
0xcc: {  	[sflag:s0] =	ssyncadd.remote.s32 $0x1  }
0xcd: {  	_ =	sfence.sel $0xFFFF  }
0xce: {  	[dreg:$0x0] =	wrdreg $0xFFFFFFFF;
	(pc) =	sbr.abs _section_cstart, $3  }
0xcf: {  	[dreg:$0x1] =	wrdreg $0xFFFFFFFF  }
0xd0: {  	_ =	task.clear_ibuf [dreg:s22], $0x2FFFF;
	_ =	strace $0x9FFFFFFF  }
0xd1: {  	(tm) =	ssettm $0x7FFFFFFF  }
tec
execute0_lowered:
.L_overlay_start_1:
0x0: {  	(tag) =	ssettag $0x1  }
0x1: {  	s0 =	stileid.u32;
	s1 =	srdreg.scid  }
0x2: {  	s5 =	rddreg [dreg:$0x0];
	s4 =	smul.u32 $0x5000, s0  }
0x3: {  	s2 =	rddreg [dreg:$0x1];
	s3 =	simm.s32 $0x0;
	s7 =	smul.u32 $0xA00, s0  }
0x4: {  	s6 =	sand.u32 $0x1, s1;
	s1 =	rddreg [dreg:$0x2];
	s9 =	smul.u32 $0x9E00, s0  }
0x5: {  	[smem:$0x7FF] =	sst s3;
	s30 =	sshll.u32 s0, $0x6;
	s8 =	smul.u32 $0x500, s6  }
0x6: {  	s24 =	smul.u32 $0x9E000, s6;
	_ =	strace $0x80000056;
	s28 =	ssub.s32 $0x2, s6  }
0x7: {  	s13 =	smul.u32 $0x2800, s6;
	s10 =	sadd.s32 s4, s5;
	s26 =	sshrl.u32 s9, $0x3  }
0x8: {  	s29 =	sshrl.u32 s28, $0x1;
	s14 =	sadd.s32 s9, s2;
	s7 =	sadd.s32 s8, s7  }
0x9: {  	s25 =	sadd.s32 s9, s24;
	s8 =	ssub.s32 s28, s29;
	s31 =	sadd.s32 s13, s10  }
0xa: {  	s10 =	sshrl.u32 s14, $0x3;
	s13 =	simm.s32 $0x0;
	s7 =	sshrl.u32 s7, $0x3  }
0xb: {  	s4 =	sshrl.u32 s25, $0x3;
	s11 =	sadd.s32 s7, s5;
	s7 =	sadd.s32 s26, s5  }
0xc: {  	s12 =	sadd.s32 s4, s5;
	s5 =	sor.u32 $0x1C01, s30;
	s4 =	sadd.s32 $0x30C00, s7  }
0xd: {  	s6 =	sadd.s32 $0x6C000, s12;
	s7 =	smax.u32 s8, $0x1;
	s8 =	sadd.s32 $0x3E6C00, s31  }
0xe: {  	s9 =	sadd.s32 $0x393000, s11;
	s11 =	simm.s32 $0x1;
	s12 =	simm.s32 $0x80  }
.LBB2_1:
0xf: {  	[spmem:s10], [sflag:s5] =	dma.local [hbm:s4], $0x13C0  }
0x10: {  	_ =	swait.ge [sflag:s11], $0x13C0  }
0x11: {  	[sflag:s11] =	ssyncset.done $0x0  }
0x12: {  	[sflag:s11] =	ssyncadd.s32 $0xFFFFEC40  }
0x13: {  	s14 =	sadd.s32 $0x0, s9;
	[bflag:$0x0] =	sbarrier.arrive $0xFFFF  }
0x14: {  	[tilespmem:s3], [sflag:$0x1] =	stream.linear.gather [hbm4b:s14+s3], $0x80, $0x38;
	[tilespmem:$0xBE80] =	vst v63  }
0x15: {  	_ =	swait.ge [sflag:s11], $0x80  }
0x16: {  	[sflag:s11] =	ssyncset.done $0x0  }
0x17: {  	[sflag:s11] =	ssyncadd.s32 $0xFFFFFF80  }
0x18: {  	[tilespmem:s12], [sflag:$0x1] =	stream.linear.gather [hbm4b:s8+s3], $0x2000, $0x38;
	[tilespmem:$0xBE80] =	vst v63  }
0x19: {  	_ =	swait.ge [sflag:s11], $0x2000  }
0x1a: {  	[sflag:s11] =	ssyncset.done $0x0  }
0x1b: {  	[sflag:s11] =	ssyncadd.s32 $0xFFFFE000  }
0x1c: {  	[spmem:s2] =	stream.indirect.scatter.add.f32 [tilespmem:s12], [sflag:$0x1], $0x40, s3, s12, $0xb8;
	[tilespmem:$0xBE80] =	vst v63  }
0x1d: {  	s15 =	simm.s32 $0x10;
	_ =	swait.ge [sflag:s11], $0x2000  }
0x1e: {  	s16 =	simm.s32 $0x20;
	s14 =	sadd.s32 $0x400, s8;
	[sflag:s11] =	ssyncset.done $0x0  }
.LBB2_2:
0x1f: {  	s17 =	sadd.s32 s15, s9  }
0x20: {  	[sflag:s11] =	ssyncadd.s32 $0xFFFFE000;
	s15 =	smov.u32 s16;
	s18 =	sadd.s32 $0x10, s16  }
0x21: {  	[tilespmem:s3], [sflag:$0x1] =	stream.linear.gather [hbm4b:s17+s3], $0x80, $0x38;
	[tilespmem:$0xBE80] =	vst v63  }
0x22: {  	p0 =	sne.s32 s16, $0x90;
	_ =	swait.ge [sflag:s11], $0x80  }
0x23: {  	[sflag:s11] =	ssyncset.done $0x0  }
0x24: {  	[sflag:s11] =	ssyncadd.s32 $0xFFFFFF80  }
0x25: {  	[tilespmem:s12], [sflag:$0x1] =	stream.linear.gather [hbm4b:s14+s3], $0x2000, $0x38;
	[tilespmem:$0xBE80] =	vst v63  }
0x26: {  	_ =	swait.ge [sflag:s11], $0x2000  }
.Ltmp0:
0x27: {  	[sflag:s11] =	ssyncset.done $0x0;
	(pc) =	sbr.rel @p0 .LBB2_2-.Ltmp0, $4  }
0x28: {  	[sflag:s11] =	ssyncadd.s32 $0xFFFFE000  }
0x29: {  	[spmem:s2] =	stream.indirect.scatter.add.f32 [tilespmem:s12], [sflag:$0x1], $0x40, s3, s12, $0xb8;
	[tilespmem:$0xBE80] =	vst v63  }
0x2a: {  	_ =	swait.ge [sflag:s11], $0x2000  }
0x2b: {  	s16 =	smov.u32 s18;
	s14 =	sadd.s32 $0x400, s14;
	[sflag:s11] =	ssyncset.done $0x0  }
0x2c: {  	s15 =	sadd.s32 s15, s9;
	[sflag:s11] =	ssyncadd.s32 $0xFFFFE000  }
0x2d: {  	[tilespmem:s3], [sflag:$0x1] =	stream.linear.gather [hbm4b:s15+s3], $0x80, $0x38;
	[tilespmem:$0xBE80] =	vst v63  }
0x2e: {  	_ =	swait.ge [sflag:s11], $0x80  }
0x2f: {  	[sflag:s11] =	ssyncset.done $0x0  }
0x30: {  	[sflag:s11] =	ssyncadd.s32 $0xFFFFFF80  }
0x31: {  	[tilespmem:s12], [sflag:$0x1] =	stream.linear.gather [hbm4b:s14+s3], $0x2000, $0x38;
	[tilespmem:$0xBE80] =	vst v63  }
0x32: {  	_ =	swait.ge [sflag:s11], $0x2000  }
0x33: {  	[sflag:s11] =	ssyncset.done $0x0  }
0x34: {  	[sflag:s11] =	ssyncadd.s32 $0xFFFFE000  }
0x35: {  	[spmem:s2] =	stream.indirect.scatter.add.f32 [tilespmem:s12], [sflag:$0x1], $0x40, s3, s12, $0xb8;
	[tilespmem:$0xBE80] =	vst v63  }
0x36: {  	_ =	swait.ge [sflag:s11], $0x2000  }
0x37: {  	s13 =	sadd.s32 $0x1, s13;
	[sflag:s11] =	ssyncset.done $0x0  }
0x38: {  	p0 =	sne.s32 s13, s7;
	[sflag:s11] =	ssyncadd.s32 $0xFFFFE000  }
.Ltmp1:
0x39: {  	[bflag:$0x0] =	sbarrier.arrive $0xFFFF;
	(pc) =	sbr.rel @p0 .LBB2_1-.Ltmp1, $4  }
0x3a: {  	[hbm:s6], [sflag:s5] =	dma.local [spmem:s10], $0x13C0  }
0x3b: {  	_ =	swait.ge [sflag:s11], $0x13C0  }
0x3c: {  	[sflag:s11] =	ssyncset.done $0x0  }
0x3d: {  	[sflag:s11] =	ssyncadd.s32 $0xFFFFEC40  }
0x3e: {  	_ =	sfence.sel $0x180000  }
0x3f: {  	[bflag:$0x0] =	sbarrier.arrive $0xFFFF  }
0x40: {  	p0 =	sne.s32 s0, $0x0;
	_ =	strace $0x90000056  }
0x41: {  	s0 =	sadd.s32 @!p0 $0x100000, s1;
	[bflag:$0x2] =	sbarrier.arrive $0xFFFF  }
0x42: {  	[sflag:s0] =	ssyncadd.tile.s32 @!p0 $0x1;
	_ =	shalt  }
.Lfunc_end2:
_tile_overlayer_lowered:
.L_overlay_start_2:
0x43: {  	(tag) =	ssettag $0x2  }
0x44: {  	s0 =	rddreg [dreg:$0x0];
	s2 =	stileid.u32  }
0x45: {  	s1 =	rddreg [dreg:$0x1];
	p0 =	sne.s32 s2, $0x0  }
0x46: {  	s3 =	rddreg [dreg:$0x2];
	[bflag:$0x3] =	sbarrier.arrive $0xFFFF;
	s2 =	simm.s32 @!p0 $0x1C01  }
0x47: {  	[timem:s3], [sflag:s2] =	dma.local @!p0 [hbm:s0], s1  }
0x48: {  	s0 =	simm.s32 @!p0 $0x1  }
0x49: {  	_ =	swait.ge @!p0 [sflag:s0], s1  }
0x4a: {  	s1 =	ssub.s32 @!p0 $0x0, s1;
	[sflag:s0] =	ssyncset.done @!p0 $0x0  }
0x4b: {  	[sflag:s0] =	ssyncadd.s32 @!p0 s1  }
0x4c: {  	[bflag:$0x3] =	sbarrier.arrive $0xFFFF  }
0x4d: {  	_ =	shalt  }

// kernel: kernel.27.cloned.1.call-start
scs
__scs_entry_jumppad:
0x0: {  	(pc) =	sbr.rel $0x88, $3  }
0x1: {  	(tag) =	ssettag $0x0;
	lr =	simm.s32 $0x1  }
0x2: {  	[smem:$0x3F98] =	sst lr;
	_ =	strace $0xD0000000  }
0x3: {  	_ = 	snop  }
0x4: {  	_ = 	snop  }
0x5: {  	_ = 	snop  }
0x6: {  	_ = 	snop  }
0x7: {  	_ = 	snop  }
__scs_overlays_trampoline_lowered:
0x8: {  	[smem:$0x3FA7] =	sst s0  }
0x9: {  	[smem:$0x3FA8] =	sst s1  }
0xa: {  	[smem:$0x3FA9] =	sst s2  }
0xb: {  	[smem:$0x3FAA] =	sst s3  }
0xc: {  	[smem:$0x3FAB] =	sst s4  }
0xd: {  	[smem:$0x3FAC] =	sst s5  }
0xe: {  	[smem:$0x3FAD] =	sst s6  }
0xf: {  	[smem:$0x3FAE] =	sst s7  }
0x10: {  	[smem:$0x3FAF] =	sst s8  }
0x11: {  	[smem:$0x3FB0] =	sst s9;
	s0 =	simm.s32 @!p0 $0x0  }
0x12: {  	s1 =	sld [smem:$0x3F96];
	s0 =	simm.s32 @p0 $0x1  }
0x13: {  	[smem:$0x3FB1] =	sst s0;
	s0 =	simm.s32 @!p1 $0x0  }
0x14: {  	s2 =	sld [smem:$0x3F95];
	s0 =	simm.s32 @p1 $0x1  }
0x15: {  	[smem:$0x3FB2] =	sst s0;
	s0 =	simm.s32 @!p2 $0x0  }
0x16: {  	s3 =	sld [smem:$0x3FDB];
	s0 =	simm.s32 @p2 $0x1  }
0x17: {  	s4 =	simm.s32 $0x1BF5;
	[smem:$0x3FB4] =	sst s0  }
0x18: {  	s0 =	sld [smem:$0x3F97];
	_ =	swait.ge [sflag:s4], $0x0  }
0x19: {  	s7 =	sld [smem:$0x3F98]  }
0x1a: {  	s8 =	sadd.s32 $0xFFFFE003, lr  }
0x1b: {  	s9 =	sadd.s32 $0xFFFFFEF7, lr;
	s5 =	simm.s32 $0xFFFFFFFF;
	p2 =	slt.u32 s8, $0xFFFFF086  }
0x1c: {  	p1 =	slt.u32 s9, $0xF7A;
	s5 =	simm.s32 @!p2 $0x0  }
0x1d: {  	s5 =	simm.s32 @p1 $0x1;
	p0 =	seq.s32 s7, s2  }
0x1e: {  	s7 =	smul.u32 @!p0 $0xF7A, s2;
	p2 =	seq.s32 @!p0 s5, $0x0  }
0x1f: {  	s9 =	smul.u32 $0xF7A, s1;
	s8 =	simm.s32 @!p0 $0x1BF5;
	p2 =	por !p2, p0  }
0x20: {  	[sflag:s8] =	ssyncset.s32 @!p0 $0xFFFFF086;
	s6 =	sadd.s32 @!p0 s3, s7;
	s7 =	simm.s32 @!p0 $0x108  }
0x21: {  	s3 =	sadd.s32 s3, s9;
	s6 =	sadd.s32 @!p0 $0x88, s6;
	s7 =	simm.s32 @p2 $0x1082  }
0x22: {  	[simem:s7], [sflag:s8] =	dma.local @!p0 [hbm:s6], $0xF7A  }
0x23: {  	s9 =	sor.u32 $0xD0000000, s2;
	s6 =	simm.s32 $0x108;
	_ =	swait.ge @!p0 [sflag:s8], $0x0  }
0x24: {  	s3 =	sadd.s32 $0x88, s3;
	s6 =	simm.s32 @!p1 $0x1082;
	[sflag:s4] =	ssyncset.s32 $0xFFFFF086  }
0x25: {  	[simem:s6], [sflag:s4] =	dma.local [hbm:s3], $0xF7A  }
0x26: {  	[smem:$0x3F98] =	sst s1;
	(tag) =	ssettag s2;
	_ =	strace s9  }
0x27: {  	s1 =	sld [smem:$0x3FA8]  }
0x28: {  	s2 =	sld [smem:$0x3FA9]  }
0x29: {  	s4 =	sld [smem:$0x3FAB]  }
0x2a: {  	p0 =	seq.s32 s5, $0x0;
	s5 =	sld [smem:$0x3FAC]  }
0x2b: {  	s6 =	sld [smem:$0x3FAD]  }
0x2c: {  	s7 =	sld [smem:$0x3FAE]  }
0x2d: {  	s3 =	simm.s32 $0x108;
	s8 =	sld [smem:$0x3FAF]  }
0x2e: {  	s3 =	simm.s32 @!p0 $0x1082;
	s9 =	sld [smem:$0x3FB0]  }
0x2f: {  	lr =	sadd.s32 s0, s3;
	s0 =	sld [smem:$0x3FA7]  }
0x30: {  	s3 =	sld [smem:$0x3FAA]  }
0x31: {  	[smem:$0x3FB3] =	sst s10  }
0x32: {  	s10 =	sld [smem:$0x3FB1];
	_ =	sdelay $0x3  }
0x33: {  	p0 =	seq.s32 s10, $0x1;
	s10 =	sld [smem:$0x3FB3];
	_ =	sdelay $0x3  }
0x34: {  	[smem:$0x3FB3] =	sst s10  }
0x35: {  	s10 =	sld [smem:$0x3FB2];
	_ =	sdelay $0x3  }
0x36: {  	p1 =	seq.s32 s10, $0x1;
	s10 =	sld [smem:$0x3FB3];
	_ =	sdelay $0x3  }
0x37: {  	[smem:$0x3FB3] =	sst s10  }
0x38: {  	s10 =	sld [smem:$0x3FB4]  }
0x39: {  	_ = 	snop;
	(pc) =	sbr.ind lr, $3  }
0x3a: {  	_ = 	snop  }
0x3b: {  	_ = 	snop  }
0x3c: {  	p2 =	seq.s32 s10, $0x1;
	s10 =	sld [smem:$0x3FB3]  }
0x3d: {  	_ =	shalt  }
0x3e: {  	_ =	shalt  }
0x3f: {  	_ =	shalt  }
0x40: {  	_ =	shalt  }
0x41: {  	_ =	shalt  }
0x42: {  	_ =	shalt  }
0x43: {  	_ =	shalt  }
0x44: {  	_ =	shalt  }
0x45: {  	_ =	shalt  }
0x46: {  	_ =	shalt  }
0x47: {  	_ =	shalt  }
0x48: {  	_ =	shalt  }
0x49: {  	_ =	shalt  }
0x4a: {  	_ =	shalt  }
0x4b: {  	_ =	shalt  }
0x4c: {  	_ =	shalt  }
0x4d: {  	_ =	shalt  }
0x4e: {  	_ =	shalt  }
0x4f: {  	_ =	shalt  }
0x50: {  	_ =	shalt  }
0x51: {  	_ =	shalt  }
0x52: {  	_ =	shalt  }
0x53: {  	_ =	shalt  }
0x54: {  	_ =	shalt  }
0x55: {  	_ =	shalt  }
0x56: {  	_ =	shalt  }
0x57: {  	_ =	shalt  }
0x58: {  	_ =	shalt  }
0x59: {  	_ =	shalt  }
0x5a: {  	_ =	shalt  }
0x5b: {  	_ =	shalt  }
0x5c: {  	_ =	shalt  }
0x5d: {  	_ =	shalt  }
0x5e: {  	_ =	shalt  }
0x5f: {  	_ =	shalt  }
0x60: {  	_ =	shalt  }
0x61: {  	_ =	shalt  }
0x62: {  	_ =	shalt  }
0x63: {  	_ =	shalt  }
0x64: {  	_ =	shalt  }
0x65: {  	_ =	shalt  }
0x66: {  	_ =	shalt  }
0x67: {  	_ =	shalt  }
0x68: {  	_ =	shalt  }
0x69: {  	_ =	shalt  }
0x6a: {  	_ =	shalt  }
0x6b: {  	_ =	shalt  }
0x6c: {  	_ =	shalt  }
0x6d: {  	_ =	shalt  }
0x6e: {  	_ =	shalt  }
0x6f: {  	_ =	shalt  }
0x70: {  	_ =	shalt  }
0x71: {  	_ =	shalt  }
0x72: {  	_ =	shalt  }
0x73: {  	_ =	shalt  }
0x74: {  	_ =	shalt  }
0x75: {  	_ =	shalt  }
0x76: {  	_ =	shalt  }
0x77: {  	_ =	shalt  }
0x78: {  	_ =	shalt  }
0x79: {  	_ =	shalt  }
0x7a: {  	_ =	shalt  }
0x7b: {  	_ =	shalt  }
0x7c: {  	_ =	shalt  }
0x7d: {  	_ =	shalt  }
0x7e: {  	_ =	shalt  }
0x7f: {  	_ =	shalt  }
0x80: {  	_ =	shalt  }
0x81: {  	_ =	shalt  }
0x82: {  	_ =	shalt  }
0x83: {  	_ =	shalt  }
0x84: {  	_ =	shalt  }
0x85: {  	_ =	shalt  }
0x86: {  	_ =	shalt  }
0x87: {  	_ =	shalt  }
.Lfunc_end0:
.L_simem_size_0:
called_computation.4_lowered:
.L_overlay_start_0:
0x88: {  	s2 =	sld [smem:$0x3FD9]  }
0x89: {  	s3 =	sld [smem:$0x3FFE];
	_ =	sdelay $0x1  }
0x8a: {  	s1 =	srdreg.scid  }
0x8b: {  	s0 =	sand.u32 $0x1, s1  }
0x8c: {  	s17 =	sshll.u32 s0, $0xA;
	s2 =	sadd.s32 s3, s2  }
0x8d: {  	s2 =	sadd.s32 s2, s17  }
0x8e: {  	[smem:$0x3FBF] =	sst s2  }
0x8f: {  	_ = 	snop  }
0x90: {  	s18 =	sld [smem:$0x3FD0];
	(tm) =	ssettm $0x1  }
0x91: {  	s19 =	sld [smem:$0x3FFB];
	_ =	sdelay $0x3  }
0x92: {  	_ =	strace s19  }
0x93: {  	s2 =	sld [smem:$0x3FFC];
	_ =	sdelay $0x3  }
0x94: {  	_ =	strace s2  }
0x95: {  	s2 =	sld [smem:$0x3FFD];
	_ =	sdelay $0x3  }
0x96: {  	_ =	strace s2  }
0x97: {  	_ =	strace $0x8FFFFFFF  }
0x98: {  	s20 =	sld [smem:$0x3FDB];
	_ =	sdelay $0x1  }
0x99: {  	s4 =	simm.s32 $_scs_section_size  }
0x9a: {  	s5 =	simm.s32 $_size__tile_overlayer_lowered;
	s6 =	simm.s32 $_tile_overlayer_lowered  }
0x9b: {  	s7 =	simm.s32 $0x1BFF;
	s21 =	sshll.u32 s6, $0x1;
	s4 =	sadd.s32 s4, s20  }
0x9c: {  	s22 =	simm.s32 $0x0;
	s5 =	sshll.u32 s5, $0x1;
	s6 =	sadd.s32 s21, s4  }
0x9d: {  	[timem:s22], [sflag:s7] =	dma.local [hbm:s6], s5  }
0x9e: {  	_ =	swait.ge [sflag:s7], s5  }
0x9f: {  	s5 =	ssub.s32 $0x0, s5;
	[sflag:s7] =	ssyncset.done $0x0  }
0xa0: {  	[sflag:s7] =	ssyncadd.s32 s5;
	_ =	sdelay $0x1  }
0xa1: {  	s23 =	simm.s32 $0x1B8B  }
0xa2: {  	_ =	swait.ge [sflag:s23], $0x1  }
0xa3: {  	[sflag:s23] =	ssyncset.done $0x0  }
0xa4: {  	[sflag:s23] =	ssyncadd.s32 $0xFFFFFFFF  }
0xa5: {  	s5 =	sld [smem:$0x0]  }
0xa6: {  	s6 =	sand.u32 $0xFFFFFFFE, s1  }
0xa7: {  	p0 =	sne.s32 s1, s6  }
0xa8: {  	s6 =	sshll.u32 @p0 s6, $0xE  }
0xa9: {  	s6 =	sadd.s32 @p0 $0x11B8D, s6;
	s7 =	sshll.u32 @p0 s5, $0x11  }
0xaa: {  	s6 =	sor.u32 @p0 s7, s6  }
0xab: {  	[sflag:s6] =	ssyncadd.remote.s32 @p0 $0x1;
	_ =	sdelay $0x1  }
0xac: {  	s6 =	simm.s32 @p0 $0x1B8D  }
0xad: {  	_ =	swait.eq @p0 [sflag:s6], $0x1  }
0xae: {  	[sflag:s6] =	ssyncadd.s32 @p0 $0xFFFFFFFF  }
0xaf: {  	s7 =	sshll.u32 @!p0 s1, $0xE  }
0xb0: {  	s7 =	sor.u32 @!p0 $0x4000, s7;
	s6 =	simm.s32 @!p0 $0x1B8D  }
0xb1: {  	s5 =	sshll.u32 @!p0 s5, $0x11;
	s7 =	sadd.s32 @!p0 $0x11B8D, s7;
	_ =	swait.eq @!p0 [sflag:s6], $0x1  }
0xb2: {  	s5 =	sor.u32 @!p0 s5, s7;
	[sflag:s6] =	ssyncadd.s32 @!p0 $0xFFFFFFFF  }
0xb3: {  	s25 =	simm.s32 $0x1B8E;
	s24 =	sld [smem:$0x3FFE];
	[sflag:s5] =	ssyncadd.remote.s32 @!p0 $0x1  }
0xb4: {  	s26 =	simm.s32 $execute0_lowered;
	[smem:$0x3FD2] =	sst s25  }
0xb5: {  	s6 =	sshll.u32 s26, $0x1;
	_ =	strace $0x8000004F;
	[dreg:$0x1] =	wrdreg $0xFFFFFFFF  }
0xb6: {  	s28 =	simm.s32 $_size_execute0_lowered;
	s4 =	sadd.s32 s4, s6;
	[dreg:$0x0] =	wrdreg $0x0  }
0xb7: {  	s6 =	sshll.u32 s28, $0x1;
	[dreg:$0x2] =	wrdreg s4  }
0xb8: {  	[dreg:$0x3] =	wrdreg s6  }
0xb9: {  	[dreg:$0x4] =	wrdreg $0xC0  }
0xba: {  	_ =	task [dreg:s22], $0x5FFFF  }
0xbb: {  	[dreg:$0x1] =	wrdreg $0xFFFFFFFF  }
0xbc: {  	[dreg:$0x0] =	wrdreg $0x60  }
0xbd: {  	[dreg:$0x2] =	wrdreg s18  }
0xbe: {  	[dreg:$0x3] =	wrdreg s24  }
0xbf: {  	[dreg:$0x4] =	wrdreg $0x9  }
0xc0: {  	_ =	task.clear_ibuf [dreg:s22], $0x5FFFF;
	_ =	strace $0x9000004F  }
0xc1: {  	s29 =	simm.s32 $0x9;
	_ =	strace $0x80000051  }
0xc2: {  	_ =	swait.ge [sflag:s29], $0x1  }
0xc3: {  	[sflag:s29] =	ssyncadd.s32 $0xFFFFFFFF  }
0xc4: {  	_ =	strace $0x90000051  }
0xc5: {  	_ =	sfence  }
0xc6: {  	s30 =	sld [smem:$0x0];
	_ =	sdelay $0x2  }
0xc7: {  	s31 =	sshll.u32 s1, $0xD;
	s1 =	sshrl.u32 s1, $0x2  }
0xc8: {  	s4 =	sand.u32 $0x4000, s31;
	s1 =	sadd.s32 s1, s30  }
0xc9: {  	s0 =	sor.u32 s4, s0;
	s1 =	sshll.u32 s1, $0x11  }
0xca: {  	s0 =	sor.u32 s1, s0  }
0xcb: {  	s0 =	sadd.s32 $0x8F2B, s0  }
0xcc: {  	[sflag:s0] =	ssyncadd.remote.s32 $0x1  }
0xcd: {  	_ =	sfence.sel $0xFFFF  }
0xce: {  	[dreg:$0x0] =	wrdreg $0xFFFFFFFF;
	(pc) =	sbr.abs _section_cstart, $3  }
0xcf: {  	[dreg:$0x1] =	wrdreg $0xFFFFFFFF  }
0xd0: {  	_ =	task.clear_ibuf [dreg:s22], $0x2FFFF;
	_ =	strace $0x9FFFFFFF  }
0xd1: {  	(tm) =	ssettm $0x7FFFFFFF  }
tec
execute0_lowered:
.L_overlay_start_1:
0x0: {  	(tag) =	ssettag $0x1  }
0x1: {  	s0 =	srdreg.scid;
	s3 =	rddreg [dreg:$0x0]  }
0x2: {  	s1 =	stileid.u32;
	s4 =	rddreg [dreg:$0x1];
	s2 =	simm.s32 $0x0  }
0x3: {  	s28 =	simm.s32 $0xB;
	s15 =	simm.s32 $0x1D00;
	s29 =	simm.s32 $0x100  }
0x4: {  	s13 =	simm.s32 $0x3500;
	s30 =	simm.s32 $0x180;
	s11 =	simm.s32 $0x4D00  }
0x5: {  	s31 =	simm.s32 $0x200;
	s9 =	simm.s32 $0x6500;
	s16 =	simm.s32 $0x4  }
0x6: {  	s14 =	simm.s32 $0x5;
	s0 =	sand.u32 $0x1, s0;
	s1 =	sshll.u32 s1, $0x1  }
0x7: {  	s12 =	simm.s32 $0x6;
	s10 =	simm.s32 $0x7;
	s1 =	sor.u32 s0, s1  }
0x8: {  	s8 =	simm.s32 $0x8;
	s6 =	simm.s32 $0x9;
	s5 =	smul.u32 $0xA0, s1  }
0x9: {  	p0 =	por $0x0, $0x0;
	[smem:$0x7FF] =	sst s2;
	s1 =	smul.u32 $0x1E00, s1  }
0xa: {  	s7 =	simm.s32 $0xA;
	_ =	strace $0x80000050;
	s5 =	sadd.s32 s5, s4  }
0xb: {  	s0 =	ssub.s32 $0x2, s0;
	s1 =	sadd.s32 s1, s4;
	s17 =	sadd.s32 $0x2F800, s5  }
0xc: {  	s24 =	sshrl.u32 s0, $0x1;
	s18 =	sadd.s32 $0xE4C00, s1;
	[dreg:$0x3] =	wrdreg s17  }
0xd: {  	s0 =	ssub.s32 s0, s24;
	s19 =	sadd.s32 $0xE4F00, s1;
	[dreg:$0x4] =	wrdreg s18  }
0xe: {  	s24 =	simm.s32 $0x380;
	s20 =	sadd.s32 $0xE5200, s1;
	[dreg:$0x5] =	wrdreg s19  }
0xf: {  	s0 =	smax.u32 s0, $0x1;
	s21 =	sadd.s32 $0xE5500, s1;
	[dreg:$0x6] =	wrdreg s20  }
0x10: {  	s22 =	sadd.s32 $0xE5800, s1;
	s23 =	sadd.s32 $0xE5B00, s1;
	[dreg:$0x7] =	wrdreg s21  }
0x11: {  	s25 =	sadd.s32 $0xE5E00, s1;
	s26 =	sadd.s32 $0xE6100, s1;
	[dreg:$0x8] =	wrdreg s22  }
0x12: {  	s5 =	sadd.s32 $0xE6400, s1;
	p1 =	sne.s32 s0, $0x1;
	[dreg:$0x9] =	wrdreg s23  }
.Ltmp0:
0x13: {  	s4 =	sadd.s32 $0xE6700, s1;
	[dreg:$0xa] =	wrdreg s25;
	(pc) =	sbr.rel @!p1 .LBB2_3-.Ltmp0, $4  }
0x14: {  	s1 =	sadd.s32 $0xFFFFFFFF, s0;
	[dreg:$0xb] =	wrdreg s26;
	s19 =	simm.s32 $0x80  }
0x15: {  	s17 =	simm.s32 $0x500;
	s21 =	simm.s32 $0x1;
	s20 =	simm.s32 $0x2  }
0x16: {  	s18 =	simm.s32 $0x3;
	s22 =	simm.s32 $0x280;
	s23 =	simm.s32 $0x300  }
0x17: {  	s25 =	simm.s32 $0x400;
	s26 =	simm.s32 $0x480;
	s0 =	rddreg [dreg:$0x3]  }
0x18: {  	[tilespmem:s2], [sflag:$0xB] =	stream.linear.gather [hbm4b:s0+s2], $0x500, $0x38;
	[tilespmem:$0x7D00] =	vst v63  }
0x19: {  	_ =	swait.ge [sflag:s28], $0x500  }
0x1a: {  	[sflag:s28] =	ssyncset.done $0x0  }
0x1b: {  	[sflag:s28] =	ssyncadd.s32 $0xFFFFFB00  }
0x1c: {  	[tilespmem:s17], [sflag:$0x1] =	stream.indirect.gather [hbm4b:s3+s19], $0x30, s2, s19, $0xb8;
	[tilespmem:$0x7D00] =	vst v63  }
0x1d: {  	_ = 	snop  }
0x1e: {  	[tilespmem:s15], [sflag:$0x2] =	stream.indirect.gather [hbm4b:s3+s19], $0x30, s19, s19, $0xb8;
	[tilespmem:$0x7D00] =	vst v63  }
0x1f: {  	_ = 	snop  }
0x20: {  	[tilespmem:s13], [sflag:$0x3] =	stream.indirect.gather [hbm4b:s3+s19], $0x30, s29, s19, $0xb8;
	[tilespmem:$0x7D00] =	vst v63  }
0x21: {  	_ = 	snop  }
0x22: {  	[tilespmem:s11], [sflag:$0x4] =	stream.indirect.gather [hbm4b:s3+s19], $0x30, s30, s19, $0xb8;
	[tilespmem:$0x7D00] =	vst v63  }
0x23: {  	_ = 	snop  }
0x24: {  	[tilespmem:s9], [sflag:$0x5] =	stream.indirect.gather [hbm4b:s3+s19], $0x30, s31, s19, $0xb8;
	[tilespmem:$0x7D00] =	vst v63  }
0x25: {  	_ =	swait.ge [sflag:s21], $0x1800  }
0x26: {  	[sflag:s21] =	ssyncset.done $0x0  }
0x27: {  	s0 =	rddreg [dreg:$0x4];
	[sflag:s21] =	ssyncadd.s32 $0xFFFFE800  }
0x28: {  	[hbm4b:s0+s2] =	stream.linear.scatter [tilespmem:s17], [sflag:$0x6], $0x1800, $0x38;
	[tilespmem:$0x7D00] =	vst v63  }
0x29: {  	_ =	swait.ge [sflag:s20], $0x1800  }
0x2a: {  	[sflag:s20] =	ssyncset.done $0x0  }
0x2b: {  	s0 =	rddreg [dreg:$0x5];
	[sflag:s20] =	ssyncadd.s32 $0xFFFFE800  }
0x2c: {  	[hbm4b:s0+s2] =	stream.linear.scatter [tilespmem:s15], [sflag:$0x7], $0x1800, $0x38;
	[tilespmem:$0x7D00] =	vst v63  }
0x2d: {  	_ =	swait.ge [sflag:s18], $0x1800  }
0x2e: {  	[sflag:s18] =	ssyncset.done $0x0  }
0x2f: {  	s0 =	rddreg [dreg:$0x6];
	[sflag:s18] =	ssyncadd.s32 $0xFFFFE800  }
0x30: {  	[hbm4b:s0+s2] =	stream.linear.scatter [tilespmem:s13], [sflag:$0x8], $0x1800, $0x38;
	[tilespmem:$0x7D00] =	vst v63  }
0x31: {  	_ =	swait.ge [sflag:s16], $0x1800  }
0x32: {  	[sflag:s16] =	ssyncset.done $0x0  }
0x33: {  	s0 =	rddreg [dreg:$0x7];
	[sflag:s16] =	ssyncadd.s32 $0xFFFFE800  }
0x34: {  	[hbm4b:s0+s2] =	stream.linear.scatter [tilespmem:s11], [sflag:$0x9], $0x1800, $0x38;
	[tilespmem:$0x7D00] =	vst v63  }
0x35: {  	_ =	swait.ge [sflag:s14], $0x1800  }
0x36: {  	[sflag:s14] =	ssyncset.done $0x0  }
0x37: {  	s0 =	rddreg [dreg:$0x8];
	[sflag:s14] =	ssyncadd.s32 $0xFFFFE800  }
0x38: {  	[hbm4b:s0+s2] =	stream.linear.scatter [tilespmem:s9], [sflag:$0xA], $0x1800, $0x38;
	[tilespmem:$0x7D00] =	vst v63  }
0x39: {  	_ =	swait.ge [sflag:s12], $0x1800  }
0x3a: {  	[sflag:s12] =	ssyncset.done $0x0  }
0x3b: {  	[sflag:s12] =	ssyncadd.s32 $0xFFFFE800  }
0x3c: {  	_ =	swait.ge [sflag:s10], $0x1800  }
0x3d: {  	[sflag:s10] =	ssyncset.done $0x0  }
0x3e: {  	[sflag:s10] =	ssyncadd.s32 $0xFFFFE800  }
0x3f: {  	_ =	swait.ge [sflag:s8], $0x1800  }
0x40: {  	[sflag:s8] =	ssyncset.done $0x0  }
0x41: {  	[sflag:s8] =	ssyncadd.s32 $0xFFFFE800  }
0x42: {  	_ =	swait.ge [sflag:s6], $0x1800  }
0x43: {  	[sflag:s6] =	ssyncset.done $0x0  }
0x44: {  	[sflag:s6] =	ssyncadd.s32 $0xFFFFE800  }
0x45: {  	_ =	swait.ge [sflag:s7], $0x1800  }
0x46: {  	[sflag:s7] =	ssyncset.done $0x0  }
0x47: {  	[sflag:s7] =	ssyncadd.s32 $0xFFFFE800  }
0x48: {  	[tilespmem:s17], [sflag:$0x1] =	stream.indirect.gather [hbm4b:s3+s19], $0x30, s22, s19, $0xb8;
	[tilespmem:$0x7D00] =	vst v63  }
0x49: {  	_ = 	snop  }
0x4a: {  	[tilespmem:s15], [sflag:$0x2] =	stream.indirect.gather [hbm4b:s3+s19], $0x30, s23, s19, $0xb8;
	[tilespmem:$0x7D00] =	vst v63  }
0x4b: {  	_ = 	snop  }
0x4c: {  	[tilespmem:s13], [sflag:$0x3] =	stream.indirect.gather [hbm4b:s3+s19], $0x30, s24, s19, $0xb8;
	[tilespmem:$0x7D00] =	vst v63  }
0x4d: {  	_ = 	snop  }
0x4e: {  	[tilespmem:s11], [sflag:$0x4] =	stream.indirect.gather [hbm4b:s3+s19], $0x30, s25, s19, $0xb8;
	[tilespmem:$0x7D00] =	vst v63  }
0x4f: {  	_ = 	snop  }
0x50: {  	[tilespmem:s9], [sflag:$0x5] =	stream.indirect.gather [hbm4b:s3+s19], $0x30, s26, s19, $0xb8;
	[tilespmem:$0x7D00] =	vst v63  }
0x51: {  	_ =	swait.ge [sflag:s21], $0x1800  }
0x52: {  	[sflag:s21] =	ssyncset.done $0x0  }
0x53: {  	s0 =	rddreg [dreg:$0x9];
	[sflag:s21] =	ssyncadd.s32 $0xFFFFE800  }
0x54: {  	[hbm4b:s0+s2] =	stream.linear.scatter [tilespmem:s17], [sflag:$0x6], $0x1800, $0x38;
	[tilespmem:$0x7D00] =	vst v63  }
0x55: {  	_ =	swait.ge [sflag:s20], $0x1800  }
0x56: {  	[sflag:s20] =	ssyncset.done $0x0  }
0x57: {  	s0 =	rddreg [dreg:$0xa];
	[sflag:s20] =	ssyncadd.s32 $0xFFFFE800  }
0x58: {  	[hbm4b:s0+s2] =	stream.linear.scatter [tilespmem:s15], [sflag:$0x7], $0x1800, $0x38;
	[tilespmem:$0x7D00] =	vst v63  }
0x59: {  	_ =	swait.ge [sflag:s18], $0x1800  }
0x5a: {  	[sflag:s18] =	ssyncset.done $0x0  }
0x5b: {  	s0 =	rddreg [dreg:$0xb];
	[sflag:s18] =	ssyncadd.s32 $0xFFFFE800  }
0x5c: {  	[hbm4b:s0+s2] =	stream.linear.scatter [tilespmem:s13], [sflag:$0x8], $0x1800, $0x38;
	[tilespmem:$0x7D00] =	vst v63  }
0x5d: {  	_ =	swait.ge [sflag:s16], $0x1800  }
0x5e: {  	[sflag:s16] =	ssyncset.done $0x0  }
0x5f: {  	[sflag:s16] =	ssyncadd.s32 $0xFFFFE800  }
0x60: {  	[hbm4b:s5+s2] =	stream.linear.scatter [tilespmem:s11], [sflag:$0x9], $0x1800, $0x38;
	[tilespmem:$0x7D00] =	vst v63  }
0x61: {  	_ =	swait.ge [sflag:s14], $0x1800  }
0x62: {  	[sflag:s14] =	ssyncset.done $0x0  }
0x63: {  	[sflag:s14] =	ssyncadd.s32 $0xFFFFE800  }
0x64: {  	[hbm4b:s4+s2] =	stream.linear.scatter [tilespmem:s9], [sflag:$0xA], $0x1800, $0x38;
	[tilespmem:$0x7D00] =	vst v63  }
0x65: {  	_ =	swait.ge [sflag:s12], $0x1800  }
0x66: {  	[sflag:s12] =	ssyncset.done $0x0  }
0x67: {  	[sflag:s12] =	ssyncadd.s32 $0xFFFFE800  }
0x68: {  	_ =	swait.ge [sflag:s10], $0x1800  }
0x69: {  	[sflag:s10] =	ssyncset.done $0x0  }
0x6a: {  	[sflag:s10] =	ssyncadd.s32 $0xFFFFE800  }
0x6b: {  	_ =	swait.ge [sflag:s8], $0x1800  }
0x6c: {  	[sflag:s8] =	ssyncset.done $0x0  }
0x6d: {  	p1 =	sne.s32 s1, $0x1;
	[sflag:s8] =	ssyncadd.s32 $0xFFFFE800  }
.Ltmp1:
0x6e: {  	_ =	swait.ge [sflag:s6], $0x1800;
	(pc) =	sbr.rel @!p1 .LBB2_3-.Ltmp1, $4  }
0x6f: {  	[sflag:s6] =	ssyncset.done $0x0  }
0x70: {  	[sflag:s6] =	ssyncadd.s32 $0xFFFFE800  }
0x71: {  	s1 =	sadd.s32 $0xFFFFFFFF, s1;
	_ =	swait.ge [sflag:s7], $0x1800  }
0x72: {  	p0 =	por $0x1, $0x1;
	s0 =	rddreg [dreg:$0x3];
	[sflag:s7] =	ssyncset.done $0x0  }
.LBB2_2:
0x73: {  	[sflag:s7] =	ssyncadd.s32 $0xFFFFE800  }
0x74: {  	[tilespmem:s2], [sflag:$0xB] =	stream.linear.gather [hbm4b:s0+s2], $0x500, $0x38;
	[tilespmem:$0x7D00] =	vst v63  }
0x75: {  	_ =	swait.ge [sflag:s28], $0x500  }
0x76: {  	[sflag:s28] =	ssyncset.done $0x0  }
0x77: {  	[sflag:s28] =	ssyncadd.s32 $0xFFFFFB00  }
0x78: {  	[tilespmem:s17], [sflag:$0x1] =	stream.indirect.gather [hbm4b:s3+s19], $0x30, s2, s19, $0xb8;
	[tilespmem:$0x7D00] =	vst v63  }
0x79: {  	_ = 	snop  }
0x7a: {  	[tilespmem:s15], [sflag:$0x2] =	stream.indirect.gather [hbm4b:s3+s19], $0x30, s19, s19, $0xb8;
	[tilespmem:$0x7D00] =	vst v63  }
0x7b: {  	_ = 	snop  }
0x7c: {  	[tilespmem:s13], [sflag:$0x3] =	stream.indirect.gather [hbm4b:s3+s19], $0x30, s29, s19, $0xb8;
	[tilespmem:$0x7D00] =	vst v63  }
0x7d: {  	_ = 	snop  }
0x7e: {  	[tilespmem:s11], [sflag:$0x4] =	stream.indirect.gather [hbm4b:s3+s19], $0x30, s30, s19, $0xb8;
	[tilespmem:$0x7D00] =	vst v63  }
0x7f: {  	_ = 	snop  }
0x80: {  	[tilespmem:s9], [sflag:$0x5] =	stream.indirect.gather [hbm4b:s3+s19], $0x30, s31, s19, $0xb8;
	[tilespmem:$0x7D00] =	vst v63  }
0x81: {  	_ =	swait.ge [sflag:s21], $0x1800  }
0x82: {  	[sflag:s21] =	ssyncset.done $0x0  }
0x83: {  	s0 =	rddreg [dreg:$0x4];
	[sflag:s21] =	ssyncadd.s32 $0xFFFFE800  }
0x84: {  	[hbm4b:s0+s2] =	stream.linear.scatter [tilespmem:s17], [sflag:$0x6], $0x1800, $0x38;
	[tilespmem:$0x7D00] =	vst v63  }
0x85: {  	_ =	swait.ge [sflag:s20], $0x1800  }
0x86: {  	[sflag:s20] =	ssyncset.done $0x0  }
0x87: {  	s0 =	rddreg [dreg:$0x5];
	[sflag:s20] =	ssyncadd.s32 $0xFFFFE800  }
0x88: {  	[hbm4b:s0+s2] =	stream.linear.scatter [tilespmem:s15], [sflag:$0x7], $0x1800, $0x38;
	[tilespmem:$0x7D00] =	vst v63  }
0x89: {  	_ =	swait.ge [sflag:s18], $0x1800  }
0x8a: {  	[sflag:s18] =	ssyncset.done $0x0  }
0x8b: {  	s0 =	rddreg [dreg:$0x6];
	[sflag:s18] =	ssyncadd.s32 $0xFFFFE800  }
0x8c: {  	[hbm4b:s0+s2] =	stream.linear.scatter [tilespmem:s13], [sflag:$0x8], $0x1800, $0x38;
	[tilespmem:$0x7D00] =	vst v63  }
0x8d: {  	_ =	swait.ge [sflag:s16], $0x1800  }
0x8e: {  	[sflag:s16] =	ssyncset.done $0x0  }
0x8f: {  	s0 =	rddreg [dreg:$0x7];
	[sflag:s16] =	ssyncadd.s32 $0xFFFFE800  }
0x90: {  	[hbm4b:s0+s2] =	stream.linear.scatter [tilespmem:s11], [sflag:$0x9], $0x1800, $0x38;
	[tilespmem:$0x7D00] =	vst v63  }
0x91: {  	_ =	swait.ge [sflag:s14], $0x1800  }
0x92: {  	[sflag:s14] =	ssyncset.done $0x0  }
0x93: {  	s0 =	rddreg [dreg:$0x8];
	[sflag:s14] =	ssyncadd.s32 $0xFFFFE800  }
0x94: {  	[hbm4b:s0+s2] =	stream.linear.scatter [tilespmem:s9], [sflag:$0xA], $0x1800, $0x38;
	[tilespmem:$0x7D00] =	vst v63  }
0x95: {  	_ =	swait.ge [sflag:s12], $0x1800  }
0x96: {  	[sflag:s12] =	ssyncset.done $0x0  }
0x97: {  	[sflag:s12] =	ssyncadd.s32 $0xFFFFE800  }
0x98: {  	_ =	swait.ge [sflag:s10], $0x1800  }
0x99: {  	[sflag:s10] =	ssyncset.done $0x0  }
0x9a: {  	[sflag:s10] =	ssyncadd.s32 $0xFFFFE800  }
0x9b: {  	_ =	swait.ge [sflag:s8], $0x1800  }
0x9c: {  	[sflag:s8] =	ssyncset.done $0x0  }
0x9d: {  	[sflag:s8] =	ssyncadd.s32 $0xFFFFE800  }
0x9e: {  	_ =	swait.ge [sflag:s6], $0x1800  }
0x9f: {  	[sflag:s6] =	ssyncset.done $0x0  }
0xa0: {  	[sflag:s6] =	ssyncadd.s32 $0xFFFFE800  }
0xa1: {  	_ =	swait.ge [sflag:s7], $0x1800  }
0xa2: {  	[sflag:s7] =	ssyncset.done $0x0  }
0xa3: {  	[sflag:s7] =	ssyncadd.s32 $0xFFFFE800  }
0xa4: {  	[tilespmem:s17], [sflag:$0x1] =	stream.indirect.gather [hbm4b:s3+s19], $0x30, s22, s19, $0xb8;
	[tilespmem:$0x7D00] =	vst v63  }
0xa5: {  	_ = 	snop  }
0xa6: {  	[tilespmem:s15], [sflag:$0x2] =	stream.indirect.gather [hbm4b:s3+s19], $0x30, s23, s19, $0xb8;
	[tilespmem:$0x7D00] =	vst v63  }
0xa7: {  	_ = 	snop  }
0xa8: {  	[tilespmem:s13], [sflag:$0x3] =	stream.indirect.gather [hbm4b:s3+s19], $0x30, s24, s19, $0xb8;
	[tilespmem:$0x7D00] =	vst v63  }
0xa9: {  	_ = 	snop  }
0xaa: {  	[tilespmem:s11], [sflag:$0x4] =	stream.indirect.gather [hbm4b:s3+s19], $0x30, s25, s19, $0xb8;
	[tilespmem:$0x7D00] =	vst v63  }
0xab: {  	_ = 	snop  }
0xac: {  	[tilespmem:s9], [sflag:$0x5] =	stream.indirect.gather [hbm4b:s3+s19], $0x30, s26, s19, $0xb8;
	[tilespmem:$0x7D00] =	vst v63  }
0xad: {  	_ =	swait.ge [sflag:s21], $0x1800  }
0xae: {  	[sflag:s21] =	ssyncset.done $0x0  }
0xaf: {  	s0 =	rddreg [dreg:$0x9];
	[sflag:s21] =	ssyncadd.s32 $0xFFFFE800  }
0xb0: {  	[hbm4b:s0+s2] =	stream.linear.scatter [tilespmem:s17], [sflag:$0x6], $0x1800, $0x38;
	[tilespmem:$0x7D00] =	vst v63  }
0xb1: {  	_ =	swait.ge [sflag:s20], $0x1800  }
0xb2: {  	[sflag:s20] =	ssyncset.done $0x0  }
0xb3: {  	s0 =	rddreg [dreg:$0xa];
	[sflag:s20] =	ssyncadd.s32 $0xFFFFE800  }
0xb4: {  	[hbm4b:s0+s2] =	stream.linear.scatter [tilespmem:s15], [sflag:$0x7], $0x1800, $0x38;
	[tilespmem:$0x7D00] =	vst v63  }
0xb5: {  	_ =	swait.ge [sflag:s18], $0x1800  }
0xb6: {  	[sflag:s18] =	ssyncset.done $0x0  }
0xb7: {  	s0 =	rddreg [dreg:$0xb];
	[sflag:s18] =	ssyncadd.s32 $0xFFFFE800  }
0xb8: {  	[hbm4b:s0+s2] =	stream.linear.scatter [tilespmem:s13], [sflag:$0x8], $0x1800, $0x38;
	[tilespmem:$0x7D00] =	vst v63  }
0xb9: {  	_ =	swait.ge [sflag:s16], $0x1800  }
0xba: {  	[sflag:s16] =	ssyncset.done $0x0  }
0xbb: {  	[sflag:s16] =	ssyncadd.s32 $0xFFFFE800  }
0xbc: {  	[hbm4b:s5+s2] =	stream.linear.scatter [tilespmem:s11], [sflag:$0x9], $0x1800, $0x38;
	[tilespmem:$0x7D00] =	vst v63  }
0xbd: {  	_ =	swait.ge [sflag:s14], $0x1800  }
0xbe: {  	[sflag:s14] =	ssyncset.done $0x0  }
0xbf: {  	[sflag:s14] =	ssyncadd.s32 $0xFFFFE800  }
0xc0: {  	[hbm4b:s4+s2] =	stream.linear.scatter [tilespmem:s9], [sflag:$0xA], $0x1800, $0x38;
	[tilespmem:$0x7D00] =	vst v63  }
0xc1: {  	_ =	swait.ge [sflag:s12], $0x1800  }
0xc2: {  	[sflag:s12] =	ssyncset.done $0x0  }
0xc3: {  	[sflag:s12] =	ssyncadd.s32 $0xFFFFE800  }
0xc4: {  	_ =	swait.ge [sflag:s10], $0x1800  }
0xc5: {  	[sflag:s10] =	ssyncset.done $0x0  }
0xc6: {  	[sflag:s10] =	ssyncadd.s32 $0xFFFFE800  }
0xc7: {  	_ =	swait.ge [sflag:s8], $0x1800  }
0xc8: {  	[sflag:s8] =	ssyncset.done $0x0  }
0xc9: {  	p1 =	sne.s32 s1, $0x1;
	[sflag:s8] =	ssyncadd.s32 $0xFFFFE800  }
.Ltmp2:
0xca: {  	_ =	swait.ge [sflag:s6], $0x1800;
	(pc) =	sbr.rel @p1 .LBB2_2-.Ltmp2, $4  }
0xcb: {  	[sflag:s6] =	ssyncset.done $0x0  }
0xcc: {  	[sflag:s6] =	ssyncadd.s32 $0xFFFFE800  }
0xcd: {  	_ =	swait.ge [sflag:s7], $0x1800  }
0xce: {  	s1 =	sadd.s32 $0xFFFFFFFF, s1;
	s0 =	rddreg [dreg:$0x3];
	[sflag:s7] =	ssyncset.done $0x0  }
.LBB2_3:
0xcf: {  	[sflag:s7] =	ssyncadd.s32 @p0 $0xFFFFE800  }
0xd0: {  	[tilespmem:s2], [sflag:$0xB] =	stream.linear.gather [hbm4b:s0+s2], $0x500, $0x38;
	[tilespmem:$0x7D00] =	vst v63  }
0xd1: {  	_ =	swait.ge [sflag:s28], $0x500  }
0xd2: {  	[sflag:s28] =	ssyncset.done $0x0  }
0xd3: {  	[sflag:s28] =	ssyncadd.s32 $0xFFFFFB00  }
0xd4: {  	[tilespmem:s17], [sflag:$0x1] =	stream.indirect.gather [hbm4b:s3+s19], $0x30, s2, s19, $0xb8;
	[tilespmem:$0x7D00] =	vst v63  }
0xd5: {  	_ = 	snop  }
0xd6: {  	[tilespmem:s15], [sflag:$0x2] =	stream.indirect.gather [hbm4b:s3+s19], $0x30, s19, s19, $0xb8;
	[tilespmem:$0x7D00] =	vst v63  }
0xd7: {  	_ = 	snop  }
0xd8: {  	[tilespmem:s13], [sflag:$0x3] =	stream.indirect.gather [hbm4b:s3+s19], $0x30, s29, s19, $0xb8;
	[tilespmem:$0x7D00] =	vst v63  }
0xd9: {  	_ = 	snop  }
0xda: {  	[tilespmem:s11], [sflag:$0x4] =	stream.indirect.gather [hbm4b:s3+s19], $0x30, s30, s19, $0xb8;
	[tilespmem:$0x7D00] =	vst v63  }
0xdb: {  	_ = 	snop  }
0xdc: {  	[tilespmem:s9], [sflag:$0x5] =	stream.indirect.gather [hbm4b:s3+s19], $0x30, s31, s19, $0xb8;
	[tilespmem:$0x7D00] =	vst v63  }
0xdd: {  	_ =	swait.ge [sflag:s21], $0x1800  }
0xde: {  	[sflag:s21] =	ssyncset.done $0x0  }
0xdf: {  	s28 =	rddreg [dreg:$0x4];
	[sflag:s21] =	ssyncadd.s32 $0xFFFFE800  }
0xe0: {  	[hbm4b:s28+s2] =	stream.linear.scatter [tilespmem:s17], [sflag:$0x6], $0x1800, $0x38;
	[tilespmem:$0x7D00] =	vst v63  }
0xe1: {  	_ =	swait.ge [sflag:s20], $0x1800  }
0xe2: {  	[sflag:s20] =	ssyncset.done $0x0  }
0xe3: {  	s29 =	rddreg [dreg:$0x5];
	[sflag:s20] =	ssyncadd.s32 $0xFFFFE800  }
0xe4: {  	[hbm4b:s29+s2] =	stream.linear.scatter [tilespmem:s15], [sflag:$0x7], $0x1800, $0x38;
	[tilespmem:$0x7D00] =	vst v63  }
0xe5: {  	_ =	swait.ge [sflag:s18], $0x1800  }
0xe6: {  	[sflag:s18] =	ssyncset.done $0x0  }
0xe7: {  	s30 =	rddreg [dreg:$0x6];
	[sflag:s18] =	ssyncadd.s32 $0xFFFFE800  }
0xe8: {  	[hbm4b:s30+s2] =	stream.linear.scatter [tilespmem:s13], [sflag:$0x8], $0x1800, $0x38;
	[tilespmem:$0x7D00] =	vst v63  }
0xe9: {  	_ =	swait.ge [sflag:s16], $0x1800  }
0xea: {  	[sflag:s16] =	ssyncset.done $0x0  }
0xeb: {  	s31 =	rddreg [dreg:$0x7];
	[sflag:s16] =	ssyncadd.s32 $0xFFFFE800  }
0xec: {  	[hbm4b:s31+s2] =	stream.linear.scatter [tilespmem:s11], [sflag:$0x9], $0x1800, $0x38;
	[tilespmem:$0x7D00] =	vst v63  }
0xed: {  	_ =	swait.ge [sflag:s14], $0x1800  }
0xee: {  	[sflag:s14] =	ssyncset.done $0x0  }
0xef: {  	s1 =	rddreg [dreg:$0x8];
	[sflag:s14] =	ssyncadd.s32 $0xFFFFE800  }
0xf0: {  	[hbm4b:s1+s2] =	stream.linear.scatter [tilespmem:s9], [sflag:$0xA], $0x1800, $0x38;
	[tilespmem:$0x7D00] =	vst v63  }
0xf1: {  	_ =	swait.ge [sflag:s12], $0x1800  }
0xf2: {  	[sflag:s12] =	ssyncset.done $0x0  }
0xf3: {  	[sflag:s12] =	ssyncadd.s32 $0xFFFFE800  }
0xf4: {  	_ =	swait.ge [sflag:s10], $0x1800  }
0xf5: {  	[sflag:s10] =	ssyncset.done $0x0  }
0xf6: {  	[sflag:s10] =	ssyncadd.s32 $0xFFFFE800  }
0xf7: {  	_ =	swait.ge [sflag:s8], $0x1800  }
0xf8: {  	[sflag:s8] =	ssyncset.done $0x0  }
0xf9: {  	[sflag:s8] =	ssyncadd.s32 $0xFFFFE800  }
0xfa: {  	_ =	swait.ge [sflag:s6], $0x1800  }
0xfb: {  	[sflag:s6] =	ssyncset.done $0x0  }
0xfc: {  	[sflag:s6] =	ssyncadd.s32 $0xFFFFE800  }
0xfd: {  	_ =	swait.ge [sflag:s7], $0x1800  }
0xfe: {  	[sflag:s7] =	ssyncset.done $0x0  }
0xff: {  	[sflag:s7] =	ssyncadd.s32 $0xFFFFE800  }
0x100: {  	[tilespmem:s17], [sflag:$0x1] =	stream.indirect.gather [hbm4b:s3+s19], $0x30, s22, s19, $0xb8;
	[tilespmem:$0x7D00] =	vst v63  }
0x101: {  	_ = 	snop  }
0x102: {  	[tilespmem:s15], [sflag:$0x2] =	stream.indirect.gather [hbm4b:s3+s19], $0x30, s23, s19, $0xb8;
	[tilespmem:$0x7D00] =	vst v63  }
0x103: {  	_ = 	snop  }
0x104: {  	[tilespmem:s13], [sflag:$0x3] =	stream.indirect.gather [hbm4b:s3+s19], $0x30, s24, s19, $0xb8;
	[tilespmem:$0x7D00] =	vst v63  }
0x105: {  	_ = 	snop  }
0x106: {  	[tilespmem:s11], [sflag:$0x4] =	stream.indirect.gather [hbm4b:s3+s19], $0x30, s25, s19, $0xb8;
	[tilespmem:$0x7D00] =	vst v63  }
0x107: {  	_ = 	snop  }
0x108: {  	[tilespmem:s9], [sflag:$0x5] =	stream.indirect.gather [hbm4b:s3+s19], $0x30, s26, s19, $0xb8;
	[tilespmem:$0x7D00] =	vst v63  }
0x109: {  	_ =	swait.ge [sflag:s21], $0x1800  }
0x10a: {  	[sflag:s21] =	ssyncset.done $0x0  }
0x10b: {  	s28 =	rddreg [dreg:$0x9];
	[sflag:s21] =	ssyncadd.s32 $0xFFFFE800  }
0x10c: {  	[hbm4b:s28+s2] =	stream.linear.scatter [tilespmem:s17], [sflag:$0x6], $0x1800, $0x38;
	[tilespmem:$0x7D00] =	vst v63  }
0x10d: {  	_ =	swait.ge [sflag:s20], $0x1800  }
0x10e: {  	[sflag:s20] =	ssyncset.done $0x0  }
0x10f: {  	s29 =	rddreg [dreg:$0xa];
	[sflag:s20] =	ssyncadd.s32 $0xFFFFE800  }
0x110: {  	[hbm4b:s29+s2] =	stream.linear.scatter [tilespmem:s15], [sflag:$0x7], $0x1800, $0x38;
	[tilespmem:$0x7D00] =	vst v63  }
0x111: {  	_ =	swait.ge [sflag:s18], $0x1800  }
0x112: {  	[sflag:s18] =	ssyncset.done $0x0  }
0x113: {  	s30 =	rddreg [dreg:$0xb];
	[sflag:s18] =	ssyncadd.s32 $0xFFFFE800  }
0x114: {  	[hbm4b:s30+s2] =	stream.linear.scatter [tilespmem:s13], [sflag:$0x8], $0x1800, $0x38;
	[tilespmem:$0x7D00] =	vst v63  }
0x115: {  	_ =	swait.ge [sflag:s16], $0x1800  }
0x116: {  	[sflag:s16] =	ssyncset.done $0x0  }
0x117: {  	[sflag:s16] =	ssyncadd.s32 $0xFFFFE800  }
0x118: {  	[hbm4b:s5+s2] =	stream.linear.scatter [tilespmem:s11], [sflag:$0x9], $0x1800, $0x38;
	[tilespmem:$0x7D00] =	vst v63  }
0x119: {  	_ =	swait.ge [sflag:s14], $0x1800  }
0x11a: {  	[sflag:s14] =	ssyncset.done $0x0  }
0x11b: {  	[sflag:s14] =	ssyncadd.s32 $0xFFFFE800  }
0x11c: {  	[hbm4b:s4+s2] =	stream.linear.scatter [tilespmem:s9], [sflag:$0xA], $0x1800, $0x38;
	[tilespmem:$0x7D00] =	vst v63  }
0x11d: {  	_ =	swait.ge [sflag:s12], $0x1800  }
0x11e: {  	[sflag:s12] =	ssyncset.done $0x0  }
0x11f: {  	[sflag:s12] =	ssyncadd.s32 $0xFFFFE800  }
0x120: {  	_ =	swait.ge [sflag:s10], $0x1800  }
0x121: {  	[sflag:s10] =	ssyncset.done $0x0  }
0x122: {  	[sflag:s10] =	ssyncadd.s32 $0xFFFFE800  }
0x123: {  	_ =	swait.ge [sflag:s8], $0x1800  }
0x124: {  	[sflag:s8] =	ssyncset.done $0x0  }
0x125: {  	[sflag:s8] =	ssyncadd.s32 $0xFFFFE800  }
0x126: {  	_ =	swait.ge [sflag:s6], $0x1800  }
0x127: {  	[sflag:s6] =	ssyncset.done $0x0  }
0x128: {  	[sflag:s6] =	ssyncadd.s32 $0xFFFFE800  }
0x129: {  	_ =	swait.ge [sflag:s7], $0x1800  }
0x12a: {  	[sflag:s7] =	ssyncset.done $0x0  }
0x12b: {  	[sflag:s7] =	ssyncadd.s32 $0xFFFFE800  }
0x12c: {  	_ =	sfence.sel $0x180000  }
0x12d: {  	[bflag:$0x0] =	sbarrier.arrive $0xFFFF  }
0x12e: {  	_ =	strace $0x90000050  }
0x12f: {  	s31 =	stileid.u32;
	[bflag:$0x2] =	sbarrier.arrive $0xFFFF  }
0x130: {  	p0 =	sne.s32 s31, $0x0;
	s0 =	rddreg [dreg:$0x2]  }
0x131: {  	s0 =	sadd.s32 @!p0 $0x100000, s0  }
0x132: {  	[sflag:s0] =	ssyncadd.tile.s32 @!p0 $0x1;
	_ =	shalt  }
.Lfunc_end2:
_tile_overlayer_lowered:
.L_overlay_start_2:
0x133: {  	(tag) =	ssettag $0x2  }
0x134: {  	s0 =	rddreg [dreg:$0x0];
	s2 =	stileid.u32  }
0x135: {  	s1 =	rddreg [dreg:$0x1];
	p0 =	sne.s32 s2, $0x0  }
0x136: {  	s3 =	rddreg [dreg:$0x2];
	[bflag:$0x3] =	sbarrier.arrive $0xFFFF;
	s2 =	simm.s32 @!p0 $0x1C0B  }
0x137: {  	[timem:s3], [sflag:s2] =	dma.local @!p0 [hbm:s0], s1  }
0x138: {  	s0 =	simm.s32 @!p0 $0xB  }
0x139: {  	_ =	swait.ge @!p0 [sflag:s0], s1  }
0x13a: {  	s1 =	ssub.s32 @!p0 $0x0, s1;
	[sflag:s0] =	ssyncset.done @!p0 $0x0  }
0x13b: {  	[sflag:s0] =	ssyncadd.s32 @!p0 s1  }
0x13c: {  	[bflag:$0x3] =	sbarrier.arrive $0xFFFF  }
0x13d: {  	_ =	shalt  }

// kernel: kernel.30.cloned.1.call-start
scs
__scs_entry_jumppad:
0x0: {  	(pc) =	sbr.rel $0x88, $3  }
0x1: {  	(tag) =	ssettag $0x0;
	lr =	simm.s32 $0x1  }
0x2: {  	[smem:$0x3F98] =	sst lr;
	_ =	strace $0xD0000000  }
0x3: {  	_ = 	snop  }
0x4: {  	_ = 	snop  }
0x5: {  	_ = 	snop  }
0x6: {  	_ = 	snop  }
0x7: {  	_ = 	snop  }
__scs_overlays_trampoline_lowered:
0x8: {  	[smem:$0x3FA7] =	sst s0  }
0x9: {  	[smem:$0x3FA8] =	sst s1  }
0xa: {  	[smem:$0x3FA9] =	sst s2  }
0xb: {  	[smem:$0x3FAA] =	sst s3  }
0xc: {  	[smem:$0x3FAB] =	sst s4  }
0xd: {  	[smem:$0x3FAC] =	sst s5  }
0xe: {  	[smem:$0x3FAD] =	sst s6  }
0xf: {  	[smem:$0x3FAE] =	sst s7  }
0x10: {  	[smem:$0x3FAF] =	sst s8  }
0x11: {  	[smem:$0x3FB0] =	sst s9;
	s0 =	simm.s32 @!p0 $0x0  }
0x12: {  	s1 =	sld [smem:$0x3F96];
	s0 =	simm.s32 @p0 $0x1  }
0x13: {  	[smem:$0x3FB1] =	sst s0;
	s0 =	simm.s32 @!p1 $0x0  }
0x14: {  	s2 =	sld [smem:$0x3F95];
	s0 =	simm.s32 @p1 $0x1  }
0x15: {  	[smem:$0x3FB2] =	sst s0;
	s0 =	simm.s32 @!p2 $0x0  }
0x16: {  	s3 =	sld [smem:$0x3FDB];
	s0 =	simm.s32 @p2 $0x1  }
0x17: {  	s4 =	simm.s32 $0x1BF5;
	[smem:$0x3FB4] =	sst s0  }
0x18: {  	s0 =	sld [smem:$0x3F97];
	_ =	swait.ge [sflag:s4], $0x0  }
0x19: {  	s7 =	sld [smem:$0x3F98]  }
0x1a: {  	s8 =	sadd.s32 $0xFFFFE003, lr  }
0x1b: {  	s9 =	sadd.s32 $0xFFFFFEF7, lr;
	s5 =	simm.s32 $0xFFFFFFFF;
	p2 =	slt.u32 s8, $0xFFFFF086  }
0x1c: {  	p1 =	slt.u32 s9, $0xF7A;
	s5 =	simm.s32 @!p2 $0x0  }
0x1d: {  	s5 =	simm.s32 @p1 $0x1;
	p0 =	seq.s32 s7, s2  }
0x1e: {  	s7 =	smul.u32 @!p0 $0xF7A, s2;
	p2 =	seq.s32 @!p0 s5, $0x0  }
0x1f: {  	s9 =	smul.u32 $0xF7A, s1;
	s8 =	simm.s32 @!p0 $0x1BF5;
	p2 =	por !p2, p0  }
0x20: {  	[sflag:s8] =	ssyncset.s32 @!p0 $0xFFFFF086;
	s6 =	sadd.s32 @!p0 s3, s7;
	s7 =	simm.s32 @!p0 $0x108  }
0x21: {  	s3 =	sadd.s32 s3, s9;
	s6 =	sadd.s32 @!p0 $0x88, s6;
	s7 =	simm.s32 @p2 $0x1082  }
0x22: {  	[simem:s7], [sflag:s8] =	dma.local @!p0 [hbm:s6], $0xF7A  }
0x23: {  	s9 =	sor.u32 $0xD0000000, s2;
	s6 =	simm.s32 $0x108;
	_ =	swait.ge @!p0 [sflag:s8], $0x0  }
0x24: {  	s3 =	sadd.s32 $0x88, s3;
	s6 =	simm.s32 @!p1 $0x1082;
	[sflag:s4] =	ssyncset.s32 $0xFFFFF086  }
0x25: {  	[simem:s6], [sflag:s4] =	dma.local [hbm:s3], $0xF7A  }
0x26: {  	[smem:$0x3F98] =	sst s1;
	(tag) =	ssettag s2;
	_ =	strace s9  }
0x27: {  	s1 =	sld [smem:$0x3FA8]  }
0x28: {  	s2 =	sld [smem:$0x3FA9]  }
0x29: {  	s4 =	sld [smem:$0x3FAB]  }
0x2a: {  	p0 =	seq.s32 s5, $0x0;
	s5 =	sld [smem:$0x3FAC]  }
0x2b: {  	s6 =	sld [smem:$0x3FAD]  }
0x2c: {  	s7 =	sld [smem:$0x3FAE]  }
0x2d: {  	s3 =	simm.s32 $0x108;
	s8 =	sld [smem:$0x3FAF]  }
0x2e: {  	s3 =	simm.s32 @!p0 $0x1082;
	s9 =	sld [smem:$0x3FB0]  }
0x2f: {  	lr =	sadd.s32 s0, s3;
	s0 =	sld [smem:$0x3FA7]  }
0x30: {  	s3 =	sld [smem:$0x3FAA]  }
0x31: {  	[smem:$0x3FB3] =	sst s10  }
0x32: {  	s10 =	sld [smem:$0x3FB1];
	_ =	sdelay $0x3  }
0x33: {  	p0 =	seq.s32 s10, $0x1;
	s10 =	sld [smem:$0x3FB3];
	_ =	sdelay $0x3  }
0x34: {  	[smem:$0x3FB3] =	sst s10  }
0x35: {  	s10 =	sld [smem:$0x3FB2];
	_ =	sdelay $0x3  }
0x36: {  	p1 =	seq.s32 s10, $0x1;
	s10 =	sld [smem:$0x3FB3];
	_ =	sdelay $0x3  }
0x37: {  	[smem:$0x3FB3] =	sst s10  }
0x38: {  	s10 =	sld [smem:$0x3FB4]  }
0x39: {  	_ = 	snop;
	(pc) =	sbr.ind lr, $3  }
0x3a: {  	_ = 	snop  }
0x3b: {  	_ = 	snop  }
0x3c: {  	p2 =	seq.s32 s10, $0x1;
	s10 =	sld [smem:$0x3FB3]  }
0x3d: {  	_ =	shalt  }
0x3e: {  	_ =	shalt  }
0x3f: {  	_ =	shalt  }
0x40: {  	_ =	shalt  }
0x41: {  	_ =	shalt  }
0x42: {  	_ =	shalt  }
0x43: {  	_ =	shalt  }
0x44: {  	_ =	shalt  }
0x45: {  	_ =	shalt  }
0x46: {  	_ =	shalt  }
0x47: {  	_ =	shalt  }
0x48: {  	_ =	shalt  }
0x49: {  	_ =	shalt  }
0x4a: {  	_ =	shalt  }
0x4b: {  	_ =	shalt  }
0x4c: {  	_ =	shalt  }
0x4d: {  	_ =	shalt  }
0x4e: {  	_ =	shalt  }
0x4f: {  	_ =	shalt  }
0x50: {  	_ =	shalt  }
0x51: {  	_ =	shalt  }
0x52: {  	_ =	shalt  }
0x53: {  	_ =	shalt  }
0x54: {  	_ =	shalt  }
0x55: {  	_ =	shalt  }
0x56: {  	_ =	shalt  }
0x57: {  	_ =	shalt  }
0x58: {  	_ =	shalt  }
0x59: {  	_ =	shalt  }
0x5a: {  	_ =	shalt  }
0x5b: {  	_ =	shalt  }
0x5c: {  	_ =	shalt  }
0x5d: {  	_ =	shalt  }
0x5e: {  	_ =	shalt  }
0x5f: {  	_ =	shalt  }
0x60: {  	_ =	shalt  }
0x61: {  	_ =	shalt  }
0x62: {  	_ =	shalt  }
0x63: {  	_ =	shalt  }
0x64: {  	_ =	shalt  }
0x65: {  	_ =	shalt  }
0x66: {  	_ =	shalt  }
0x67: {  	_ =	shalt  }
0x68: {  	_ =	shalt  }
0x69: {  	_ =	shalt  }
0x6a: {  	_ =	shalt  }
0x6b: {  	_ =	shalt  }
0x6c: {  	_ =	shalt  }
0x6d: {  	_ =	shalt  }
0x6e: {  	_ =	shalt  }
0x6f: {  	_ =	shalt  }
0x70: {  	_ =	shalt  }
0x71: {  	_ =	shalt  }
0x72: {  	_ =	shalt  }
0x73: {  	_ =	shalt  }
0x74: {  	_ =	shalt  }
0x75: {  	_ =	shalt  }
0x76: {  	_ =	shalt  }
0x77: {  	_ =	shalt  }
0x78: {  	_ =	shalt  }
0x79: {  	_ =	shalt  }
0x7a: {  	_ =	shalt  }
0x7b: {  	_ =	shalt  }
0x7c: {  	_ =	shalt  }
0x7d: {  	_ =	shalt  }
0x7e: {  	_ =	shalt  }
0x7f: {  	_ =	shalt  }
0x80: {  	_ =	shalt  }
0x81: {  	_ =	shalt  }
0x82: {  	_ =	shalt  }
0x83: {  	_ =	shalt  }
0x84: {  	_ =	shalt  }
0x85: {  	_ =	shalt  }
0x86: {  	_ =	shalt  }
0x87: {  	_ =	shalt  }
.Lfunc_end0:
.L_simem_size_0:
called_computation.5_lowered:
.L_overlay_start_0:
0x88: {  	s2 =	sld [smem:$0x3FD9]  }
0x89: {  	s3 =	sld [smem:$0x3FFE];
	_ =	sdelay $0x1  }
0x8a: {  	s1 =	srdreg.scid  }
0x8b: {  	s0 =	sand.u32 $0x1, s1  }
0x8c: {  	s17 =	sshll.u32 s0, $0xA;
	s2 =	sadd.s32 s3, s2  }
0x8d: {  	s2 =	sadd.s32 s2, s17  }
0x8e: {  	[smem:$0x3FBF] =	sst s2  }
0x8f: {  	_ = 	snop  }
0x90: {  	(tm) =	ssettm $0x1  }
0x91: {  	s18 =	sld [smem:$0x3FFB];
	_ =	sdelay $0x3  }
0x92: {  	_ =	strace s18  }
0x93: {  	s2 =	sld [smem:$0x3FFC];
	_ =	sdelay $0x3  }
0x94: {  	_ =	strace s2  }
0x95: {  	s2 =	sld [smem:$0x3FFD];
	_ =	sdelay $0x3  }
0x96: {  	_ =	strace s2  }
0x97: {  	_ =	strace $0x8FFFFFFF  }
0x98: {  	s19 =	sld [smem:$0x3FDB];
	_ =	sdelay $0x1  }
0x99: {  	s20 =	simm.s32 $_scs_section_size  }
0x9a: {  	s4 =	simm.s32 $_size__tile_overlayer_lowered;
	s5 =	simm.s32 $_tile_overlayer_lowered  }
0x9b: {  	s6 =	simm.s32 $0x1BFF;
	s21 =	sshll.u32 s5, $0x1;
	s3 =	sadd.s32 s20, s19  }
0x9c: {  	s22 =	simm.s32 $0x0;
	s4 =	sshll.u32 s4, $0x1;
	s5 =	sadd.s32 s21, s3  }
0x9d: {  	[timem:s22], [sflag:s6] =	dma.local [hbm:s5], s4  }
0x9e: {  	_ =	swait.ge [sflag:s6], s4  }
0x9f: {  	s4 =	ssub.s32 $0x0, s4;
	[sflag:s6] =	ssyncset.done $0x0  }
0xa0: {  	[sflag:s6] =	ssyncadd.s32 s4;
	_ =	sdelay $0x1  }
0xa1: {  	s23 =	simm.s32 $0x1B8B  }
0xa2: {  	_ =	swait.ge [sflag:s23], $0x1  }
0xa3: {  	[sflag:s23] =	ssyncset.done $0x0  }
0xa4: {  	[sflag:s23] =	ssyncadd.s32 $0xFFFFFFFF  }
0xa5: {  	s4 =	sld [smem:$0x0]  }
0xa6: {  	s5 =	sand.u32 $0xFFFFFFFE, s1  }
0xa7: {  	p0 =	sne.s32 s1, s5  }
0xa8: {  	s5 =	sshll.u32 @p0 s5, $0xE  }
0xa9: {  	s5 =	sadd.s32 @p0 $0x11B8D, s5;
	s6 =	sshll.u32 @p0 s4, $0x11  }
0xaa: {  	s5 =	sor.u32 @p0 s6, s5  }
0xab: {  	[sflag:s5] =	ssyncadd.remote.s32 @p0 $0x1;
	_ =	sdelay $0x1  }
0xac: {  	s5 =	simm.s32 @p0 $0x1B8D  }
0xad: {  	_ =	swait.eq @p0 [sflag:s5], $0x1  }
0xae: {  	[sflag:s5] =	ssyncadd.s32 @p0 $0xFFFFFFFF  }
0xaf: {  	s6 =	sshll.u32 @!p0 s1, $0xE  }
0xb0: {  	s6 =	sor.u32 @!p0 $0x4000, s6;
	s5 =	simm.s32 @!p0 $0x1B8D  }
0xb1: {  	s4 =	sshll.u32 @!p0 s4, $0x11;
	s6 =	sadd.s32 @!p0 $0x11B8D, s6;
	_ =	swait.eq @!p0 [sflag:s5], $0x1  }
0xb2: {  	s4 =	sor.u32 @!p0 s4, s6;
	[sflag:s5] =	ssyncadd.s32 @!p0 $0xFFFFFFFF  }
0xb3: {  	s25 =	simm.s32 $0x1B8E;
	s24 =	sld [smem:$0x3FFE];
	[sflag:s4] =	ssyncadd.remote.s32 @!p0 $0x1  }
0xb4: {  	s26 =	simm.s32 $execute0_lowered;
	[smem:$0x3FD2] =	sst s25  }
0xb5: {  	s5 =	sshll.u32 s26, $0x1;
	_ =	strace $0x8000005B;
	[dreg:$0x1] =	wrdreg $0xFFFFFFFF  }
0xb6: {  	s28 =	simm.s32 $_size_execute0_lowered;
	s3 =	sadd.s32 s3, s5;
	[dreg:$0x0] =	wrdreg $0x0  }
0xb7: {  	s5 =	sshll.u32 s28, $0x1;
	[dreg:$0x2] =	wrdreg s3  }
0xb8: {  	[dreg:$0x3] =	wrdreg s5  }
0xb9: {  	[dreg:$0x4] =	wrdreg $0xC0  }
0xba: {  	_ =	task [dreg:s22], $0x5FFFF  }
0xbb: {  	[dreg:$0x1] =	wrdreg $0xFFFFFFFF  }
0xbc: {  	[dreg:$0x0] =	wrdreg $0x60  }
0xbd: {  	[dreg:$0x2] =	wrdreg s24  }
0xbe: {  	[dreg:$0x3] =	wrdreg $0x20800  }
0xbf: {  	[dreg:$0x4] =	wrdreg $0x9  }
0xc0: {  	_ =	task.clear_ibuf [dreg:s22], $0x5FFFF;
	_ =	strace $0x9000005B  }
0xc1: {  	s29 =	simm.s32 $0x9;
	_ =	strace $0x8000005D  }
0xc2: {  	_ =	swait.ge [sflag:s29], $0x1  }
0xc3: {  	[sflag:s29] =	ssyncadd.s32 $0xFFFFFFFF  }
0xc4: {  	_ =	strace $0x9000005D  }
0xc5: {  	_ =	sfence  }
0xc6: {  	s30 =	sld [smem:$0x0];
	_ =	sdelay $0x2  }
0xc7: {  	s31 =	sshll.u32 s1, $0xD;
	s1 =	sshrl.u32 s1, $0x2  }
0xc8: {  	s4 =	sand.u32 $0x4000, s31;
	s1 =	sadd.s32 s1, s30  }
0xc9: {  	s0 =	sor.u32 s4, s0;
	s1 =	sshll.u32 s1, $0x11  }
0xca: {  	s0 =	sor.u32 s1, s0  }
0xcb: {  	s0 =	sadd.s32 $0x8F2B, s0  }
0xcc: {  	[sflag:s0] =	ssyncadd.remote.s32 $0x1  }
0xcd: {  	_ =	sfence.sel $0xFFFF  }
0xce: {  	[dreg:$0x0] =	wrdreg $0xFFFFFFFF;
	(pc) =	sbr.abs _section_cstart, $3  }
0xcf: {  	[dreg:$0x1] =	wrdreg $0xFFFFFFFF  }
0xd0: {  	_ =	task.clear_ibuf [dreg:s22], $0x2FFFF;
	_ =	strace $0x9FFFFFFF  }
0xd1: {  	(tm) =	ssettm $0x7FFFFFFF  }
tec
execute0_lowered:
.L_overlay_start_1:
0x0: {  	(tag) =	ssettag $0x1  }
0x1: {  	s0 =	stileid.u32;
	s1 =	srdreg.scid  }
0x2: {  	s5 =	rddreg [dreg:$0x0];
	s4 =	smul.u32 $0x5000, s0  }
0x3: {  	s2 =	rddreg [dreg:$0x1];
	s3 =	simm.s32 $0x0;
	s7 =	smul.u32 $0xA00, s0  }
0x4: {  	s6 =	sand.u32 $0x1, s1;
	s1 =	rddreg [dreg:$0x2];
	s9 =	smul.u32 $0x9E00, s0  }
0x5: {  	[smem:$0x7FF] =	sst s3;
	s30 =	sshll.u32 s0, $0x6;
	s8 =	smul.u32 $0x500, s6  }
0x6: {  	s24 =	smul.u32 $0x9E000, s6;
	_ =	strace $0x8000005C;
	s28 =	ssub.s32 $0x2, s6  }
0x7: {  	s13 =	smul.u32 $0x2800, s6;
	s10 =	sadd.s32 s4, s5;
	s26 =	sshrl.u32 s9, $0x3  }
0x8: {  	s29 =	sshrl.u32 s28, $0x1;
	s14 =	sadd.s32 s9, s2;
	s7 =	sadd.s32 s8, s7  }
0x9: {  	s25 =	sadd.s32 s9, s24;
	s8 =	ssub.s32 s28, s29;
	s31 =	sadd.s32 s13, s10  }
0xa: {  	s10 =	sshrl.u32 s14, $0x3;
	s13 =	simm.s32 $0x0;
	s7 =	sshrl.u32 s7, $0x3  }
0xb: {  	s4 =	sshrl.u32 s25, $0x3;
	s11 =	sadd.s32 s7, s5;
	s7 =	sadd.s32 s26, s5  }
0xc: {  	s12 =	sadd.s32 s4, s5;
	s5 =	sor.u32 $0x1C01, s30;
	s4 =	sadd.s32 $0x30C00, s7  }
0xd: {  	s6 =	sadd.s32 $0x133800, s12;
	s7 =	smax.u32 s8, $0x1;
	s8 =	sadd.s32 $0xE3800, s31  }
0xe: {  	s9 =	sadd.s32 $0x395800, s11;
	s11 =	simm.s32 $0x1;
	s12 =	simm.s32 $0x80  }
.LBB2_1:
0xf: {  	[spmem:s10], [sflag:s5] =	dma.local [hbm:s4], $0x13C0  }
0x10: {  	_ =	swait.ge [sflag:s11], $0x13C0  }
0x11: {  	[sflag:s11] =	ssyncset.done $0x0  }
0x12: {  	[sflag:s11] =	ssyncadd.s32 $0xFFFFEC40  }
0x13: {  	s14 =	sadd.s32 $0x0, s9;
	[bflag:$0x0] =	sbarrier.arrive $0xFFFF  }
0x14: {  	[tilespmem:s3], [sflag:$0x1] =	stream.linear.gather [hbm4b:s14+s3], $0x80, $0x38;
	[tilespmem:$0xBE80] =	vst v63  }
0x15: {  	_ =	swait.ge [sflag:s11], $0x80  }
0x16: {  	[sflag:s11] =	ssyncset.done $0x0  }
0x17: {  	[sflag:s11] =	ssyncadd.s32 $0xFFFFFF80  }
0x18: {  	[tilespmem:s12], [sflag:$0x1] =	stream.linear.gather [hbm4b:s8+s3], $0x2000, $0x38;
	[tilespmem:$0xBE80] =	vst v63  }
0x19: {  	_ =	swait.ge [sflag:s11], $0x2000  }
0x1a: {  	[sflag:s11] =	ssyncset.done $0x0  }
0x1b: {  	[sflag:s11] =	ssyncadd.s32 $0xFFFFE000  }
0x1c: {  	[spmem:s2] =	stream.indirect.scatter.add.f32 [tilespmem:s12], [sflag:$0x1], $0x40, s3, s12, $0xb8;
	[tilespmem:$0xBE80] =	vst v63  }
0x1d: {  	s15 =	simm.s32 $0x10;
	_ =	swait.ge [sflag:s11], $0x2000  }
0x1e: {  	s16 =	simm.s32 $0x20;
	s14 =	sadd.s32 $0x400, s8;
	[sflag:s11] =	ssyncset.done $0x0  }
.LBB2_2:
0x1f: {  	s17 =	sadd.s32 s15, s9  }
0x20: {  	[sflag:s11] =	ssyncadd.s32 $0xFFFFE000;
	s15 =	smov.u32 s16;
	s18 =	sadd.s32 $0x10, s16  }
0x21: {  	[tilespmem:s3], [sflag:$0x1] =	stream.linear.gather [hbm4b:s17+s3], $0x80, $0x38;
	[tilespmem:$0xBE80] =	vst v63  }
0x22: {  	p0 =	sne.s32 s16, $0x90;
	_ =	swait.ge [sflag:s11], $0x80  }
0x23: {  	[sflag:s11] =	ssyncset.done $0x0  }
0x24: {  	[sflag:s11] =	ssyncadd.s32 $0xFFFFFF80  }
0x25: {  	[tilespmem:s12], [sflag:$0x1] =	stream.linear.gather [hbm4b:s14+s3], $0x2000, $0x38;
	[tilespmem:$0xBE80] =	vst v63  }
0x26: {  	_ =	swait.ge [sflag:s11], $0x2000  }
.Ltmp0:
0x27: {  	[sflag:s11] =	ssyncset.done $0x0;
	(pc) =	sbr.rel @p0 .LBB2_2-.Ltmp0, $4  }
0x28: {  	[sflag:s11] =	ssyncadd.s32 $0xFFFFE000  }
0x29: {  	[spmem:s2] =	stream.indirect.scatter.add.f32 [tilespmem:s12], [sflag:$0x1], $0x40, s3, s12, $0xb8;
	[tilespmem:$0xBE80] =	vst v63  }
0x2a: {  	_ =	swait.ge [sflag:s11], $0x2000  }
0x2b: {  	s16 =	smov.u32 s18;
	s14 =	sadd.s32 $0x400, s14;
	[sflag:s11] =	ssyncset.done $0x0  }
0x2c: {  	s15 =	sadd.s32 s15, s9;
	[sflag:s11] =	ssyncadd.s32 $0xFFFFE000  }
0x2d: {  	[tilespmem:s3], [sflag:$0x1] =	stream.linear.gather [hbm4b:s15+s3], $0x80, $0x38;
	[tilespmem:$0xBE80] =	vst v63  }
0x2e: {  	_ =	swait.ge [sflag:s11], $0x80  }
0x2f: {  	[sflag:s11] =	ssyncset.done $0x0  }
0x30: {  	[sflag:s11] =	ssyncadd.s32 $0xFFFFFF80  }
0x31: {  	[tilespmem:s12], [sflag:$0x1] =	stream.linear.gather [hbm4b:s14+s3], $0x2000, $0x38;
	[tilespmem:$0xBE80] =	vst v63  }
0x32: {  	_ =	swait.ge [sflag:s11], $0x2000  }
0x33: {  	[sflag:s11] =	ssyncset.done $0x0  }
0x34: {  	[sflag:s11] =	ssyncadd.s32 $0xFFFFE000  }
0x35: {  	[spmem:s2] =	stream.indirect.scatter.add.f32 [tilespmem:s12], [sflag:$0x1], $0x40, s3, s12, $0xb8;
	[tilespmem:$0xBE80] =	vst v63  }
0x36: {  	_ =	swait.ge [sflag:s11], $0x2000  }
0x37: {  	s13 =	sadd.s32 $0x1, s13;
	[sflag:s11] =	ssyncset.done $0x0  }
0x38: {  	p0 =	sne.s32 s13, s7;
	[sflag:s11] =	ssyncadd.s32 $0xFFFFE000  }
.Ltmp1:
0x39: {  	[bflag:$0x0] =	sbarrier.arrive $0xFFFF;
	(pc) =	sbr.rel @p0 .LBB2_1-.Ltmp1, $4  }
0x3a: {  	[hbm:s6], [sflag:s5] =	dma.local [spmem:s10], $0x13C0  }
0x3b: {  	_ =	swait.ge [sflag:s11], $0x13C0  }
0x3c: {  	[sflag:s11] =	ssyncset.done $0x0  }
0x3d: {  	[sflag:s11] =	ssyncadd.s32 $0xFFFFEC40  }
0x3e: {  	_ =	sfence.sel $0x180000  }
0x3f: {  	[bflag:$0x0] =	sbarrier.arrive $0xFFFF  }
0x40: {  	p0 =	sne.s32 s0, $0x0;
	_ =	strace $0x9000005C  }
0x41: {  	s0 =	sadd.s32 @!p0 $0x100000, s1;
	[bflag:$0x2] =	sbarrier.arrive $0xFFFF  }
0x42: {  	[sflag:s0] =	ssyncadd.tile.s32 @!p0 $0x1;
	_ =	shalt  }
.Lfunc_end2:
_tile_overlayer_lowered:
.L_overlay_start_2:
0x43: {  	(tag) =	ssettag $0x2  }
0x44: {  	s0 =	rddreg [dreg:$0x0];
	s2 =	stileid.u32  }
0x45: {  	s1 =	rddreg [dreg:$0x1];
	p0 =	sne.s32 s2, $0x0  }
0x46: {  	s3 =	rddreg [dreg:$0x2];
	[bflag:$0x3] =	sbarrier.arrive $0xFFFF;
	s2 =	simm.s32 @!p0 $0x1C01  }
0x47: {  	[timem:s3], [sflag:s2] =	dma.local @!p0 [hbm:s0], s1  }
0x48: {  	s0 =	simm.s32 @!p0 $0x1  }
0x49: {  	_ =	swait.ge @!p0 [sflag:s0], s1  }
0x4a: {  	s1 =	ssub.s32 @!p0 $0x0, s1;
	[sflag:s0] =	ssyncset.done @!p0 $0x0  }
0x4b: {  	[sflag:s0] =	ssyncadd.s32 @!p0 s1  }
0x4c: {  	[bflag:$0x3] =	sbarrier.arrive $0xFFFF  }
0x4d: {  	_ =	shalt  }

// kernel: kernel.33.cloned.1.call-start
scs
__scs_entry_jumppad:
0x0: {  	(pc) =	sbr.rel $0x88, $3  }
0x1: {  	(tag) =	ssettag $0x0;
	lr =	simm.s32 $0x1  }
0x2: {  	[smem:$0x3F98] =	sst lr;
	_ =	strace $0xD0000000  }
0x3: {  	_ = 	snop  }
0x4: {  	_ = 	snop  }
0x5: {  	_ = 	snop  }
0x6: {  	_ = 	snop  }
0x7: {  	_ = 	snop  }
__scs_overlays_trampoline_lowered:
0x8: {  	[smem:$0x3FA7] =	sst s0  }
0x9: {  	[smem:$0x3FA8] =	sst s1  }
0xa: {  	[smem:$0x3FA9] =	sst s2  }
0xb: {  	[smem:$0x3FAA] =	sst s3  }
0xc: {  	[smem:$0x3FAB] =	sst s4  }
0xd: {  	[smem:$0x3FAC] =	sst s5  }
0xe: {  	[smem:$0x3FAD] =	sst s6  }
0xf: {  	[smem:$0x3FAE] =	sst s7  }
0x10: {  	[smem:$0x3FAF] =	sst s8  }
0x11: {  	[smem:$0x3FB0] =	sst s9;
	s0 =	simm.s32 @!p0 $0x0  }
0x12: {  	s1 =	sld [smem:$0x3F96];
	s0 =	simm.s32 @p0 $0x1  }
0x13: {  	[smem:$0x3FB1] =	sst s0;
	s0 =	simm.s32 @!p1 $0x0  }
0x14: {  	s2 =	sld [smem:$0x3F95];
	s0 =	simm.s32 @p1 $0x1  }
0x15: {  	[smem:$0x3FB2] =	sst s0;
	s0 =	simm.s32 @!p2 $0x0  }
0x16: {  	s3 =	sld [smem:$0x3FDB];
	s0 =	simm.s32 @p2 $0x1  }
0x17: {  	s4 =	simm.s32 $0x1BF5;
	[smem:$0x3FB4] =	sst s0  }
0x18: {  	s0 =	sld [smem:$0x3F97];
	_ =	swait.ge [sflag:s4], $0x0  }
0x19: {  	s7 =	sld [smem:$0x3F98]  }
0x1a: {  	s8 =	sadd.s32 $0xFFFFE003, lr  }
0x1b: {  	s9 =	sadd.s32 $0xFFFFFEF7, lr;
	s5 =	simm.s32 $0xFFFFFFFF;
	p2 =	slt.u32 s8, $0xFFFFF086  }
0x1c: {  	p1 =	slt.u32 s9, $0xF7A;
	s5 =	simm.s32 @!p2 $0x0  }
0x1d: {  	s5 =	simm.s32 @p1 $0x1;
	p0 =	seq.s32 s7, s2  }
0x1e: {  	s7 =	smul.u32 @!p0 $0xF7A, s2;
	p2 =	seq.s32 @!p0 s5, $0x0  }
0x1f: {  	s9 =	smul.u32 $0xF7A, s1;
	s8 =	simm.s32 @!p0 $0x1BF5;
	p2 =	por !p2, p0  }
0x20: {  	[sflag:s8] =	ssyncset.s32 @!p0 $0xFFFFF086;
	s6 =	sadd.s32 @!p0 s3, s7;
	s7 =	simm.s32 @!p0 $0x108  }
0x21: {  	s3 =	sadd.s32 s3, s9;
	s6 =	sadd.s32 @!p0 $0x88, s6;
	s7 =	simm.s32 @p2 $0x1082  }
0x22: {  	[simem:s7], [sflag:s8] =	dma.local @!p0 [hbm:s6], $0xF7A  }
0x23: {  	s9 =	sor.u32 $0xD0000000, s2;
	s6 =	simm.s32 $0x108;
	_ =	swait.ge @!p0 [sflag:s8], $0x0  }
0x24: {  	s3 =	sadd.s32 $0x88, s3;
	s6 =	simm.s32 @!p1 $0x1082;
	[sflag:s4] =	ssyncset.s32 $0xFFFFF086  }
0x25: {  	[simem:s6], [sflag:s4] =	dma.local [hbm:s3], $0xF7A  }
0x26: {  	[smem:$0x3F98] =	sst s1;
	(tag) =	ssettag s2;
	_ =	strace s9  }
0x27: {  	s1 =	sld [smem:$0x3FA8]  }
0x28: {  	s2 =	sld [smem:$0x3FA9]  }
0x29: {  	s4 =	sld [smem:$0x3FAB]  }
0x2a: {  	p0 =	seq.s32 s5, $0x0;
	s5 =	sld [smem:$0x3FAC]  }
0x2b: {  	s6 =	sld [smem:$0x3FAD]  }
0x2c: {  	s7 =	sld [smem:$0x3FAE]  }
0x2d: {  	s3 =	simm.s32 $0x108;
	s8 =	sld [smem:$0x3FAF]  }
0x2e: {  	s3 =	simm.s32 @!p0 $0x1082;
	s9 =	sld [smem:$0x3FB0]  }
0x2f: {  	lr =	sadd.s32 s0, s3;
	s0 =	sld [smem:$0x3FA7]  }
0x30: {  	s3 =	sld [smem:$0x3FAA]  }
0x31: {  	[smem:$0x3FB3] =	sst s10  }
0x32: {  	s10 =	sld [smem:$0x3FB1];
	_ =	sdelay $0x3  }
0x33: {  	p0 =	seq.s32 s10, $0x1;
	s10 =	sld [smem:$0x3FB3];
	_ =	sdelay $0x3  }
0x34: {  	[smem:$0x3FB3] =	sst s10  }
0x35: {  	s10 =	sld [smem:$0x3FB2];
	_ =	sdelay $0x3  }
0x36: {  	p1 =	seq.s32 s10, $0x1;
	s10 =	sld [smem:$0x3FB3];
	_ =	sdelay $0x3  }
0x37: {  	[smem:$0x3FB3] =	sst s10  }
0x38: {  	s10 =	sld [smem:$0x3FB4]  }
0x39: {  	_ = 	snop;
	(pc) =	sbr.ind lr, $3  }
0x3a: {  	_ = 	snop  }
0x3b: {  	_ = 	snop  }
0x3c: {  	p2 =	seq.s32 s10, $0x1;
	s10 =	sld [smem:$0x3FB3]  }
0x3d: {  	_ =	shalt  }
0x3e: {  	_ =	shalt  }
0x3f: {  	_ =	shalt  }
0x40: {  	_ =	shalt  }
0x41: {  	_ =	shalt  }
0x42: {  	_ =	shalt  }
0x43: {  	_ =	shalt  }
0x44: {  	_ =	shalt  }
0x45: {  	_ =	shalt  }
0x46: {  	_ =	shalt  }
0x47: {  	_ =	shalt  }
0x48: {  	_ =	shalt  }
0x49: {  	_ =	shalt  }
0x4a: {  	_ =	shalt  }
0x4b: {  	_ =	shalt  }
0x4c: {  	_ =	shalt  }
0x4d: {  	_ =	shalt  }
0x4e: {  	_ =	shalt  }
0x4f: {  	_ =	shalt  }
0x50: {  	_ =	shalt  }
0x51: {  	_ =	shalt  }
0x52: {  	_ =	shalt  }
0x53: {  	_ =	shalt  }
0x54: {  	_ =	shalt  }
0x55: {  	_ =	shalt  }
0x56: {  	_ =	shalt  }
0x57: {  	_ =	shalt  }
0x58: {  	_ =	shalt  }
0x59: {  	_ =	shalt  }
0x5a: {  	_ =	shalt  }
0x5b: {  	_ =	shalt  }
0x5c: {  	_ =	shalt  }
0x5d: {  	_ =	shalt  }
0x5e: {  	_ =	shalt  }
0x5f: {  	_ =	shalt  }
0x60: {  	_ =	shalt  }
0x61: {  	_ =	shalt  }
0x62: {  	_ =	shalt  }
0x63: {  	_ =	shalt  }
0x64: {  	_ =	shalt  }
0x65: {  	_ =	shalt  }
0x66: {  	_ =	shalt  }
0x67: {  	_ =	shalt  }
0x68: {  	_ =	shalt  }
0x69: {  	_ =	shalt  }
0x6a: {  	_ =	shalt  }
0x6b: {  	_ =	shalt  }
0x6c: {  	_ =	shalt  }
0x6d: {  	_ =	shalt  }
0x6e: {  	_ =	shalt  }
0x6f: {  	_ =	shalt  }
0x70: {  	_ =	shalt  }
0x71: {  	_ =	shalt  }
0x72: {  	_ =	shalt  }
0x73: {  	_ =	shalt  }
0x74: {  	_ =	shalt  }
0x75: {  	_ =	shalt  }
0x76: {  	_ =	shalt  }
0x77: {  	_ =	shalt  }
0x78: {  	_ =	shalt  }
0x79: {  	_ =	shalt  }
0x7a: {  	_ =	shalt  }
0x7b: {  	_ =	shalt  }
0x7c: {  	_ =	shalt  }
0x7d: {  	_ =	shalt  }
0x7e: {  	_ =	shalt  }
0x7f: {  	_ =	shalt  }
0x80: {  	_ =	shalt  }
0x81: {  	_ =	shalt  }
0x82: {  	_ =	shalt  }
0x83: {  	_ =	shalt  }
0x84: {  	_ =	shalt  }
0x85: {  	_ =	shalt  }
0x86: {  	_ =	shalt  }
0x87: {  	_ =	shalt  }
.Lfunc_end0:
.L_simem_size_0:
called_computation.6_lowered:
.L_overlay_start_0:
0x88: {  	s2 =	sld [smem:$0x3FD9]  }
0x89: {  	s3 =	sld [smem:$0x3FFE];
	_ =	sdelay $0x1  }
0x8a: {  	s1 =	srdreg.scid  }
0x8b: {  	s0 =	sand.u32 $0x1, s1  }
0x8c: {  	s17 =	sshll.u32 s0, $0xA;
	s2 =	sadd.s32 s3, s2  }
0x8d: {  	s2 =	sadd.s32 s2, s17  }
0x8e: {  	[smem:$0x3FBF] =	sst s2  }
0x8f: {  	_ = 	snop  }
0x90: {  	s2 =	sld [smem:$0x3FD0];
	(tm) =	ssettm $0x1  }
0x91: {  	s18 =	sld [smem:$0x3FFB];
	_ =	sdelay $0x3  }
0x92: {  	_ =	strace s18  }
0x93: {  	s3 =	sld [smem:$0x3FFC];
	_ =	sdelay $0x3  }
0x94: {  	_ =	strace s3  }
0x95: {  	s3 =	sld [smem:$0x3FFD];
	_ =	sdelay $0x3  }
0x96: {  	_ =	strace s3  }
0x97: {  	_ =	strace $0x8FFFFFFF  }
0x98: {  	s19 =	sld [smem:$0x3FDB];
	_ =	sdelay $0x1  }
0x99: {  	s4 =	simm.s32 $_scs_section_size  }
0x9a: {  	s5 =	simm.s32 $_size__tile_overlayer_lowered;
	s6 =	simm.s32 $_tile_overlayer_lowered  }
0x9b: {  	s22 =	simm.s32 $0x1BFF;
	s21 =	sshll.u32 s6, $0x1;
	s3 =	sadd.s32 s4, s19  }
0x9c: {  	s7 =	simm.s32 $0x0;
	s20 =	sshll.u32 s5, $0x1;
	s5 =	sadd.s32 s21, s3  }
0x9d: {  	[timem:s7], [sflag:s22] =	dma.local [hbm:s5], s20  }
0x9e: {  	_ =	swait.ge [sflag:s22], s20  }
0x9f: {  	s4 =	ssub.s32 $0x0, s20;
	[sflag:s22] =	ssyncset.done $0x0  }
0xa0: {  	[sflag:s22] =	ssyncadd.s32 s4;
	_ =	sdelay $0x1  }
0xa1: {  	s23 =	simm.s32 $0x1B8B  }
0xa2: {  	_ =	swait.ge [sflag:s23], $0x1  }
0xa3: {  	[sflag:s23] =	ssyncset.done $0x0  }
0xa4: {  	s25 =	simm.s32 $0x1B8E;
	s24 =	sld [smem:$0x3FFE];
	[sflag:s23] =	ssyncadd.s32 $0xFFFFFFFF  }
0xa5: {  	s26 =	simm.s32 $execute0_lowered;
	[smem:$0x3FD2] =	sst s25  }
0xa6: {  	s5 =	sshll.u32 s26, $0x1;
	_ =	strace $0x80000046;
	[dreg:$0x1] =	wrdreg $0xFFFFFFFF  }
0xa7: {  	s28 =	simm.s32 $_size_execute0_lowered;
	s3 =	sadd.s32 s3, s5;
	[dreg:$0x0] =	wrdreg $0x0  }
0xa8: {  	s5 =	sshll.u32 s28, $0x1;
	[dreg:$0x2] =	wrdreg s3  }
0xa9: {  	[dreg:$0x3] =	wrdreg s5  }
0xaa: {  	[dreg:$0x4] =	wrdreg $0xC0  }
0xab: {  	_ =	task [dreg:s7], $0x5FFFF  }
0xac: {  	[dreg:$0x1] =	wrdreg $0xFFFFFFFF  }
0xad: {  	[dreg:$0x0] =	wrdreg $0x60  }
0xae: {  	[dreg:$0x2] =	wrdreg s2  }
0xaf: {  	[dreg:$0x3] =	wrdreg s24  }
0xb0: {  	[dreg:$0x4] =	wrdreg $0xA  }
0xb1: {  	_ =	task.clear_ibuf [dreg:s7], $0x5FFFF;
	_ =	strace $0x90000046  }
0xb2: {  	s29 =	simm.s32 $0xA;
	_ =	strace $0x80000048  }
0xb3: {  	_ =	swait.ge [sflag:s29], $0x1  }
0xb4: {  	[sflag:s29] =	ssyncadd.s32 $0xFFFFFFFF  }
0xb5: {  	_ =	strace $0x90000048  }
0xb6: {  	_ =	sfence  }
0xb7: {  	s30 =	sld [smem:$0x0];
	_ =	sdelay $0x2  }
0xb8: {  	s31 =	sshll.u32 s1, $0xD;
	s1 =	sshrl.u32 s1, $0x2  }
0xb9: {  	s3 =	sand.u32 $0x4000, s31;
	s1 =	sadd.s32 s1, s30  }
0xba: {  	s0 =	sor.u32 s3, s0;
	s1 =	sshll.u32 s1, $0x11  }
0xbb: {  	s0 =	sor.u32 s1, s0  }
0xbc: {  	s0 =	sadd.s32 $0x8F2B, s0  }
0xbd: {  	[sflag:s0] =	ssyncadd.remote.s32 $0x1  }
0xbe: {  	_ =	sfence.sel $0xFFFF  }
0xbf: {  	[dreg:$0x0] =	wrdreg $0xFFFFFFFF;
	(pc) =	sbr.abs _section_cstart, $3  }
0xc0: {  	[dreg:$0x1] =	wrdreg $0xFFFFFFFF  }
0xc1: {  	_ =	task.clear_ibuf [dreg:s7], $0x2FFFF;
	_ =	strace $0x9FFFFFFF  }
0xc2: {  	(tm) =	ssettm $0x7FFFFFFF  }
0xc3: {  	_ =	shalt  }
tec
execute0_lowered:
.L_overlay_start_1:
0x0: {  	(tag) =	ssettag $0x1  }
0x1: {  	s0 =	srdreg.scid;
	s3 =	rddreg [dreg:$0x0]  }
0x2: {  	s1 =	stileid.u32;
	s4 =	rddreg [dreg:$0x1];
	s2 =	simm.s32 $0x0  }
0x3: {  	s28 =	simm.s32 $0xB;
	s15 =	simm.s32 $0x1D00;
	s29 =	simm.s32 $0x100  }
0x4: {  	s13 =	simm.s32 $0x3500;
	s30 =	simm.s32 $0x180;
	s11 =	simm.s32 $0x4D00  }
0x5: {  	s31 =	simm.s32 $0x200;
	s9 =	simm.s32 $0x6500;
	s16 =	simm.s32 $0x4  }
0x6: {  	s14 =	simm.s32 $0x5;
	s0 =	sand.u32 $0x1, s0;
	s1 =	sshll.u32 s1, $0x1  }
0x7: {  	s12 =	simm.s32 $0x6;
	s10 =	simm.s32 $0x7;
	s1 =	sor.u32 s0, s1  }
0x8: {  	s8 =	simm.s32 $0x8;
	s6 =	simm.s32 $0x9;
	s5 =	smul.u32 $0xA0, s1  }
0x9: {  	p0 =	por $0x0, $0x0;
	[smem:$0x7FF] =	sst s2;
	s1 =	smul.u32 $0x1E00, s1  }
0xa: {  	s7 =	simm.s32 $0xA;
	_ =	strace $0x80000047;
	s5 =	sadd.s32 s5, s4  }
0xb: {  	s0 =	ssub.s32 $0x2, s0;
	s1 =	sadd.s32 s1, s4;
	s17 =	sadd.s32 $0x2BC00, s5  }
0xc: {  	s24 =	sshrl.u32 s0, $0x1;
	s18 =	sadd.s32 $0x30C00, s1;
	[dreg:$0x3] =	wrdreg s17  }
0xd: {  	s0 =	ssub.s32 s0, s24;
	s19 =	sadd.s32 $0x30F00, s1;
	[dreg:$0x4] =	wrdreg s18  }
0xe: {  	s24 =	simm.s32 $0x380;
	s20 =	sadd.s32 $0x31200, s1;
	[dreg:$0x5] =	wrdreg s19  }
0xf: {  	s0 =	smax.u32 s0, $0x1;
	s21 =	sadd.s32 $0x31500, s1;
	[dreg:$0x6] =	wrdreg s20  }
0x10: {  	s22 =	sadd.s32 $0x31800, s1;
	s23 =	sadd.s32 $0x31B00, s1;
	[dreg:$0x7] =	wrdreg s21  }
0x11: {  	s25 =	sadd.s32 $0x31E00, s1;
	s26 =	sadd.s32 $0x32100, s1;
	[dreg:$0x8] =	wrdreg s22  }
0x12: {  	s5 =	sadd.s32 $0x32400, s1;
	p1 =	sne.s32 s0, $0x1;
	[dreg:$0x9] =	wrdreg s23  }
.Ltmp0:
0x13: {  	s4 =	sadd.s32 $0x32700, s1;
	[dreg:$0xa] =	wrdreg s25;
	(pc) =	sbr.rel @!p1 .LBB2_3-.Ltmp0, $4  }
0x14: {  	s1 =	sadd.s32 $0xFFFFFFFF, s0;
	[dreg:$0xb] =	wrdreg s26;
	s19 =	simm.s32 $0x80  }
0x15: {  	s17 =	simm.s32 $0x500;
	s21 =	simm.s32 $0x1;
	s20 =	simm.s32 $0x2  }
0x16: {  	s18 =	simm.s32 $0x3;
	s22 =	simm.s32 $0x280;
	s23 =	simm.s32 $0x300  }
0x17: {  	s25 =	simm.s32 $0x400;
	s26 =	simm.s32 $0x480;
	s0 =	rddreg [dreg:$0x3]  }
0x18: {  	[tilespmem:s2], [sflag:$0xB] =	stream.linear.gather [hbm4b:s0+s2], $0x500, $0x38;
	[tilespmem:$0x7D00] =	vst v63  }
0x19: {  	_ =	swait.ge [sflag:s28], $0x500  }
0x1a: {  	[sflag:s28] =	ssyncset.done $0x0  }
0x1b: {  	[sflag:s28] =	ssyncadd.s32 $0xFFFFFB00  }
0x1c: {  	[tilespmem:s17], [sflag:$0x1] =	stream.indirect.gather [hbm4b:s3+s19], $0x30, s2, s19, $0xb8;
	[tilespmem:$0x7D00] =	vst v63  }
0x1d: {  	_ = 	snop  }
0x1e: {  	[tilespmem:s15], [sflag:$0x2] =	stream.indirect.gather [hbm4b:s3+s19], $0x30, s19, s19, $0xb8;
	[tilespmem:$0x7D00] =	vst v63  }
0x1f: {  	_ = 	snop  }
0x20: {  	[tilespmem:s13], [sflag:$0x3] =	stream.indirect.gather [hbm4b:s3+s19], $0x30, s29, s19, $0xb8;
	[tilespmem:$0x7D00] =	vst v63  }
0x21: {  	_ = 	snop  }
0x22: {  	[tilespmem:s11], [sflag:$0x4] =	stream.indirect.gather [hbm4b:s3+s19], $0x30, s30, s19, $0xb8;
	[tilespmem:$0x7D00] =	vst v63  }
0x23: {  	_ = 	snop  }
0x24: {  	[tilespmem:s9], [sflag:$0x5] =	stream.indirect.gather [hbm4b:s3+s19], $0x30, s31, s19, $0xb8;
	[tilespmem:$0x7D00] =	vst v63  }
0x25: {  	_ =	swait.ge [sflag:s21], $0x1800  }
0x26: {  	[sflag:s21] =	ssyncset.done $0x0  }
0x27: {  	s0 =	rddreg [dreg:$0x4];
	[sflag:s21] =	ssyncadd.s32 $0xFFFFE800  }
0x28: {  	[hbm4b:s0+s2] =	stream.linear.scatter [tilespmem:s17], [sflag:$0x6], $0x1800, $0x38;
	[tilespmem:$0x7D00] =	vst v63  }
0x29: {  	_ =	swait.ge [sflag:s20], $0x1800  }
0x2a: {  	[sflag:s20] =	ssyncset.done $0x0  }
0x2b: {  	s0 =	rddreg [dreg:$0x5];
	[sflag:s20] =	ssyncadd.s32 $0xFFFFE800  }
0x2c: {  	[hbm4b:s0+s2] =	stream.linear.scatter [tilespmem:s15], [sflag:$0x7], $0x1800, $0x38;
	[tilespmem:$0x7D00] =	vst v63  }
0x2d: {  	_ =	swait.ge [sflag:s18], $0x1800  }
0x2e: {  	[sflag:s18] =	ssyncset.done $0x0  }
0x2f: {  	s0 =	rddreg [dreg:$0x6];
	[sflag:s18] =	ssyncadd.s32 $0xFFFFE800  }
0x30: {  	[hbm4b:s0+s2] =	stream.linear.scatter [tilespmem:s13], [sflag:$0x8], $0x1800, $0x38;
	[tilespmem:$0x7D00] =	vst v63  }
0x31: {  	_ =	swait.ge [sflag:s16], $0x1800  }
0x32: {  	[sflag:s16] =	ssyncset.done $0x0  }
0x33: {  	s0 =	rddreg [dreg:$0x7];
	[sflag:s16] =	ssyncadd.s32 $0xFFFFE800  }
0x34: {  	[hbm4b:s0+s2] =	stream.linear.scatter [tilespmem:s11], [sflag:$0x9], $0x1800, $0x38;
	[tilespmem:$0x7D00] =	vst v63  }
0x35: {  	_ =	swait.ge [sflag:s14], $0x1800  }
0x36: {  	[sflag:s14] =	ssyncset.done $0x0  }
0x37: {  	s0 =	rddreg [dreg:$0x8];
	[sflag:s14] =	ssyncadd.s32 $0xFFFFE800  }
0x38: {  	[hbm4b:s0+s2] =	stream.linear.scatter [tilespmem:s9], [sflag:$0xA], $0x1800, $0x38;
	[tilespmem:$0x7D00] =	vst v63  }
0x39: {  	_ =	swait.ge [sflag:s12], $0x1800  }
0x3a: {  	[sflag:s12] =	ssyncset.done $0x0  }
0x3b: {  	[sflag:s12] =	ssyncadd.s32 $0xFFFFE800  }
0x3c: {  	_ =	swait.ge [sflag:s10], $0x1800  }
0x3d: {  	[sflag:s10] =	ssyncset.done $0x0  }
0x3e: {  	[sflag:s10] =	ssyncadd.s32 $0xFFFFE800  }
0x3f: {  	_ =	swait.ge [sflag:s8], $0x1800  }
0x40: {  	[sflag:s8] =	ssyncset.done $0x0  }
0x41: {  	[sflag:s8] =	ssyncadd.s32 $0xFFFFE800  }
0x42: {  	_ =	swait.ge [sflag:s6], $0x1800  }
0x43: {  	[sflag:s6] =	ssyncset.done $0x0  }
0x44: {  	[sflag:s6] =	ssyncadd.s32 $0xFFFFE800  }
0x45: {  	_ =	swait.ge [sflag:s7], $0x1800  }
0x46: {  	[sflag:s7] =	ssyncset.done $0x0  }
0x47: {  	[sflag:s7] =	ssyncadd.s32 $0xFFFFE800  }
0x48: {  	[tilespmem:s17], [sflag:$0x1] =	stream.indirect.gather [hbm4b:s3+s19], $0x30, s22, s19, $0xb8;
	[tilespmem:$0x7D00] =	vst v63  }
0x49: {  	_ = 	snop  }
0x4a: {  	[tilespmem:s15], [sflag:$0x2] =	stream.indirect.gather [hbm4b:s3+s19], $0x30, s23, s19, $0xb8;
	[tilespmem:$0x7D00] =	vst v63  }
0x4b: {  	_ = 	snop  }
0x4c: {  	[tilespmem:s13], [sflag:$0x3] =	stream.indirect.gather [hbm4b:s3+s19], $0x30, s24, s19, $0xb8;
	[tilespmem:$0x7D00] =	vst v63  }
0x4d: {  	_ = 	snop  }
0x4e: {  	[tilespmem:s11], [sflag:$0x4] =	stream.indirect.gather [hbm4b:s3+s19], $0x30, s25, s19, $0xb8;
	[tilespmem:$0x7D00] =	vst v63  }
0x4f: {  	_ = 	snop  }
0x50: {  	[tilespmem:s9], [sflag:$0x5] =	stream.indirect.gather [hbm4b:s3+s19], $0x30, s26, s19, $0xb8;
	[tilespmem:$0x7D00] =	vst v63  }
0x51: {  	_ =	swait.ge [sflag:s21], $0x1800  }
0x52: {  	[sflag:s21] =	ssyncset.done $0x0  }
0x53: {  	s0 =	rddreg [dreg:$0x9];
	[sflag:s21] =	ssyncadd.s32 $0xFFFFE800  }
0x54: {  	[hbm4b:s0+s2] =	stream.linear.scatter [tilespmem:s17], [sflag:$0x6], $0x1800, $0x38;
	[tilespmem:$0x7D00] =	vst v63  }
0x55: {  	_ =	swait.ge [sflag:s20], $0x1800  }
0x56: {  	[sflag:s20] =	ssyncset.done $0x0  }
0x57: {  	s0 =	rddreg [dreg:$0xa];
	[sflag:s20] =	ssyncadd.s32 $0xFFFFE800  }
0x58: {  	[hbm4b:s0+s2] =	stream.linear.scatter [tilespmem:s15], [sflag:$0x7], $0x1800, $0x38;
	[tilespmem:$0x7D00] =	vst v63  }
0x59: {  	_ =	swait.ge [sflag:s18], $0x1800  }
0x5a: {  	[sflag:s18] =	ssyncset.done $0x0  }
0x5b: {  	s0 =	rddreg [dreg:$0xb];
	[sflag:s18] =	ssyncadd.s32 $0xFFFFE800  }
0x5c: {  	[hbm4b:s0+s2] =	stream.linear.scatter [tilespmem:s13], [sflag:$0x8], $0x1800, $0x38;
	[tilespmem:$0x7D00] =	vst v63  }
0x5d: {  	_ =	swait.ge [sflag:s16], $0x1800  }
0x5e: {  	[sflag:s16] =	ssyncset.done $0x0  }
0x5f: {  	[sflag:s16] =	ssyncadd.s32 $0xFFFFE800  }
0x60: {  	[hbm4b:s5+s2] =	stream.linear.scatter [tilespmem:s11], [sflag:$0x9], $0x1800, $0x38;
	[tilespmem:$0x7D00] =	vst v63  }
0x61: {  	_ =	swait.ge [sflag:s14], $0x1800  }
0x62: {  	[sflag:s14] =	ssyncset.done $0x0  }
0x63: {  	[sflag:s14] =	ssyncadd.s32 $0xFFFFE800  }
0x64: {  	[hbm4b:s4+s2] =	stream.linear.scatter [tilespmem:s9], [sflag:$0xA], $0x1800, $0x38;
	[tilespmem:$0x7D00] =	vst v63  }
0x65: {  	_ =	swait.ge [sflag:s12], $0x1800  }
0x66: {  	[sflag:s12] =	ssyncset.done $0x0  }
0x67: {  	[sflag:s12] =	ssyncadd.s32 $0xFFFFE800  }
0x68: {  	_ =	swait.ge [sflag:s10], $0x1800  }
0x69: {  	[sflag:s10] =	ssyncset.done $0x0  }
0x6a: {  	[sflag:s10] =	ssyncadd.s32 $0xFFFFE800  }
0x6b: {  	_ =	swait.ge [sflag:s8], $0x1800  }
0x6c: {  	[sflag:s8] =	ssyncset.done $0x0  }
0x6d: {  	p1 =	sne.s32 s1, $0x1;
	[sflag:s8] =	ssyncadd.s32 $0xFFFFE800  }
.Ltmp1:
0x6e: {  	_ =	swait.ge [sflag:s6], $0x1800;
	(pc) =	sbr.rel @!p1 .LBB2_3-.Ltmp1, $4  }
0x6f: {  	[sflag:s6] =	ssyncset.done $0x0  }
0x70: {  	[sflag:s6] =	ssyncadd.s32 $0xFFFFE800  }
0x71: {  	s1 =	sadd.s32 $0xFFFFFFFF, s1;
	_ =	swait.ge [sflag:s7], $0x1800  }
0x72: {  	p0 =	por $0x1, $0x1;
	s0 =	rddreg [dreg:$0x3];
	[sflag:s7] =	ssyncset.done $0x0  }
.LBB2_2:
0x73: {  	[sflag:s7] =	ssyncadd.s32 $0xFFFFE800  }
0x74: {  	[tilespmem:s2], [sflag:$0xB] =	stream.linear.gather [hbm4b:s0+s2], $0x500, $0x38;
	[tilespmem:$0x7D00] =	vst v63  }
0x75: {  	_ =	swait.ge [sflag:s28], $0x500  }
0x76: {  	[sflag:s28] =	ssyncset.done $0x0  }
0x77: {  	[sflag:s28] =	ssyncadd.s32 $0xFFFFFB00  }
0x78: {  	[tilespmem:s17], [sflag:$0x1] =	stream.indirect.gather [hbm4b:s3+s19], $0x30, s2, s19, $0xb8;
	[tilespmem:$0x7D00] =	vst v63  }
0x79: {  	_ = 	snop  }
0x7a: {  	[tilespmem:s15], [sflag:$0x2] =	stream.indirect.gather [hbm4b:s3+s19], $0x30, s19, s19, $0xb8;
	[tilespmem:$0x7D00] =	vst v63  }
0x7b: {  	_ = 	snop  }
0x7c: {  	[tilespmem:s13], [sflag:$0x3] =	stream.indirect.gather [hbm4b:s3+s19], $0x30, s29, s19, $0xb8;
	[tilespmem:$0x7D00] =	vst v63  }
0x7d: {  	_ = 	snop  }
0x7e: {  	[tilespmem:s11], [sflag:$0x4] =	stream.indirect.gather [hbm4b:s3+s19], $0x30, s30, s19, $0xb8;
	[tilespmem:$0x7D00] =	vst v63  }
0x7f: {  	_ = 	snop  }
0x80: {  	[tilespmem:s9], [sflag:$0x5] =	stream.indirect.gather [hbm4b:s3+s19], $0x30, s31, s19, $0xb8;
	[tilespmem:$0x7D00] =	vst v63  }
0x81: {  	_ =	swait.ge [sflag:s21], $0x1800  }
0x82: {  	[sflag:s21] =	ssyncset.done $0x0  }
0x83: {  	s0 =	rddreg [dreg:$0x4];
	[sflag:s21] =	ssyncadd.s32 $0xFFFFE800  }
0x84: {  	[hbm4b:s0+s2] =	stream.linear.scatter [tilespmem:s17], [sflag:$0x6], $0x1800, $0x38;
	[tilespmem:$0x7D00] =	vst v63  }
0x85: {  	_ =	swait.ge [sflag:s20], $0x1800  }
0x86: {  	[sflag:s20] =	ssyncset.done $0x0  }
0x87: {  	s0 =	rddreg [dreg:$0x5];
	[sflag:s20] =	ssyncadd.s32 $0xFFFFE800  }
0x88: {  	[hbm4b:s0+s2] =	stream.linear.scatter [tilespmem:s15], [sflag:$0x7], $0x1800, $0x38;
	[tilespmem:$0x7D00] =	vst v63  }
0x89: {  	_ =	swait.ge [sflag:s18], $0x1800  }
0x8a: {  	[sflag:s18] =	ssyncset.done $0x0  }
0x8b: {  	s0 =	rddreg [dreg:$0x6];
	[sflag:s18] =	ssyncadd.s32 $0xFFFFE800  }
0x8c: {  	[hbm4b:s0+s2] =	stream.linear.scatter [tilespmem:s13], [sflag:$0x8], $0x1800, $0x38;
	[tilespmem:$0x7D00] =	vst v63  }
0x8d: {  	_ =	swait.ge [sflag:s16], $0x1800  }
0x8e: {  	[sflag:s16] =	ssyncset.done $0x0  }
0x8f: {  	s0 =	rddreg [dreg:$0x7];
	[sflag:s16] =	ssyncadd.s32 $0xFFFFE800  }
0x90: {  	[hbm4b:s0+s2] =	stream.linear.scatter [tilespmem:s11], [sflag:$0x9], $0x1800, $0x38;
	[tilespmem:$0x7D00] =	vst v63  }
0x91: {  	_ =	swait.ge [sflag:s14], $0x1800  }
0x92: {  	[sflag:s14] =	ssyncset.done $0x0  }
0x93: {  	s0 =	rddreg [dreg:$0x8];
	[sflag:s14] =	ssyncadd.s32 $0xFFFFE800  }
0x94: {  	[hbm4b:s0+s2] =	stream.linear.scatter [tilespmem:s9], [sflag:$0xA], $0x1800, $0x38;
	[tilespmem:$0x7D00] =	vst v63  }
0x95: {  	_ =	swait.ge [sflag:s12], $0x1800  }
0x96: {  	[sflag:s12] =	ssyncset.done $0x0  }
0x97: {  	[sflag:s12] =	ssyncadd.s32 $0xFFFFE800  }
0x98: {  	_ =	swait.ge [sflag:s10], $0x1800  }
0x99: {  	[sflag:s10] =	ssyncset.done $0x0  }
0x9a: {  	[sflag:s10] =	ssyncadd.s32 $0xFFFFE800  }
0x9b: {  	_ =	swait.ge [sflag:s8], $0x1800  }
0x9c: {  	[sflag:s8] =	ssyncset.done $0x0  }
0x9d: {  	[sflag:s8] =	ssyncadd.s32 $0xFFFFE800  }
0x9e: {  	_ =	swait.ge [sflag:s6], $0x1800  }
0x9f: {  	[sflag:s6] =	ssyncset.done $0x0  }
0xa0: {  	[sflag:s6] =	ssyncadd.s32 $0xFFFFE800  }
0xa1: {  	_ =	swait.ge [sflag:s7], $0x1800  }
0xa2: {  	[sflag:s7] =	ssyncset.done $0x0  }
0xa3: {  	[sflag:s7] =	ssyncadd.s32 $0xFFFFE800  }
0xa4: {  	[tilespmem:s17], [sflag:$0x1] =	stream.indirect.gather [hbm4b:s3+s19], $0x30, s22, s19, $0xb8;
	[tilespmem:$0x7D00] =	vst v63  }
0xa5: {  	_ = 	snop  }
0xa6: {  	[tilespmem:s15], [sflag:$0x2] =	stream.indirect.gather [hbm4b:s3+s19], $0x30, s23, s19, $0xb8;
	[tilespmem:$0x7D00] =	vst v63  }
0xa7: {  	_ = 	snop  }
0xa8: {  	[tilespmem:s13], [sflag:$0x3] =	stream.indirect.gather [hbm4b:s3+s19], $0x30, s24, s19, $0xb8;
	[tilespmem:$0x7D00] =	vst v63  }
0xa9: {  	_ = 	snop  }
0xaa: {  	[tilespmem:s11], [sflag:$0x4] =	stream.indirect.gather [hbm4b:s3+s19], $0x30, s25, s19, $0xb8;
	[tilespmem:$0x7D00] =	vst v63  }
0xab: {  	_ = 	snop  }
0xac: {  	[tilespmem:s9], [sflag:$0x5] =	stream.indirect.gather [hbm4b:s3+s19], $0x30, s26, s19, $0xb8;
	[tilespmem:$0x7D00] =	vst v63  }
0xad: {  	_ =	swait.ge [sflag:s21], $0x1800  }
0xae: {  	[sflag:s21] =	ssyncset.done $0x0  }
0xaf: {  	s0 =	rddreg [dreg:$0x9];
	[sflag:s21] =	ssyncadd.s32 $0xFFFFE800  }
0xb0: {  	[hbm4b:s0+s2] =	stream.linear.scatter [tilespmem:s17], [sflag:$0x6], $0x1800, $0x38;
	[tilespmem:$0x7D00] =	vst v63  }
0xb1: {  	_ =	swait.ge [sflag:s20], $0x1800  }
0xb2: {  	[sflag:s20] =	ssyncset.done $0x0  }
0xb3: {  	s0 =	rddreg [dreg:$0xa];
	[sflag:s20] =	ssyncadd.s32 $0xFFFFE800  }
0xb4: {  	[hbm4b:s0+s2] =	stream.linear.scatter [tilespmem:s15], [sflag:$0x7], $0x1800, $0x38;
	[tilespmem:$0x7D00] =	vst v63  }
0xb5: {  	_ =	swait.ge [sflag:s18], $0x1800  }
0xb6: {  	[sflag:s18] =	ssyncset.done $0x0  }
0xb7: {  	s0 =	rddreg [dreg:$0xb];
	[sflag:s18] =	ssyncadd.s32 $0xFFFFE800  }
0xb8: {  	[hbm4b:s0+s2] =	stream.linear.scatter [tilespmem:s13], [sflag:$0x8], $0x1800, $0x38;
	[tilespmem:$0x7D00] =	vst v63  }
0xb9: {  	_ =	swait.ge [sflag:s16], $0x1800  }
0xba: {  	[sflag:s16] =	ssyncset.done $0x0  }
0xbb: {  	[sflag:s16] =	ssyncadd.s32 $0xFFFFE800  }
0xbc: {  	[hbm4b:s5+s2] =	stream.linear.scatter [tilespmem:s11], [sflag:$0x9], $0x1800, $0x38;
	[tilespmem:$0x7D00] =	vst v63  }
0xbd: {  	_ =	swait.ge [sflag:s14], $0x1800  }
0xbe: {  	[sflag:s14] =	ssyncset.done $0x0  }
0xbf: {  	[sflag:s14] =	ssyncadd.s32 $0xFFFFE800  }
0xc0: {  	[hbm4b:s4+s2] =	stream.linear.scatter [tilespmem:s9], [sflag:$0xA], $0x1800, $0x38;
	[tilespmem:$0x7D00] =	vst v63  }
0xc1: {  	_ =	swait.ge [sflag:s12], $0x1800  }
0xc2: {  	[sflag:s12] =	ssyncset.done $0x0  }
0xc3: {  	[sflag:s12] =	ssyncadd.s32 $0xFFFFE800  }
0xc4: {  	_ =	swait.ge [sflag:s10], $0x1800  }
0xc5: {  	[sflag:s10] =	ssyncset.done $0x0  }
0xc6: {  	[sflag:s10] =	ssyncadd.s32 $0xFFFFE800  }
0xc7: {  	_ =	swait.ge [sflag:s8], $0x1800  }
0xc8: {  	[sflag:s8] =	ssyncset.done $0x0  }
0xc9: {  	p1 =	sne.s32 s1, $0x1;
	[sflag:s8] =	ssyncadd.s32 $0xFFFFE800  }
.Ltmp2:
0xca: {  	_ =	swait.ge [sflag:s6], $0x1800;
	(pc) =	sbr.rel @p1 .LBB2_2-.Ltmp2, $4  }
0xcb: {  	[sflag:s6] =	ssyncset.done $0x0  }
0xcc: {  	[sflag:s6] =	ssyncadd.s32 $0xFFFFE800  }
0xcd: {  	_ =	swait.ge [sflag:s7], $0x1800  }
0xce: {  	s1 =	sadd.s32 $0xFFFFFFFF, s1;
	s0 =	rddreg [dreg:$0x3];
	[sflag:s7] =	ssyncset.done $0x0  }
.LBB2_3:
0xcf: {  	[sflag:s7] =	ssyncadd.s32 @p0 $0xFFFFE800  }
0xd0: {  	[tilespmem:s2], [sflag:$0xB] =	stream.linear.gather [hbm4b:s0+s2], $0x500, $0x38;
	[tilespmem:$0x7D00] =	vst v63  }
0xd1: {  	_ =	swait.ge [sflag:s28], $0x500  }
0xd2: {  	[sflag:s28] =	ssyncset.done $0x0  }
0xd3: {  	[sflag:s28] =	ssyncadd.s32 $0xFFFFFB00  }
0xd4: {  	[tilespmem:s17], [sflag:$0x1] =	stream.indirect.gather [hbm4b:s3+s19], $0x30, s2, s19, $0xb8;
	[tilespmem:$0x7D00] =	vst v63  }
0xd5: {  	_ = 	snop  }
0xd6: {  	[tilespmem:s15], [sflag:$0x2] =	stream.indirect.gather [hbm4b:s3+s19], $0x30, s19, s19, $0xb8;
	[tilespmem:$0x7D00] =	vst v63  }
0xd7: {  	_ = 	snop  }
0xd8: {  	[tilespmem:s13], [sflag:$0x3] =	stream.indirect.gather [hbm4b:s3+s19], $0x30, s29, s19, $0xb8;
	[tilespmem:$0x7D00] =	vst v63  }
0xd9: {  	_ = 	snop  }
0xda: {  	[tilespmem:s11], [sflag:$0x4] =	stream.indirect.gather [hbm4b:s3+s19], $0x30, s30, s19, $0xb8;
	[tilespmem:$0x7D00] =	vst v63  }
0xdb: {  	_ = 	snop  }
0xdc: {  	[tilespmem:s9], [sflag:$0x5] =	stream.indirect.gather [hbm4b:s3+s19], $0x30, s31, s19, $0xb8;
	[tilespmem:$0x7D00] =	vst v63  }
0xdd: {  	_ =	swait.ge [sflag:s21], $0x1800  }
0xde: {  	[sflag:s21] =	ssyncset.done $0x0  }
0xdf: {  	s28 =	rddreg [dreg:$0x4];
	[sflag:s21] =	ssyncadd.s32 $0xFFFFE800  }
0xe0: {  	[hbm4b:s28+s2] =	stream.linear.scatter [tilespmem:s17], [sflag:$0x6], $0x1800, $0x38;
	[tilespmem:$0x7D00] =	vst v63  }
0xe1: {  	_ =	swait.ge [sflag:s20], $0x1800  }
0xe2: {  	[sflag:s20] =	ssyncset.done $0x0  }
0xe3: {  	s29 =	rddreg [dreg:$0x5];
	[sflag:s20] =	ssyncadd.s32 $0xFFFFE800  }
0xe4: {  	[hbm4b:s29+s2] =	stream.linear.scatter [tilespmem:s15], [sflag:$0x7], $0x1800, $0x38;
	[tilespmem:$0x7D00] =	vst v63  }
0xe5: {  	_ =	swait.ge [sflag:s18], $0x1800  }
0xe6: {  	[sflag:s18] =	ssyncset.done $0x0  }
0xe7: {  	s30 =	rddreg [dreg:$0x6];
	[sflag:s18] =	ssyncadd.s32 $0xFFFFE800  }
0xe8: {  	[hbm4b:s30+s2] =	stream.linear.scatter [tilespmem:s13], [sflag:$0x8], $0x1800, $0x38;
	[tilespmem:$0x7D00] =	vst v63  }
0xe9: {  	_ =	swait.ge [sflag:s16], $0x1800  }
0xea: {  	[sflag:s16] =	ssyncset.done $0x0  }
0xeb: {  	s31 =	rddreg [dreg:$0x7];
	[sflag:s16] =	ssyncadd.s32 $0xFFFFE800  }
0xec: {  	[hbm4b:s31+s2] =	stream.linear.scatter [tilespmem:s11], [sflag:$0x9], $0x1800, $0x38;
	[tilespmem:$0x7D00] =	vst v63  }
0xed: {  	_ =	swait.ge [sflag:s14], $0x1800  }
0xee: {  	[sflag:s14] =	ssyncset.done $0x0  }
0xef: {  	s1 =	rddreg [dreg:$0x8];
	[sflag:s14] =	ssyncadd.s32 $0xFFFFE800  }
0xf0: {  	[hbm4b:s1+s2] =	stream.linear.scatter [tilespmem:s9], [sflag:$0xA], $0x1800, $0x38;
	[tilespmem:$0x7D00] =	vst v63  }
0xf1: {  	_ =	swait.ge [sflag:s12], $0x1800  }
0xf2: {  	[sflag:s12] =	ssyncset.done $0x0  }
0xf3: {  	[sflag:s12] =	ssyncadd.s32 $0xFFFFE800  }
0xf4: {  	_ =	swait.ge [sflag:s10], $0x1800  }
0xf5: {  	[sflag:s10] =	ssyncset.done $0x0  }
0xf6: {  	[sflag:s10] =	ssyncadd.s32 $0xFFFFE800  }
0xf7: {  	_ =	swait.ge [sflag:s8], $0x1800  }
0xf8: {  	[sflag:s8] =	ssyncset.done $0x0  }
0xf9: {  	[sflag:s8] =	ssyncadd.s32 $0xFFFFE800  }
0xfa: {  	_ =	swait.ge [sflag:s6], $0x1800  }
0xfb: {  	[sflag:s6] =	ssyncset.done $0x0  }
0xfc: {  	[sflag:s6] =	ssyncadd.s32 $0xFFFFE800  }
0xfd: {  	_ =	swait.ge [sflag:s7], $0x1800  }
0xfe: {  	[sflag:s7] =	ssyncset.done $0x0  }
0xff: {  	[sflag:s7] =	ssyncadd.s32 $0xFFFFE800  }
0x100: {  	[tilespmem:s17], [sflag:$0x1] =	stream.indirect.gather [hbm4b:s3+s19], $0x30, s22, s19, $0xb8;
	[tilespmem:$0x7D00] =	vst v63  }
0x101: {  	_ = 	snop  }
0x102: {  	[tilespmem:s15], [sflag:$0x2] =	stream.indirect.gather [hbm4b:s3+s19], $0x30, s23, s19, $0xb8;
	[tilespmem:$0x7D00] =	vst v63  }
0x103: {  	_ = 	snop  }
0x104: {  	[tilespmem:s13], [sflag:$0x3] =	stream.indirect.gather [hbm4b:s3+s19], $0x30, s24, s19, $0xb8;
	[tilespmem:$0x7D00] =	vst v63  }
0x105: {  	_ = 	snop  }
0x106: {  	[tilespmem:s11], [sflag:$0x4] =	stream.indirect.gather [hbm4b:s3+s19], $0x30, s25, s19, $0xb8;
	[tilespmem:$0x7D00] =	vst v63  }
0x107: {  	_ = 	snop  }
0x108: {  	[tilespmem:s9], [sflag:$0x5] =	stream.indirect.gather [hbm4b:s3+s19], $0x30, s26, s19, $0xb8;
	[tilespmem:$0x7D00] =	vst v63  }
0x109: {  	_ =	swait.ge [sflag:s21], $0x1800  }
0x10a: {  	[sflag:s21] =	ssyncset.done $0x0  }
0x10b: {  	s28 =	rddreg [dreg:$0x9];
	[sflag:s21] =	ssyncadd.s32 $0xFFFFE800  }
0x10c: {  	[hbm4b:s28+s2] =	stream.linear.scatter [tilespmem:s17], [sflag:$0x6], $0x1800, $0x38;
	[tilespmem:$0x7D00] =	vst v63  }
0x10d: {  	_ =	swait.ge [sflag:s20], $0x1800  }
0x10e: {  	[sflag:s20] =	ssyncset.done $0x0  }
0x10f: {  	s29 =	rddreg [dreg:$0xa];
	[sflag:s20] =	ssyncadd.s32 $0xFFFFE800  }
0x110: {  	[hbm4b:s29+s2] =	stream.linear.scatter [tilespmem:s15], [sflag:$0x7], $0x1800, $0x38;
	[tilespmem:$0x7D00] =	vst v63  }
0x111: {  	_ =	swait.ge [sflag:s18], $0x1800  }
0x112: {  	[sflag:s18] =	ssyncset.done $0x0  }
0x113: {  	s30 =	rddreg [dreg:$0xb];
	[sflag:s18] =	ssyncadd.s32 $0xFFFFE800  }
0x114: {  	[hbm4b:s30+s2] =	stream.linear.scatter [tilespmem:s13], [sflag:$0x8], $0x1800, $0x38;
	[tilespmem:$0x7D00] =	vst v63  }
0x115: {  	_ =	swait.ge [sflag:s16], $0x1800  }
0x116: {  	[sflag:s16] =	ssyncset.done $0x0  }
0x117: {  	[sflag:s16] =	ssyncadd.s32 $0xFFFFE800  }
0x118: {  	[hbm4b:s5+s2] =	stream.linear.scatter [tilespmem:s11], [sflag:$0x9], $0x1800, $0x38;
	[tilespmem:$0x7D00] =	vst v63  }
0x119: {  	_ =	swait.ge [sflag:s14], $0x1800  }
0x11a: {  	[sflag:s14] =	ssyncset.done $0x0  }
0x11b: {  	[sflag:s14] =	ssyncadd.s32 $0xFFFFE800  }
0x11c: {  	[hbm4b:s4+s2] =	stream.linear.scatter [tilespmem:s9], [sflag:$0xA], $0x1800, $0x38;
	[tilespmem:$0x7D00] =	vst v63  }
0x11d: {  	_ =	swait.ge [sflag:s12], $0x1800  }
0x11e: {  	[sflag:s12] =	ssyncset.done $0x0  }
0x11f: {  	[sflag:s12] =	ssyncadd.s32 $0xFFFFE800  }
0x120: {  	_ =	swait.ge [sflag:s10], $0x1800  }
0x121: {  	[sflag:s10] =	ssyncset.done $0x0  }
0x122: {  	[sflag:s10] =	ssyncadd.s32 $0xFFFFE800  }
0x123: {  	_ =	swait.ge [sflag:s8], $0x1800  }
0x124: {  	[sflag:s8] =	ssyncset.done $0x0  }
0x125: {  	[sflag:s8] =	ssyncadd.s32 $0xFFFFE800  }
0x126: {  	_ =	swait.ge [sflag:s6], $0x1800  }
0x127: {  	[sflag:s6] =	ssyncset.done $0x0  }
0x128: {  	[sflag:s6] =	ssyncadd.s32 $0xFFFFE800  }
0x129: {  	_ =	swait.ge [sflag:s7], $0x1800  }
0x12a: {  	[sflag:s7] =	ssyncset.done $0x0  }
0x12b: {  	[sflag:s7] =	ssyncadd.s32 $0xFFFFE800  }
0x12c: {  	_ =	sfence.sel $0x180000  }
0x12d: {  	[bflag:$0x0] =	sbarrier.arrive $0xFFFF  }
0x12e: {  	_ =	strace $0x90000047  }
0x12f: {  	s31 =	stileid.u32;
	[bflag:$0x2] =	sbarrier.arrive $0xFFFF  }
0x130: {  	p0 =	sne.s32 s31, $0x0;
	s0 =	rddreg [dreg:$0x2]  }
0x131: {  	s0 =	sadd.s32 @!p0 $0x100000, s0  }
0x132: {  	[sflag:s0] =	ssyncadd.tile.s32 @!p0 $0x1;
	_ =	shalt  }
.Lfunc_end2:
_tile_overlayer_lowered:
.L_overlay_start_2:
0x133: {  	(tag) =	ssettag $0x2  }
0x134: {  	s0 =	rddreg [dreg:$0x0];
	s2 =	stileid.u32  }
0x135: {  	s1 =	rddreg [dreg:$0x1];
	p0 =	sne.s32 s2, $0x0  }
0x136: {  	s3 =	rddreg [dreg:$0x2];
	[bflag:$0x3] =	sbarrier.arrive $0xFFFF;
	s2 =	simm.s32 @!p0 $0x1C0B  }
0x137: {  	[timem:s3], [sflag:s2] =	dma.local @!p0 [hbm:s0], s1  }
0x138: {  	s0 =	simm.s32 @!p0 $0xB  }
0x139: {  	_ =	swait.ge @!p0 [sflag:s0], s1  }
0x13a: {  	s1 =	ssub.s32 @!p0 $0x0, s1;
	[sflag:s0] =	ssyncset.done @!p0 $0x0  }
0x13b: {  	[sflag:s0] =	ssyncadd.s32 @!p0 s1  }
0x13c: {  	[bflag:$0x3] =	sbarrier.arrive $0xFFFF  }
0x13d: {  	_ =	shalt  }

// kernel: kernel.36.cloned.1.call-start
scs
__scs_entry_jumppad:
0x0: {  	(pc) =	sbr.rel $0x88, $3  }
0x1: {  	(tag) =	ssettag $0x0;
	lr =	simm.s32 $0x1  }
0x2: {  	[smem:$0x3F98] =	sst lr;
	_ =	strace $0xD0000000  }
0x3: {  	_ = 	snop  }
0x4: {  	_ = 	snop  }
0x5: {  	_ = 	snop  }
0x6: {  	_ = 	snop  }
0x7: {  	_ = 	snop  }
__scs_overlays_trampoline_lowered:
0x8: {  	[smem:$0x3FA7] =	sst s0  }
0x9: {  	[smem:$0x3FA8] =	sst s1  }
0xa: {  	[smem:$0x3FA9] =	sst s2  }
0xb: {  	[smem:$0x3FAA] =	sst s3  }
0xc: {  	[smem:$0x3FAB] =	sst s4  }
0xd: {  	[smem:$0x3FAC] =	sst s5  }
0xe: {  	[smem:$0x3FAD] =	sst s6  }
0xf: {  	[smem:$0x3FAE] =	sst s7  }
0x10: {  	[smem:$0x3FAF] =	sst s8  }
0x11: {  	[smem:$0x3FB0] =	sst s9;
	s0 =	simm.s32 @!p0 $0x0  }
0x12: {  	s1 =	sld [smem:$0x3F96];
	s0 =	simm.s32 @p0 $0x1  }
0x13: {  	[smem:$0x3FB1] =	sst s0;
	s0 =	simm.s32 @!p1 $0x0  }
0x14: {  	s2 =	sld [smem:$0x3F95];
	s0 =	simm.s32 @p1 $0x1  }
0x15: {  	[smem:$0x3FB2] =	sst s0;
	s0 =	simm.s32 @!p2 $0x0  }
0x16: {  	s3 =	sld [smem:$0x3FDB];
	s0 =	simm.s32 @p2 $0x1  }
0x17: {  	s4 =	simm.s32 $0x1BF5;
	[smem:$0x3FB4] =	sst s0  }
0x18: {  	s0 =	sld [smem:$0x3F97];
	_ =	swait.ge [sflag:s4], $0x0  }
0x19: {  	s7 =	sld [smem:$0x3F98]  }
0x1a: {  	s8 =	sadd.s32 $0xFFFFE003, lr  }
0x1b: {  	s9 =	sadd.s32 $0xFFFFFEF7, lr;
	s5 =	simm.s32 $0xFFFFFFFF;
	p2 =	slt.u32 s8, $0xFFFFF086  }
0x1c: {  	p1 =	slt.u32 s9, $0xF7A;
	s5 =	simm.s32 @!p2 $0x0  }
0x1d: {  	s5 =	simm.s32 @p1 $0x1;
	p0 =	seq.s32 s7, s2  }
0x1e: {  	s7 =	smul.u32 @!p0 $0xF7A, s2;
	p2 =	seq.s32 @!p0 s5, $0x0  }
0x1f: {  	s9 =	smul.u32 $0xF7A, s1;
	s8 =	simm.s32 @!p0 $0x1BF5;
	p2 =	por !p2, p0  }
0x20: {  	[sflag:s8] =	ssyncset.s32 @!p0 $0xFFFFF086;
	s6 =	sadd.s32 @!p0 s3, s7;
	s7 =	simm.s32 @!p0 $0x108  }
0x21: {  	s3 =	sadd.s32 s3, s9;
	s6 =	sadd.s32 @!p0 $0x88, s6;
	s7 =	simm.s32 @p2 $0x1082  }
0x22: {  	[simem:s7], [sflag:s8] =	dma.local @!p0 [hbm:s6], $0xF7A  }
0x23: {  	s9 =	sor.u32 $0xD0000000, s2;
	s6 =	simm.s32 $0x108;
	_ =	swait.ge @!p0 [sflag:s8], $0x0  }
0x24: {  	s3 =	sadd.s32 $0x88, s3;
	s6 =	simm.s32 @!p1 $0x1082;
	[sflag:s4] =	ssyncset.s32 $0xFFFFF086  }
0x25: {  	[simem:s6], [sflag:s4] =	dma.local [hbm:s3], $0xF7A  }
0x26: {  	[smem:$0x3F98] =	sst s1;
	(tag) =	ssettag s2;
	_ =	strace s9  }
0x27: {  	s1 =	sld [smem:$0x3FA8]  }
0x28: {  	s2 =	sld [smem:$0x3FA9]  }
0x29: {  	s4 =	sld [smem:$0x3FAB]  }
0x2a: {  	p0 =	seq.s32 s5, $0x0;
	s5 =	sld [smem:$0x3FAC]  }
0x2b: {  	s6 =	sld [smem:$0x3FAD]  }
0x2c: {  	s7 =	sld [smem:$0x3FAE]  }
0x2d: {  	s3 =	simm.s32 $0x108;
	s8 =	sld [smem:$0x3FAF]  }
0x2e: {  	s3 =	simm.s32 @!p0 $0x1082;
	s9 =	sld [smem:$0x3FB0]  }
0x2f: {  	lr =	sadd.s32 s0, s3;
	s0 =	sld [smem:$0x3FA7]  }
0x30: {  	s3 =	sld [smem:$0x3FAA]  }
0x31: {  	[smem:$0x3FB3] =	sst s10  }
0x32: {  	s10 =	sld [smem:$0x3FB1];
	_ =	sdelay $0x3  }
0x33: {  	p0 =	seq.s32 s10, $0x1;
	s10 =	sld [smem:$0x3FB3];
	_ =	sdelay $0x3  }
0x34: {  	[smem:$0x3FB3] =	sst s10  }
0x35: {  	s10 =	sld [smem:$0x3FB2];
	_ =	sdelay $0x3  }
0x36: {  	p1 =	seq.s32 s10, $0x1;
	s10 =	sld [smem:$0x3FB3];
	_ =	sdelay $0x3  }
0x37: {  	[smem:$0x3FB3] =	sst s10  }
0x38: {  	s10 =	sld [smem:$0x3FB4]  }
0x39: {  	_ = 	snop;
	(pc) =	sbr.ind lr, $3  }
0x3a: {  	_ = 	snop  }
0x3b: {  	_ = 	snop  }
0x3c: {  	p2 =	seq.s32 s10, $0x1;
	s10 =	sld [smem:$0x3FB3]  }
0x3d: {  	_ =	shalt  }
0x3e: {  	_ =	shalt  }
0x3f: {  	_ =	shalt  }
0x40: {  	_ =	shalt  }
0x41: {  	_ =	shalt  }
0x42: {  	_ =	shalt  }
0x43: {  	_ =	shalt  }
0x44: {  	_ =	shalt  }
0x45: {  	_ =	shalt  }
0x46: {  	_ =	shalt  }
0x47: {  	_ =	shalt  }
0x48: {  	_ =	shalt  }
0x49: {  	_ =	shalt  }
0x4a: {  	_ =	shalt  }
0x4b: {  	_ =	shalt  }
0x4c: {  	_ =	shalt  }
0x4d: {  	_ =	shalt  }
0x4e: {  	_ =	shalt  }
0x4f: {  	_ =	shalt  }
0x50: {  	_ =	shalt  }
0x51: {  	_ =	shalt  }
0x52: {  	_ =	shalt  }
0x53: {  	_ =	shalt  }
0x54: {  	_ =	shalt  }
0x55: {  	_ =	shalt  }
0x56: {  	_ =	shalt  }
0x57: {  	_ =	shalt  }
0x58: {  	_ =	shalt  }
0x59: {  	_ =	shalt  }
0x5a: {  	_ =	shalt  }
0x5b: {  	_ =	shalt  }
0x5c: {  	_ =	shalt  }
0x5d: {  	_ =	shalt  }
0x5e: {  	_ =	shalt  }
0x5f: {  	_ =	shalt  }
0x60: {  	_ =	shalt  }
0x61: {  	_ =	shalt  }
0x62: {  	_ =	shalt  }
0x63: {  	_ =	shalt  }
0x64: {  	_ =	shalt  }
0x65: {  	_ =	shalt  }
0x66: {  	_ =	shalt  }
0x67: {  	_ =	shalt  }
0x68: {  	_ =	shalt  }
0x69: {  	_ =	shalt  }
0x6a: {  	_ =	shalt  }
0x6b: {  	_ =	shalt  }
0x6c: {  	_ =	shalt  }
0x6d: {  	_ =	shalt  }
0x6e: {  	_ =	shalt  }
0x6f: {  	_ =	shalt  }
0x70: {  	_ =	shalt  }
0x71: {  	_ =	shalt  }
0x72: {  	_ =	shalt  }
0x73: {  	_ =	shalt  }
0x74: {  	_ =	shalt  }
0x75: {  	_ =	shalt  }
0x76: {  	_ =	shalt  }
0x77: {  	_ =	shalt  }
0x78: {  	_ =	shalt  }
0x79: {  	_ =	shalt  }
0x7a: {  	_ =	shalt  }
0x7b: {  	_ =	shalt  }
0x7c: {  	_ =	shalt  }
0x7d: {  	_ =	shalt  }
0x7e: {  	_ =	shalt  }
0x7f: {  	_ =	shalt  }
0x80: {  	_ =	shalt  }
0x81: {  	_ =	shalt  }
0x82: {  	_ =	shalt  }
0x83: {  	_ =	shalt  }
0x84: {  	_ =	shalt  }
0x85: {  	_ =	shalt  }
0x86: {  	_ =	shalt  }
0x87: {  	_ =	shalt  }
.Lfunc_end0:
.L_simem_size_0:
called_computation.7_lowered:
.L_overlay_start_0:
0x88: {  	s2 =	sld [smem:$0x3FD9]  }
0x89: {  	s3 =	sld [smem:$0x3FFE];
	_ =	sdelay $0x1  }
0x8a: {  	s1 =	srdreg.scid  }
0x8b: {  	s0 =	sand.u32 $0x1, s1  }
0x8c: {  	s17 =	sshll.u32 s0, $0xA;
	s2 =	sadd.s32 s3, s2  }
0x8d: {  	s2 =	sadd.s32 s2, s17  }
0x8e: {  	[smem:$0x3FBF] =	sst s2  }
0x8f: {  	_ = 	snop  }
0x90: {  	(tm) =	ssettm $0x1  }
0x91: {  	s18 =	sld [smem:$0x3FFB];
	_ =	sdelay $0x3  }
0x92: {  	_ =	strace s18  }
0x93: {  	s2 =	sld [smem:$0x3FFC];
	_ =	sdelay $0x3  }
0x94: {  	_ =	strace s2  }
0x95: {  	s2 =	sld [smem:$0x3FFD];
	_ =	sdelay $0x3  }
0x96: {  	_ =	strace s2  }
0x97: {  	_ =	strace $0x8FFFFFFF  }
0x98: {  	s19 =	sld [smem:$0x3FDB];
	_ =	sdelay $0x1  }
0x99: {  	s20 =	simm.s32 $_scs_section_size  }
0x9a: {  	s4 =	simm.s32 $_size__tile_overlayer_lowered;
	s5 =	simm.s32 $_tile_overlayer_lowered  }
0x9b: {  	s6 =	simm.s32 $0x1BFF;
	s21 =	sshll.u32 s5, $0x1;
	s3 =	sadd.s32 s20, s19  }
0x9c: {  	s22 =	simm.s32 $0x0;
	s4 =	sshll.u32 s4, $0x1;
	s5 =	sadd.s32 s21, s3  }
0x9d: {  	[timem:s22], [sflag:s6] =	dma.local [hbm:s5], s4  }
0x9e: {  	_ =	swait.ge [sflag:s6], s4  }
0x9f: {  	s4 =	ssub.s32 $0x0, s4;
	[sflag:s6] =	ssyncset.done $0x0  }
0xa0: {  	[sflag:s6] =	ssyncadd.s32 s4;
	_ =	sdelay $0x1  }
0xa1: {  	s23 =	simm.s32 $0x1B8B  }
0xa2: {  	_ =	swait.ge [sflag:s23], $0x1  }
0xa3: {  	[sflag:s23] =	ssyncset.done $0x0  }
0xa4: {  	[sflag:s23] =	ssyncadd.s32 $0xFFFFFFFF  }
0xa5: {  	s4 =	sld [smem:$0x0]  }
0xa6: {  	s5 =	sand.u32 $0xFFFFFFFE, s1  }
0xa7: {  	p0 =	sne.s32 s1, s5  }
0xa8: {  	s5 =	sshll.u32 @p0 s5, $0xE  }
0xa9: {  	s5 =	sadd.s32 @p0 $0x11B8D, s5;
	s6 =	sshll.u32 @p0 s4, $0x11  }
0xaa: {  	s5 =	sor.u32 @p0 s6, s5  }
0xab: {  	[sflag:s5] =	ssyncadd.remote.s32 @p0 $0x1;
	_ =	sdelay $0x1  }
0xac: {  	s5 =	simm.s32 @p0 $0x1B8D  }
0xad: {  	_ =	swait.eq @p0 [sflag:s5], $0x1  }
0xae: {  	[sflag:s5] =	ssyncadd.s32 @p0 $0xFFFFFFFF  }
0xaf: {  	s6 =	sshll.u32 @!p0 s1, $0xE  }
0xb0: {  	s6 =	sor.u32 @!p0 $0x4000, s6;
	s5 =	simm.s32 @!p0 $0x1B8D  }
0xb1: {  	s4 =	sshll.u32 @!p0 s4, $0x11;
	s6 =	sadd.s32 @!p0 $0x11B8D, s6;
	_ =	swait.eq @!p0 [sflag:s5], $0x1  }
0xb2: {  	s4 =	sor.u32 @!p0 s4, s6;
	[sflag:s5] =	ssyncadd.s32 @!p0 $0xFFFFFFFF  }
0xb3: {  	s25 =	simm.s32 $0x1B8E;
	s24 =	sld [smem:$0x3FFE];
	[sflag:s4] =	ssyncadd.remote.s32 @!p0 $0x1  }
0xb4: {  	s26 =	simm.s32 $execute0_lowered;
	[smem:$0x3FD2] =	sst s25  }
0xb5: {  	s5 =	sshll.u32 s26, $0x1;
	_ =	strace $0x80000052;
	[dreg:$0x1] =	wrdreg $0xFFFFFFFF  }
0xb6: {  	s28 =	simm.s32 $_size_execute0_lowered;
	s3 =	sadd.s32 s3, s5;
	[dreg:$0x0] =	wrdreg $0x0  }
0xb7: {  	s5 =	sshll.u32 s28, $0x1;
	[dreg:$0x2] =	wrdreg s3  }
0xb8: {  	[dreg:$0x3] =	wrdreg s5  }
0xb9: {  	[dreg:$0x4] =	wrdreg $0xC0  }
0xba: {  	_ =	task [dreg:s22], $0x5FFFF  }
0xbb: {  	[dreg:$0x1] =	wrdreg $0xFFFFFFFF  }
0xbc: {  	[dreg:$0x0] =	wrdreg $0x60  }
0xbd: {  	[dreg:$0x2] =	wrdreg s24  }
0xbe: {  	[dreg:$0x3] =	wrdreg $0x20800  }
0xbf: {  	[dreg:$0x4] =	wrdreg $0xA  }
0xc0: {  	_ =	task.clear_ibuf [dreg:s22], $0x5FFFF;
	_ =	strace $0x90000052  }
0xc1: {  	s29 =	simm.s32 $0xA;
	_ =	strace $0x80000054  }
0xc2: {  	_ =	swait.ge [sflag:s29], $0x1  }
0xc3: {  	[sflag:s29] =	ssyncadd.s32 $0xFFFFFFFF  }
0xc4: {  	_ =	strace $0x90000054  }
0xc5: {  	_ =	sfence  }
0xc6: {  	s30 =	sld [smem:$0x0];
	_ =	sdelay $0x2  }
0xc7: {  	s31 =	sshll.u32 s1, $0xD;
	s1 =	sshrl.u32 s1, $0x2  }
0xc8: {  	s4 =	sand.u32 $0x4000, s31;
	s1 =	sadd.s32 s1, s30  }
0xc9: {  	s0 =	sor.u32 s4, s0;
	s1 =	sshll.u32 s1, $0x11  }
0xca: {  	s0 =	sor.u32 s1, s0  }
0xcb: {  	s0 =	sadd.s32 $0x8F2B, s0  }
0xcc: {  	[sflag:s0] =	ssyncadd.remote.s32 $0x1  }
0xcd: {  	_ =	sfence.sel $0xFFFF  }
0xce: {  	[dreg:$0x0] =	wrdreg $0xFFFFFFFF;
	(pc) =	sbr.abs _section_cstart, $3  }
0xcf: {  	[dreg:$0x1] =	wrdreg $0xFFFFFFFF  }
0xd0: {  	_ =	task.clear_ibuf [dreg:s22], $0x2FFFF;
	_ =	strace $0x9FFFFFFF  }
0xd1: {  	(tm) =	ssettm $0x7FFFFFFF  }
tec
execute0_lowered:
.L_overlay_start_1:
0x0: {  	(tag) =	ssettag $0x1  }
0x1: {  	s0 =	stileid.u32;
	s1 =	srdreg.scid  }
0x2: {  	s5 =	rddreg [dreg:$0x0];
	s4 =	smul.u32 $0x5000, s0  }
0x3: {  	s2 =	rddreg [dreg:$0x1];
	s3 =	simm.s32 $0x0;
	s7 =	smul.u32 $0xA00, s0  }
0x4: {  	s6 =	sand.u32 $0x1, s1;
	s1 =	rddreg [dreg:$0x2];
	s9 =	smul.u32 $0x9E00, s0  }
0x5: {  	[smem:$0x7FF] =	sst s3;
	s30 =	sshll.u32 s0, $0x6;
	s8 =	smul.u32 $0x500, s6  }
0x6: {  	s24 =	smul.u32 $0x9E000, s6;
	_ =	strace $0x80000053;
	s28 =	ssub.s32 $0x2, s6  }
0x7: {  	s13 =	smul.u32 $0x2800, s6;
	s10 =	sadd.s32 s4, s5;
	s26 =	sshrl.u32 s9, $0x3  }
0x8: {  	s29 =	sshrl.u32 s28, $0x1;
	s14 =	sadd.s32 s9, s2;
	s7 =	sadd.s32 s8, s7  }
0x9: {  	s25 =	sadd.s32 s9, s24;
	s8 =	ssub.s32 s28, s29;
	s31 =	sadd.s32 s13, s10  }
0xa: {  	s10 =	sshrl.u32 s14, $0x3;
	s13 =	simm.s32 $0x0;
	s7 =	sshrl.u32 s7, $0x3  }
0xb: {  	s4 =	sshrl.u32 s25, $0x3;
	s11 =	sadd.s32 s7, s5;
	s7 =	sadd.s32 s26, s5  }
0xc: {  	s12 =	sadd.s32 s4, s5;
	s5 =	sor.u32 $0x1C01, s30;
	s4 =	sadd.s32 $0x30C00, s7  }
0xd: {  	s6 =	sadd.s32 $0x44800, s12;
	s7 =	smax.u32 s8, $0x1;
	s8 =	sadd.s32 $0x396C00, s31  }
0xe: {  	s9 =	sadd.s32 $0x391C00, s11;
	s11 =	simm.s32 $0x1;
	s12 =	simm.s32 $0x80  }
.LBB2_1:
0xf: {  	[spmem:s10], [sflag:s5] =	dma.local [hbm:s4], $0x13C0  }
0x10: {  	_ =	swait.ge [sflag:s11], $0x13C0  }
0x11: {  	[sflag:s11] =	ssyncset.done $0x0  }
0x12: {  	[sflag:s11] =	ssyncadd.s32 $0xFFFFEC40  }
0x13: {  	s14 =	sadd.s32 $0x0, s9;
	[bflag:$0x0] =	sbarrier.arrive $0xFFFF  }
0x14: {  	[tilespmem:s3], [sflag:$0x1] =	stream.linear.gather [hbm4b:s14+s3], $0x80, $0x38;
	[tilespmem:$0xBE80] =	vst v63  }
0x15: {  	_ =	swait.ge [sflag:s11], $0x80  }
0x16: {  	[sflag:s11] =	ssyncset.done $0x0  }
0x17: {  	[sflag:s11] =	ssyncadd.s32 $0xFFFFFF80  }
0x18: {  	[tilespmem:s12], [sflag:$0x1] =	stream.linear.gather [hbm4b:s8+s3], $0x2000, $0x38;
	[tilespmem:$0xBE80] =	vst v63  }
0x19: {  	_ =	swait.ge [sflag:s11], $0x2000  }
0x1a: {  	[sflag:s11] =	ssyncset.done $0x0  }
0x1b: {  	[sflag:s11] =	ssyncadd.s32 $0xFFFFE000  }
0x1c: {  	[spmem:s2] =	stream.indirect.scatter.add.f32 [tilespmem:s12], [sflag:$0x1], $0x40, s3, s12, $0xb8;
	[tilespmem:$0xBE80] =	vst v63  }
0x1d: {  	s15 =	simm.s32 $0x10;
	_ =	swait.ge [sflag:s11], $0x2000  }
0x1e: {  	s16 =	simm.s32 $0x20;
	s14 =	sadd.s32 $0x400, s8;
	[sflag:s11] =	ssyncset.done $0x0  }
.LBB2_2:
0x1f: {  	s17 =	sadd.s32 s15, s9  }
0x20: {  	[sflag:s11] =	ssyncadd.s32 $0xFFFFE000;
	s15 =	smov.u32 s16;
	s18 =	sadd.s32 $0x10, s16  }
0x21: {  	[tilespmem:s3], [sflag:$0x1] =	stream.linear.gather [hbm4b:s17+s3], $0x80, $0x38;
	[tilespmem:$0xBE80] =	vst v63  }
0x22: {  	p0 =	sne.s32 s16, $0x90;
	_ =	swait.ge [sflag:s11], $0x80  }
0x23: {  	[sflag:s11] =	ssyncset.done $0x0  }
0x24: {  	[sflag:s11] =	ssyncadd.s32 $0xFFFFFF80  }
0x25: {  	[tilespmem:s12], [sflag:$0x1] =	stream.linear.gather [hbm4b:s14+s3], $0x2000, $0x38;
	[tilespmem:$0xBE80] =	vst v63  }
0x26: {  	_ =	swait.ge [sflag:s11], $0x2000  }
.Ltmp0:
0x27: {  	[sflag:s11] =	ssyncset.done $0x0;
	(pc) =	sbr.rel @p0 .LBB2_2-.Ltmp0, $4  }
0x28: {  	[sflag:s11] =	ssyncadd.s32 $0xFFFFE000  }
0x29: {  	[spmem:s2] =	stream.indirect.scatter.add.f32 [tilespmem:s12], [sflag:$0x1], $0x40, s3, s12, $0xb8;
	[tilespmem:$0xBE80] =	vst v63  }
0x2a: {  	_ =	swait.ge [sflag:s11], $0x2000  }
0x2b: {  	s16 =	smov.u32 s18;
	s14 =	sadd.s32 $0x400, s14;
	[sflag:s11] =	ssyncset.done $0x0  }
0x2c: {  	s15 =	sadd.s32 s15, s9;
	[sflag:s11] =	ssyncadd.s32 $0xFFFFE000  }
0x2d: {  	[tilespmem:s3], [sflag:$0x1] =	stream.linear.gather [hbm4b:s15+s3], $0x80, $0x38;
	[tilespmem:$0xBE80] =	vst v63  }
0x2e: {  	_ =	swait.ge [sflag:s11], $0x80  }
0x2f: {  	[sflag:s11] =	ssyncset.done $0x0  }
0x30: {  	[sflag:s11] =	ssyncadd.s32 $0xFFFFFF80  }
0x31: {  	[tilespmem:s12], [sflag:$0x1] =	stream.linear.gather [hbm4b:s14+s3], $0x2000, $0x38;
	[tilespmem:$0xBE80] =	vst v63  }
0x32: {  	_ =	swait.ge [sflag:s11], $0x2000  }
0x33: {  	[sflag:s11] =	ssyncset.done $0x0  }
0x34: {  	[sflag:s11] =	ssyncadd.s32 $0xFFFFE000  }
0x35: {  	[spmem:s2] =	stream.indirect.scatter.add.f32 [tilespmem:s12], [sflag:$0x1], $0x40, s3, s12, $0xb8;
	[tilespmem:$0xBE80] =	vst v63  }
0x36: {  	_ =	swait.ge [sflag:s11], $0x2000  }
0x37: {  	s13 =	sadd.s32 $0x1, s13;
	[sflag:s11] =	ssyncset.done $0x0  }
0x38: {  	p0 =	sne.s32 s13, s7;
	[sflag:s11] =	ssyncadd.s32 $0xFFFFE000  }
.Ltmp1:
0x39: {  	[bflag:$0x0] =	sbarrier.arrive $0xFFFF;
	(pc) =	sbr.rel @p0 .LBB2_1-.Ltmp1, $4  }
0x3a: {  	[hbm:s6], [sflag:s5] =	dma.local [spmem:s10], $0x13C0  }
0x3b: {  	_ =	swait.ge [sflag:s11], $0x13C0  }
0x3c: {  	[sflag:s11] =	ssyncset.done $0x0  }
0x3d: {  	[sflag:s11] =	ssyncadd.s32 $0xFFFFEC40  }
0x3e: {  	_ =	sfence.sel $0x180000  }
0x3f: {  	[bflag:$0x0] =	sbarrier.arrive $0xFFFF  }
0x40: {  	p0 =	sne.s32 s0, $0x0;
	_ =	strace $0x90000053  }
0x41: {  	s0 =	sadd.s32 @!p0 $0x100000, s1;
	[bflag:$0x2] =	sbarrier.arrive $0xFFFF  }
0x42: {  	[sflag:s0] =	ssyncadd.tile.s32 @!p0 $0x1;
	_ =	shalt  }
.Lfunc_end2:
_tile_overlayer_lowered:
.L_overlay_start_2:
0x43: {  	(tag) =	ssettag $0x2  }
0x44: {  	s0 =	rddreg [dreg:$0x0];
	s2 =	stileid.u32  }
0x45: {  	s1 =	rddreg [dreg:$0x1];
	p0 =	sne.s32 s2, $0x0  }
0x46: {  	s3 =	rddreg [dreg:$0x2];
	[bflag:$0x3] =	sbarrier.arrive $0xFFFF;
	s2 =	simm.s32 @!p0 $0x1C01  }
0x47: {  	[timem:s3], [sflag:s2] =	dma.local @!p0 [hbm:s0], s1  }
0x48: {  	s0 =	simm.s32 @!p0 $0x1  }
0x49: {  	_ =	swait.ge @!p0 [sflag:s0], s1  }
0x4a: {  	s1 =	ssub.s32 @!p0 $0x0, s1;
	[sflag:s0] =	ssyncset.done @!p0 $0x0  }
0x4b: {  	[sflag:s0] =	ssyncadd.s32 @!p0 s1  }
0x4c: {  	[bflag:$0x3] =	sbarrier.arrive $0xFFFF  }
0x4d: {  	_ =	shalt  }

</sc_bundles>
